<compile_context>
chip_gen: v7x
topology: tpu7x:2x2x1
jax: 0.10.2.dev20260603
libtpu: 0.0.44.dev20260713+nightly
codegen_flags: <defaults>
</compile_context>

<pallas_src>
import jax
import jax.numpy as jnp
from jax import lax
from jax.experimental import pallas as pl
from jax.experimental.pallas import tpu as pltpu
from jax.experimental.pallas import tpu_sc as plsc

F = 26
B = 16384
V = 100000
D = 16

_INFO = plsc.get_sparse_core_info()
NC = _INFO.num_cores
NS = _INFO.num_subcores
L = _INFO.num_lanes
NW = NC * NS

FD = F * D
RPW = FD // NW
BCH = 4096
NBC = B // BCH


def _body(x_hbm, tab_hbm, out_hbm, row_v, xrow_v, out0_v, out1_v,
          rsem, osem0, osem1):
    c = lax.axis_index("c")
    s = lax.axis_index("s")
    wid = s * NC + c

    z0 = jnp.zeros((L,), jnp.int32)
    outs = (out0_v, out1_v)
    osems = (osem0, osem1)
    pending = [None, None]
    par = 0

    for i in range(RPW):
        fd = wid * RPW + i
        f = fd // D
        d = fd - f * D
        rcp = pltpu.make_async_copy(
            tab_hbm.at[pl.ds(f, 1), pl.ds(d, 1), :], row_v, rsem
        )
        rcp.start()
        if i == 0:
            pltpu.sync_copy(x_hbm.at[pl.ds(f, 1), :], xrow_v)
        else:
            @pl.when(d == 0)
            def _():
                pltpu.sync_copy(x_hbm.at[pl.ds(f, 1), :], xrow_v)
        rcp.wait()

        for cb in range(NBC):
            b0 = cb * BCH
            ov = outs[par]
            if pending[par] is not None:
                pending[par].wait()

            @plsc.parallel_loop(0, BCH, step=L, unroll=8)
            def _gather(g):
                iv = xrow_v[0, pl.ds(b0 + g, L)]
                vals = plsc.load_gather(row_v, [z0, z0, iv])
                ov[0, 0, pl.ds(g, L)] = vals
            ocp = pltpu.make_async_copy(
                ov, out_hbm.at[pl.ds(f, 1), pl.ds(d, 1), pl.ds(b0, BCH)],
                osems[par],
            )
            ocp.start()
            pending[par] = ocp
            par ^= 1

    for q in (0, 1):
        if pending[q] is not None:
            pending[q].wait()


@jax.jit
def kernel(X, tables):
    xt = X.T
    tt = tables.transpose(0, 2, 1)
    mesh = plsc.VectorSubcoreMesh(core_axis_name="c", subcore_axis_name="s")
    out = pl.kernel(
        _body,
        out_type=jax.ShapeDtypeStruct((F, D, B), jnp.float32),
        mesh=mesh,
        compiler_params=pltpu.CompilerParams(needs_layout_passes=False),
        scratch_types=[
            pltpu.VMEM((1, 1, V), jnp.float32),
            pltpu.VMEM((1, B), jnp.int32),
            pltpu.VMEM((1, 1, BCH), jnp.float32),
            pltpu.VMEM((1, 1, BCH), jnp.float32),
            pltpu.SemaphoreType.DMA,
            pltpu.SemaphoreType.DMA,
            pltpu.SemaphoreType.DMA,
        ],
    )(xt, tt)
    return out.transpose(2, 0, 1)

# --- scband reference (transcript-rebuilt; emitter-appended) ---
"""Pipeline reference for scband-embedding-layer-6820408066505 (READ-ONLY COPY).

The authoritative reference and input builder live on the scoring server;
editing this copy changes nothing except your own understanding.
"""

import jax, jax.numpy as jnp
import numpy as np

F = 26   # n_sparse_fields
B = 16384  # batch
V = 100000  # vocab_size per field
D = 16   # embedding_dim

def setup_inputs(seed: int = 0) -> dict:
    key = jax.random.key(seed)
    kx, kt = jax.random.split(key)
    # X corresponds to the torch forward's dict {col: int64[B]}; here packed as [B, F]
    X = jax.random.randint(kx, (B, F), 0, V, dtype=jnp.int32)
    # 26 embedding tables of shape [V, D], stacked into [F, V, D]
    tables = jax.random.normal(kt, (F, V, D), dtype=jnp.float32) * 0.05
    return {"X": X, "tables": tables}

def reference(X, tables):
    # For each field f: emb_f = tables[f][X[:, f]] -> [B, 1, D]; torch.cat(dim=1) -> [B, F, D]
    fcols = jnp.arange(F)[None, :]  # [1, F]
    out = tables[fcols, X]          # advanced indexing gather -> [B, F, D]
    return out

if __name__ == "__main__":
    import jax
    _d = setup_inputs()
    print(jax.jit(kernel)(*tuple(_d.values())))

</pallas_src>

<mosaic_0001>
#map = affine_map<(d0, d1) -> (0, 0)>
#map1 = affine_map<(d0, d1) -> (0, 0, 0)>
module attributes {stable_mosaic.version = 14 : i64} {
  func.func @_body(%arg0: i32, %arg1: i32, %arg2: memref<26x16384xi32, #tpu.memory_space<hbm>>, %arg3: memref<26x16x100000xf32, #tpu.memory_space<hbm>>, %arg4: memref<26x16x16384xf32, #tpu.memory_space<hbm>>, %arg5: memref<1x1x100000xf32, #tpu.memory_space<vmem>>, %arg6: memref<1x16384xi32, #tpu.memory_space<vmem>>, %arg7: memref<1x1x4096xf32, #tpu.memory_space<vmem>>, %arg8: memref<1x1x4096xf32, #tpu.memory_space<vmem>>, %arg9: memref<!tpu.dma_semaphore, #tpu.memory_space<semaphore_mem>>, %arg10: memref<!tpu.dma_semaphore, #tpu.memory_space<semaphore_mem>>, %arg11: memref<!tpu.dma_semaphore, #tpu.memory_space<semaphore_mem>>) attributes {dimension_semantics = [#tpu.dimension_semantics<core_parallel>, #tpu.dimension_semantics<subcore_parallel>], iteration_bounds = array<i64: 2, 16>, scalar_prefetch = 0 : i64, scratch_operands = 7 : i64, tpu.core_type = #tpu.core_type<sc_vector_subcore>, window_params = [{transform_indices = #map}, {transform_indices = #map1}, {transform_indices = #map1}]} {
    %mul3A = arith.constant 2 : i32
    %mul3A_0 = arith.muli %arg1, %mul3A : i32
    %add3A = arith.addi %mul3A_0, %arg0 : i32
    %broadcast_in_dim3A = arith.constant 0 : i32
    %broadcast_in_dim3A_1 = vector.broadcast %broadcast_in_dim3A : i32 to vector<16xi32>
    %mul3A_2 = arith.constant 13 : i32
    %mul3A_3 = arith.muli %add3A, %mul3A_2 : i32
    %add3A_4 = arith.constant 0 : i32
    %add3A_5 = arith.addi %mul3A_3, %add3A_4 : i32
    %jit3A = arith.constant 16 : i32
    %div3A = arith.divsi %add3A_5, %jit3A : i32
    %sign3A = arith.constant 0 : i32
    %sign3A_6 = arith.cmpi sgt, %add3A_5, %sign3A : i32
    %sign3A_7 = arith.extui %sign3A_6 : i1 to i32
    %sign3A_8 = arith.constant 0 : i32
    %sign3A_9 = arith.cmpi slt, %add3A_5, %sign3A_8 : i32
    %sign3A_10 = arith.extui %sign3A_9 : i1 to i32
    %sign3A_11 = arith.subi %sign3A_7, %sign3A_10 : i32
    %sign3A_12 = arith.constant 0 : i32
    %sign3A_13 = arith.cmpi sgt, %jit3A, %sign3A_12 : i32
    %sign3A_14 = arith.extui %sign3A_13 : i1 to i32
    %sign3A_15 = arith.constant 0 : i32
    %sign3A_16 = arith.cmpi slt, %jit3A, %sign3A_15 : i32
    %sign3A_17 = arith.extui %sign3A_16 : i1 to i32
    %sign3A_18 = arith.subi %sign3A_14, %sign3A_17 : i32
    %ne3A = arith.cmpi ne, %sign3A_11, %sign3A_18 : i32
    %rem3A = arith.remsi %add3A_5, %jit3A : i32
    %ne3A_19 = arith.constant 0 : i32
    %ne3A_20 = arith.cmpi ne, %rem3A, %ne3A_19 : i32
    %and3A = arith.andi %ne3A, %ne3A_20 : i1
    %sub3A = arith.constant 1 : i32
    %sub3A_21 = arith.subi %div3A, %sub3A : i32
    %select_n3A = arith.select %and3A, %sub3A_21, %div3A : i32
    %mul3A_22 = arith.constant 16 : i32
    %mul3A_23 = arith.muli %select_n3A, %mul3A_22 : i32
    %sub3A_24 = arith.subi %add3A_5, %mul3A_23 : i32
    %dma_start3A = arith.constant 0 : i32
    %dma_start3A_25 = tpu.memref_slice %arg3[%select_n3A, %sub3A_24, %dma_start3A] : memref<26x16x100000xf32, #tpu.memory_space<hbm>> -> memref<1x1x100000xf32, #tpu.memory_space<hbm>>
    %dma_start3A_26 = arith.constant 0 : i32
    %dma_start3A_27 = tpu.memref_slice %arg3[%select_n3A, %sub3A_24, %dma_start3A_26] : memref<26x16x100000xf32, #tpu.memory_space<hbm>> -> memref<1x1x100000xf32, #tpu.memory_space<hbm>>
    tpu.enqueue_dma source(%dma_start3A_27 : memref<1x1x100000xf32, #tpu.memory_space<hbm>>) target(%arg5 : memref<1x1x100000xf32, #tpu.memory_space<vmem>>) target_semaphore(%arg9 : memref<!tpu.dma_semaphore, #tpu.memory_space<semaphore_mem>>)
    "tpu.region"() ({
      %run_scoped3A = tpu.sem_alloc : memref<!tpu.dma_semaphore, #tpu.memory_space<semaphore_mem>>
      %dma_start3A_1127 = arith.constant 0 : i32
      %dma_start3A_1128 = tpu.memref_slice %arg2[%select_n3A, %dma_start3A_1127] : memref<26x16384xi32, #tpu.memory_space<hbm>> -> memref<1x16384xi32, #tpu.memory_space<hbm>>
      %dma_start3A_1129 = arith.constant 0 : i32
      %dma_start3A_1130 = tpu.memref_slice %arg2[%select_n3A, %dma_start3A_1129] : memref<26x16384xi32, #tpu.memory_space<hbm>> -> memref<1x16384xi32, #tpu.memory_space<hbm>>
      tpu.enqueue_dma source(%dma_start3A_1130 : memref<1x16384xi32, #tpu.memory_space<hbm>>) target(%arg6 : memref<1x16384xi32, #tpu.memory_space<vmem>>) target_semaphore(%run_scoped3A : memref<!tpu.dma_semaphore, #tpu.memory_space<semaphore_mem>>)
      %dma_wait3A_1131 = arith.constant 0 : i32
      %dma_wait3A_1132 = tpu.memref_slice %arg2[%select_n3A, %dma_wait3A_1131] : memref<26x16384xi32, #tpu.memory_space<hbm>> -> memref<1x16384xi32, #tpu.memory_space<hbm>>
      %dma_wait3A_1133 = arith.constant 0 : i32
      %dma_wait3A_1134 = tpu.memref_slice %arg2[%select_n3A, %dma_wait3A_1133] : memref<26x16384xi32, #tpu.memory_space<hbm>> -> memref<1x16384xi32, #tpu.memory_space<hbm>>
      tpu.wait_dma2 semaphore(%run_scoped3A : memref<!tpu.dma_semaphore, #tpu.memory_space<semaphore_mem>>) src(%dma_wait3A_1134 : memref<1x16384xi32, #tpu.memory_space<hbm>>) dst(%arg6 : memref<1x16384xi32, #tpu.memory_space<vmem>>)
      tpu.yield
    }) : () -> ()
    %dma_wait3A = arith.constant 0 : i32
    %dma_wait3A_28 = tpu.memref_slice %arg3[%select_n3A, %sub3A_24, %dma_wait3A] : memref<26x16x100000xf32, #tpu.memory_space<hbm>> -> memref<1x1x100000xf32, #tpu.memory_space<hbm>>
    %dma_wait3A_29 = arith.constant 0 : i32
    %dma_wait3A_30 = tpu.memref_slice %arg3[%select_n3A, %sub3A_24, %dma_wait3A_29] : memref<26x16x100000xf32, #tpu.memory_space<hbm>> -> memref<1x1x100000xf32, #tpu.memory_space<hbm>>
    tpu.wait_dma2 semaphore(%arg9 : memref<!tpu.dma_semaphore, #tpu.memory_space<semaphore_mem>>) src(%dma_wait3A_30 : memref<1x1x100000xf32, #tpu.memory_space<hbm>>) dst(%arg5 : memref<1x1x100000xf32, #tpu.memory_space<vmem>>)
    %parallel_loop3A = arith.constant 0 : i32
    %parallel_loop3A_31 = arith.constant 4096 : i32
    %parallel_loop3A_32 = arith.constant 16 : i32
    scf.for %parallel_loop3A_1127 = %parallel_loop3A to %parallel_loop3A_31 step %parallel_loop3A_32  : i32 {
      %parallel_loop3A_1128 = arith.constant 0 : i32
      %parallel_loop3A_1129 = arith.addi %parallel_loop3A_1128, %parallel_loop3A_1127 : i32
      %parallel_loop3A_1130 = arith.constant 0 : i32
      %parallel_loop3A_1131 = arith.index_cast %parallel_loop3A_1130 : i32 to index
      %parallel_loop3A_1132 = arith.index_cast %parallel_loop3A_1129 : i32 to index
      %parallel_loop3A_1133 = tpu.vector_load %arg6[%parallel_loop3A_1131, %parallel_loop3A_1132] {strides = array<i32>} : memref<1x16384xi32, #tpu.memory_space<vmem>>, vector<16xi32>,
      %parallel_loop3A_1134 = tpu.vector_load_idx %arg5[%broadcast_in_dim3A_1, %broadcast_in_dim3A_1, %parallel_loop3A_1133] : memref<1x1x100000xf32, #tpu.memory_space<vmem>>[vector<16xi32>, vector<16xi32>, vector<16xi32>], vector<16xf32>,
      %parallel_loop3A_1135 = arith.constant 0 : i32
      %parallel_loop3A_1136 = arith.constant 0 : i32
      %parallel_loop3A_1137 = arith.index_cast %parallel_loop3A_1135 : i32 to index
      %parallel_loop3A_1138 = arith.index_cast %parallel_loop3A_1136 : i32 to index
      %parallel_loop3A_1139 = arith.index_cast %parallel_loop3A_1127 : i32 to index
      %parallel_loop3A_1140 = tpu.vector_load %arg7[%parallel_loop3A_1137, %parallel_loop3A_1138, %parallel_loop3A_1139] {strides = array<i32>} : memref<1x1x4096xf32, #tpu.memory_space<vmem>>, vector<16xf32>,
      tpu.vector_store %arg7[%parallel_loop3A_1137, %parallel_loop3A_1138, %parallel_loop3A_1139], %parallel_loop3A_1134 {strides = array<i32>} : memref<1x1x4096xf32, #tpu.memory_space<vmem>>, vector<16xf32>,
    } {sc.loop_unroll_factor = 8 : i64, sc.parallel_access}
    %dma_start3A_33 = arith.constant 0 : i32
    %dma_start3A_34 = tpu.memref_slice %arg4[%select_n3A, %sub3A_24, %dma_start3A_33] : memref<26x16x16384xf32, #tpu.memory_space<hbm>> -> memref<1x1x4096xf32, #tpu.memory_space<hbm>>
    %dma_start3A_35 = arith.constant 0 : i32
    %dma_start3A_36 = tpu.memref_slice %arg4[%select_n3A, %sub3A_24, %dma_start3A_35] : memref<26x16x16384xf32, #tpu.memory_space<hbm>> -> memref<1x1x4096xf32, #tpu.memory_space<hbm>>
    tpu.enqueue_dma source(%arg7 : memref<1x1x4096xf32, #tpu.memory_space<vmem>>) target(%dma_start3A_36 : memref<1x1x4096xf32, #tpu.memory_space<hbm>>) target_semaphore(%arg10 : memref<!tpu.dma_semaphore, #tpu.memory_space<semaphore_mem>>)
    %parallel_loop3A_37 = arith.constant 0 : i32
    %parallel_loop3A_38 = arith.constant 4096 : i32
    %parallel_loop3A_39 = arith.constant 16 : i32
    scf.for %parallel_loop3A_1127 = %parallel_loop3A_37 to %parallel_loop3A_38 step %parallel_loop3A_39  : i32 {
      %parallel_loop3A_1128 = arith.constant 4096 : i32
      %parallel_loop3A_1129 = arith.addi %parallel_loop3A_1128, %parallel_loop3A_1127 : i32
      %parallel_loop3A_1130 = arith.constant 0 : i32
      %parallel_loop3A_1131 = arith.index_cast %parallel_loop3A_1130 : i32 to index
      %parallel_loop3A_1132 = arith.index_cast %parallel_loop3A_1129 : i32 to index
      %parallel_loop3A_1133 = tpu.vector_load %arg6[%parallel_loop3A_1131, %parallel_loop3A_1132] {strides = array<i32>} : memref<1x16384xi32, #tpu.memory_space<vmem>>, vector<16xi32>,
      %parallel_loop3A_1134 = tpu.vector_load_idx %arg5[%broadcast_in_dim3A_1, %broadcast_in_dim3A_1, %parallel_loop3A_1133] : memref<1x1x100000xf32, #tpu.memory_space<vmem>>[vector<16xi32>, vector<16xi32>, vector<16xi32>], vector<16xf32>,
      %parallel_loop3A_1135 = arith.constant 0 : i32
      %parallel_loop3A_1136 = arith.constant 0 : i32
      %parallel_loop3A_1137 = arith.index_cast %parallel_loop3A_1135 : i32 to index
      %parallel_loop3A_1138 = arith.index_cast %parallel_loop3A_1136 : i32 to index
      %parallel_loop3A_1139 = arith.index_cast %parallel_loop3A_1127 : i32 to index
      %parallel_loop3A_1140 = tpu.vector_load %arg8[%parallel_loop3A_1137, %parallel_loop3A_1138, %parallel_loop3A_1139] {strides = array<i32>} : memref<1x1x4096xf32, #tpu.memory_space<vmem>>, vector<16xf32>,
      tpu.vector_store %arg8[%parallel_loop3A_1137, %parallel_loop3A_1138, %parallel_loop3A_1139], %parallel_loop3A_1134 {strides = array<i32>} : memref<1x1x4096xf32, #tpu.memory_space<vmem>>, vector<16xf32>,
    } {sc.loop_unroll_factor = 8 : i64, sc.parallel_access}
    %dma_start3A_40 = arith.constant 4096 : i32
    %dma_start3A_41 = tpu.memref_slice %arg4[%select_n3A, %sub3A_24, %dma_start3A_40] : memref<26x16x16384xf32, #tpu.memory_space<hbm>> -> memref<1x1x4096xf32, #tpu.memory_space<hbm>>
    %dma_start3A_42 = arith.constant 4096 : i32
    %dma_start3A_43 = tpu.memref_slice %arg4[%select_n3A, %sub3A_24, %dma_start3A_42] : memref<26x16x16384xf32, #tpu.memory_space<hbm>> -> memref<1x1x4096xf32, #tpu.memory_space<hbm>>
    tpu.enqueue_dma source(%arg8 : memref<1x1x4096xf32, #tpu.memory_space<vmem>>) target(%dma_start3A_43 : memref<1x1x4096xf32, #tpu.memory_space<hbm>>) target_semaphore(%arg11 : memref<!tpu.dma_semaphore, #tpu.memory_space<semaphore_mem>>)
    %dma_wait3A_44 = arith.constant 0 : i32
    %dma_wait3A_45 = tpu.memref_slice %arg4[%select_n3A, %sub3A_24, %dma_wait3A_44] : memref<26x16x16384xf32, #tpu.memory_space<hbm>> -> memref<1x1x4096xf32, #tpu.memory_space<hbm>>
    %dma_wait3A_46 = arith.constant 0 : i32
    %dma_wait3A_47 = tpu.memref_slice %arg4[%select_n3A, %sub3A_24, %dma_wait3A_46] : memref<26x16x16384xf32, #tpu.memory_space<hbm>> -> memref<1x1x4096xf32, #tpu.memory_space<hbm>>
    tpu.wait_dma2 semaphore(%arg10 : memref<!tpu.dma_semaphore, #tpu.memory_space<semaphore_mem>>) src(%arg7 : memref<1x1x4096xf32, #tpu.memory_space<vmem>>) dst(%dma_wait3A_47 : memref<1x1x4096xf32, #tpu.memory_space<hbm>>)
    %parallel_loop3A_48 = arith.constant 0 : i32
    %parallel_loop3A_49 = arith.constant 4096 : i32
    %parallel_loop3A_50 = arith.constant 16 : i32
    scf.for %parallel_loop3A_1127 = %parallel_loop3A_48 to %parallel_loop3A_49 step %parallel_loop3A_50  : i32 {
      %parallel_loop3A_1128 = arith.constant 8192 : i32
      %parallel_loop3A_1129 = arith.addi %parallel_loop3A_1128, %parallel_loop3A_1127 : i32
      %parallel_loop3A_1130 = arith.constant 0 : i32
      %parallel_loop3A_1131 = arith.index_cast %parallel_loop3A_1130 : i32 to index
      %parallel_loop3A_1132 = arith.index_cast %parallel_loop3A_1129 : i32 to index
      %parallel_loop3A_1133 = tpu.vector_load %arg6[%parallel_loop3A_1131, %parallel_loop3A_1132] {strides = array<i32>} : memref<1x16384xi32, #tpu.memory_space<vmem>>, vector<16xi32>,
      %parallel_loop3A_1134 = tpu.vector_load_idx %arg5[%broadcast_in_dim3A_1, %broadcast_in_dim3A_1, %parallel_loop3A_1133] : memref<1x1x100000xf32, #tpu.memory_space<vmem>>[vector<16xi32>, vector<16xi32>, vector<16xi32>], vector<16xf32>,
      %parallel_loop3A_1135 = arith.constant 0 : i32
      %parallel_loop3A_1136 = arith.constant 0 : i32
      %parallel_loop3A_1137 = arith.index_cast %parallel_loop3A_1135 : i32 to index
      %parallel_loop3A_1138 = arith.index_cast %parallel_loop3A_1136 : i32 to index
      %parallel_loop3A_1139 = arith.index_cast %parallel_loop3A_1127 : i32 to index
      %parallel_loop3A_1140 = tpu.vector_load %arg7[%parallel_loop3A_1137, %parallel_loop3A_1138, %parallel_loop3A_1139] {strides = array<i32>} : memref<1x1x4096xf32, #tpu.memory_space<vmem>>, vector<16xf32>,
      tpu.vector_store %arg7[%parallel_loop3A_1137, %parallel_loop3A_1138, %parallel_loop3A_1139], %parallel_loop3A_1134 {strides = array<i32>} : memref<1x1x4096xf32, #tpu.memory_space<vmem>>, vector<16xf32>,
    } {sc.loop_unroll_factor = 8 : i64, sc.parallel_access}
    %dma_start3A_51 = arith.constant 8192 : i32
    %dma_start3A_52 = tpu.memref_slice %arg4[%select_n3A, %sub3A_24, %dma_start3A_51] : memref<26x16x16384xf32, #tpu.memory_space<hbm>> -> memref<1x1x4096xf32, #tpu.memory_space<hbm>>
    %dma_start3A_53 = arith.constant 8192 : i32
    %dma_start3A_54 = tpu.memref_slice %arg4[%select_n3A, %sub3A_24, %dma_start3A_53] : memref<26x16x16384xf32, #tpu.memory_space<hbm>> -> memref<1x1x4096xf32, #tpu.memory_space<hbm>>
    tpu.enqueue_dma source(%arg7 : memref<1x1x4096xf32, #tpu.memory_space<vmem>>) target(%dma_start3A_54 : memref<1x1x4096xf32, #tpu.memory_space<hbm>>) target_semaphore(%arg10 : memref<!tpu.dma_semaphore, #tpu.memory_space<semaphore_mem>>)
    %dma_wait3A_55 = arith.constant 4096 : i32
    %dma_wait3A_56 = tpu.memref_slice %arg4[%select_n3A, %sub3A_24, %dma_wait3A_55] : memref<26x16x16384xf32, #tpu.memory_space<hbm>> -> memref<1x1x4096xf32, #tpu.memory_space<hbm>>
    %dma_wait3A_57 = arith.constant 4096 : i32
    %dma_wait3A_58 = tpu.memref_slice %arg4[%select_n3A, %sub3A_24, %dma_wait3A_57] : memref<26x16x16384xf32, #tpu.memory_space<hbm>> -> memref<1x1x4096xf32, #tpu.memory_space<hbm>>
    tpu.wait_dma2 semaphore(%arg11 : memref<!tpu.dma_semaphore, #tpu.memory_space<semaphore_mem>>) src(%arg8 : memref<1x1x4096xf32, #tpu.memory_space<vmem>>) dst(%dma_wait3A_58 : memref<1x1x4096xf32, #tpu.memory_space<hbm>>)
    %parallel_loop3A_59 = arith.constant 0 : i32
    %parallel_loop3A_60 = arith.constant 4096 : i32
    %parallel_loop3A_61 = arith.constant 16 : i32
    scf.for %parallel_loop3A_1127 = %parallel_loop3A_59 to %parallel_loop3A_60 step %parallel_loop3A_61  : i32 {
      %parallel_loop3A_1128 = arith.constant 12288 : i32
      %parallel_loop3A_1129 = arith.addi %parallel_loop3A_1128, %parallel_loop3A_1127 : i32
      %parallel_loop3A_1130 = arith.constant 0 : i32
      %parallel_loop3A_1131 = arith.index_cast %parallel_loop3A_1130 : i32 to index
      %parallel_loop3A_1132 = arith.index_cast %parallel_loop3A_1129 : i32 to index
      %parallel_loop3A_1133 = tpu.vector_load %arg6[%parallel_loop3A_1131, %parallel_loop3A_1132] {strides = array<i32>} : memref<1x16384xi32, #tpu.memory_space<vmem>>, vector<16xi32>,
      %parallel_loop3A_1134 = tpu.vector_load_idx %arg5[%broadcast_in_dim3A_1, %broadcast_in_dim3A_1, %parallel_loop3A_1133] : memref<1x1x100000xf32, #tpu.memory_space<vmem>>[vector<16xi32>, vector<16xi32>, vector<16xi32>], vector<16xf32>,
      %parallel_loop3A_1135 = arith.constant 0 : i32
      %parallel_loop3A_1136 = arith.constant 0 : i32
      %parallel_loop3A_1137 = arith.index_cast %parallel_loop3A_1135 : i32 to index
      %parallel_loop3A_1138 = arith.index_cast %parallel_loop3A_1136 : i32 to index
      %parallel_loop3A_1139 = arith.index_cast %parallel_loop3A_1127 : i32 to index
      %parallel_loop3A_1140 = tpu.vector_load %arg8[%parallel_loop3A_1137, %parallel_loop3A_1138, %parallel_loop3A_1139] {strides = array<i32>} : memref<1x1x4096xf32, #tpu.memory_space<vmem>>, vector<16xf32>,
      tpu.vector_store %arg8[%parallel_loop3A_1137, %parallel_loop3A_1138, %parallel_loop3A_1139], %parallel_loop3A_1134 {strides = array<i32>} : memref<1x1x4096xf32, #tpu.memory_space<vmem>>, vector<16xf32>,
    } {sc.loop_unroll_factor = 8 : i64, sc.parallel_access}
    %dma_start3A_62 = arith.constant 12288 : i32
    %dma_start3A_63 = tpu.memref_slice %arg4[%select_n3A, %sub3A_24, %dma_start3A_62] : memref<26x16x16384xf32, #tpu.memory_space<hbm>> -> memref<1x1x4096xf32, #tpu.memory_space<hbm>>
    %dma_start3A_64 = arith.constant 12288 : i32
    %dma_start3A_65 = tpu.memref_slice %arg4[%select_n3A, %sub3A_24, %dma_start3A_64] : memref<26x16x16384xf32, #tpu.memory_space<hbm>> -> memref<1x1x4096xf32, #tpu.memory_space<hbm>>
    tpu.enqueue_dma source(%arg8 : memref<1x1x4096xf32, #tpu.memory_space<vmem>>) target(%dma_start3A_65 : memref<1x1x4096xf32, #tpu.memory_space<hbm>>) target_semaphore(%arg11 : memref<!tpu.dma_semaphore, #tpu.memory_space<semaphore_mem>>)
    %mul3A_66 = arith.constant 13 : i32
    %mul3A_67 = arith.muli %add3A, %mul3A_66 : i32
    %add3A_68 = arith.constant 1 : i32
    %add3A_69 = arith.addi %mul3A_67, %add3A_68 : i32
    %jit3A_70 = arith.constant 16 : i32
    %div3A_71 = arith.divsi %add3A_69, %jit3A_70 : i32
    %sign3A_72 = arith.constant 0 : i32
    %sign3A_73 = arith.cmpi sgt, %add3A_69, %sign3A_72 : i32
    %sign3A_74 = arith.extui %sign3A_73 : i1 to i32
    %sign3A_75 = arith.constant 0 : i32
    %sign3A_76 = arith.cmpi slt, %add3A_69, %sign3A_75 : i32
    %sign3A_77 = arith.extui %sign3A_76 : i1 to i32
    %sign3A_78 = arith.subi %sign3A_74, %sign3A_77 : i32
    %sign3A_79 = arith.constant 0 : i32
    %sign3A_80 = arith.cmpi sgt, %jit3A_70, %sign3A_79 : i32
    %sign3A_81 = arith.extui %sign3A_80 : i1 to i32
    %sign3A_82 = arith.constant 0 : i32
    %sign3A_83 = arith.cmpi slt, %jit3A_70, %sign3A_82 : i32
    %sign3A_84 = arith.extui %sign3A_83 : i1 to i32
    %sign3A_85 = arith.subi %sign3A_81, %sign3A_84 : i32
    %ne3A_86 = arith.cmpi ne, %sign3A_78, %sign3A_85 : i32
    %rem3A_87 = arith.remsi %add3A_69, %jit3A_70 : i32
    %ne3A_88 = arith.constant 0 : i32
    %ne3A_89 = arith.cmpi ne, %rem3A_87, %ne3A_88 : i32
    %and3A_90 = arith.andi %ne3A_86, %ne3A_89 : i1
    %sub3A_91 = arith.constant 1 : i32
    %sub3A_92 = arith.subi %div3A_71, %sub3A_91 : i32
    %select_n3A_93 = arith.select %and3A_90, %sub3A_92, %div3A_71 : i32
    %mul3A_94 = arith.constant 16 : i32
    %mul3A_95 = arith.muli %select_n3A_93, %mul3A_94 : i32
    %sub3A_96 = arith.subi %add3A_69, %mul3A_95 : i32
    %dma_start3A_97 = arith.constant 0 : i32
    %dma_start3A_98 = tpu.memref_slice %arg3[%select_n3A_93, %sub3A_96, %dma_start3A_97] : memref<26x16x100000xf32, #tpu.memory_space<hbm>> -> memref<1x1x100000xf32, #tpu.memory_space<hbm>>
    %dma_start3A_99 = arith.constant 0 : i32
    %dma_start3A_100 = tpu.memref_slice %arg3[%select_n3A_93, %sub3A_96, %dma_start3A_99] : memref<26x16x100000xf32, #tpu.memory_space<hbm>> -> memref<1x1x100000xf32, #tpu.memory_space<hbm>>
    tpu.enqueue_dma source(%dma_start3A_100 : memref<1x1x100000xf32, #tpu.memory_space<hbm>>) target(%arg5 : memref<1x1x100000xf32, #tpu.memory_space<vmem>>) target_semaphore(%arg9 : memref<!tpu.dma_semaphore, #tpu.memory_space<semaphore_mem>>)
    %eq3A = arith.constant 0 : i32
    %eq3A_101 = arith.cmpi eq, %sub3A_96, %eq3A : i32
    %convert_element_type3A = arith.extui %eq3A_101 : i1 to i32
    %cond3A = arith.constant 0 : i32
    %cond3A_102 = arith.cmpi ne, %convert_element_type3A, %cond3A : i32
    scf.if %cond3A_102 {
      "tpu.region"() ({
        %run_scoped3A = tpu.sem_alloc : memref<!tpu.dma_semaphore, #tpu.memory_space<semaphore_mem>>
        %dma_start3A_1127 = arith.constant 0 : i32
        %dma_start3A_1128 = tpu.memref_slice %arg2[%select_n3A_93, %dma_start3A_1127] : memref<26x16384xi32, #tpu.memory_space<hbm>> -> memref<1x16384xi32, #tpu.memory_space<hbm>>
        %dma_start3A_1129 = arith.constant 0 : i32
        %dma_start3A_1130 = tpu.memref_slice %arg2[%select_n3A_93, %dma_start3A_1129] : memref<26x16384xi32, #tpu.memory_space<hbm>> -> memref<1x16384xi32, #tpu.memory_space<hbm>>
        tpu.enqueue_dma source(%dma_start3A_1130 : memref<1x16384xi32, #tpu.memory_space<hbm>>) target(%arg6 : memref<1x16384xi32, #tpu.memory_space<vmem>>) target_semaphore(%run_scoped3A : memref<!tpu.dma_semaphore, #tpu.memory_space<semaphore_mem>>)
        %dma_wait3A_1131 = arith.constant 0 : i32
        %dma_wait3A_1132 = tpu.memref_slice %arg2[%select_n3A_93, %dma_wait3A_1131] : memref<26x16384xi32, #tpu.memory_space<hbm>> -> memref<1x16384xi32, #tpu.memory_space<hbm>>
        %dma_wait3A_1133 = arith.constant 0 : i32
        %dma_wait3A_1134 = tpu.memref_slice %arg2[%select_n3A_93, %dma_wait3A_1133] : memref<26x16384xi32, #tpu.memory_space<hbm>> -> memref<1x16384xi32, #tpu.memory_space<hbm>>
        tpu.wait_dma2 semaphore(%run_scoped3A : memref<!tpu.dma_semaphore, #tpu.memory_space<semaphore_mem>>) src(%dma_wait3A_1134 : memref<1x16384xi32, #tpu.memory_space<hbm>>) dst(%arg6 : memref<1x16384xi32, #tpu.memory_space<vmem>>)
        tpu.yield
      }) : () -> ()
    } else {
    }
    %dma_wait3A_103 = arith.constant 0 : i32
    %dma_wait3A_104 = tpu.memref_slice %arg3[%select_n3A_93, %sub3A_96, %dma_wait3A_103] : memref<26x16x100000xf32, #tpu.memory_space<hbm>> -> memref<1x1x100000xf32, #tpu.memory_space<hbm>>
    %dma_wait3A_105 = arith.constant 0 : i32
    %dma_wait3A_106 = tpu.memref_slice %arg3[%select_n3A_93, %sub3A_96, %dma_wait3A_105] : memref<26x16x100000xf32, #tpu.memory_space<hbm>> -> memref<1x1x100000xf32, #tpu.memory_space<hbm>>
    tpu.wait_dma2 semaphore(%arg9 : memref<!tpu.dma_semaphore, #tpu.memory_space<semaphore_mem>>) src(%dma_wait3A_106 : memref<1x1x100000xf32, #tpu.memory_space<hbm>>) dst(%arg5 : memref<1x1x100000xf32, #tpu.memory_space<vmem>>)
    %dma_wait3A_107 = arith.constant 8192 : i32
    %dma_wait3A_108 = tpu.memref_slice %arg4[%select_n3A, %sub3A_24, %dma_wait3A_107] : memref<26x16x16384xf32, #tpu.memory_space<hbm>> -> memref<1x1x4096xf32, #tpu.memory_space<hbm>>
    %dma_wait3A_109 = arith.constant 8192 : i32
    %dma_wait3A_110 = tpu.memref_slice %arg4[%select_n3A, %sub3A_24, %dma_wait3A_109] : memref<26x16x16384xf32, #tpu.memory_space<hbm>> -> memref<1x1x4096xf32, #tpu.memory_space<hbm>>
    tpu.wait_dma2 semaphore(%arg10 : memref<!tpu.dma_semaphore, #tpu.memory_space<semaphore_mem>>) src(%arg7 : memref<1x1x4096xf32, #tpu.memory_space<vmem>>) dst(%dma_wait3A_110 : memref<1x1x4096xf32, #tpu.memory_space<hbm>>)
    %parallel_loop3A_111 = arith.constant 0 : i32
    %parallel_loop3A_112 = arith.constant 4096 : i32
    %parallel_loop3A_113 = arith.constant 16 : i32
    scf.for %parallel_loop3A_1127 = %parallel_loop3A_111 to %parallel_loop3A_112 step %parallel_loop3A_113  : i32 {
      %parallel_loop3A_1128 = arith.constant 0 : i32
      %parallel_loop3A_1129 = arith.addi %parallel_loop3A_1128, %parallel_loop3A_1127 : i32
      %parallel_loop3A_1130 = arith.constant 0 : i32
      %parallel_loop3A_1131 = arith.index_cast %parallel_loop3A_1130 : i32 to index
      %parallel_loop3A_1132 = arith.index_cast %parallel_loop3A_1129 : i32 to index
      %parallel_loop3A_1133 = tpu.vector_load %arg6[%parallel_loop3A_1131, %parallel_loop3A_1132] {strides = array<i32>} : memref<1x16384xi32, #tpu.memory_space<vmem>>, vector<16xi32>,
      %parallel_loop3A_1134 = tpu.vector_load_idx %arg5[%broadcast_in_dim3A_1, %broadcast_in_dim3A_1, %parallel_loop3A_1133] : memref<1x1x100000xf32, #tpu.memory_space<vmem>>[vector<16xi32>, vector<16xi32>, vector<16xi32>], vector<16xf32>,
      %parallel_loop3A_1135 = arith.constant 0 : i32
      %parallel_loop3A_1136 = arith.constant 0 : i32
      %parallel_loop3A_1137 = arith.index_cast %parallel_loop3A_1135 : i32 to index
      %parallel_loop3A_1138 = arith.index_cast %parallel_loop3A_1136 : i32 to index
      %parallel_loop3A_1139 = arith.index_cast %parallel_loop3A_1127 : i32 to index
      %parallel_loop3A_1140 = tpu.vector_load %arg7[%parallel_loop3A_1137, %parallel_loop3A_1138, %parallel_loop3A_1139] {strides = array<i32>} : memref<1x1x4096xf32, #tpu.memory_space<vmem>>, vector<16xf32>,
      tpu.vector_store %arg7[%parallel_loop3A_1137, %parallel_loop3A_1138, %parallel_loop3A_1139], %parallel_loop3A_1134 {strides = array<i32>} : memref<1x1x4096xf32, #tpu.memory_space<vmem>>, vector<16xf32>,
    } {sc.loop_unroll_factor = 8 : i64, sc.parallel_access}
    %dma_start3A_114 = arith.constant 0 : i32
    %dma_start3A_115 = tpu.memref_slice %arg4[%select_n3A_93, %sub3A_96, %dma_start3A_114] : memref<26x16x16384xf32, #tpu.memory_space<hbm>> -> memref<1x1x4096xf32, #tpu.memory_space<hbm>>
    %dma_start3A_116 = arith.constant 0 : i32
    %dma_start3A_117 = tpu.memref_slice %arg4[%select_n3A_93, %sub3A_96, %dma_start3A_116] : memref<26x16x16384xf32, #tpu.memory_space<hbm>> -> memref<1x1x4096xf32, #tpu.memory_space<hbm>>
    tpu.enqueue_dma source(%arg7 : memref<1x1x4096xf32, #tpu.memory_space<vmem>>) target(%dma_start3A_117 : memref<1x1x4096xf32, #tpu.memory_space<hbm>>) target_semaphore(%arg10 : memref<!tpu.dma_semaphore, #tpu.memory_space<semaphore_mem>>)
    %dma_wait3A_118 = arith.constant 12288 : i32
    %dma_wait3A_119 = tpu.memref_slice %arg4[%select_n3A, %sub3A_24, %dma_wait3A_118] : memref<26x16x16384xf32, #tpu.memory_space<hbm>> -> memref<1x1x4096xf32, #tpu.memory_space<hbm>>
    %dma_wait3A_120 = arith.constant 12288 : i32
    %dma_wait3A_121 = tpu.memref_slice %arg4[%select_n3A, %sub3A_24, %dma_wait3A_120] : memref<26x16x16384xf32, #tpu.memory_space<hbm>> -> memref<1x1x4096xf32, #tpu.memory_space<hbm>>
    tpu.wait_dma2 semaphore(%arg11 : memref<!tpu.dma_semaphore, #tpu.memory_space<semaphore_mem>>) src(%arg8 : memref<1x1x4096xf32, #tpu.memory_space<vmem>>) dst(%dma_wait3A_121 : memref<1x1x4096xf32, #tpu.memory_space<hbm>>)
    %parallel_loop3A_122 = arith.constant 0 : i32
    %parallel_loop3A_123 = arith.constant 4096 : i32
    %parallel_loop3A_124 = arith.constant 16 : i32
    scf.for %parallel_loop3A_1127 = %parallel_loop3A_122 to %parallel_loop3A_123 step %parallel_loop3A_124  : i32 {
      %parallel_loop3A_1128 = arith.constant 4096 : i32
      %parallel_loop3A_1129 = arith.addi %parallel_loop3A_1128, %parallel_loop3A_1127 : i32
      %parallel_loop3A_1130 = arith.constant 0 : i32
      %parallel_loop3A_1131 = arith.index_cast %parallel_loop3A_1130 : i32 to index
      %parallel_loop3A_1132 = arith.index_cast %parallel_loop3A_1129 : i32 to index
      %parallel_loop3A_1133 = tpu.vector_load %arg6[%parallel_loop3A_1131, %parallel_loop3A_1132] {strides = array<i32>} : memref<1x16384xi32, #tpu.memory_space<vmem>>, vector<16xi32>,
      %parallel_loop3A_1134 = tpu.vector_load_idx %arg5[%broadcast_in_dim3A_1, %broadcast_in_dim3A_1, %parallel_loop3A_1133] : memref<1x1x100000xf32, #tpu.memory_space<vmem>>[vector<16xi32>, vector<16xi32>, vector<16xi32>], vector<16xf32>,
      %parallel_loop3A_1135 = arith.constant 0 : i32
      %parallel_loop3A_1136 = arith.constant 0 : i32
      %parallel_loop3A_1137 = arith.index_cast %parallel_loop3A_1135 : i32 to index
      %parallel_loop3A_1138 = arith.index_cast %parallel_loop3A_1136 : i32 to index
      %parallel_loop3A_1139 = arith.index_cast %parallel_loop3A_1127 : i32 to index
      %parallel_loop3A_1140 = tpu.vector_load %arg8[%parallel_loop3A_1137, %parallel_loop3A_1138, %parallel_loop3A_1139] {strides = array<i32>} : memref<1x1x4096xf32, #tpu.memory_space<vmem>>, vector<16xf32>,
      tpu.vector_store %arg8[%parallel_loop3A_1137, %parallel_loop3A_1138, %parallel_loop3A_1139], %parallel_loop3A_1134 {strides = array<i32>} : memref<1x1x4096xf32, #tpu.memory_space<vmem>>, vector<16xf32>,
    } {sc.loop_unroll_factor = 8 : i64, sc.parallel_access}
    %dma_start3A_125 = arith.constant 4096 : i32
    %dma_start3A_126 = tpu.memref_slice %arg4[%select_n3A_93, %sub3A_96, %dma_start3A_125] : memref<26x16x16384xf32, #tpu.memory_space<hbm>> -> memref<1x1x4096xf32, #tpu.memory_space<hbm>>
    %dma_start3A_127 = arith.constant 4096 : i32
    %dma_start3A_128 = tpu.memref_slice %arg4[%select_n3A_93, %sub3A_96, %dma_start3A_127] : memref<26x16x16384xf32, #tpu.memory_space<hbm>> -> memref<1x1x4096xf32, #tpu.memory_space<hbm>>
    tpu.enqueue_dma source(%arg8 : memref<1x1x4096xf32, #tpu.memory_space<vmem>>) target(%dma_start3A_128 : memref<1x1x4096xf32, #tpu.memory_space<hbm>>) target_semaphore(%arg11 : memref<!tpu.dma_semaphore, #tpu.memory_space<semaphore_mem>>)
    %dma_wait3A_129 = arith.constant 0 : i32
    %dma_wait3A_130 = tpu.memref_slice %arg4[%select_n3A_93, %sub3A_96, %dma_wait3A_129] : memref<26x16x16384xf32, #tpu.memory_space<hbm>> -> memref<1x1x4096xf32, #tpu.memory_space<hbm>>
    %dma_wait3A_131 = arith.constant 0 : i32
    %dma_wait3A_132 = tpu.memref_slice %arg4[%select_n3A_93, %sub3A_96, %dma_wait3A_131] : memref<26x16x16384xf32, #tpu.memory_space<hbm>> -> memref<1x1x4096xf32, #tpu.memory_space<hbm>>
    tpu.wait_dma2 semaphore(%arg10 : memref<!tpu.dma_semaphore, #tpu.memory_space<semaphore_mem>>) src(%arg7 : memref<1x1x4096xf32, #tpu.memory_space<vmem>>) dst(%dma_wait3A_132 : memref<1x1x4096xf32, #tpu.memory_space<hbm>>)
    %parallel_loop3A_133 = arith.constant 0 : i32
    %parallel_loop3A_134 = arith.constant 4096 : i32
    %parallel_loop3A_135 = arith.constant 16 : i32
    scf.for %parallel_loop3A_1127 = %parallel_loop3A_133 to %parallel_loop3A_134 step %parallel_loop3A_135  : i32 {
      %parallel_loop3A_1128 = arith.constant 8192 : i32
      %parallel_loop3A_1129 = arith.addi %parallel_loop3A_1128, %parallel_loop3A_1127 : i32
      %parallel_loop3A_1130 = arith.constant 0 : i32
      %parallel_loop3A_1131 = arith.index_cast %parallel_loop3A_1130 : i32 to index
      %parallel_loop3A_1132 = arith.index_cast %parallel_loop3A_1129 : i32 to index
      %parallel_loop3A_1133 = tpu.vector_load %arg6[%parallel_loop3A_1131, %parallel_loop3A_1132] {strides = array<i32>} : memref<1x16384xi32, #tpu.memory_space<vmem>>, vector<16xi32>,
      %parallel_loop3A_1134 = tpu.vector_load_idx %arg5[%broadcast_in_dim3A_1, %broadcast_in_dim3A_1, %parallel_loop3A_1133] : memref<1x1x100000xf32, #tpu.memory_space<vmem>>[vector<16xi32>, vector<16xi32>, vector<16xi32>], vector<16xf32>,
      %parallel_loop3A_1135 = arith.constant 0 : i32
      %parallel_loop3A_1136 = arith.constant 0 : i32
      %parallel_loop3A_1137 = arith.index_cast %parallel_loop3A_1135 : i32 to index
      %parallel_loop3A_1138 = arith.index_cast %parallel_loop3A_1136 : i32 to index
      %parallel_loop3A_1139 = arith.index_cast %parallel_loop3A_1127 : i32 to index
      %parallel_loop3A_1140 = tpu.vector_load %arg7[%parallel_loop3A_1137, %parallel_loop3A_1138, %parallel_loop3A_1139] {strides = array<i32>} : memref<1x1x4096xf32, #tpu.memory_space<vmem>>, vector<16xf32>,
      tpu.vector_store %arg7[%parallel_loop3A_1137, %parallel_loop3A_1138, %parallel_loop3A_1139], %parallel_loop3A_1134 {strides = array<i32>} : memref<1x1x4096xf32, #tpu.memory_space<vmem>>, vector<16xf32>,
    } {sc.loop_unroll_factor = 8 : i64, sc.parallel_access}
    %dma_start3A_136 = arith.constant 8192 : i32
    %dma_start3A_137 = tpu.memref_slice %arg4[%select_n3A_93, %sub3A_96, %dma_start3A_136] : memref<26x16x16384xf32, #tpu.memory_space<hbm>> -> memref<1x1x4096xf32, #tpu.memory_space<hbm>>
    %dma_start3A_138 = arith.constant 8192 : i32
    %dma_start3A_139 = tpu.memref_slice %arg4[%select_n3A_93, %sub3A_96, %dma_start3A_138] : memref<26x16x16384xf32, #tpu.memory_space<hbm>> -> memref<1x1x4096xf32, #tpu.memory_space<hbm>>
    tpu.enqueue_dma source(%arg7 : memref<1x1x4096xf32, #tpu.memory_space<vmem>>) target(%dma_start3A_139 : memref<1x1x4096xf32, #tpu.memory_space<hbm>>) target_semaphore(%arg10 : memref<!tpu.dma_semaphore, #tpu.memory_space<semaphore_mem>>)
    %dma_wait3A_140 = arith.constant 4096 : i32
    %dma_wait3A_141 = tpu.memref_slice %arg4[%select_n3A_93, %sub3A_96, %dma_wait3A_140] : memref<26x16x16384xf32, #tpu.memory_space<hbm>> -> memref<1x1x4096xf32, #tpu.memory_space<hbm>>
    %dma_wait3A_142 = arith.constant 4096 : i32
    %dma_wait3A_143 = tpu.memref_slice %arg4[%select_n3A_93, %sub3A_96, %dma_wait3A_142] : memref<26x16x16384xf32, #tpu.memory_space<hbm>> -> memref<1x1x4096xf32, #tpu.memory_space<hbm>>
    tpu.wait_dma2 semaphore(%arg11 : memref<!tpu.dma_semaphore, #tpu.memory_space<semaphore_mem>>) src(%arg8 : memref<1x1x4096xf32, #tpu.memory_space<vmem>>) dst(%dma_wait3A_143 : memref<1x1x4096xf32, #tpu.memory_space<hbm>>)
    %parallel_loop3A_144 = arith.constant 0 : i32
    %parallel_loop3A_145 = arith.constant 4096 : i32
    %parallel_loop3A_146 = arith.constant 16 : i32
    scf.for %parallel_loop3A_1127 = %parallel_loop3A_144 to %parallel_loop3A_145 step %parallel_loop3A_146  : i32 {
      %parallel_loop3A_1128 = arith.constant 12288 : i32
      %parallel_loop3A_1129 = arith.addi %parallel_loop3A_1128, %parallel_loop3A_1127 : i32
      %parallel_loop3A_1130 = arith.constant 0 : i32
      %parallel_loop3A_1131 = arith.index_cast %parallel_loop3A_1130 : i32 to index
      %parallel_loop3A_1132 = arith.index_cast %parallel_loop3A_1129 : i32 to index
      %parallel_loop3A_1133 = tpu.vector_load %arg6[%parallel_loop3A_1131, %parallel_loop3A_1132] {strides = array<i32>} : memref<1x16384xi32, #tpu.memory_space<vmem>>, vector<16xi32>,
      %parallel_loop3A_1134 = tpu.vector_load_idx %arg5[%broadcast_in_dim3A_1, %broadcast_in_dim3A_1, %parallel_loop3A_1133] : memref<1x1x100000xf32, #tpu.memory_space<vmem>>[vector<16xi32>, vector<16xi32>, vector<16xi32>], vector<16xf32>,
      %parallel_loop3A_1135 = arith.constant 0 : i32
      %parallel_loop3A_1136 = arith.constant 0 : i32
      %parallel_loop3A_1137 = arith.index_cast %parallel_loop3A_1135 : i32 to index
      %parallel_loop3A_1138 = arith.index_cast %parallel_loop3A_1136 : i32 to index
      %parallel_loop3A_1139 = arith.index_cast %parallel_loop3A_1127 : i32 to index
      %parallel_loop3A_1140 = tpu.vector_load %arg8[%parallel_loop3A_1137, %parallel_loop3A_1138, %parallel_loop3A_1139] {strides = array<i32>} : memref<1x1x4096xf32, #tpu.memory_space<vmem>>, vector<16xf32>,
      tpu.vector_store %arg8[%parallel_loop3A_1137, %parallel_loop3A_1138, %parallel_loop3A_1139], %parallel_loop3A_1134 {strides = array<i32>} : memref<1x1x4096xf32, #tpu.memory_space<vmem>>, vector<16xf32>,
    } {sc.loop_unroll_factor = 8 : i64, sc.parallel_access}
    %dma_start3A_147 = arith.constant 12288 : i32
    %dma_start3A_148 = tpu.memref_slice %arg4[%select_n3A_93, %sub3A_96, %dma_start3A_147] : memref<26x16x16384xf32, #tpu.memory_space<hbm>> -> memref<1x1x4096xf32, #tpu.memory_space<hbm>>
    %dma_start3A_149 = arith.constant 12288 : i32
    %dma_start3A_150 = tpu.memref_slice %arg4[%select_n3A_93, %sub3A_96, %dma_start3A_149] : memref<26x16x16384xf32, #tpu.memory_space<hbm>> -> memref<1x1x4096xf32, #tpu.memory_space<hbm>>
    tpu.enqueue_dma source(%arg8 : memref<1x1x4096xf32, #tpu.memory_space<vmem>>) target(%dma_start3A_150 : memref<1x1x4096xf32, #tpu.memory_space<hbm>>) target_semaphore(%arg11 : memref<!tpu.dma_semaphore, #tpu.memory_space<semaphore_mem>>)
    %mul3A_151 = arith.constant 13 : i32
    %mul3A_152 = arith.muli %add3A, %mul3A_151 : i32
    %add3A_153 = arith.constant 2 : i32
    %add3A_154 = arith.addi %mul3A_152, %add3A_153 : i32
    %jit3A_155 = arith.constant 16 : i32
    %div3A_156 = arith.divsi %add3A_154, %jit3A_155 : i32
    %sign3A_157 = arith.constant 0 : i32
    %sign3A_158 = arith.cmpi sgt, %add3A_154, %sign3A_157 : i32
    %sign3A_159 = arith.extui %sign3A_158 : i1 to i32
    %sign3A_160 = arith.constant 0 : i32
    %sign3A_161 = arith.cmpi slt, %add3A_154, %sign3A_160 : i32
    %sign3A_162 = arith.extui %sign3A_161 : i1 to i32
    %sign3A_163 = arith.subi %sign3A_159, %sign3A_162 : i32
    %sign3A_164 = arith.constant 0 : i32
    %sign3A_165 = arith.cmpi sgt, %jit3A_155, %sign3A_164 : i32
    %sign3A_166 = arith.extui %sign3A_165 : i1 to i32
    %sign3A_167 = arith.constant 0 : i32
    %sign3A_168 = arith.cmpi slt, %jit3A_155, %sign3A_167 : i32
    %sign3A_169 = arith.extui %sign3A_168 : i1 to i32
    %sign3A_170 = arith.subi %sign3A_166, %sign3A_169 : i32
    %ne3A_171 = arith.cmpi ne, %sign3A_163, %sign3A_170 : i32
    %rem3A_172 = arith.remsi %add3A_154, %jit3A_155 : i32
    %ne3A_173 = arith.constant 0 : i32
    %ne3A_174 = arith.cmpi ne, %rem3A_172, %ne3A_173 : i32
    %and3A_175 = arith.andi %ne3A_171, %ne3A_174 : i1
    %sub3A_176 = arith.constant 1 : i32
    %sub3A_177 = arith.subi %div3A_156, %sub3A_176 : i32
    %select_n3A_178 = arith.select %and3A_175, %sub3A_177, %div3A_156 : i32
    %mul3A_179 = arith.constant 16 : i32
    %mul3A_180 = arith.muli %select_n3A_178, %mul3A_179 : i32
    %sub3A_181 = arith.subi %add3A_154, %mul3A_180 : i32
    %dma_start3A_182 = arith.constant 0 : i32
    %dma_start3A_183 = tpu.memref_slice %arg3[%select_n3A_178, %sub3A_181, %dma_start3A_182] : memref<26x16x100000xf32, #tpu.memory_space<hbm>> -> memref<1x1x100000xf32, #tpu.memory_space<hbm>>
    %dma_start3A_184 = arith.constant 0 : i32
    %dma_start3A_185 = tpu.memref_slice %arg3[%select_n3A_178, %sub3A_181, %dma_start3A_184] : memref<26x16x100000xf32, #tpu.memory_space<hbm>> -> memref<1x1x100000xf32, #tpu.memory_space<hbm>>
    tpu.enqueue_dma source(%dma_start3A_185 : memref<1x1x100000xf32, #tpu.memory_space<hbm>>) target(%arg5 : memref<1x1x100000xf32, #tpu.memory_space<vmem>>) target_semaphore(%arg9 : memref<!tpu.dma_semaphore, #tpu.memory_space<semaphore_mem>>)
    %eq3A_186 = arith.constant 0 : i32
    %eq3A_187 = arith.cmpi eq, %sub3A_181, %eq3A_186 : i32
    %convert_element_type3A_188 = arith.extui %eq3A_187 : i1 to i32
    %cond3A_189 = arith.constant 0 : i32
    %cond3A_190 = arith.cmpi ne, %convert_element_type3A_188, %cond3A_189 : i32
    scf.if %cond3A_190 {
      "tpu.region"() ({
        %run_scoped3A = tpu.sem_alloc : memref<!tpu.dma_semaphore, #tpu.memory_space<semaphore_mem>>
        %dma_start3A_1127 = arith.constant 0 : i32
        %dma_start3A_1128 = tpu.memref_slice %arg2[%select_n3A_178, %dma_start3A_1127] : memref<26x16384xi32, #tpu.memory_space<hbm>> -> memref<1x16384xi32, #tpu.memory_space<hbm>>
        %dma_start3A_1129 = arith.constant 0 : i32
        %dma_start3A_1130 = tpu.memref_slice %arg2[%select_n3A_178, %dma_start3A_1129] : memref<26x16384xi32, #tpu.memory_space<hbm>> -> memref<1x16384xi32, #tpu.memory_space<hbm>>
        tpu.enqueue_dma source(%dma_start3A_1130 : memref<1x16384xi32, #tpu.memory_space<hbm>>) target(%arg6 : memref<1x16384xi32, #tpu.memory_space<vmem>>) target_semaphore(%run_scoped3A : memref<!tpu.dma_semaphore, #tpu.memory_space<semaphore_mem>>)
        %dma_wait3A_1131 = arith.constant 0 : i32
        %dma_wait3A_1132 = tpu.memref_slice %arg2[%select_n3A_178, %dma_wait3A_1131] : memref<26x16384xi32, #tpu.memory_space<hbm>> -> memref<1x16384xi32, #tpu.memory_space<hbm>>
        %dma_wait3A_1133 = arith.constant 0 : i32
        %dma_wait3A_1134 = tpu.memref_slice %arg2[%select_n3A_178, %dma_wait3A_1133] : memref<26x16384xi32, #tpu.memory_space<hbm>> -> memref<1x16384xi32, #tpu.memory_space<hbm>>
        tpu.wait_dma2 semaphore(%run_scoped3A : memref<!tpu.dma_semaphore, #tpu.memory_space<semaphore_mem>>) src(%dma_wait3A_1134 : memref<1x16384xi32, #tpu.memory_space<hbm>>) dst(%arg6 : memref<1x16384xi32, #tpu.memory_space<vmem>>)
        tpu.yield
      }) : () -> ()
    } else {
    }
    %dma_wait3A_191 = arith.constant 0 : i32
    %dma_wait3A_192 = tpu.memref_slice %arg3[%select_n3A_178, %sub3A_181, %dma_wait3A_191] : memref<26x16x100000xf32, #tpu.memory_space<hbm>> -> memref<1x1x100000xf32, #tpu.memory_space<hbm>>
    %dma_wait3A_193 = arith.constant 0 : i32
    %dma_wait3A_194 = tpu.memref_slice %arg3[%select_n3A_178, %sub3A_181, %dma_wait3A_193] : memref<26x16x100000xf32, #tpu.memory_space<hbm>> -> memref<1x1x100000xf32, #tpu.memory_space<hbm>>
    tpu.wait_dma2 semaphore(%arg9 : memref<!tpu.dma_semaphore, #tpu.memory_space<semaphore_mem>>) src(%dma_wait3A_194 : memref<1x1x100000xf32, #tpu.memory_space<hbm>>) dst(%arg5 : memref<1x1x100000xf32, #tpu.memory_space<vmem>>)
    %dma_wait3A_195 = arith.constant 8192 : i32
    %dma_wait3A_196 = tpu.memref_slice %arg4[%select_n3A_93, %sub3A_96, %dma_wait3A_195] : memref<26x16x16384xf32, #tpu.memory_space<hbm>> -> memref<1x1x4096xf32, #tpu.memory_space<hbm>>
    %dma_wait3A_197 = arith.constant 8192 : i32
    %dma_wait3A_198 = tpu.memref_slice %arg4[%select_n3A_93, %sub3A_96, %dma_wait3A_197] : memref<26x16x16384xf32, #tpu.memory_space<hbm>> -> memref<1x1x4096xf32, #tpu.memory_space<hbm>>
    tpu.wait_dma2 semaphore(%arg10 : memref<!tpu.dma_semaphore, #tpu.memory_space<semaphore_mem>>) src(%arg7 : memref<1x1x4096xf32, #tpu.memory_space<vmem>>) dst(%dma_wait3A_198 : memref<1x1x4096xf32, #tpu.memory_space<hbm>>)
    %parallel_loop3A_199 = arith.constant 0 : i32
    %parallel_loop3A_200 = arith.constant 4096 : i32
    %parallel_loop3A_201 = arith.constant 16 : i32
    scf.for %parallel_loop3A_1127 = %parallel_loop3A_199 to %parallel_loop3A_200 step %parallel_loop3A_201  : i32 {
      %parallel_loop3A_1128 = arith.constant 0 : i32
      %parallel_loop3A_1129 = arith.addi %parallel_loop3A_1128, %parallel_loop3A_1127 : i32
      %parallel_loop3A_1130 = arith.constant 0 : i32
      %parallel_loop3A_1131 = arith.index_cast %parallel_loop3A_1130 : i32 to index
      %parallel_loop3A_1132 = arith.index_cast %parallel_loop3A_1129 : i32 to index
      %parallel_loop3A_1133 = tpu.vector_load %arg6[%parallel_loop3A_1131, %parallel_loop3A_1132] {strides = array<i32>} : memref<1x16384xi32, #tpu.memory_space<vmem>>, vector<16xi32>,
      %parallel_loop3A_1134 = tpu.vector_load_idx %arg5[%broadcast_in_dim3A_1, %broadcast_in_dim3A_1, %parallel_loop3A_1133] : memref<1x1x100000xf32, #tpu.memory_space<vmem>>[vector<16xi32>, vector<16xi32>, vector<16xi32>], vector<16xf32>,
      %parallel_loop3A_1135 = arith.constant 0 : i32
      %parallel_loop3A_1136 = arith.constant 0 : i32
      %parallel_loop3A_1137 = arith.index_cast %parallel_loop3A_1135 : i32 to index
      %parallel_loop3A_1138 = arith.index_cast %parallel_loop3A_1136 : i32 to index
      %parallel_loop3A_1139 = arith.index_cast %parallel_loop3A_1127 : i32 to index
      %parallel_loop3A_1140 = tpu.vector_load %arg7[%parallel_loop3A_1137, %parallel_loop3A_1138, %parallel_loop3A_1139] {strides = array<i32>} : memref<1x1x4096xf32, #tpu.memory_space<vmem>>, vector<16xf32>,
      tpu.vector_store %arg7[%parallel_loop3A_1137, %parallel_loop3A_1138, %parallel_loop3A_1139], %parallel_loop3A_1134 {strides = array<i32>} : memref<1x1x4096xf32, #tpu.memory_space<vmem>>, vector<16xf32>,
    } {sc.loop_unroll_factor = 8 : i64, sc.parallel_access}
    %dma_start3A_202 = arith.constant 0 : i32
    %dma_start3A_203 = tpu.memref_slice %arg4[%select_n3A_178, %sub3A_181, %dma_start3A_202] : memref<26x16x16384xf32, #tpu.memory_space<hbm>> -> memref<1x1x4096xf32, #tpu.memory_space<hbm>>
    %dma_start3A_204 = arith.constant 0 : i32
    %dma_start3A_205 = tpu.memref_slice %arg4[%select_n3A_178, %sub3A_181, %dma_start3A_204] : memref<26x16x16384xf32, #tpu.memory_space<hbm>> -> memref<1x1x4096xf32, #tpu.memory_space<hbm>>
    tpu.enqueue_dma source(%arg7 : memref<1x1x4096xf32, #tpu.memory_space<vmem>>) target(%dma_start3A_205 : memref<1x1x4096xf32, #tpu.memory_space<hbm>>) target_semaphore(%arg10 : memref<!tpu.dma_semaphore, #tpu.memory_space<semaphore_mem>>)
    %dma_wait3A_206 = arith.constant 12288 : i32
    %dma_wait3A_207 = tpu.memref_slice %arg4[%select_n3A_93, %sub3A_96, %dma_wait3A_206] : memref<26x16x16384xf32, #tpu.memory_space<hbm>> -> memref<1x1x4096xf32, #tpu.memory_space<hbm>>
    %dma_wait3A_208 = arith.constant 12288 : i32
    %dma_wait3A_209 = tpu.memref_slice %arg4[%select_n3A_93, %sub3A_96, %dma_wait3A_208] : memref<26x16x16384xf32, #tpu.memory_space<hbm>> -> memref<1x1x4096xf32, #tpu.memory_space<hbm>>
    tpu.wait_dma2 semaphore(%arg11 : memref<!tpu.dma_semaphore, #tpu.memory_space<semaphore_mem>>) src(%arg8 : memref<1x1x4096xf32, #tpu.memory_space<vmem>>) dst(%dma_wait3A_209 : memref<1x1x4096xf32, #tpu.memory_space<hbm>>)
    %parallel_loop3A_210 = arith.constant 0 : i32
    %parallel_loop3A_211 = arith.constant 4096 : i32
    %parallel_loop3A_212 = arith.constant 16 : i32
    scf.for %parallel_loop3A_1127 = %parallel_loop3A_210 to %parallel_loop3A_211 step %parallel_loop3A_212  : i32 {
      %parallel_loop3A_1128 = arith.constant 4096 : i32
      %parallel_loop3A_1129 = arith.addi %parallel_loop3A_1128, %parallel_loop3A_1127 : i32
      %parallel_loop3A_1130 = arith.constant 0 : i32
      %parallel_loop3A_1131 = arith.index_cast %parallel_loop3A_1130 : i32 to index
      %parallel_loop3A_1132 = arith.index_cast %parallel_loop3A_1129 : i32 to index
      %parallel_loop3A_1133 = tpu.vector_load %arg6[%parallel_loop3A_1131, %parallel_loop3A_1132] {strides = array<i32>} : memref<1x16384xi32, #tpu.memory_space<vmem>>, vector<16xi32>,
      %parallel_loop3A_1134 = tpu.vector_load_idx %arg5[%broadcast_in_dim3A_1, %broadcast_in_dim3A_1, %parallel_loop3A_1133] : memref<1x1x100000xf32, #tpu.memory_space<vmem>>[vector<16xi32>, vector<16xi32>, vector<16xi32>], vector<16xf32>,
      %parallel_loop3A_1135 = arith.constant 0 : i32
      %parallel_loop3A_1136 = arith.constant 0 : i32
      %parallel_loop3A_1137 = arith.index_cast %parallel_loop3A_1135 : i32 to index
      %parallel_loop3A_1138 = arith.index_cast %parallel_loop3A_1136 : i32 to index
      %parallel_loop3A_1139 = arith.index_cast %parallel_loop3A_1127 : i32 to index
      %parallel_loop3A_1140 = tpu.vector_load %arg8[%parallel_loop3A_1137, %parallel_loop3A_1138, %parallel_loop3A_1139] {strides = array<i32>} : memref<1x1x4096xf32, #tpu.memory_space<vmem>>, vector<16xf32>,
      tpu.vector_store %arg8[%parallel_loop3A_1137, %parallel_loop3A_1138, %parallel_loop3A_1139], %parallel_loop3A_1134 {strides = array<i32>} : memref<1x1x4096xf32, #tpu.memory_space<vmem>>, vector<16xf32>,
    } {sc.loop_unroll_factor = 8 : i64, sc.parallel_access}
    %dma_start3A_213 = arith.constant 4096 : i32
    %dma_start3A_214 = tpu.memref_slice %arg4[%select_n3A_178, %sub3A_181, %dma_start3A_213] : memref<26x16x16384xf32, #tpu.memory_space<hbm>> -> memref<1x1x4096xf32, #tpu.memory_space<hbm>>
    %dma_start3A_215 = arith.constant 4096 : i32
    %dma_start3A_216 = tpu.memref_slice %arg4[%select_n3A_178, %sub3A_181, %dma_start3A_215] : memref<26x16x16384xf32, #tpu.memory_space<hbm>> -> memref<1x1x4096xf32, #tpu.memory_space<hbm>>
    tpu.enqueue_dma source(%arg8 : memref<1x1x4096xf32, #tpu.memory_space<vmem>>) target(%dma_start3A_216 : memref<1x1x4096xf32, #tpu.memory_space<hbm>>) target_semaphore(%arg11 : memref<!tpu.dma_semaphore, #tpu.memory_space<semaphore_mem>>)
    %dma_wait3A_217 = arith.constant 0 : i32
    %dma_wait3A_218 = tpu.memref_slice %arg4[%select_n3A_178, %sub3A_181, %dma_wait3A_217] : memref<26x16x16384xf32, #tpu.memory_space<hbm>> -> memref<1x1x4096xf32, #tpu.memory_space<hbm>>
    %dma_wait3A_219 = arith.constant 0 : i32
    %dma_wait3A_220 = tpu.memref_slice %arg4[%select_n3A_178, %sub3A_181, %dma_wait3A_219] : memref<26x16x16384xf32, #tpu.memory_space<hbm>> -> memref<1x1x4096xf32, #tpu.memory_space<hbm>>
    tpu.wait_dma2 semaphore(%arg10 : memref<!tpu.dma_semaphore, #tpu.memory_space<semaphore_mem>>) src(%arg7 : memref<1x1x4096xf32, #tpu.memory_space<vmem>>) dst(%dma_wait3A_220 : memref<1x1x4096xf32, #tpu.memory_space<hbm>>)
    %parallel_loop3A_221 = arith.constant 0 : i32
    %parallel_loop3A_222 = arith.constant 4096 : i32
    %parallel_loop3A_223 = arith.constant 16 : i32
    scf.for %parallel_loop3A_1127 = %parallel_loop3A_221 to %parallel_loop3A_222 step %parallel_loop3A_223  : i32 {
      %parallel_loop3A_1128 = arith.constant 8192 : i32
      %parallel_loop3A_1129 = arith.addi %parallel_loop3A_1128, %parallel_loop3A_1127 : i32
      %parallel_loop3A_1130 = arith.constant 0 : i32
      %parallel_loop3A_1131 = arith.index_cast %parallel_loop3A_1130 : i32 to index
      %parallel_loop3A_1132 = arith.index_cast %parallel_loop3A_1129 : i32 to index
      %parallel_loop3A_1133 = tpu.vector_load %arg6[%parallel_loop3A_1131, %parallel_loop3A_1132] {strides = array<i32>} : memref<1x16384xi32, #tpu.memory_space<vmem>>, vector<16xi32>,
      %parallel_loop3A_1134 = tpu.vector_load_idx %arg5[%broadcast_in_dim3A_1, %broadcast_in_dim3A_1, %parallel_loop3A_1133] : memref<1x1x100000xf32, #tpu.memory_space<vmem>>[vector<16xi32>, vector<16xi32>, vector<16xi32>], vector<16xf32>,
      %parallel_loop3A_1135 = arith.constant 0 : i32
      %parallel_loop3A_1136 = arith.constant 0 : i32
      %parallel_loop3A_1137 = arith.index_cast %parallel_loop3A_1135 : i32 to index
      %parallel_loop3A_1138 = arith.index_cast %parallel_loop3A_1136 : i32 to index
      %parallel_loop3A_1139 = arith.index_cast %parallel_loop3A_1127 : i32 to index
      %parallel_loop3A_1140 = tpu.vector_load %arg7[%parallel_loop3A_1137, %parallel_loop3A_1138, %parallel_loop3A_1139] {strides = array<i32>} : memref<1x1x4096xf32, #tpu.memory_space<vmem>>, vector<16xf32>,
      tpu.vector_store %arg7[%parallel_loop3A_1137, %parallel_loop3A_1138, %parallel_loop3A_1139], %parallel_loop3A_1134 {strides = array<i32>} : memref<1x1x4096xf32, #tpu.memory_space<vmem>>, vector<16xf32>,
    } {sc.loop_unroll_factor = 8 : i64, sc.parallel_access}
    %dma_start3A_224 = arith.constant 8192 : i32
    %dma_start3A_225 = tpu.memref_slice %arg4[%select_n3A_178, %sub3A_181, %dma_start3A_224] : memref<26x16x16384xf32, #tpu.memory_space<hbm>> -> memref<1x1x4096xf32, #tpu.memory_space<hbm>>
    %dma_start3A_226 = arith.constant 8192 : i32
    %dma_start3A_227 = tpu.memref_slice %arg4[%select_n3A_178, %sub3A_181, %dma_start3A_226] : memref<26x16x16384xf32, #tpu.memory_space<hbm>> -> memref<1x1x4096xf32, #tpu.memory_space<hbm>>
    tpu.enqueue_dma source(%arg7 : memref<1x1x4096xf32, #tpu.memory_space<vmem>>) target(%dma_start3A_227 : memref<1x1x4096xf32, #tpu.memory_space<hbm>>) target_semaphore(%arg10 : memref<!tpu.dma_semaphore, #tpu.memory_space<semaphore_mem>>)
    %dma_wait3A_228 = arith.constant 4096 : i32
    %dma_wait3A_229 = tpu.memref_slice %arg4[%select_n3A_178, %sub3A_181, %dma_wait3A_228] : memref<26x16x16384xf32, #tpu.memory_space<hbm>> -> memref<1x1x4096xf32, #tpu.memory_space<hbm>>
    %dma_wait3A_230 = arith.constant 4096 : i32
    %dma_wait3A_231 = tpu.memref_slice %arg4[%select_n3A_178, %sub3A_181, %dma_wait3A_230] : memref<26x16x16384xf32, #tpu.memory_space<hbm>> -> memref<1x1x4096xf32, #tpu.memory_space<hbm>>
    tpu.wait_dma2 semaphore(%arg11 : memref<!tpu.dma_semaphore, #tpu.memory_space<semaphore_mem>>) src(%arg8 : memref<1x1x4096xf32, #tpu.memory_space<vmem>>) dst(%dma_wait3A_231 : memref<1x1x4096xf32, #tpu.memory_space<hbm>>)
    %parallel_loop3A_232 = arith.constant 0 : i32
    %parallel_loop3A_233 = arith.constant 4096 : i32
    %parallel_loop3A_234 = arith.constant 16 : i32
    scf.for %parallel_loop3A_1127 = %parallel_loop3A_232 to %parallel_loop3A_233 step %parallel_loop3A_234  : i32 {
      %parallel_loop3A_1128 = arith.constant 12288 : i32
      %parallel_loop3A_1129 = arith.addi %parallel_loop3A_1128, %parallel_loop3A_1127 : i32
      %parallel_loop3A_1130 = arith.constant 0 : i32
      %parallel_loop3A_1131 = arith.index_cast %parallel_loop3A_1130 : i32 to index
      %parallel_loop3A_1132 = arith.index_cast %parallel_loop3A_1129 : i32 to index
      %parallel_loop3A_1133 = tpu.vector_load %arg6[%parallel_loop3A_1131, %parallel_loop3A_1132] {strides = array<i32>} : memref<1x16384xi32, #tpu.memory_space<vmem>>, vector<16xi32>,
      %parallel_loop3A_1134 = tpu.vector_load_idx %arg5[%broadcast_in_dim3A_1, %broadcast_in_dim3A_1, %parallel_loop3A_1133] : memref<1x1x100000xf32, #tpu.memory_space<vmem>>[vector<16xi32>, vector<16xi32>, vector<16xi32>], vector<16xf32>,
      %parallel_loop3A_1135 = arith.constant 0 : i32
      %parallel_loop3A_1136 = arith.constant 0 : i32
      %parallel_loop3A_1137 = arith.index_cast %parallel_loop3A_1135 : i32 to index
      %parallel_loop3A_1138 = arith.index_cast %parallel_loop3A_1136 : i32 to index
      %parallel_loop3A_1139 = arith.index_cast %parallel_loop3A_1127 : i32 to index
      %parallel_loop3A_1140 = tpu.vector_load %arg8[%parallel_loop3A_1137, %parallel_loop3A_1138, %parallel_loop3A_1139] {strides = array<i32>} : memref<1x1x4096xf32, #tpu.memory_space<vmem>>, vector<16xf32>,
      tpu.vector_store %arg8[%parallel_loop3A_1137, %parallel_loop3A_1138, %parallel_loop3A_1139], %parallel_loop3A_1134 {strides = array<i32>} : memref<1x1x4096xf32, #tpu.memory_space<vmem>>, vector<16xf32>,
    } {sc.loop_unroll_factor = 8 : i64, sc.parallel_access}
    %dma_start3A_235 = arith.constant 12288 : i32
    %dma_start3A_236 = tpu.memref_slice %arg4[%select_n3A_178, %sub3A_181, %dma_start3A_235] : memref<26x16x16384xf32, #tpu.memory_space<hbm>> -> memref<1x1x4096xf32, #tpu.memory_space<hbm>>
    %dma_start3A_237 = arith.constant 12288 : i32
    %dma_start3A_238 = tpu.memref_slice %arg4[%select_n3A_178, %sub3A_181, %dma_start3A_237] : memref<26x16x16384xf32, #tpu.memory_space<hbm>> -> memref<1x1x4096xf32, #tpu.memory_space<hbm>>
    tpu.enqueue_dma source(%arg8 : memref<1x1x4096xf32, #tpu.memory_space<vmem>>) target(%dma_start3A_238 : memref<1x1x4096xf32, #tpu.memory_space<hbm>>) target_semaphore(%arg11 : memref<!tpu.dma_semaphore, #tpu.memory_space<semaphore_mem>>)
    %mul3A_239 = arith.constant 13 : i32
    %mul3A_240 = arith.muli %add3A, %mul3A_239 : i32
    %add3A_241 = arith.constant 3 : i32
    %add3A_242 = arith.addi %mul3A_240, %add3A_241 : i32
    %jit3A_243 = arith.constant 16 : i32
    %div3A_244 = arith.divsi %add3A_242, %jit3A_243 : i32
    %sign3A_245 = arith.constant 0 : i32
    %sign3A_246 = arith.cmpi sgt, %add3A_242, %sign3A_245 : i32
    %sign3A_247 = arith.extui %sign3A_246 : i1 to i32
    %sign3A_248 = arith.constant 0 : i32
    %sign3A_249 = arith.cmpi slt, %add3A_242, %sign3A_248 : i32
    %sign3A_250 = arith.extui %sign3A_249 : i1 to i32
    %sign3A_251 = arith.subi %sign3A_247, %sign3A_250 : i32
    %sign3A_252 = arith.constant 0 : i32
    %sign3A_253 = arith.cmpi sgt, %jit3A_243, %sign3A_252 : i32
    %sign3A_254 = arith.extui %sign3A_253 : i1 to i32
    %sign3A_255 = arith.constant 0 : i32
    %sign3A_256 = arith.cmpi slt, %jit3A_243, %sign3A_255 : i32
    %sign3A_257 = arith.extui %sign3A_256 : i1 to i32
    %sign3A_258 = arith.subi %sign3A_254, %sign3A_257 : i32
    %ne3A_259 = arith.cmpi ne, %sign3A_251, %sign3A_258 : i32
    %rem3A_260 = arith.remsi %add3A_242, %jit3A_243 : i32
    %ne3A_261 = arith.constant 0 : i32
    %ne3A_262 = arith.cmpi ne, %rem3A_260, %ne3A_261 : i32
    %and3A_263 = arith.andi %ne3A_259, %ne3A_262 : i1
    %sub3A_264 = arith.constant 1 : i32
    %sub3A_265 = arith.subi %div3A_244, %sub3A_264 : i32
    %select_n3A_266 = arith.select %and3A_263, %sub3A_265, %div3A_244 : i32
    %mul3A_267 = arith.constant 16 : i32
    %mul3A_268 = arith.muli %select_n3A_266, %mul3A_267 : i32
    %sub3A_269 = arith.subi %add3A_242, %mul3A_268 : i32
    %dma_start3A_270 = arith.constant 0 : i32
    %dma_start3A_271 = tpu.memref_slice %arg3[%select_n3A_266, %sub3A_269, %dma_start3A_270] : memref<26x16x100000xf32, #tpu.memory_space<hbm>> -> memref<1x1x100000xf32, #tpu.memory_space<hbm>>
    %dma_start3A_272 = arith.constant 0 : i32
    %dma_start3A_273 = tpu.memref_slice %arg3[%select_n3A_266, %sub3A_269, %dma_start3A_272] : memref<26x16x100000xf32, #tpu.memory_space<hbm>> -> memref<1x1x100000xf32, #tpu.memory_space<hbm>>
    tpu.enqueue_dma source(%dma_start3A_273 : memref<1x1x100000xf32, #tpu.memory_space<hbm>>) target(%arg5 : memref<1x1x100000xf32, #tpu.memory_space<vmem>>) target_semaphore(%arg9 : memref<!tpu.dma_semaphore, #tpu.memory_space<semaphore_mem>>)
    %eq3A_274 = arith.constant 0 : i32
    %eq3A_275 = arith.cmpi eq, %sub3A_269, %eq3A_274 : i32
    %convert_element_type3A_276 = arith.extui %eq3A_275 : i1 to i32
    %cond3A_277 = arith.constant 0 : i32
    %cond3A_278 = arith.cmpi ne, %convert_element_type3A_276, %cond3A_277 : i32
    scf.if %cond3A_278 {
      "tpu.region"() ({
        %run_scoped3A = tpu.sem_alloc : memref<!tpu.dma_semaphore, #tpu.memory_space<semaphore_mem>>
        %dma_start3A_1127 = arith.constant 0 : i32
        %dma_start3A_1128 = tpu.memref_slice %arg2[%select_n3A_266, %dma_start3A_1127] : memref<26x16384xi32, #tpu.memory_space<hbm>> -> memref<1x16384xi32, #tpu.memory_space<hbm>>
        %dma_start3A_1129 = arith.constant 0 : i32
        %dma_start3A_1130 = tpu.memref_slice %arg2[%select_n3A_266, %dma_start3A_1129] : memref<26x16384xi32, #tpu.memory_space<hbm>> -> memref<1x16384xi32, #tpu.memory_space<hbm>>
        tpu.enqueue_dma source(%dma_start3A_1130 : memref<1x16384xi32, #tpu.memory_space<hbm>>) target(%arg6 : memref<1x16384xi32, #tpu.memory_space<vmem>>) target_semaphore(%run_scoped3A : memref<!tpu.dma_semaphore, #tpu.memory_space<semaphore_mem>>)
        %dma_wait3A_1131 = arith.constant 0 : i32
        %dma_wait3A_1132 = tpu.memref_slice %arg2[%select_n3A_266, %dma_wait3A_1131] : memref<26x16384xi32, #tpu.memory_space<hbm>> -> memref<1x16384xi32, #tpu.memory_space<hbm>>
        %dma_wait3A_1133 = arith.constant 0 : i32
        %dma_wait3A_1134 = tpu.memref_slice %arg2[%select_n3A_266, %dma_wait3A_1133] : memref<26x16384xi32, #tpu.memory_space<hbm>> -> memref<1x16384xi32, #tpu.memory_space<hbm>>
        tpu.wait_dma2 semaphore(%run_scoped3A : memref<!tpu.dma_semaphore, #tpu.memory_space<semaphore_mem>>) src(%dma_wait3A_1134 : memref<1x16384xi32, #tpu.memory_space<hbm>>) dst(%arg6 : memref<1x16384xi32, #tpu.memory_space<vmem>>)
        tpu.yield
      }) : () -> ()
    } else {
    }
    %dma_wait3A_279 = arith.constant 0 : i32
    %dma_wait3A_280 = tpu.memref_slice %arg3[%select_n3A_266, %sub3A_269, %dma_wait3A_279] : memref<26x16x100000xf32, #tpu.memory_space<hbm>> -> memref<1x1x100000xf32, #tpu.memory_space<hbm>>
    %dma_wait3A_281 = arith.constant 0 : i32
    %dma_wait3A_282 = tpu.memref_slice %arg3[%select_n3A_266, %sub3A_269, %dma_wait3A_281] : memref<26x16x100000xf32, #tpu.memory_space<hbm>> -> memref<1x1x100000xf32, #tpu.memory_space<hbm>>
    tpu.wait_dma2 semaphore(%arg9 : memref<!tpu.dma_semaphore, #tpu.memory_space<semaphore_mem>>) src(%dma_wait3A_282 : memref<1x1x100000xf32, #tpu.memory_space<hbm>>) dst(%arg5 : memref<1x1x100000xf32, #tpu.memory_space<vmem>>)
    %dma_wait3A_283 = arith.constant 8192 : i32
    %dma_wait3A_284 = tpu.memref_slice %arg4[%select_n3A_178, %sub3A_181, %dma_wait3A_283] : memref<26x16x16384xf32, #tpu.memory_space<hbm>> -> memref<1x1x4096xf32, #tpu.memory_space<hbm>>
    %dma_wait3A_285 = arith.constant 8192 : i32
    %dma_wait3A_286 = tpu.memref_slice %arg4[%select_n3A_178, %sub3A_181, %dma_wait3A_285] : memref<26x16x16384xf32, #tpu.memory_space<hbm>> -> memref<1x1x4096xf32, #tpu.memory_space<hbm>>
    tpu.wait_dma2 semaphore(%arg10 : memref<!tpu.dma_semaphore, #tpu.memory_space<semaphore_mem>>) src(%arg7 : memref<1x1x4096xf32, #tpu.memory_space<vmem>>) dst(%dma_wait3A_286 : memref<1x1x4096xf32, #tpu.memory_space<hbm>>)
    %parallel_loop3A_287 = arith.constant 0 : i32
    %parallel_loop3A_288 = arith.constant 4096 : i32
    %parallel_loop3A_289 = arith.constant 16 : i32
    scf.for %parallel_loop3A_1127 = %parallel_loop3A_287 to %parallel_loop3A_288 step %parallel_loop3A_289  : i32 {
      %parallel_loop3A_1128 = arith.constant 0 : i32
      %parallel_loop3A_1129 = arith.addi %parallel_loop3A_1128, %parallel_loop3A_1127 : i32
      %parallel_loop3A_1130 = arith.constant 0 : i32
      %parallel_loop3A_1131 = arith.index_cast %parallel_loop3A_1130 : i32 to index
      %parallel_loop3A_1132 = arith.index_cast %parallel_loop3A_1129 : i32 to index
      %parallel_loop3A_1133 = tpu.vector_load %arg6[%parallel_loop3A_1131, %parallel_loop3A_1132] {strides = array<i32>} : memref<1x16384xi32, #tpu.memory_space<vmem>>, vector<16xi32>,
      %parallel_loop3A_1134 = tpu.vector_load_idx %arg5[%broadcast_in_dim3A_1, %broadcast_in_dim3A_1, %parallel_loop3A_1133] : memref<1x1x100000xf32, #tpu.memory_space<vmem>>[vector<16xi32>, vector<16xi32>, vector<16xi32>], vector<16xf32>,
      %parallel_loop3A_1135 = arith.constant 0 : i32
      %parallel_loop3A_1136 = arith.constant 0 : i32
      %parallel_loop3A_1137 = arith.index_cast %parallel_loop3A_1135 : i32 to index
      %parallel_loop3A_1138 = arith.index_cast %parallel_loop3A_1136 : i32 to index
      %parallel_loop3A_1139 = arith.index_cast %parallel_loop3A_1127 : i32 to index
      %parallel_loop3A_1140 = tpu.vector_load %arg7[%parallel_loop3A_1137, %parallel_loop3A_1138, %parallel_loop3A_1139] {strides = array<i32>} : memref<1x1x4096xf32, #tpu.memory_space<vmem>>, vector<16xf32>,
      tpu.vector_store %arg7[%parallel_loop3A_1137, %parallel_loop3A_1138, %parallel_loop3A_1139], %parallel_loop3A_1134 {strides = array<i32>} : memref<1x1x4096xf32, #tpu.memory_space<vmem>>, vector<16xf32>,
    } {sc.loop_unroll_factor = 8 : i64, sc.parallel_access}
    %dma_start3A_290 = arith.constant 0 : i32
    %dma_start3A_291 = tpu.memref_slice %arg4[%select_n3A_266, %sub3A_269, %dma_start3A_290] : memref<26x16x16384xf32, #tpu.memory_space<hbm>> -> memref<1x1x4096xf32, #tpu.memory_space<hbm>>
    %dma_start3A_292 = arith.constant 0 : i32
    %dma_start3A_293 = tpu.memref_slice %arg4[%select_n3A_266, %sub3A_269, %dma_start3A_292] : memref<26x16x16384xf32, #tpu.memory_space<hbm>> -> memref<1x1x4096xf32, #tpu.memory_space<hbm>>
    tpu.enqueue_dma source(%arg7 : memref<1x1x4096xf32, #tpu.memory_space<vmem>>) target(%dma_start3A_293 : memref<1x1x4096xf32, #tpu.memory_space<hbm>>) target_semaphore(%arg10 : memref<!tpu.dma_semaphore, #tpu.memory_space<semaphore_mem>>)
    %dma_wait3A_294 = arith.constant 12288 : i32
    %dma_wait3A_295 = tpu.memref_slice %arg4[%select_n3A_178, %sub3A_181, %dma_wait3A_294] : memref<26x16x16384xf32, #tpu.memory_space<hbm>> -> memref<1x1x4096xf32, #tpu.memory_space<hbm>>
    %dma_wait3A_296 = arith.constant 12288 : i32
    %dma_wait3A_297 = tpu.memref_slice %arg4[%select_n3A_178, %sub3A_181, %dma_wait3A_296] : memref<26x16x16384xf32, #tpu.memory_space<hbm>> -> memref<1x1x4096xf32, #tpu.memory_space<hbm>>
    tpu.wait_dma2 semaphore(%arg11 : memref<!tpu.dma_semaphore, #tpu.memory_space<semaphore_mem>>) src(%arg8 : memref<1x1x4096xf32, #tpu.memory_space<vmem>>) dst(%dma_wait3A_297 : memref<1x1x4096xf32, #tpu.memory_space<hbm>>)
    %parallel_loop3A_298 = arith.constant 0 : i32
    %parallel_loop3A_299 = arith.constant 4096 : i32
    %parallel_loop3A_300 = arith.constant 16 : i32
    scf.for %parallel_loop3A_1127 = %parallel_loop3A_298 to %parallel_loop3A_299 step %parallel_loop3A_300  : i32 {
      %parallel_loop3A_1128 = arith.constant 4096 : i32
      %parallel_loop3A_1129 = arith.addi %parallel_loop3A_1128, %parallel_loop3A_1127 : i32
      %parallel_loop3A_1130 = arith.constant 0 : i32
      %parallel_loop3A_1131 = arith.index_cast %parallel_loop3A_1130 : i32 to index
      %parallel_loop3A_1132 = arith.index_cast %parallel_loop3A_1129 : i32 to index
      %parallel_loop3A_1133 = tpu.vector_load %arg6[%parallel_loop3A_1131, %parallel_loop3A_1132] {strides = array<i32>} : memref<1x16384xi32, #tpu.memory_space<vmem>>, vector<16xi32>,
      %parallel_loop3A_1134 = tpu.vector_load_idx %arg5[%broadcast_in_dim3A_1, %broadcast_in_dim3A_1, %parallel_loop3A_1133] : memref<1x1x100000xf32, #tpu.memory_space<vmem>>[vector<16xi32>, vector<16xi32>, vector<16xi32>], vector<16xf32>,
      %parallel_loop3A_1135 = arith.constant 0 : i32
      %parallel_loop3A_1136 = arith.constant 0 : i32
      %parallel_loop3A_1137 = arith.index_cast %parallel_loop3A_1135 : i32 to index
      %parallel_loop3A_1138 = arith.index_cast %parallel_loop3A_1136 : i32 to index
      %parallel_loop3A_1139 = arith.index_cast %parallel_loop3A_1127 : i32 to index
      %parallel_loop3A_1140 = tpu.vector_load %arg8[%parallel_loop3A_1137, %parallel_loop3A_1138, %parallel_loop3A_1139] {strides = array<i32>} : memref<1x1x4096xf32, #tpu.memory_space<vmem>>, vector<16xf32>,
      tpu.vector_store %arg8[%parallel_loop3A_1137, %parallel_loop3A_1138, %parallel_loop3A_1139], %parallel_loop3A_1134 {strides = array<i32>} : memref<1x1x4096xf32, #tpu.memory_space<vmem>>, vector<16xf32>,
    } {sc.loop_unroll_factor = 8 : i64, sc.parallel_access}
    %dma_start3A_301 = arith.constant 4096 : i32
    %dma_start3A_302 = tpu.memref_slice %arg4[%select_n3A_266, %sub3A_269, %dma_start3A_301] : memref<26x16x16384xf32, #tpu.memory_space<hbm>> -> memref<1x1x4096xf32, #tpu.memory_space<hbm>>
    %dma_start3A_303 = arith.constant 4096 : i32
    %dma_start3A_304 = tpu.memref_slice %arg4[%select_n3A_266, %sub3A_269, %dma_start3A_303] : memref<26x16x16384xf32, #tpu.memory_space<hbm>> -> memref<1x1x4096xf32, #tpu.memory_space<hbm>>
    tpu.enqueue_dma source(%arg8 : memref<1x1x4096xf32, #tpu.memory_space<vmem>>) target(%dma_start3A_304 : memref<1x1x4096xf32, #tpu.memory_space<hbm>>) target_semaphore(%arg11 : memref<!tpu.dma_semaphore, #tpu.memory_space<semaphore_mem>>)
    %dma_wait3A_305 = arith.constant 0 : i32
    %dma_wait3A_306 = tpu.memref_slice %arg4[%select_n3A_266, %sub3A_269, %dma_wait3A_305] : memref<26x16x16384xf32, #tpu.memory_space<hbm>> -> memref<1x1x4096xf32, #tpu.memory_space<hbm>>
    %dma_wait3A_307 = arith.constant 0 : i32
    %dma_wait3A_308 = tpu.memref_slice %arg4[%select_n3A_266, %sub3A_269, %dma_wait3A_307] : memref<26x16x16384xf32, #tpu.memory_space<hbm>> -> memref<1x1x4096xf32, #tpu.memory_space<hbm>>
    tpu.wait_dma2 semaphore(%arg10 : memref<!tpu.dma_semaphore, #tpu.memory_space<semaphore_mem>>) src(%arg7 : memref<1x1x4096xf32, #tpu.memory_space<vmem>>) dst(%dma_wait3A_308 : memref<1x1x4096xf32, #tpu.memory_space<hbm>>)
    %parallel_loop3A_309 = arith.constant 0 : i32
    %parallel_loop3A_310 = arith.constant 4096 : i32
    %parallel_loop3A_311 = arith.constant 16 : i32
    scf.for %parallel_loop3A_1127 = %parallel_loop3A_309 to %parallel_loop3A_310 step %parallel_loop3A_311  : i32 {
      %parallel_loop3A_1128 = arith.constant 8192 : i32
      %parallel_loop3A_1129 = arith.addi %parallel_loop3A_1128, %parallel_loop3A_1127 : i32
      %parallel_loop3A_1130 = arith.constant 0 : i32
      %parallel_loop3A_1131 = arith.index_cast %parallel_loop3A_1130 : i32 to index
      %parallel_loop3A_1132 = arith.index_cast %parallel_loop3A_1129 : i32 to index
      %parallel_loop3A_1133 = tpu.vector_load %arg6[%parallel_loop3A_1131, %parallel_loop3A_1132] {strides = array<i32>} : memref<1x16384xi32, #tpu.memory_space<vmem>>, vector<16xi32>,
      %parallel_loop3A_1134 = tpu.vector_load_idx %arg5[%broadcast_in_dim3A_1, %broadcast_in_dim3A_1, %parallel_loop3A_1133] : memref<1x1x100000xf32, #tpu.memory_space<vmem>>[vector<16xi32>, vector<16xi32>, vector<16xi32>], vector<16xf32>,
      %parallel_loop3A_1135 = arith.constant 0 : i32
      %parallel_loop3A_1136 = arith.constant 0 : i32
      %parallel_loop3A_1137 = arith.index_cast %parallel_loop3A_1135 : i32 to index
      %parallel_loop3A_1138 = arith.index_cast %parallel_loop3A_1136 : i32 to index
      %parallel_loop3A_1139 = arith.index_cast %parallel_loop3A_1127 : i32 to index
      %parallel_loop3A_1140 = tpu.vector_load %arg7[%parallel_loop3A_1137, %parallel_loop3A_1138, %parallel_loop3A_1139] {strides = array<i32>} : memref<1x1x4096xf32, #tpu.memory_space<vmem>>, vector<16xf32>,
      tpu.vector_store %arg7[%parallel_loop3A_1137, %parallel_loop3A_1138, %parallel_loop3A_1139], %parallel_loop3A_1134 {strides = array<i32>} : memref<1x1x4096xf32, #tpu.memory_space<vmem>>, vector<16xf32>,
    } {sc.loop_unroll_factor = 8 : i64, sc.parallel_access}
    %dma_start3A_312 = arith.constant 8192 : i32
    %dma_start3A_313 = tpu.memref_slice %arg4[%select_n3A_266, %sub3A_269, %dma_start3A_312] : memref<26x16x16384xf32, #tpu.memory_space<hbm>> -> memref<1x1x4096xf32, #tpu.memory_space<hbm>>
    %dma_start3A_314 = arith.constant 8192 : i32
    %dma_start3A_315 = tpu.memref_slice %arg4[%select_n3A_266, %sub3A_269, %dma_start3A_314] : memref<26x16x16384xf32, #tpu.memory_space<hbm>> -> memref<1x1x4096xf32, #tpu.memory_space<hbm>>
    tpu.enqueue_dma source(%arg7 : memref<1x1x4096xf32, #tpu.memory_space<vmem>>) target(%dma_start3A_315 : memref<1x1x4096xf32, #tpu.memory_space<hbm>>) target_semaphore(%arg10 : memref<!tpu.dma_semaphore, #tpu.memory_space<semaphore_mem>>)
    %dma_wait3A_316 = arith.constant 4096 : i32
    %dma_wait3A_317 = tpu.memref_slice %arg4[%select_n3A_266, %sub3A_269, %dma_wait3A_316] : memref<26x16x16384xf32, #tpu.memory_space<hbm>> -> memref<1x1x4096xf32, #tpu.memory_space<hbm>>
    %dma_wait3A_318 = arith.constant 4096 : i32
    %dma_wait3A_319 = tpu.memref_slice %arg4[%select_n3A_266, %sub3A_269, %dma_wait3A_318] : memref<26x16x16384xf32, #tpu.memory_space<hbm>> -> memref<1x1x4096xf32, #tpu.memory_space<hbm>>
    tpu.wait_dma2 semaphore(%arg11 : memref<!tpu.dma_semaphore, #tpu.memory_space<semaphore_mem>>) src(%arg8 : memref<1x1x4096xf32, #tpu.memory_space<vmem>>) dst(%dma_wait3A_319 : memref<1x1x4096xf32, #tpu.memory_space<hbm>>)
    %parallel_loop3A_320 = arith.constant 0 : i32
    %parallel_loop3A_321 = arith.constant 4096 : i32
    %parallel_loop3A_322 = arith.constant 16 : i32
    scf.for %parallel_loop3A_1127 = %parallel_loop3A_320 to %parallel_loop3A_321 step %parallel_loop3A_322  : i32 {
      %parallel_loop3A_1128 = arith.constant 12288 : i32
      %parallel_loop3A_1129 = arith.addi %parallel_loop3A_1128, %parallel_loop3A_1127 : i32
      %parallel_loop3A_1130 = arith.constant 0 : i32
      %parallel_loop3A_1131 = arith.index_cast %parallel_loop3A_1130 : i32 to index
      %parallel_loop3A_1132 = arith.index_cast %parallel_loop3A_1129 : i32 to index
      %parallel_loop3A_1133 = tpu.vector_load %arg6[%parallel_loop3A_1131, %parallel_loop3A_1132] {strides = array<i32>} : memref<1x16384xi32, #tpu.memory_space<vmem>>, vector<16xi32>,
      %parallel_loop3A_1134 = tpu.vector_load_idx %arg5[%broadcast_in_dim3A_1, %broadcast_in_dim3A_1, %parallel_loop3A_1133] : memref<1x1x100000xf32, #tpu.memory_space<vmem>>[vector<16xi32>, vector<16xi32>, vector<16xi32>], vector<16xf32>,
      %parallel_loop3A_1135 = arith.constant 0 : i32
      %parallel_loop3A_1136 = arith.constant 0 : i32
      %parallel_loop3A_1137 = arith.index_cast %parallel_loop3A_1135 : i32 to index
      %parallel_loop3A_1138 = arith.index_cast %parallel_loop3A_1136 : i32 to index
      %parallel_loop3A_1139 = arith.index_cast %parallel_loop3A_1127 : i32 to index
      %parallel_loop3A_1140 = tpu.vector_load %arg8[%parallel_loop3A_1137, %parallel_loop3A_1138, %parallel_loop3A_1139] {strides = array<i32>} : memref<1x1x4096xf32, #tpu.memory_space<vmem>>, vector<16xf32>,
      tpu.vector_store %arg8[%parallel_loop3A_1137, %parallel_loop3A_1138, %parallel_loop3A_1139], %parallel_loop3A_1134 {strides = array<i32>} : memref<1x1x4096xf32, #tpu.memory_space<vmem>>, vector<16xf32>,
    } {sc.loop_unroll_factor = 8 : i64, sc.parallel_access}
    %dma_start3A_323 = arith.constant 12288 : i32
    %dma_start3A_324 = tpu.memref_slice %arg4[%select_n3A_266, %sub3A_269, %dma_start3A_323] : memref<26x16x16384xf32, #tpu.memory_space<hbm>> -> memref<1x1x4096xf32, #tpu.memory_space<hbm>>
    %dma_start3A_325 = arith.constant 12288 : i32
    %dma_start3A_326 = tpu.memref_slice %arg4[%select_n3A_266, %sub3A_269, %dma_start3A_325] : memref<26x16x16384xf32, #tpu.memory_space<hbm>> -> memref<1x1x4096xf32, #tpu.memory_space<hbm>>
    tpu.enqueue_dma source(%arg8 : memref<1x1x4096xf32, #tpu.memory_space<vmem>>) target(%dma_start3A_326 : memref<1x1x4096xf32, #tpu.memory_space<hbm>>) target_semaphore(%arg11 : memref<!tpu.dma_semaphore, #tpu.memory_space<semaphore_mem>>)
    %mul3A_327 = arith.constant 13 : i32
    %mul3A_328 = arith.muli %add3A, %mul3A_327 : i32
    %add3A_329 = arith.constant 4 : i32
    %add3A_330 = arith.addi %mul3A_328, %add3A_329 : i32
    %jit3A_331 = arith.constant 16 : i32
    %div3A_332 = arith.divsi %add3A_330, %jit3A_331 : i32
    %sign3A_333 = arith.constant 0 : i32
    %sign3A_334 = arith.cmpi sgt, %add3A_330, %sign3A_333 : i32
    %sign3A_335 = arith.extui %sign3A_334 : i1 to i32
    %sign3A_336 = arith.constant 0 : i32
    %sign3A_337 = arith.cmpi slt, %add3A_330, %sign3A_336 : i32
    %sign3A_338 = arith.extui %sign3A_337 : i1 to i32
    %sign3A_339 = arith.subi %sign3A_335, %sign3A_338 : i32
    %sign3A_340 = arith.constant 0 : i32
    %sign3A_341 = arith.cmpi sgt, %jit3A_331, %sign3A_340 : i32
    %sign3A_342 = arith.extui %sign3A_341 : i1 to i32
    %sign3A_343 = arith.constant 0 : i32
    %sign3A_344 = arith.cmpi slt, %jit3A_331, %sign3A_343 : i32
    %sign3A_345 = arith.extui %sign3A_344 : i1 to i32
    %sign3A_346 = arith.subi %sign3A_342, %sign3A_345 : i32
    %ne3A_347 = arith.cmpi ne, %sign3A_339, %sign3A_346 : i32
    %rem3A_348 = arith.remsi %add3A_330, %jit3A_331 : i32
    %ne3A_349 = arith.constant 0 : i32
    %ne3A_350 = arith.cmpi ne, %rem3A_348, %ne3A_349 : i32
    %and3A_351 = arith.andi %ne3A_347, %ne3A_350 : i1
    %sub3A_352 = arith.constant 1 : i32
    %sub3A_353 = arith.subi %div3A_332, %sub3A_352 : i32
    %select_n3A_354 = arith.select %and3A_351, %sub3A_353, %div3A_332 : i32
    %mul3A_355 = arith.constant 16 : i32
    %mul3A_356 = arith.muli %select_n3A_354, %mul3A_355 : i32
    %sub3A_357 = arith.subi %add3A_330, %mul3A_356 : i32
    %dma_start3A_358 = arith.constant 0 : i32
    %dma_start3A_359 = tpu.memref_slice %arg3[%select_n3A_354, %sub3A_357, %dma_start3A_358] : memref<26x16x100000xf32, #tpu.memory_space<hbm>> -> memref<1x1x100000xf32, #tpu.memory_space<hbm>>
    %dma_start3A_360 = arith.constant 0 : i32
    %dma_start3A_361 = tpu.memref_slice %arg3[%select_n3A_354, %sub3A_357, %dma_start3A_360] : memref<26x16x100000xf32, #tpu.memory_space<hbm>> -> memref<1x1x100000xf32, #tpu.memory_space<hbm>>
    tpu.enqueue_dma source(%dma_start3A_361 : memref<1x1x100000xf32, #tpu.memory_space<hbm>>) target(%arg5 : memref<1x1x100000xf32, #tpu.memory_space<vmem>>) target_semaphore(%arg9 : memref<!tpu.dma_semaphore, #tpu.memory_space<semaphore_mem>>)
    %eq3A_362 = arith.constant 0 : i32
    %eq3A_363 = arith.cmpi eq, %sub3A_357, %eq3A_362 : i32
    %convert_element_type3A_364 = arith.extui %eq3A_363 : i1 to i32
    %cond3A_365 = arith.constant 0 : i32
    %cond3A_366 = arith.cmpi ne, %convert_element_type3A_364, %cond3A_365 : i32
    scf.if %cond3A_366 {
      "tpu.region"() ({
        %run_scoped3A = tpu.sem_alloc : memref<!tpu.dma_semaphore, #tpu.memory_space<semaphore_mem>>
        %dma_start3A_1127 = arith.constant 0 : i32
        %dma_start3A_1128 = tpu.memref_slice %arg2[%select_n3A_354, %dma_start3A_1127] : memref<26x16384xi32, #tpu.memory_space<hbm>> -> memref<1x16384xi32, #tpu.memory_space<hbm>>
        %dma_start3A_1129 = arith.constant 0 : i32
        %dma_start3A_1130 = tpu.memref_slice %arg2[%select_n3A_354, %dma_start3A_1129] : memref<26x16384xi32, #tpu.memory_space<hbm>> -> memref<1x16384xi32, #tpu.memory_space<hbm>>
        tpu.enqueue_dma source(%dma_start3A_1130 : memref<1x16384xi32, #tpu.memory_space<hbm>>) target(%arg6 : memref<1x16384xi32, #tpu.memory_space<vmem>>) target_semaphore(%run_scoped3A : memref<!tpu.dma_semaphore, #tpu.memory_space<semaphore_mem>>)
        %dma_wait3A_1131 = arith.constant 0 : i32
        %dma_wait3A_1132 = tpu.memref_slice %arg2[%select_n3A_354, %dma_wait3A_1131] : memref<26x16384xi32, #tpu.memory_space<hbm>> -> memref<1x16384xi32, #tpu.memory_space<hbm>>
        %dma_wait3A_1133 = arith.constant 0 : i32
        %dma_wait3A_1134 = tpu.memref_slice %arg2[%select_n3A_354, %dma_wait3A_1133] : memref<26x16384xi32, #tpu.memory_space<hbm>> -> memref<1x16384xi32, #tpu.memory_space<hbm>>
        tpu.wait_dma2 semaphore(%run_scoped3A : memref<!tpu.dma_semaphore, #tpu.memory_space<semaphore_mem>>) src(%dma_wait3A_1134 : memref<1x16384xi32, #tpu.memory_space<hbm>>) dst(%arg6 : memref<1x16384xi32, #tpu.memory_space<vmem>>)
        tpu.yield
      }) : () -> ()
    } else {
    }
    %dma_wait3A_367 = arith.constant 0 : i32
    %dma_wait3A_368 = tpu.memref_slice %arg3[%select_n3A_354, %sub3A_357, %dma_wait3A_367] : memref<26x16x100000xf32, #tpu.memory_space<hbm>> -> memref<1x1x100000xf32, #tpu.memory_space<hbm>>
    %dma_wait3A_369 = arith.constant 0 : i32
    %dma_wait3A_370 = tpu.memref_slice %arg3[%select_n3A_354, %sub3A_357, %dma_wait3A_369] : memref<26x16x100000xf32, #tpu.memory_space<hbm>> -> memref<1x1x100000xf32, #tpu.memory_space<hbm>>
    tpu.wait_dma2 semaphore(%arg9 : memref<!tpu.dma_semaphore, #tpu.memory_space<semaphore_mem>>) src(%dma_wait3A_370 : memref<1x1x100000xf32, #tpu.memory_space<hbm>>) dst(%arg5 : memref<1x1x100000xf32, #tpu.memory_space<vmem>>)
    %dma_wait3A_371 = arith.constant 8192 : i32
    %dma_wait3A_372 = tpu.memref_slice %arg4[%select_n3A_266, %sub3A_269, %dma_wait3A_371] : memref<26x16x16384xf32, #tpu.memory_space<hbm>> -> memref<1x1x4096xf32, #tpu.memory_space<hbm>>
    %dma_wait3A_373 = arith.constant 8192 : i32
    %dma_wait3A_374 = tpu.memref_slice %arg4[%select_n3A_266, %sub3A_269, %dma_wait3A_373] : memref<26x16x16384xf32, #tpu.memory_space<hbm>> -> memref<1x1x4096xf32, #tpu.memory_space<hbm>>
    tpu.wait_dma2 semaphore(%arg10 : memref<!tpu.dma_semaphore, #tpu.memory_space<semaphore_mem>>) src(%arg7 : memref<1x1x4096xf32, #tpu.memory_space<vmem>>) dst(%dma_wait3A_374 : memref<1x1x4096xf32, #tpu.memory_space<hbm>>)
    %parallel_loop3A_375 = arith.constant 0 : i32
    %parallel_loop3A_376 = arith.constant 4096 : i32
    %parallel_loop3A_377 = arith.constant 16 : i32
    scf.for %parallel_loop3A_1127 = %parallel_loop3A_375 to %parallel_loop3A_376 step %parallel_loop3A_377  : i32 {
      %parallel_loop3A_1128 = arith.constant 0 : i32
      %parallel_loop3A_1129 = arith.addi %parallel_loop3A_1128, %parallel_loop3A_1127 : i32
      %parallel_loop3A_1130 = arith.constant 0 : i32
      %parallel_loop3A_1131 = arith.index_cast %parallel_loop3A_1130 : i32 to index
      %parallel_loop3A_1132 = arith.index_cast %parallel_loop3A_1129 : i32 to index
      %parallel_loop3A_1133 = tpu.vector_load %arg6[%parallel_loop3A_1131, %parallel_loop3A_1132] {strides = array<i32>} : memref<1x16384xi32, #tpu.memory_space<vmem>>, vector<16xi32>,
      %parallel_loop3A_1134 = tpu.vector_load_idx %arg5[%broadcast_in_dim3A_1, %broadcast_in_dim3A_1, %parallel_loop3A_1133] : memref<1x1x100000xf32, #tpu.memory_space<vmem>>[vector<16xi32>, vector<16xi32>, vector<16xi32>], vector<16xf32>,
      %parallel_loop3A_1135 = arith.constant 0 : i32
      %parallel_loop3A_1136 = arith.constant 0 : i32
      %parallel_loop3A_1137 = arith.index_cast %parallel_loop3A_1135 : i32 to index
      %parallel_loop3A_1138 = arith.index_cast %parallel_loop3A_1136 : i32 to index
      %parallel_loop3A_1139 = arith.index_cast %parallel_loop3A_1127 : i32 to index
      %parallel_loop3A_1140 = tpu.vector_load %arg7[%parallel_loop3A_1137, %parallel_loop3A_1138, %parallel_loop3A_1139] {strides = array<i32>} : memref<1x1x4096xf32, #tpu.memory_space<vmem>>, vector<16xf32>,
      tpu.vector_store %arg7[%parallel_loop3A_1137, %parallel_loop3A_1138, %parallel_loop3A_1139], %parallel_loop3A_1134 {strides = array<i32>} : memref<1x1x4096xf32, #tpu.memory_space<vmem>>, vector<16xf32>,
    } {sc.loop_unroll_factor = 8 : i64, sc.parallel_access}
    %dma_start3A_378 = arith.constant 0 : i32
    %dma_start3A_379 = tpu.memref_slice %arg4[%select_n3A_354, %sub3A_357, %dma_start3A_378] : memref<26x16x16384xf32, #tpu.memory_space<hbm>> -> memref<1x1x4096xf32, #tpu.memory_space<hbm>>
    %dma_start3A_380 = arith.constant 0 : i32
    %dma_start3A_381 = tpu.memref_slice %arg4[%select_n3A_354, %sub3A_357, %dma_start3A_380] : memref<26x16x16384xf32, #tpu.memory_space<hbm>> -> memref<1x1x4096xf32, #tpu.memory_space<hbm>>
    tpu.enqueue_dma source(%arg7 : memref<1x1x4096xf32, #tpu.memory_space<vmem>>) target(%dma_start3A_381 : memref<1x1x4096xf32, #tpu.memory_space<hbm>>) target_semaphore(%arg10 : memref<!tpu.dma_semaphore, #tpu.memory_space<semaphore_mem>>)
    %dma_wait3A_382 = arith.constant 12288 : i32
    %dma_wait3A_383 = tpu.memref_slice %arg4[%select_n3A_266, %sub3A_269, %dma_wait3A_382] : memref<26x16x16384xf32, #tpu.memory_space<hbm>> -> memref<1x1x4096xf32, #tpu.memory_space<hbm>>
    %dma_wait3A_384 = arith.constant 12288 : i32
    %dma_wait3A_385 = tpu.memref_slice %arg4[%select_n3A_266, %sub3A_269, %dma_wait3A_384] : memref<26x16x16384xf32, #tpu.memory_space<hbm>> -> memref<1x1x4096xf32, #tpu.memory_space<hbm>>
    tpu.wait_dma2 semaphore(%arg11 : memref<!tpu.dma_semaphore, #tpu.memory_space<semaphore_mem>>) src(%arg8 : memref<1x1x4096xf32, #tpu.memory_space<vmem>>) dst(%dma_wait3A_385 : memref<1x1x4096xf32, #tpu.memory_space<hbm>>)
    %parallel_loop3A_386 = arith.constant 0 : i32
    %parallel_loop3A_387 = arith.constant 4096 : i32
    %parallel_loop3A_388 = arith.constant 16 : i32
    scf.for %parallel_loop3A_1127 = %parallel_loop3A_386 to %parallel_loop3A_387 step %parallel_loop3A_388  : i32 {
      %parallel_loop3A_1128 = arith.constant 4096 : i32
      %parallel_loop3A_1129 = arith.addi %parallel_loop3A_1128, %parallel_loop3A_1127 : i32
      %parallel_loop3A_1130 = arith.constant 0 : i32
      %parallel_loop3A_1131 = arith.index_cast %parallel_loop3A_1130 : i32 to index
      %parallel_loop3A_1132 = arith.index_cast %parallel_loop3A_1129 : i32 to index
      %parallel_loop3A_1133 = tpu.vector_load %arg6[%parallel_loop3A_1131, %parallel_loop3A_1132] {strides = array<i32>} : memref<1x16384xi32, #tpu.memory_space<vmem>>, vector<16xi32>,
      %parallel_loop3A_1134 = tpu.vector_load_idx %arg5[%broadcast_in_dim3A_1, %broadcast_in_dim3A_1, %parallel_loop3A_1133] : memref<1x1x100000xf32, #tpu.memory_space<vmem>>[vector<16xi32>, vector<16xi32>, vector<16xi32>], vector<16xf32>,
      %parallel_loop3A_1135 = arith.constant 0 : i32
      %parallel_loop3A_1136 = arith.constant 0 : i32
      %parallel_loop3A_1137 = arith.index_cast %parallel_loop3A_1135 : i32 to index
      %parallel_loop3A_1138 = arith.index_cast %parallel_loop3A_1136 : i32 to index
      %parallel_loop3A_1139 = arith.index_cast %parallel_loop3A_1127 : i32 to index
      %parallel_loop3A_1140 = tpu.vector_load %arg8[%parallel_loop3A_1137, %parallel_loop3A_1138, %parallel_loop3A_1139] {strides = array<i32>} : memref<1x1x4096xf32, #tpu.memory_space<vmem>>, vector<16xf32>,
      tpu.vector_store %arg8[%parallel_loop3A_1137, %parallel_loop3A_1138, %parallel_loop3A_1139], %parallel_loop3A_1134 {strides = array<i32>} : memref<1x1x4096xf32, #tpu.memory_space<vmem>>, vector<16xf32>,
    } {sc.loop_unroll_factor = 8 : i64, sc.parallel_access}
    %dma_start3A_389 = arith.constant 4096 : i32
    %dma_start3A_390 = tpu.memref_slice %arg4[%select_n3A_354, %sub3A_357, %dma_start3A_389] : memref<26x16x16384xf32, #tpu.memory_space<hbm>> -> memref<1x1x4096xf32, #tpu.memory_space<hbm>>
    %dma_start3A_391 = arith.constant 4096 : i32
    %dma_start3A_392 = tpu.memref_slice %arg4[%select_n3A_354, %sub3A_357, %dma_start3A_391] : memref<26x16x16384xf32, #tpu.memory_space<hbm>> -> memref<1x1x4096xf32, #tpu.memory_space<hbm>>
    tpu.enqueue_dma source(%arg8 : memref<1x1x4096xf32, #tpu.memory_space<vmem>>) target(%dma_start3A_392 : memref<1x1x4096xf32, #tpu.memory_space<hbm>>) target_semaphore(%arg11 : memref<!tpu.dma_semaphore, #tpu.memory_space<semaphore_mem>>)
    %dma_wait3A_393 = arith.constant 0 : i32
    %dma_wait3A_394 = tpu.memref_slice %arg4[%select_n3A_354, %sub3A_357, %dma_wait3A_393] : memref<26x16x16384xf32, #tpu.memory_space<hbm>> -> memref<1x1x4096xf32, #tpu.memory_space<hbm>>
    %dma_wait3A_395 = arith.constant 0 : i32
    %dma_wait3A_396 = tpu.memref_slice %arg4[%select_n3A_354, %sub3A_357, %dma_wait3A_395] : memref<26x16x16384xf32, #tpu.memory_space<hbm>> -> memref<1x1x4096xf32, #tpu.memory_space<hbm>>
    tpu.wait_dma2 semaphore(%arg10 : memref<!tpu.dma_semaphore, #tpu.memory_space<semaphore_mem>>) src(%arg7 : memref<1x1x4096xf32, #tpu.memory_space<vmem>>) dst(%dma_wait3A_396 : memref<1x1x4096xf32, #tpu.memory_space<hbm>>)
    %parallel_loop3A_397 = arith.constant 0 : i32
    %parallel_loop3A_398 = arith.constant 4096 : i32
    %parallel_loop3A_399 = arith.constant 16 : i32
    scf.for %parallel_loop3A_1127 = %parallel_loop3A_397 to %parallel_loop3A_398 step %parallel_loop3A_399  : i32 {
      %parallel_loop3A_1128 = arith.constant 8192 : i32
      %parallel_loop3A_1129 = arith.addi %parallel_loop3A_1128, %parallel_loop3A_1127 : i32
      %parallel_loop3A_1130 = arith.constant 0 : i32
      %parallel_loop3A_1131 = arith.index_cast %parallel_loop3A_1130 : i32 to index
      %parallel_loop3A_1132 = arith.index_cast %parallel_loop3A_1129 : i32 to index
      %parallel_loop3A_1133 = tpu.vector_load %arg6[%parallel_loop3A_1131, %parallel_loop3A_1132] {strides = array<i32>} : memref<1x16384xi32, #tpu.memory_space<vmem>>, vector<16xi32>,
      %parallel_loop3A_1134 = tpu.vector_load_idx %arg5[%broadcast_in_dim3A_1, %broadcast_in_dim3A_1, %parallel_loop3A_1133] : memref<1x1x100000xf32, #tpu.memory_space<vmem>>[vector<16xi32>, vector<16xi32>, vector<16xi32>], vector<16xf32>,
      %parallel_loop3A_1135 = arith.constant 0 : i32
      %parallel_loop3A_1136 = arith.constant 0 : i32
      %parallel_loop3A_1137 = arith.index_cast %parallel_loop3A_1135 : i32 to index
      %parallel_loop3A_1138 = arith.index_cast %parallel_loop3A_1136 : i32 to index
      %parallel_loop3A_1139 = arith.index_cast %parallel_loop3A_1127 : i32 to index
      %parallel_loop3A_1140 = tpu.vector_load %arg7[%parallel_loop3A_1137, %parallel_loop3A_1138, %parallel_loop3A_1139] {strides = array<i32>} : memref<1x1x4096xf32, #tpu.memory_space<vmem>>, vector<16xf32>,
      tpu.vector_store %arg7[%parallel_loop3A_1137, %parallel_loop3A_1138, %parallel_loop3A_1139], %parallel_loop3A_1134 {strides = array<i32>} : memref<1x1x4096xf32, #tpu.memory_space<vmem>>, vector<16xf32>,
    } {sc.loop_unroll_factor = 8 : i64, sc.parallel_access}
    %dma_start3A_400 = arith.constant 8192 : i32
    %dma_start3A_401 = tpu.memref_slice %arg4[%select_n3A_354, %sub3A_357, %dma_start3A_400] : memref<26x16x16384xf32, #tpu.memory_space<hbm>> -> memref<1x1x4096xf32, #tpu.memory_space<hbm>>
    %dma_start3A_402 = arith.constant 8192 : i32
    %dma_start3A_403 = tpu.memref_slice %arg4[%select_n3A_354, %sub3A_357, %dma_start3A_402] : memref<26x16x16384xf32, #tpu.memory_space<hbm>> -> memref<1x1x4096xf32, #tpu.memory_space<hbm>>
    tpu.enqueue_dma source(%arg7 : memref<1x1x4096xf32, #tpu.memory_space<vmem>>) target(%dma_start3A_403 : memref<1x1x4096xf32, #tpu.memory_space<hbm>>) target_semaphore(%arg10 : memref<!tpu.dma_semaphore, #tpu.memory_space<semaphore_mem>>)
    %dma_wait3A_404 = arith.constant 4096 : i32
    %dma_wait3A_405 = tpu.memref_slice %arg4[%select_n3A_354, %sub3A_357, %dma_wait3A_404] : memref<26x16x16384xf32, #tpu.memory_space<hbm>> -> memref<1x1x4096xf32, #tpu.memory_space<hbm>>
    %dma_wait3A_406 = arith.constant 4096 : i32
    %dma_wait3A_407 = tpu.memref_slice %arg4[%select_n3A_354, %sub3A_357, %dma_wait3A_406] : memref<26x16x16384xf32, #tpu.memory_space<hbm>> -> memref<1x1x4096xf32, #tpu.memory_space<hbm>>
    tpu.wait_dma2 semaphore(%arg11 : memref<!tpu.dma_semaphore, #tpu.memory_space<semaphore_mem>>) src(%arg8 : memref<1x1x4096xf32, #tpu.memory_space<vmem>>) dst(%dma_wait3A_407 : memref<1x1x4096xf32, #tpu.memory_space<hbm>>)
    %parallel_loop3A_408 = arith.constant 0 : i32
    %parallel_loop3A_409 = arith.constant 4096 : i32
    %parallel_loop3A_410 = arith.constant 16 : i32
    scf.for %parallel_loop3A_1127 = %parallel_loop3A_408 to %parallel_loop3A_409 step %parallel_loop3A_410  : i32 {
      %parallel_loop3A_1128 = arith.constant 12288 : i32
      %parallel_loop3A_1129 = arith.addi %parallel_loop3A_1128, %parallel_loop3A_1127 : i32
      %parallel_loop3A_1130 = arith.constant 0 : i32
      %parallel_loop3A_1131 = arith.index_cast %parallel_loop3A_1130 : i32 to index
      %parallel_loop3A_1132 = arith.index_cast %parallel_loop3A_1129 : i32 to index
      %parallel_loop3A_1133 = tpu.vector_load %arg6[%parallel_loop3A_1131, %parallel_loop3A_1132] {strides = array<i32>} : memref<1x16384xi32, #tpu.memory_space<vmem>>, vector<16xi32>,
      %parallel_loop3A_1134 = tpu.vector_load_idx %arg5[%broadcast_in_dim3A_1, %broadcast_in_dim3A_1, %parallel_loop3A_1133] : memref<1x1x100000xf32, #tpu.memory_space<vmem>>[vector<16xi32>, vector<16xi32>, vector<16xi32>], vector<16xf32>,
      %parallel_loop3A_1135 = arith.constant 0 : i32
      %parallel_loop3A_1136 = arith.constant 0 : i32
      %parallel_loop3A_1137 = arith.index_cast %parallel_loop3A_1135 : i32 to index
      %parallel_loop3A_1138 = arith.index_cast %parallel_loop3A_1136 : i32 to index
      %parallel_loop3A_1139 = arith.index_cast %parallel_loop3A_1127 : i32 to index
      %parallel_loop3A_1140 = tpu.vector_load %arg8[%parallel_loop3A_1137, %parallel_loop3A_1138, %parallel_loop3A_1139] {strides = array<i32>} : memref<1x1x4096xf32, #tpu.memory_space<vmem>>, vector<16xf32>,
      tpu.vector_store %arg8[%parallel_loop3A_1137, %parallel_loop3A_1138, %parallel_loop3A_1139], %parallel_loop3A_1134 {strides = array<i32>} : memref<1x1x4096xf32, #tpu.memory_space<vmem>>, vector<16xf32>,
    } {sc.loop_unroll_factor = 8 : i64, sc.parallel_access}
    %dma_start3A_411 = arith.constant 12288 : i32
    %dma_start3A_412 = tpu.memref_slice %arg4[%select_n3A_354, %sub3A_357, %dma_start3A_411] : memref<26x16x16384xf32, #tpu.memory_space<hbm>> -> memref<1x1x4096xf32, #tpu.memory_space<hbm>>
    %dma_start3A_413 = arith.constant 12288 : i32
    %dma_start3A_414 = tpu.memref_slice %arg4[%select_n3A_354, %sub3A_357, %dma_start3A_413] : memref<26x16x16384xf32, #tpu.memory_space<hbm>> -> memref<1x1x4096xf32, #tpu.memory_space<hbm>>
    tpu.enqueue_dma source(%arg8 : memref<1x1x4096xf32, #tpu.memory_space<vmem>>) target(%dma_start3A_414 : memref<1x1x4096xf32, #tpu.memory_space<hbm>>) target_semaphore(%arg11 : memref<!tpu.dma_semaphore, #tpu.memory_space<semaphore_mem>>)
    %mul3A_415 = arith.constant 13 : i32
    %mul3A_416 = arith.muli %add3A, %mul3A_415 : i32
    %add3A_417 = arith.constant 5 : i32
    %add3A_418 = arith.addi %mul3A_416, %add3A_417 : i32
    %jit3A_419 = arith.constant 16 : i32
    %div3A_420 = arith.divsi %add3A_418, %jit3A_419 : i32
    %sign3A_421 = arith.constant 0 : i32
    %sign3A_422 = arith.cmpi sgt, %add3A_418, %sign3A_421 : i32
    %sign3A_423 = arith.extui %sign3A_422 : i1 to i32
    %sign3A_424 = arith.constant 0 : i32
    %sign3A_425 = arith.cmpi slt, %add3A_418, %sign3A_424 : i32
    %sign3A_426 = arith.extui %sign3A_425 : i1 to i32
    %sign3A_427 = arith.subi %sign3A_423, %sign3A_426 : i32
    %sign3A_428 = arith.constant 0 : i32
    %sign3A_429 = arith.cmpi sgt, %jit3A_419, %sign3A_428 : i32
    %sign3A_430 = arith.extui %sign3A_429 : i1 to i32
    %sign3A_431 = arith.constant 0 : i32
    %sign3A_432 = arith.cmpi slt, %jit3A_419, %sign3A_431 : i32
    %sign3A_433 = arith.extui %sign3A_432 : i1 to i32
    %sign3A_434 = arith.subi %sign3A_430, %sign3A_433 : i32
    %ne3A_435 = arith.cmpi ne, %sign3A_427, %sign3A_434 : i32
    %rem3A_436 = arith.remsi %add3A_418, %jit3A_419 : i32
    %ne3A_437 = arith.constant 0 : i32
    %ne3A_438 = arith.cmpi ne, %rem3A_436, %ne3A_437 : i32
    %and3A_439 = arith.andi %ne3A_435, %ne3A_438 : i1
    %sub3A_440 = arith.constant 1 : i32
    %sub3A_441 = arith.subi %div3A_420, %sub3A_440 : i32
    %select_n3A_442 = arith.select %and3A_439, %sub3A_441, %div3A_420 : i32
    %mul3A_443 = arith.constant 16 : i32
    %mul3A_444 = arith.muli %select_n3A_442, %mul3A_443 : i32
    %sub3A_445 = arith.subi %add3A_418, %mul3A_444 : i32
    %dma_start3A_446 = arith.constant 0 : i32
    %dma_start3A_447 = tpu.memref_slice %arg3[%select_n3A_442, %sub3A_445, %dma_start3A_446] : memref<26x16x100000xf32, #tpu.memory_space<hbm>> -> memref<1x1x100000xf32, #tpu.memory_space<hbm>>
    %dma_start3A_448 = arith.constant 0 : i32
    %dma_start3A_449 = tpu.memref_slice %arg3[%select_n3A_442, %sub3A_445, %dma_start3A_448] : memref<26x16x100000xf32, #tpu.memory_space<hbm>> -> memref<1x1x100000xf32, #tpu.memory_space<hbm>>
    tpu.enqueue_dma source(%dma_start3A_449 : memref<1x1x100000xf32, #tpu.memory_space<hbm>>) target(%arg5 : memref<1x1x100000xf32, #tpu.memory_space<vmem>>) target_semaphore(%arg9 : memref<!tpu.dma_semaphore, #tpu.memory_space<semaphore_mem>>)
    %eq3A_450 = arith.constant 0 : i32
    %eq3A_451 = arith.cmpi eq, %sub3A_445, %eq3A_450 : i32
    %convert_element_type3A_452 = arith.extui %eq3A_451 : i1 to i32
    %cond3A_453 = arith.constant 0 : i32
    %cond3A_454 = arith.cmpi ne, %convert_element_type3A_452, %cond3A_453 : i32
    scf.if %cond3A_454 {
      "tpu.region"() ({
        %run_scoped3A = tpu.sem_alloc : memref<!tpu.dma_semaphore, #tpu.memory_space<semaphore_mem>>
        %dma_start3A_1127 = arith.constant 0 : i32
        %dma_start3A_1128 = tpu.memref_slice %arg2[%select_n3A_442, %dma_start3A_1127] : memref<26x16384xi32, #tpu.memory_space<hbm>> -> memref<1x16384xi32, #tpu.memory_space<hbm>>
        %dma_start3A_1129 = arith.constant 0 : i32
        %dma_start3A_1130 = tpu.memref_slice %arg2[%select_n3A_442, %dma_start3A_1129] : memref<26x16384xi32, #tpu.memory_space<hbm>> -> memref<1x16384xi32, #tpu.memory_space<hbm>>
        tpu.enqueue_dma source(%dma_start3A_1130 : memref<1x16384xi32, #tpu.memory_space<hbm>>) target(%arg6 : memref<1x16384xi32, #tpu.memory_space<vmem>>) target_semaphore(%run_scoped3A : memref<!tpu.dma_semaphore, #tpu.memory_space<semaphore_mem>>)
        %dma_wait3A_1131 = arith.constant 0 : i32
        %dma_wait3A_1132 = tpu.memref_slice %arg2[%select_n3A_442, %dma_wait3A_1131] : memref<26x16384xi32, #tpu.memory_space<hbm>> -> memref<1x16384xi32, #tpu.memory_space<hbm>>
        %dma_wait3A_1133 = arith.constant 0 : i32
        %dma_wait3A_1134 = tpu.memref_slice %arg2[%select_n3A_442, %dma_wait3A_1133] : memref<26x16384xi32, #tpu.memory_space<hbm>> -> memref<1x16384xi32, #tpu.memory_space<hbm>>
        tpu.wait_dma2 semaphore(%run_scoped3A : memref<!tpu.dma_semaphore, #tpu.memory_space<semaphore_mem>>) src(%dma_wait3A_1134 : memref<1x16384xi32, #tpu.memory_space<hbm>>) dst(%arg6 : memref<1x16384xi32, #tpu.memory_space<vmem>>)
        tpu.yield
      }) : () -> ()
    } else {
    }
    %dma_wait3A_455 = arith.constant 0 : i32
    %dma_wait3A_456 = tpu.memref_slice %arg3[%select_n3A_442, %sub3A_445, %dma_wait3A_455] : memref<26x16x100000xf32, #tpu.memory_space<hbm>> -> memref<1x1x100000xf32, #tpu.memory_space<hbm>>
    %dma_wait3A_457 = arith.constant 0 : i32
    %dma_wait3A_458 = tpu.memref_slice %arg3[%select_n3A_442, %sub3A_445, %dma_wait3A_457] : memref<26x16x100000xf32, #tpu.memory_space<hbm>> -> memref<1x1x100000xf32, #tpu.memory_space<hbm>>
    tpu.wait_dma2 semaphore(%arg9 : memref<!tpu.dma_semaphore, #tpu.memory_space<semaphore_mem>>) src(%dma_wait3A_458 : memref<1x1x100000xf32, #tpu.memory_space<hbm>>) dst(%arg5 : memref<1x1x100000xf32, #tpu.memory_space<vmem>>)
    %dma_wait3A_459 = arith.constant 8192 : i32
    %dma_wait3A_460 = tpu.memref_slice %arg4[%select_n3A_354, %sub3A_357, %dma_wait3A_459] : memref<26x16x16384xf32, #tpu.memory_space<hbm>> -> memref<1x1x4096xf32, #tpu.memory_space<hbm>>
    %dma_wait3A_461 = arith.constant 8192 : i32
    %dma_wait3A_462 = tpu.memref_slice %arg4[%select_n3A_354, %sub3A_357, %dma_wait3A_461] : memref<26x16x16384xf32, #tpu.memory_space<hbm>> -> memref<1x1x4096xf32, #tpu.memory_space<hbm>>
    tpu.wait_dma2 semaphore(%arg10 : memref<!tpu.dma_semaphore, #tpu.memory_space<semaphore_mem>>) src(%arg7 : memref<1x1x4096xf32, #tpu.memory_space<vmem>>) dst(%dma_wait3A_462 : memref<1x1x4096xf32, #tpu.memory_space<hbm>>)
    %parallel_loop3A_463 = arith.constant 0 : i32
    %parallel_loop3A_464 = arith.constant 4096 : i32
    %parallel_loop3A_465 = arith.constant 16 : i32
    scf.for %parallel_loop3A_1127 = %parallel_loop3A_463 to %parallel_loop3A_464 step %parallel_loop3A_465  : i32 {
      %parallel_loop3A_1128 = arith.constant 0 : i32
      %parallel_loop3A_1129 = arith.addi %parallel_loop3A_1128, %parallel_loop3A_1127 : i32
      %parallel_loop3A_1130 = arith.constant 0 : i32
      %parallel_loop3A_1131 = arith.index_cast %parallel_loop3A_1130 : i32 to index
      %parallel_loop3A_1132 = arith.index_cast %parallel_loop3A_1129 : i32 to index
      %parallel_loop3A_1133 = tpu.vector_load %arg6[%parallel_loop3A_1131, %parallel_loop3A_1132] {strides = array<i32>} : memref<1x16384xi32, #tpu.memory_space<vmem>>, vector<16xi32>,
      %parallel_loop3A_1134 = tpu.vector_load_idx %arg5[%broadcast_in_dim3A_1, %broadcast_in_dim3A_1, %parallel_loop3A_1133] : memref<1x1x100000xf32, #tpu.memory_space<vmem>>[vector<16xi32>, vector<16xi32>, vector<16xi32>], vector<16xf32>,
      %parallel_loop3A_1135 = arith.constant 0 : i32
      %parallel_loop3A_1136 = arith.constant 0 : i32
      %parallel_loop3A_1137 = arith.index_cast %parallel_loop3A_1135 : i32 to index
      %parallel_loop3A_1138 = arith.index_cast %parallel_loop3A_1136 : i32 to index
      %parallel_loop3A_1139 = arith.index_cast %parallel_loop3A_1127 : i32 to index
      %parallel_loop3A_1140 = tpu.vector_load %arg7[%parallel_loop3A_1137, %parallel_loop3A_1138, %parallel_loop3A_1139] {strides = array<i32>} : memref<1x1x4096xf32, #tpu.memory_space<vmem>>, vector<16xf32>,
      tpu.vector_store %arg7[%parallel_loop3A_1137, %parallel_loop3A_1138, %parallel_loop3A_1139], %parallel_loop3A_1134 {strides = array<i32>} : memref<1x1x4096xf32, #tpu.memory_space<vmem>>, vector<16xf32>,
    } {sc.loop_unroll_factor = 8 : i64, sc.parallel_access}
    %dma_start3A_466 = arith.constant 0 : i32
    %dma_start3A_467 = tpu.memref_slice %arg4[%select_n3A_442, %sub3A_445, %dma_start3A_466] : memref<26x16x16384xf32, #tpu.memory_space<hbm>> -> memref<1x1x4096xf32, #tpu.memory_space<hbm>>
    %dma_start3A_468 = arith.constant 0 : i32
    %dma_start3A_469 = tpu.memref_slice %arg4[%select_n3A_442, %sub3A_445, %dma_start3A_468] : memref<26x16x16384xf32, #tpu.memory_space<hbm>> -> memref<1x1x4096xf32, #tpu.memory_space<hbm>>
    tpu.enqueue_dma source(%arg7 : memref<1x1x4096xf32, #tpu.memory_space<vmem>>) target(%dma_start3A_469 : memref<1x1x4096xf32, #tpu.memory_space<hbm>>) target_semaphore(%arg10 : memref<!tpu.dma_semaphore, #tpu.memory_space<semaphore_mem>>)
    %dma_wait3A_470 = arith.constant 12288 : i32
    %dma_wait3A_471 = tpu.memref_slice %arg4[%select_n3A_354, %sub3A_357, %dma_wait3A_470] : memref<26x16x16384xf32, #tpu.memory_space<hbm>> -> memref<1x1x4096xf32, #tpu.memory_space<hbm>>
    %dma_wait3A_472 = arith.constant 12288 : i32
    %dma_wait3A_473 = tpu.memref_slice %arg4[%select_n3A_354, %sub3A_357, %dma_wait3A_472] : memref<26x16x16384xf32, #tpu.memory_space<hbm>> -> memref<1x1x4096xf32, #tpu.memory_space<hbm>>
    tpu.wait_dma2 semaphore(%arg11 : memref<!tpu.dma_semaphore, #tpu.memory_space<semaphore_mem>>) src(%arg8 : memref<1x1x4096xf32, #tpu.memory_space<vmem>>) dst(%dma_wait3A_473 : memref<1x1x4096xf32, #tpu.memory_space<hbm>>)
    %parallel_loop3A_474 = arith.constant 0 : i32
    %parallel_loop3A_475 = arith.constant 4096 : i32
    %parallel_loop3A_476 = arith.constant 16 : i32
    scf.for %parallel_loop3A_1127 = %parallel_loop3A_474 to %parallel_loop3A_475 step %parallel_loop3A_476  : i32 {
      %parallel_loop3A_1128 = arith.constant 4096 : i32
      %parallel_loop3A_1129 = arith.addi %parallel_loop3A_1128, %parallel_loop3A_1127 : i32
      %parallel_loop3A_1130 = arith.constant 0 : i32
      %parallel_loop3A_1131 = arith.index_cast %parallel_loop3A_1130 : i32 to index
      %parallel_loop3A_1132 = arith.index_cast %parallel_loop3A_1129 : i32 to index
      %parallel_loop3A_1133 = tpu.vector_load %arg6[%parallel_loop3A_1131, %parallel_loop3A_1132] {strides = array<i32>} : memref<1x16384xi32, #tpu.memory_space<vmem>>, vector<16xi32>,
      %parallel_loop3A_1134 = tpu.vector_load_idx %arg5[%broadcast_in_dim3A_1, %broadcast_in_dim3A_1, %parallel_loop3A_1133] : memref<1x1x100000xf32, #tpu.memory_space<vmem>>[vector<16xi32>, vector<16xi32>, vector<16xi32>], vector<16xf32>,
      %parallel_loop3A_1135 = arith.constant 0 : i32
      %parallel_loop3A_1136 = arith.constant 0 : i32
      %parallel_loop3A_1137 = arith.index_cast %parallel_loop3A_1135 : i32 to index
      %parallel_loop3A_1138 = arith.index_cast %parallel_loop3A_1136 : i32 to index
      %parallel_loop3A_1139 = arith.index_cast %parallel_loop3A_1127 : i32 to index
      %parallel_loop3A_1140 = tpu.vector_load %arg8[%parallel_loop3A_1137, %parallel_loop3A_1138, %parallel_loop3A_1139] {strides = array<i32>} : memref<1x1x4096xf32, #tpu.memory_space<vmem>>, vector<16xf32>,
      tpu.vector_store %arg8[%parallel_loop3A_1137, %parallel_loop3A_1138, %parallel_loop3A_1139], %parallel_loop3A_1134 {strides = array<i32>} : memref<1x1x4096xf32, #tpu.memory_space<vmem>>, vector<16xf32>,
    } {sc.loop_unroll_factor = 8 : i64, sc.parallel_access}
    %dma_start3A_477 = arith.constant 4096 : i32
    %dma_start3A_478 = tpu.memref_slice %arg4[%select_n3A_442, %sub3A_445, %dma_start3A_477] : memref<26x16x16384xf32, #tpu.memory_space<hbm>> -> memref<1x1x4096xf32, #tpu.memory_space<hbm>>
    %dma_start3A_479 = arith.constant 4096 : i32
    %dma_start3A_480 = tpu.memref_slice %arg4[%select_n3A_442, %sub3A_445, %dma_start3A_479] : memref<26x16x16384xf32, #tpu.memory_space<hbm>> -> memref<1x1x4096xf32, #tpu.memory_space<hbm>>
    tpu.enqueue_dma source(%arg8 : memref<1x1x4096xf32, #tpu.memory_space<vmem>>) target(%dma_start3A_480 : memref<1x1x4096xf32, #tpu.memory_space<hbm>>) target_semaphore(%arg11 : memref<!tpu.dma_semaphore, #tpu.memory_space<semaphore_mem>>)
    %dma_wait3A_481 = arith.constant 0 : i32
    %dma_wait3A_482 = tpu.memref_slice %arg4[%select_n3A_442, %sub3A_445, %dma_wait3A_481] : memref<26x16x16384xf32, #tpu.memory_space<hbm>> -> memref<1x1x4096xf32, #tpu.memory_space<hbm>>
    %dma_wait3A_483 = arith.constant 0 : i32
    %dma_wait3A_484 = tpu.memref_slice %arg4[%select_n3A_442, %sub3A_445, %dma_wait3A_483] : memref<26x16x16384xf32, #tpu.memory_space<hbm>> -> memref<1x1x4096xf32, #tpu.memory_space<hbm>>
    tpu.wait_dma2 semaphore(%arg10 : memref<!tpu.dma_semaphore, #tpu.memory_space<semaphore_mem>>) src(%arg7 : memref<1x1x4096xf32, #tpu.memory_space<vmem>>) dst(%dma_wait3A_484 : memref<1x1x4096xf32, #tpu.memory_space<hbm>>)
    %parallel_loop3A_485 = arith.constant 0 : i32
    %parallel_loop3A_486 = arith.constant 4096 : i32
    %parallel_loop3A_487 = arith.constant 16 : i32
    scf.for %parallel_loop3A_1127 = %parallel_loop3A_485 to %parallel_loop3A_486 step %parallel_loop3A_487  : i32 {
      %parallel_loop3A_1128 = arith.constant 8192 : i32
      %parallel_loop3A_1129 = arith.addi %parallel_loop3A_1128, %parallel_loop3A_1127 : i32
      %parallel_loop3A_1130 = arith.constant 0 : i32
      %parallel_loop3A_1131 = arith.index_cast %parallel_loop3A_1130 : i32 to index
      %parallel_loop3A_1132 = arith.index_cast %parallel_loop3A_1129 : i32 to index
      %parallel_loop3A_1133 = tpu.vector_load %arg6[%parallel_loop3A_1131, %parallel_loop3A_1132] {strides = array<i32>} : memref<1x16384xi32, #tpu.memory_space<vmem>>, vector<16xi32>,
      %parallel_loop3A_1134 = tpu.vector_load_idx %arg5[%broadcast_in_dim3A_1, %broadcast_in_dim3A_1, %parallel_loop3A_1133] : memref<1x1x100000xf32, #tpu.memory_space<vmem>>[vector<16xi32>, vector<16xi32>, vector<16xi32>], vector<16xf32>,
      %parallel_loop3A_1135 = arith.constant 0 : i32
      %parallel_loop3A_1136 = arith.constant 0 : i32
      %parallel_loop3A_1137 = arith.index_cast %parallel_loop3A_1135 : i32 to index
      %parallel_loop3A_1138 = arith.index_cast %parallel_loop3A_1136 : i32 to index
      %parallel_loop3A_1139 = arith.index_cast %parallel_loop3A_1127 : i32 to index
      %parallel_loop3A_1140 = tpu.vector_load %arg7[%parallel_loop3A_1137, %parallel_loop3A_1138, %parallel_loop3A_1139] {strides = array<i32>} : memref<1x1x4096xf32, #tpu.memory_space<vmem>>, vector<16xf32>,
      tpu.vector_store %arg7[%parallel_loop3A_1137, %parallel_loop3A_1138, %parallel_loop3A_1139], %parallel_loop3A_1134 {strides = array<i32>} : memref<1x1x4096xf32, #tpu.memory_space<vmem>>, vector<16xf32>,
    } {sc.loop_unroll_factor = 8 : i64, sc.parallel_access}
    %dma_start3A_488 = arith.constant 8192 : i32
    %dma_start3A_489 = tpu.memref_slice %arg4[%select_n3A_442, %sub3A_445, %dma_start3A_488] : memref<26x16x16384xf32, #tpu.memory_space<hbm>> -> memref<1x1x4096xf32, #tpu.memory_space<hbm>>
    %dma_start3A_490 = arith.constant 8192 : i32
    %dma_start3A_491 = tpu.memref_slice %arg4[%select_n3A_442, %sub3A_445, %dma_start3A_490] : memref<26x16x16384xf32, #tpu.memory_space<hbm>> -> memref<1x1x4096xf32, #tpu.memory_space<hbm>>
    tpu.enqueue_dma source(%arg7 : memref<1x1x4096xf32, #tpu.memory_space<vmem>>) target(%dma_start3A_491 : memref<1x1x4096xf32, #tpu.memory_space<hbm>>) target_semaphore(%arg10 : memref<!tpu.dma_semaphore, #tpu.memory_space<semaphore_mem>>)
    %dma_wait3A_492 = arith.constant 4096 : i32
    %dma_wait3A_493 = tpu.memref_slice %arg4[%select_n3A_442, %sub3A_445, %dma_wait3A_492] : memref<26x16x16384xf32, #tpu.memory_space<hbm>> -> memref<1x1x4096xf32, #tpu.memory_space<hbm>>
    %dma_wait3A_494 = arith.constant 4096 : i32
    %dma_wait3A_495 = tpu.memref_slice %arg4[%select_n3A_442, %sub3A_445, %dma_wait3A_494] : memref<26x16x16384xf32, #tpu.memory_space<hbm>> -> memref<1x1x4096xf32, #tpu.memory_space<hbm>>
    tpu.wait_dma2 semaphore(%arg11 : memref<!tpu.dma_semaphore, #tpu.memory_space<semaphore_mem>>) src(%arg8 : memref<1x1x4096xf32, #tpu.memory_space<vmem>>) dst(%dma_wait3A_495 : memref<1x1x4096xf32, #tpu.memory_space<hbm>>)
    %parallel_loop3A_496 = arith.constant 0 : i32
    %parallel_loop3A_497 = arith.constant 4096 : i32
    %parallel_loop3A_498 = arith.constant 16 : i32
    scf.for %parallel_loop3A_1127 = %parallel_loop3A_496 to %parallel_loop3A_497 step %parallel_loop3A_498  : i32 {
      %parallel_loop3A_1128 = arith.constant 12288 : i32
      %parallel_loop3A_1129 = arith.addi %parallel_loop3A_1128, %parallel_loop3A_1127 : i32
      %parallel_loop3A_1130 = arith.constant 0 : i32
      %parallel_loop3A_1131 = arith.index_cast %parallel_loop3A_1130 : i32 to index
      %parallel_loop3A_1132 = arith.index_cast %parallel_loop3A_1129 : i32 to index
      %parallel_loop3A_1133 = tpu.vector_load %arg6[%parallel_loop3A_1131, %parallel_loop3A_1132] {strides = array<i32>} : memref<1x16384xi32, #tpu.memory_space<vmem>>, vector<16xi32>,
      %parallel_loop3A_1134 = tpu.vector_load_idx %arg5[%broadcast_in_dim3A_1, %broadcast_in_dim3A_1, %parallel_loop3A_1133] : memref<1x1x100000xf32, #tpu.memory_space<vmem>>[vector<16xi32>, vector<16xi32>, vector<16xi32>], vector<16xf32>,
      %parallel_loop3A_1135 = arith.constant 0 : i32
      %parallel_loop3A_1136 = arith.constant 0 : i32
      %parallel_loop3A_1137 = arith.index_cast %parallel_loop3A_1135 : i32 to index
      %parallel_loop3A_1138 = arith.index_cast %parallel_loop3A_1136 : i32 to index
      %parallel_loop3A_1139 = arith.index_cast %parallel_loop3A_1127 : i32 to index
      %parallel_loop3A_1140 = tpu.vector_load %arg8[%parallel_loop3A_1137, %parallel_loop3A_1138, %parallel_loop3A_1139] {strides = array<i32>} : memref<1x1x4096xf32, #tpu.memory_space<vmem>>, vector<16xf32>,
      tpu.vector_store %arg8[%parallel_loop3A_1137, %parallel_loop3A_1138, %parallel_loop3A_1139], %parallel_loop3A_1134 {strides = array<i32>} : memref<1x1x4096xf32, #tpu.memory_space<vmem>>, vector<16xf32>,
    } {sc.loop_unroll_factor = 8 : i64, sc.parallel_access}
    %dma_start3A_499 = arith.constant 12288 : i32
    %dma_start3A_500 = tpu.memref_slice %arg4[%select_n3A_442, %sub3A_445, %dma_start3A_499] : memref<26x16x16384xf32, #tpu.memory_space<hbm>> -> memref<1x1x4096xf32, #tpu.memory_space<hbm>>
    %dma_start3A_501 = arith.constant 12288 : i32
    %dma_start3A_502 = tpu.memref_slice %arg4[%select_n3A_442, %sub3A_445, %dma_start3A_501] : memref<26x16x16384xf32, #tpu.memory_space<hbm>> -> memref<1x1x4096xf32, #tpu.memory_space<hbm>>
    tpu.enqueue_dma source(%arg8 : memref<1x1x4096xf32, #tpu.memory_space<vmem>>) target(%dma_start3A_502 : memref<1x1x4096xf32, #tpu.memory_space<hbm>>) target_semaphore(%arg11 : memref<!tpu.dma_semaphore, #tpu.memory_space<semaphore_mem>>)
    %mul3A_503 = arith.constant 13 : i32
    %mul3A_504 = arith.muli %add3A, %mul3A_503 : i32
    %add3A_505 = arith.constant 6 : i32
    %add3A_506 = arith.addi %mul3A_504, %add3A_505 : i32
    %jit3A_507 = arith.constant 16 : i32
    %div3A_508 = arith.divsi %add3A_506, %jit3A_507 : i32
    %sign3A_509 = arith.constant 0 : i32
    %sign3A_510 = arith.cmpi sgt, %add3A_506, %sign3A_509 : i32
    %sign3A_511 = arith.extui %sign3A_510 : i1 to i32
    %sign3A_512 = arith.constant 0 : i32
    %sign3A_513 = arith.cmpi slt, %add3A_506, %sign3A_512 : i32
    %sign3A_514 = arith.extui %sign3A_513 : i1 to i32
    %sign3A_515 = arith.subi %sign3A_511, %sign3A_514 : i32
    %sign3A_516 = arith.constant 0 : i32
    %sign3A_517 = arith.cmpi sgt, %jit3A_507, %sign3A_516 : i32
    %sign3A_518 = arith.extui %sign3A_517 : i1 to i32
    %sign3A_519 = arith.constant 0 : i32
    %sign3A_520 = arith.cmpi slt, %jit3A_507, %sign3A_519 : i32
    %sign3A_521 = arith.extui %sign3A_520 : i1 to i32
    %sign3A_522 = arith.subi %sign3A_518, %sign3A_521 : i32
    %ne3A_523 = arith.cmpi ne, %sign3A_515, %sign3A_522 : i32
    %rem3A_524 = arith.remsi %add3A_506, %jit3A_507 : i32
    %ne3A_525 = arith.constant 0 : i32
    %ne3A_526 = arith.cmpi ne, %rem3A_524, %ne3A_525 : i32
    %and3A_527 = arith.andi %ne3A_523, %ne3A_526 : i1
    %sub3A_528 = arith.constant 1 : i32
    %sub3A_529 = arith.subi %div3A_508, %sub3A_528 : i32
    %select_n3A_530 = arith.select %and3A_527, %sub3A_529, %div3A_508 : i32
    %mul3A_531 = arith.constant 16 : i32
    %mul3A_532 = arith.muli %select_n3A_530, %mul3A_531 : i32
    %sub3A_533 = arith.subi %add3A_506, %mul3A_532 : i32
    %dma_start3A_534 = arith.constant 0 : i32
    %dma_start3A_535 = tpu.memref_slice %arg3[%select_n3A_530, %sub3A_533, %dma_start3A_534] : memref<26x16x100000xf32, #tpu.memory_space<hbm>> -> memref<1x1x100000xf32, #tpu.memory_space<hbm>>
    %dma_start3A_536 = arith.constant 0 : i32
    %dma_start3A_537 = tpu.memref_slice %arg3[%select_n3A_530, %sub3A_533, %dma_start3A_536] : memref<26x16x100000xf32, #tpu.memory_space<hbm>> -> memref<1x1x100000xf32, #tpu.memory_space<hbm>>
    tpu.enqueue_dma source(%dma_start3A_537 : memref<1x1x100000xf32, #tpu.memory_space<hbm>>) target(%arg5 : memref<1x1x100000xf32, #tpu.memory_space<vmem>>) target_semaphore(%arg9 : memref<!tpu.dma_semaphore, #tpu.memory_space<semaphore_mem>>)
    %eq3A_538 = arith.constant 0 : i32
    %eq3A_539 = arith.cmpi eq, %sub3A_533, %eq3A_538 : i32
    %convert_element_type3A_540 = arith.extui %eq3A_539 : i1 to i32
    %cond3A_541 = arith.constant 0 : i32
    %cond3A_542 = arith.cmpi ne, %convert_element_type3A_540, %cond3A_541 : i32
    scf.if %cond3A_542 {
      "tpu.region"() ({
        %run_scoped3A = tpu.sem_alloc : memref<!tpu.dma_semaphore, #tpu.memory_space<semaphore_mem>>
        %dma_start3A_1127 = arith.constant 0 : i32
        %dma_start3A_1128 = tpu.memref_slice %arg2[%select_n3A_530, %dma_start3A_1127] : memref<26x16384xi32, #tpu.memory_space<hbm>> -> memref<1x16384xi32, #tpu.memory_space<hbm>>
        %dma_start3A_1129 = arith.constant 0 : i32
        %dma_start3A_1130 = tpu.memref_slice %arg2[%select_n3A_530, %dma_start3A_1129] : memref<26x16384xi32, #tpu.memory_space<hbm>> -> memref<1x16384xi32, #tpu.memory_space<hbm>>
        tpu.enqueue_dma source(%dma_start3A_1130 : memref<1x16384xi32, #tpu.memory_space<hbm>>) target(%arg6 : memref<1x16384xi32, #tpu.memory_space<vmem>>) target_semaphore(%run_scoped3A : memref<!tpu.dma_semaphore, #tpu.memory_space<semaphore_mem>>)
        %dma_wait3A_1131 = arith.constant 0 : i32
        %dma_wait3A_1132 = tpu.memref_slice %arg2[%select_n3A_530, %dma_wait3A_1131] : memref<26x16384xi32, #tpu.memory_space<hbm>> -> memref<1x16384xi32, #tpu.memory_space<hbm>>
        %dma_wait3A_1133 = arith.constant 0 : i32
        %dma_wait3A_1134 = tpu.memref_slice %arg2[%select_n3A_530, %dma_wait3A_1133] : memref<26x16384xi32, #tpu.memory_space<hbm>> -> memref<1x16384xi32, #tpu.memory_space<hbm>>
        tpu.wait_dma2 semaphore(%run_scoped3A : memref<!tpu.dma_semaphore, #tpu.memory_space<semaphore_mem>>) src(%dma_wait3A_1134 : memref<1x16384xi32, #tpu.memory_space<hbm>>) dst(%arg6 : memref<1x16384xi32, #tpu.memory_space<vmem>>)
        tpu.yield
      }) : () -> ()
    } else {
    }
    %dma_wait3A_543 = arith.constant 0 : i32
    %dma_wait3A_544 = tpu.memref_slice %arg3[%select_n3A_530, %sub3A_533, %dma_wait3A_543] : memref<26x16x100000xf32, #tpu.memory_space<hbm>> -> memref<1x1x100000xf32, #tpu.memory_space<hbm>>
    %dma_wait3A_545 = arith.constant 0 : i32
    %dma_wait3A_546 = tpu.memref_slice %arg3[%select_n3A_530, %sub3A_533, %dma_wait3A_545] : memref<26x16x100000xf32, #tpu.memory_space<hbm>> -> memref<1x1x100000xf32, #tpu.memory_space<hbm>>
    tpu.wait_dma2 semaphore(%arg9 : memref<!tpu.dma_semaphore, #tpu.memory_space<semaphore_mem>>) src(%dma_wait3A_546 : memref<1x1x100000xf32, #tpu.memory_space<hbm>>) dst(%arg5 : memref<1x1x100000xf32, #tpu.memory_space<vmem>>)
    %dma_wait3A_547 = arith.constant 8192 : i32
    %dma_wait3A_548 = tpu.memref_slice %arg4[%select_n3A_442, %sub3A_445, %dma_wait3A_547] : memref<26x16x16384xf32, #tpu.memory_space<hbm>> -> memref<1x1x4096xf32, #tpu.memory_space<hbm>>
    %dma_wait3A_549 = arith.constant 8192 : i32
    %dma_wait3A_550 = tpu.memref_slice %arg4[%select_n3A_442, %sub3A_445, %dma_wait3A_549] : memref<26x16x16384xf32, #tpu.memory_space<hbm>> -> memref<1x1x4096xf32, #tpu.memory_space<hbm>>
    tpu.wait_dma2 semaphore(%arg10 : memref<!tpu.dma_semaphore, #tpu.memory_space<semaphore_mem>>) src(%arg7 : memref<1x1x4096xf32, #tpu.memory_space<vmem>>) dst(%dma_wait3A_550 : memref<1x1x4096xf32, #tpu.memory_space<hbm>>)
    %parallel_loop3A_551 = arith.constant 0 : i32
    %parallel_loop3A_552 = arith.constant 4096 : i32
    %parallel_loop3A_553 = arith.constant 16 : i32
    scf.for %parallel_loop3A_1127 = %parallel_loop3A_551 to %parallel_loop3A_552 step %parallel_loop3A_553  : i32 {
      %parallel_loop3A_1128 = arith.constant 0 : i32
      %parallel_loop3A_1129 = arith.addi %parallel_loop3A_1128, %parallel_loop3A_1127 : i32
      %parallel_loop3A_1130 = arith.constant 0 : i32
      %parallel_loop3A_1131 = arith.index_cast %parallel_loop3A_1130 : i32 to index
      %parallel_loop3A_1132 = arith.index_cast %parallel_loop3A_1129 : i32 to index
      %parallel_loop3A_1133 = tpu.vector_load %arg6[%parallel_loop3A_1131, %parallel_loop3A_1132] {strides = array<i32>} : memref<1x16384xi32, #tpu.memory_space<vmem>>, vector<16xi32>,
      %parallel_loop3A_1134 = tpu.vector_load_idx %arg5[%broadcast_in_dim3A_1, %broadcast_in_dim3A_1, %parallel_loop3A_1133] : memref<1x1x100000xf32, #tpu.memory_space<vmem>>[vector<16xi32>, vector<16xi32>, vector<16xi32>], vector<16xf32>,
      %parallel_loop3A_1135 = arith.constant 0 : i32
      %parallel_loop3A_1136 = arith.constant 0 : i32
      %parallel_loop3A_1137 = arith.index_cast %parallel_loop3A_1135 : i32 to index
      %parallel_loop3A_1138 = arith.index_cast %parallel_loop3A_1136 : i32 to index
      %parallel_loop3A_1139 = arith.index_cast %parallel_loop3A_1127 : i32 to index
      %parallel_loop3A_1140 = tpu.vector_load %arg7[%parallel_loop3A_1137, %parallel_loop3A_1138, %parallel_loop3A_1139] {strides = array<i32>} : memref<1x1x4096xf32, #tpu.memory_space<vmem>>, vector<16xf32>,
      tpu.vector_store %arg7[%parallel_loop3A_1137, %parallel_loop3A_1138, %parallel_loop3A_1139], %parallel_loop3A_1134 {strides = array<i32>} : memref<1x1x4096xf32, #tpu.memory_space<vmem>>, vector<16xf32>,
    } {sc.loop_unroll_factor = 8 : i64, sc.parallel_access}
    %dma_start3A_554 = arith.constant 0 : i32
    %dma_start3A_555 = tpu.memref_slice %arg4[%select_n3A_530, %sub3A_533, %dma_start3A_554] : memref<26x16x16384xf32, #tpu.memory_space<hbm>> -> memref<1x1x4096xf32, #tpu.memory_space<hbm>>
    %dma_start3A_556 = arith.constant 0 : i32
    %dma_start3A_557 = tpu.memref_slice %arg4[%select_n3A_530, %sub3A_533, %dma_start3A_556] : memref<26x16x16384xf32, #tpu.memory_space<hbm>> -> memref<1x1x4096xf32, #tpu.memory_space<hbm>>
    tpu.enqueue_dma source(%arg7 : memref<1x1x4096xf32, #tpu.memory_space<vmem>>) target(%dma_start3A_557 : memref<1x1x4096xf32, #tpu.memory_space<hbm>>) target_semaphore(%arg10 : memref<!tpu.dma_semaphore, #tpu.memory_space<semaphore_mem>>)
    %dma_wait3A_558 = arith.constant 12288 : i32
    %dma_wait3A_559 = tpu.memref_slice %arg4[%select_n3A_442, %sub3A_445, %dma_wait3A_558] : memref<26x16x16384xf32, #tpu.memory_space<hbm>> -> memref<1x1x4096xf32, #tpu.memory_space<hbm>>
    %dma_wait3A_560 = arith.constant 12288 : i32
    %dma_wait3A_561 = tpu.memref_slice %arg4[%select_n3A_442, %sub3A_445, %dma_wait3A_560] : memref<26x16x16384xf32, #tpu.memory_space<hbm>> -> memref<1x1x4096xf32, #tpu.memory_space<hbm>>
    tpu.wait_dma2 semaphore(%arg11 : memref<!tpu.dma_semaphore, #tpu.memory_space<semaphore_mem>>) src(%arg8 : memref<1x1x4096xf32, #tpu.memory_space<vmem>>) dst(%dma_wait3A_561 : memref<1x1x4096xf32, #tpu.memory_space<hbm>>)
    %parallel_loop3A_562 = arith.constant 0 : i32
    %parallel_loop3A_563 = arith.constant 4096 : i32
    %parallel_loop3A_564 = arith.constant 16 : i32
    scf.for %parallel_loop3A_1127 = %parallel_loop3A_562 to %parallel_loop3A_563 step %parallel_loop3A_564  : i32 {
      %parallel_loop3A_1128 = arith.constant 4096 : i32
      %parallel_loop3A_1129 = arith.addi %parallel_loop3A_1128, %parallel_loop3A_1127 : i32
      %parallel_loop3A_1130 = arith.constant 0 : i32
      %parallel_loop3A_1131 = arith.index_cast %parallel_loop3A_1130 : i32 to index
      %parallel_loop3A_1132 = arith.index_cast %parallel_loop3A_1129 : i32 to index
      %parallel_loop3A_1133 = tpu.vector_load %arg6[%parallel_loop3A_1131, %parallel_loop3A_1132] {strides = array<i32>} : memref<1x16384xi32, #tpu.memory_space<vmem>>, vector<16xi32>,
      %parallel_loop3A_1134 = tpu.vector_load_idx %arg5[%broadcast_in_dim3A_1, %broadcast_in_dim3A_1, %parallel_loop3A_1133] : memref<1x1x100000xf32, #tpu.memory_space<vmem>>[vector<16xi32>, vector<16xi32>, vector<16xi32>], vector<16xf32>,
      %parallel_loop3A_1135 = arith.constant 0 : i32
      %parallel_loop3A_1136 = arith.constant 0 : i32
      %parallel_loop3A_1137 = arith.index_cast %parallel_loop3A_1135 : i32 to index
      %parallel_loop3A_1138 = arith.index_cast %parallel_loop3A_1136 : i32 to index
      %parallel_loop3A_1139 = arith.index_cast %parallel_loop3A_1127 : i32 to index
      %parallel_loop3A_1140 = tpu.vector_load %arg8[%parallel_loop3A_1137, %parallel_loop3A_1138, %parallel_loop3A_1139] {strides = array<i32>} : memref<1x1x4096xf32, #tpu.memory_space<vmem>>, vector<16xf32>,
      tpu.vector_store %arg8[%parallel_loop3A_1137, %parallel_loop3A_1138, %parallel_loop3A_1139], %parallel_loop3A_1134 {strides = array<i32>} : memref<1x1x4096xf32, #tpu.memory_space<vmem>>, vector<16xf32>,
    } {sc.loop_unroll_factor = 8 : i64, sc.parallel_access}
    %dma_start3A_565 = arith.constant 4096 : i32
    %dma_start3A_566 = tpu.memref_slice %arg4[%select_n3A_530, %sub3A_533, %dma_start3A_565] : memref<26x16x16384xf32, #tpu.memory_space<hbm>> -> memref<1x1x4096xf32, #tpu.memory_space<hbm>>
    %dma_start3A_567 = arith.constant 4096 : i32
    %dma_start3A_568 = tpu.memref_slice %arg4[%select_n3A_530, %sub3A_533, %dma_start3A_567] : memref<26x16x16384xf32, #tpu.memory_space<hbm>> -> memref<1x1x4096xf32, #tpu.memory_space<hbm>>
    tpu.enqueue_dma source(%arg8 : memref<1x1x4096xf32, #tpu.memory_space<vmem>>) target(%dma_start3A_568 : memref<1x1x4096xf32, #tpu.memory_space<hbm>>) target_semaphore(%arg11 : memref<!tpu.dma_semaphore, #tpu.memory_space<semaphore_mem>>)
    %dma_wait3A_569 = arith.constant 0 : i32
    %dma_wait3A_570 = tpu.memref_slice %arg4[%select_n3A_530, %sub3A_533, %dma_wait3A_569] : memref<26x16x16384xf32, #tpu.memory_space<hbm>> -> memref<1x1x4096xf32, #tpu.memory_space<hbm>>
    %dma_wait3A_571 = arith.constant 0 : i32
    %dma_wait3A_572 = tpu.memref_slice %arg4[%select_n3A_530, %sub3A_533, %dma_wait3A_571] : memref<26x16x16384xf32, #tpu.memory_space<hbm>> -> memref<1x1x4096xf32, #tpu.memory_space<hbm>>
    tpu.wait_dma2 semaphore(%arg10 : memref<!tpu.dma_semaphore, #tpu.memory_space<semaphore_mem>>) src(%arg7 : memref<1x1x4096xf32, #tpu.memory_space<vmem>>) dst(%dma_wait3A_572 : memref<1x1x4096xf32, #tpu.memory_space<hbm>>)
    %parallel_loop3A_573 = arith.constant 0 : i32
    %parallel_loop3A_574 = arith.constant 4096 : i32
    %parallel_loop3A_575 = arith.constant 16 : i32
    scf.for %parallel_loop3A_1127 = %parallel_loop3A_573 to %parallel_loop3A_574 step %parallel_loop3A_575  : i32 {
      %parallel_loop3A_1128 = arith.constant 8192 : i32
      %parallel_loop3A_1129 = arith.addi %parallel_loop3A_1128, %parallel_loop3A_1127 : i32
      %parallel_loop3A_1130 = arith.constant 0 : i32
      %parallel_loop3A_1131 = arith.index_cast %parallel_loop3A_1130 : i32 to index
      %parallel_loop3A_1132 = arith.index_cast %parallel_loop3A_1129 : i32 to index
      %parallel_loop3A_1133 = tpu.vector_load %arg6[%parallel_loop3A_1131, %parallel_loop3A_1132] {strides = array<i32>} : memref<1x16384xi32, #tpu.memory_space<vmem>>, vector<16xi32>,
      %parallel_loop3A_1134 = tpu.vector_load_idx %arg5[%broadcast_in_dim3A_1, %broadcast_in_dim3A_1, %parallel_loop3A_1133] : memref<1x1x100000xf32, #tpu.memory_space<vmem>>[vector<16xi32>, vector<16xi32>, vector<16xi32>], vector<16xf32>,
      %parallel_loop3A_1135 = arith.constant 0 : i32
      %parallel_loop3A_1136 = arith.constant 0 : i32
      %parallel_loop3A_1137 = arith.index_cast %parallel_loop3A_1135 : i32 to index
      %parallel_loop3A_1138 = arith.index_cast %parallel_loop3A_1136 : i32 to index
      %parallel_loop3A_1139 = arith.index_cast %parallel_loop3A_1127 : i32 to index
      %parallel_loop3A_1140 = tpu.vector_load %arg7[%parallel_loop3A_1137, %parallel_loop3A_1138, %parallel_loop3A_1139] {strides = array<i32>} : memref<1x1x4096xf32, #tpu.memory_space<vmem>>, vector<16xf32>,
      tpu.vector_store %arg7[%parallel_loop3A_1137, %parallel_loop3A_1138, %parallel_loop3A_1139], %parallel_loop3A_1134 {strides = array<i32>} : memref<1x1x4096xf32, #tpu.memory_space<vmem>>, vector<16xf32>,
    } {sc.loop_unroll_factor = 8 : i64, sc.parallel_access}
    %dma_start3A_576 = arith.constant 8192 : i32
    %dma_start3A_577 = tpu.memref_slice %arg4[%select_n3A_530, %sub3A_533, %dma_start3A_576] : memref<26x16x16384xf32, #tpu.memory_space<hbm>> -> memref<1x1x4096xf32, #tpu.memory_space<hbm>>
    %dma_start3A_578 = arith.constant 8192 : i32
    %dma_start3A_579 = tpu.memref_slice %arg4[%select_n3A_530, %sub3A_533, %dma_start3A_578] : memref<26x16x16384xf32, #tpu.memory_space<hbm>> -> memref<1x1x4096xf32, #tpu.memory_space<hbm>>
    tpu.enqueue_dma source(%arg7 : memref<1x1x4096xf32, #tpu.memory_space<vmem>>) target(%dma_start3A_579 : memref<1x1x4096xf32, #tpu.memory_space<hbm>>) target_semaphore(%arg10 : memref<!tpu.dma_semaphore, #tpu.memory_space<semaphore_mem>>)
    %dma_wait3A_580 = arith.constant 4096 : i32
    %dma_wait3A_581 = tpu.memref_slice %arg4[%select_n3A_530, %sub3A_533, %dma_wait3A_580] : memref<26x16x16384xf32, #tpu.memory_space<hbm>> -> memref<1x1x4096xf32, #tpu.memory_space<hbm>>
    %dma_wait3A_582 = arith.constant 4096 : i32
    %dma_wait3A_583 = tpu.memref_slice %arg4[%select_n3A_530, %sub3A_533, %dma_wait3A_582] : memref<26x16x16384xf32, #tpu.memory_space<hbm>> -> memref<1x1x4096xf32, #tpu.memory_space<hbm>>
    tpu.wait_dma2 semaphore(%arg11 : memref<!tpu.dma_semaphore, #tpu.memory_space<semaphore_mem>>) src(%arg8 : memref<1x1x4096xf32, #tpu.memory_space<vmem>>) dst(%dma_wait3A_583 : memref<1x1x4096xf32, #tpu.memory_space<hbm>>)
    %parallel_loop3A_584 = arith.constant 0 : i32
    %parallel_loop3A_585 = arith.constant 4096 : i32
    %parallel_loop3A_586 = arith.constant 16 : i32
    scf.for %parallel_loop3A_1127 = %parallel_loop3A_584 to %parallel_loop3A_585 step %parallel_loop3A_586  : i32 {
      %parallel_loop3A_1128 = arith.constant 12288 : i32
      %parallel_loop3A_1129 = arith.addi %parallel_loop3A_1128, %parallel_loop3A_1127 : i32
      %parallel_loop3A_1130 = arith.constant 0 : i32
      %parallel_loop3A_1131 = arith.index_cast %parallel_loop3A_1130 : i32 to index
      %parallel_loop3A_1132 = arith.index_cast %parallel_loop3A_1129 : i32 to index
      %parallel_loop3A_1133 = tpu.vector_load %arg6[%parallel_loop3A_1131, %parallel_loop3A_1132] {strides = array<i32>} : memref<1x16384xi32, #tpu.memory_space<vmem>>, vector<16xi32>,
      %parallel_loop3A_1134 = tpu.vector_load_idx %arg5[%broadcast_in_dim3A_1, %broadcast_in_dim3A_1, %parallel_loop3A_1133] : memref<1x1x100000xf32, #tpu.memory_space<vmem>>[vector<16xi32>, vector<16xi32>, vector<16xi32>], vector<16xf32>,
      %parallel_loop3A_1135 = arith.constant 0 : i32
      %parallel_loop3A_1136 = arith.constant 0 : i32
      %parallel_loop3A_1137 = arith.index_cast %parallel_loop3A_1135 : i32 to index
      %parallel_loop3A_1138 = arith.index_cast %parallel_loop3A_1136 : i32 to index
      %parallel_loop3A_1139 = arith.index_cast %parallel_loop3A_1127 : i32 to index
      %parallel_loop3A_1140 = tpu.vector_load %arg8[%parallel_loop3A_1137, %parallel_loop3A_1138, %parallel_loop3A_1139] {strides = array<i32>} : memref<1x1x4096xf32, #tpu.memory_space<vmem>>, vector<16xf32>,
      tpu.vector_store %arg8[%parallel_loop3A_1137, %parallel_loop3A_1138, %parallel_loop3A_1139], %parallel_loop3A_1134 {strides = array<i32>} : memref<1x1x4096xf32, #tpu.memory_space<vmem>>, vector<16xf32>,
    } {sc.loop_unroll_factor = 8 : i64, sc.parallel_access}
    %dma_start3A_587 = arith.constant 12288 : i32
    %dma_start3A_588 = tpu.memref_slice %arg4[%select_n3A_530, %sub3A_533, %dma_start3A_587] : memref<26x16x16384xf32, #tpu.memory_space<hbm>> -> memref<1x1x4096xf32, #tpu.memory_space<hbm>>
    %dma_start3A_589 = arith.constant 12288 : i32
    %dma_start3A_590 = tpu.memref_slice %arg4[%select_n3A_530, %sub3A_533, %dma_start3A_589] : memref<26x16x16384xf32, #tpu.memory_space<hbm>> -> memref<1x1x4096xf32, #tpu.memory_space<hbm>>
    tpu.enqueue_dma source(%arg8 : memref<1x1x4096xf32, #tpu.memory_space<vmem>>) target(%dma_start3A_590 : memref<1x1x4096xf32, #tpu.memory_space<hbm>>) target_semaphore(%arg11 : memref<!tpu.dma_semaphore, #tpu.memory_space<semaphore_mem>>)
    %mul3A_591 = arith.constant 13 : i32
    %mul3A_592 = arith.muli %add3A, %mul3A_591 : i32
    %add3A_593 = arith.constant 7 : i32
    %add3A_594 = arith.addi %mul3A_592, %add3A_593 : i32
    %jit3A_595 = arith.constant 16 : i32
    %div3A_596 = arith.divsi %add3A_594, %jit3A_595 : i32
    %sign3A_597 = arith.constant 0 : i32
    %sign3A_598 = arith.cmpi sgt, %add3A_594, %sign3A_597 : i32
    %sign3A_599 = arith.extui %sign3A_598 : i1 to i32
    %sign3A_600 = arith.constant 0 : i32
    %sign3A_601 = arith.cmpi slt, %add3A_594, %sign3A_600 : i32
    %sign3A_602 = arith.extui %sign3A_601 : i1 to i32
    %sign3A_603 = arith.subi %sign3A_599, %sign3A_602 : i32
    %sign3A_604 = arith.constant 0 : i32
    %sign3A_605 = arith.cmpi sgt, %jit3A_595, %sign3A_604 : i32
    %sign3A_606 = arith.extui %sign3A_605 : i1 to i32
    %sign3A_607 = arith.constant 0 : i32
    %sign3A_608 = arith.cmpi slt, %jit3A_595, %sign3A_607 : i32
    %sign3A_609 = arith.extui %sign3A_608 : i1 to i32
    %sign3A_610 = arith.subi %sign3A_606, %sign3A_609 : i32
    %ne3A_611 = arith.cmpi ne, %sign3A_603, %sign3A_610 : i32
    %rem3A_612 = arith.remsi %add3A_594, %jit3A_595 : i32
    %ne3A_613 = arith.constant 0 : i32
    %ne3A_614 = arith.cmpi ne, %rem3A_612, %ne3A_613 : i32
    %and3A_615 = arith.andi %ne3A_611, %ne3A_614 : i1
    %sub3A_616 = arith.constant 1 : i32
    %sub3A_617 = arith.subi %div3A_596, %sub3A_616 : i32
    %select_n3A_618 = arith.select %and3A_615, %sub3A_617, %div3A_596 : i32
    %mul3A_619 = arith.constant 16 : i32
    %mul3A_620 = arith.muli %select_n3A_618, %mul3A_619 : i32
    %sub3A_621 = arith.subi %add3A_594, %mul3A_620 : i32
    %dma_start3A_622 = arith.constant 0 : i32
    %dma_start3A_623 = tpu.memref_slice %arg3[%select_n3A_618, %sub3A_621, %dma_start3A_622] : memref<26x16x100000xf32, #tpu.memory_space<hbm>> -> memref<1x1x100000xf32, #tpu.memory_space<hbm>>
    %dma_start3A_624 = arith.constant 0 : i32
    %dma_start3A_625 = tpu.memref_slice %arg3[%select_n3A_618, %sub3A_621, %dma_start3A_624] : memref<26x16x100000xf32, #tpu.memory_space<hbm>> -> memref<1x1x100000xf32, #tpu.memory_space<hbm>>
    tpu.enqueue_dma source(%dma_start3A_625 : memref<1x1x100000xf32, #tpu.memory_space<hbm>>) target(%arg5 : memref<1x1x100000xf32, #tpu.memory_space<vmem>>) target_semaphore(%arg9 : memref<!tpu.dma_semaphore, #tpu.memory_space<semaphore_mem>>)
    %eq3A_626 = arith.constant 0 : i32
    %eq3A_627 = arith.cmpi eq, %sub3A_621, %eq3A_626 : i32
    %convert_element_type3A_628 = arith.extui %eq3A_627 : i1 to i32
    %cond3A_629 = arith.constant 0 : i32
    %cond3A_630 = arith.cmpi ne, %convert_element_type3A_628, %cond3A_629 : i32
    scf.if %cond3A_630 {
      "tpu.region"() ({
        %run_scoped3A = tpu.sem_alloc : memref<!tpu.dma_semaphore, #tpu.memory_space<semaphore_mem>>
        %dma_start3A_1127 = arith.constant 0 : i32
        %dma_start3A_1128 = tpu.memref_slice %arg2[%select_n3A_618, %dma_start3A_1127] : memref<26x16384xi32, #tpu.memory_space<hbm>> -> memref<1x16384xi32, #tpu.memory_space<hbm>>
        %dma_start3A_1129 = arith.constant 0 : i32
        %dma_start3A_1130 = tpu.memref_slice %arg2[%select_n3A_618, %dma_start3A_1129] : memref<26x16384xi32, #tpu.memory_space<hbm>> -> memref<1x16384xi32, #tpu.memory_space<hbm>>
        tpu.enqueue_dma source(%dma_start3A_1130 : memref<1x16384xi32, #tpu.memory_space<hbm>>) target(%arg6 : memref<1x16384xi32, #tpu.memory_space<vmem>>) target_semaphore(%run_scoped3A : memref<!tpu.dma_semaphore, #tpu.memory_space<semaphore_mem>>)
        %dma_wait3A_1131 = arith.constant 0 : i32
        %dma_wait3A_1132 = tpu.memref_slice %arg2[%select_n3A_618, %dma_wait3A_1131] : memref<26x16384xi32, #tpu.memory_space<hbm>> -> memref<1x16384xi32, #tpu.memory_space<hbm>>
        %dma_wait3A_1133 = arith.constant 0 : i32
        %dma_wait3A_1134 = tpu.memref_slice %arg2[%select_n3A_618, %dma_wait3A_1133] : memref<26x16384xi32, #tpu.memory_space<hbm>> -> memref<1x16384xi32, #tpu.memory_space<hbm>>
        tpu.wait_dma2 semaphore(%run_scoped3A : memref<!tpu.dma_semaphore, #tpu.memory_space<semaphore_mem>>) src(%dma_wait3A_1134 : memref<1x16384xi32, #tpu.memory_space<hbm>>) dst(%arg6 : memref<1x16384xi32, #tpu.memory_space<vmem>>)
        tpu.yield
      }) : () -> ()
    } else {
    }
    %dma_wait3A_631 = arith.constant 0 : i32
    %dma_wait3A_632 = tpu.memref_slice %arg3[%select_n3A_618, %sub3A_621, %dma_wait3A_631] : memref<26x16x100000xf32, #tpu.memory_space<hbm>> -> memref<1x1x100000xf32, #tpu.memory_space<hbm>>
    %dma_wait3A_633 = arith.constant 0 : i32
    %dma_wait3A_634 = tpu.memref_slice %arg3[%select_n3A_618, %sub3A_621, %dma_wait3A_633] : memref<26x16x100000xf32, #tpu.memory_space<hbm>> -> memref<1x1x100000xf32, #tpu.memory_space<hbm>>
    tpu.wait_dma2 semaphore(%arg9 : memref<!tpu.dma_semaphore, #tpu.memory_space<semaphore_mem>>) src(%dma_wait3A_634 : memref<1x1x100000xf32, #tpu.memory_space<hbm>>) dst(%arg5 : memref<1x1x100000xf32, #tpu.memory_space<vmem>>)
    %dma_wait3A_635 = arith.constant 8192 : i32
    %dma_wait3A_636 = tpu.memref_slice %arg4[%select_n3A_530, %sub3A_533, %dma_wait3A_635] : memref<26x16x16384xf32, #tpu.memory_space<hbm>> -> memref<1x1x4096xf32, #tpu.memory_space<hbm>>
    %dma_wait3A_637 = arith.constant 8192 : i32
    %dma_wait3A_638 = tpu.memref_slice %arg4[%select_n3A_530, %sub3A_533, %dma_wait3A_637] : memref<26x16x16384xf32, #tpu.memory_space<hbm>> -> memref<1x1x4096xf32, #tpu.memory_space<hbm>>
    tpu.wait_dma2 semaphore(%arg10 : memref<!tpu.dma_semaphore, #tpu.memory_space<semaphore_mem>>) src(%arg7 : memref<1x1x4096xf32, #tpu.memory_space<vmem>>) dst(%dma_wait3A_638 : memref<1x1x4096xf32, #tpu.memory_space<hbm>>)
    %parallel_loop3A_639 = arith.constant 0 : i32
    %parallel_loop3A_640 = arith.constant 4096 : i32
    %parallel_loop3A_641 = arith.constant 16 : i32
    scf.for %parallel_loop3A_1127 = %parallel_loop3A_639 to %parallel_loop3A_640 step %parallel_loop3A_641  : i32 {
      %parallel_loop3A_1128 = arith.constant 0 : i32
      %parallel_loop3A_1129 = arith.addi %parallel_loop3A_1128, %parallel_loop3A_1127 : i32
      %parallel_loop3A_1130 = arith.constant 0 : i32
      %parallel_loop3A_1131 = arith.index_cast %parallel_loop3A_1130 : i32 to index
      %parallel_loop3A_1132 = arith.index_cast %parallel_loop3A_1129 : i32 to index
      %parallel_loop3A_1133 = tpu.vector_load %arg6[%parallel_loop3A_1131, %parallel_loop3A_1132] {strides = array<i32>} : memref<1x16384xi32, #tpu.memory_space<vmem>>, vector<16xi32>,
      %parallel_loop3A_1134 = tpu.vector_load_idx %arg5[%broadcast_in_dim3A_1, %broadcast_in_dim3A_1, %parallel_loop3A_1133] : memref<1x1x100000xf32, #tpu.memory_space<vmem>>[vector<16xi32>, vector<16xi32>, vector<16xi32>], vector<16xf32>,
      %parallel_loop3A_1135 = arith.constant 0 : i32
      %parallel_loop3A_1136 = arith.constant 0 : i32
      %parallel_loop3A_1137 = arith.index_cast %parallel_loop3A_1135 : i32 to index
      %parallel_loop3A_1138 = arith.index_cast %parallel_loop3A_1136 : i32 to index
      %parallel_loop3A_1139 = arith.index_cast %parallel_loop3A_1127 : i32 to index
      %parallel_loop3A_1140 = tpu.vector_load %arg7[%parallel_loop3A_1137, %parallel_loop3A_1138, %parallel_loop3A_1139] {strides = array<i32>} : memref<1x1x4096xf32, #tpu.memory_space<vmem>>, vector<16xf32>,
      tpu.vector_store %arg7[%parallel_loop3A_1137, %parallel_loop3A_1138, %parallel_loop3A_1139], %parallel_loop3A_1134 {strides = array<i32>} : memref<1x1x4096xf32, #tpu.memory_space<vmem>>, vector<16xf32>,
    } {sc.loop_unroll_factor = 8 : i64, sc.parallel_access}
    %dma_start3A_642 = arith.constant 0 : i32
    %dma_start3A_643 = tpu.memref_slice %arg4[%select_n3A_618, %sub3A_621, %dma_start3A_642] : memref<26x16x16384xf32, #tpu.memory_space<hbm>> -> memref<1x1x4096xf32, #tpu.memory_space<hbm>>
    %dma_start3A_644 = arith.constant 0 : i32
    %dma_start3A_645 = tpu.memref_slice %arg4[%select_n3A_618, %sub3A_621, %dma_start3A_644] : memref<26x16x16384xf32, #tpu.memory_space<hbm>> -> memref<1x1x4096xf32, #tpu.memory_space<hbm>>
    tpu.enqueue_dma source(%arg7 : memref<1x1x4096xf32, #tpu.memory_space<vmem>>) target(%dma_start3A_645 : memref<1x1x4096xf32, #tpu.memory_space<hbm>>) target_semaphore(%arg10 : memref<!tpu.dma_semaphore, #tpu.memory_space<semaphore_mem>>)
    %dma_wait3A_646 = arith.constant 12288 : i32
    %dma_wait3A_647 = tpu.memref_slice %arg4[%select_n3A_530, %sub3A_533, %dma_wait3A_646] : memref<26x16x16384xf32, #tpu.memory_space<hbm>> -> memref<1x1x4096xf32, #tpu.memory_space<hbm>>
    %dma_wait3A_648 = arith.constant 12288 : i32
    %dma_wait3A_649 = tpu.memref_slice %arg4[%select_n3A_530, %sub3A_533, %dma_wait3A_648] : memref<26x16x16384xf32, #tpu.memory_space<hbm>> -> memref<1x1x4096xf32, #tpu.memory_space<hbm>>
    tpu.wait_dma2 semaphore(%arg11 : memref<!tpu.dma_semaphore, #tpu.memory_space<semaphore_mem>>) src(%arg8 : memref<1x1x4096xf32, #tpu.memory_space<vmem>>) dst(%dma_wait3A_649 : memref<1x1x4096xf32, #tpu.memory_space<hbm>>)
    %parallel_loop3A_650 = arith.constant 0 : i32
    %parallel_loop3A_651 = arith.constant 4096 : i32
    %parallel_loop3A_652 = arith.constant 16 : i32
    scf.for %parallel_loop3A_1127 = %parallel_loop3A_650 to %parallel_loop3A_651 step %parallel_loop3A_652  : i32 {
      %parallel_loop3A_1128 = arith.constant 4096 : i32
      %parallel_loop3A_1129 = arith.addi %parallel_loop3A_1128, %parallel_loop3A_1127 : i32
      %parallel_loop3A_1130 = arith.constant 0 : i32
      %parallel_loop3A_1131 = arith.index_cast %parallel_loop3A_1130 : i32 to index
      %parallel_loop3A_1132 = arith.index_cast %parallel_loop3A_1129 : i32 to index
      %parallel_loop3A_1133 = tpu.vector_load %arg6[%parallel_loop3A_1131, %parallel_loop3A_1132] {strides = array<i32>} : memref<1x16384xi32, #tpu.memory_space<vmem>>, vector<16xi32>,
      %parallel_loop3A_1134 = tpu.vector_load_idx %arg5[%broadcast_in_dim3A_1, %broadcast_in_dim3A_1, %parallel_loop3A_1133] : memref<1x1x100000xf32, #tpu.memory_space<vmem>>[vector<16xi32>, vector<16xi32>, vector<16xi32>], vector<16xf32>,
      %parallel_loop3A_1135 = arith.constant 0 : i32
      %parallel_loop3A_1136 = arith.constant 0 : i32
      %parallel_loop3A_1137 = arith.index_cast %parallel_loop3A_1135 : i32 to index
      %parallel_loop3A_1138 = arith.index_cast %parallel_loop3A_1136 : i32 to index
      %parallel_loop3A_1139 = arith.index_cast %parallel_loop3A_1127 : i32 to index
      %parallel_loop3A_1140 = tpu.vector_load %arg8[%parallel_loop3A_1137, %parallel_loop3A_1138, %parallel_loop3A_1139] {strides = array<i32>} : memref<1x1x4096xf32, #tpu.memory_space<vmem>>, vector<16xf32>,
      tpu.vector_store %arg8[%parallel_loop3A_1137, %parallel_loop3A_1138, %parallel_loop3A_1139], %parallel_loop3A_1134 {strides = array<i32>} : memref<1x1x4096xf32, #tpu.memory_space<vmem>>, vector<16xf32>,
    } {sc.loop_unroll_factor = 8 : i64, sc.parallel_access}
    %dma_start3A_653 = arith.constant 4096 : i32
    %dma_start3A_654 = tpu.memref_slice %arg4[%select_n3A_618, %sub3A_621, %dma_start3A_653] : memref<26x16x16384xf32, #tpu.memory_space<hbm>> -> memref<1x1x4096xf32, #tpu.memory_space<hbm>>
    %dma_start3A_655 = arith.constant 4096 : i32
    %dma_start3A_656 = tpu.memref_slice %arg4[%select_n3A_618, %sub3A_621, %dma_start3A_655] : memref<26x16x16384xf32, #tpu.memory_space<hbm>> -> memref<1x1x4096xf32, #tpu.memory_space<hbm>>
    tpu.enqueue_dma source(%arg8 : memref<1x1x4096xf32, #tpu.memory_space<vmem>>) target(%dma_start3A_656 : memref<1x1x4096xf32, #tpu.memory_space<hbm>>) target_semaphore(%arg11 : memref<!tpu.dma_semaphore, #tpu.memory_space<semaphore_mem>>)
    %dma_wait3A_657 = arith.constant 0 : i32
    %dma_wait3A_658 = tpu.memref_slice %arg4[%select_n3A_618, %sub3A_621, %dma_wait3A_657] : memref<26x16x16384xf32, #tpu.memory_space<hbm>> -> memref<1x1x4096xf32, #tpu.memory_space<hbm>>
    %dma_wait3A_659 = arith.constant 0 : i32
    %dma_wait3A_660 = tpu.memref_slice %arg4[%select_n3A_618, %sub3A_621, %dma_wait3A_659] : memref<26x16x16384xf32, #tpu.memory_space<hbm>> -> memref<1x1x4096xf32, #tpu.memory_space<hbm>>
    tpu.wait_dma2 semaphore(%arg10 : memref<!tpu.dma_semaphore, #tpu.memory_space<semaphore_mem>>) src(%arg7 : memref<1x1x4096xf32, #tpu.memory_space<vmem>>) dst(%dma_wait3A_660 : memref<1x1x4096xf32, #tpu.memory_space<hbm>>)
    %parallel_loop3A_661 = arith.constant 0 : i32
    %parallel_loop3A_662 = arith.constant 4096 : i32
    %parallel_loop3A_663 = arith.constant 16 : i32
    scf.for %parallel_loop3A_1127 = %parallel_loop3A_661 to %parallel_loop3A_662 step %parallel_loop3A_663  : i32 {
      %parallel_loop3A_1128 = arith.constant 8192 : i32
      %parallel_loop3A_1129 = arith.addi %parallel_loop3A_1128, %parallel_loop3A_1127 : i32
      %parallel_loop3A_1130 = arith.constant 0 : i32
      %parallel_loop3A_1131 = arith.index_cast %parallel_loop3A_1130 : i32 to index
      %parallel_loop3A_1132 = arith.index_cast %parallel_loop3A_1129 : i32 to index
      %parallel_loop3A_1133 = tpu.vector_load %arg6[%parallel_loop3A_1131, %parallel_loop3A_1132] {strides = array<i32>} : memref<1x16384xi32, #tpu.memory_space<vmem>>, vector<16xi32>,
      %parallel_loop3A_1134 = tpu.vector_load_idx %arg5[%broadcast_in_dim3A_1, %broadcast_in_dim3A_1, %parallel_loop3A_1133] : memref<1x1x100000xf32, #tpu.memory_space<vmem>>[vector<16xi32>, vector<16xi32>, vector<16xi32>], vector<16xf32>,
      %parallel_loop3A_1135 = arith.constant 0 : i32
      %parallel_loop3A_1136 = arith.constant 0 : i32
      %parallel_loop3A_1137 = arith.index_cast %parallel_loop3A_1135 : i32 to index
      %parallel_loop3A_1138 = arith.index_cast %parallel_loop3A_1136 : i32 to index
      %parallel_loop3A_1139 = arith.index_cast %parallel_loop3A_1127 : i32 to index
      %parallel_loop3A_1140 = tpu.vector_load %arg7[%parallel_loop3A_1137, %parallel_loop3A_1138, %parallel_loop3A_1139] {strides = array<i32>} : memref<1x1x4096xf32, #tpu.memory_space<vmem>>, vector<16xf32>,
      tpu.vector_store %arg7[%parallel_loop3A_1137, %parallel_loop3A_1138, %parallel_loop3A_1139], %parallel_loop3A_1134 {strides = array<i32>} : memref<1x1x4096xf32, #tpu.memory_space<vmem>>, vector<16xf32>,
    } {sc.loop_unroll_factor = 8 : i64, sc.parallel_access}
    %dma_start3A_664 = arith.constant 8192 : i32
    %dma_start3A_665 = tpu.memref_slice %arg4[%select_n3A_618, %sub3A_621, %dma_start3A_664] : memref<26x16x16384xf32, #tpu.memory_space<hbm>> -> memref<1x1x4096xf32, #tpu.memory_space<hbm>>
    %dma_start3A_666 = arith.constant 8192 : i32
    %dma_start3A_667 = tpu.memref_slice %arg4[%select_n3A_618, %sub3A_621, %dma_start3A_666] : memref<26x16x16384xf32, #tpu.memory_space<hbm>> -> memref<1x1x4096xf32, #tpu.memory_space<hbm>>
    tpu.enqueue_dma source(%arg7 : memref<1x1x4096xf32, #tpu.memory_space<vmem>>) target(%dma_start3A_667 : memref<1x1x4096xf32, #tpu.memory_space<hbm>>) target_semaphore(%arg10 : memref<!tpu.dma_semaphore, #tpu.memory_space<semaphore_mem>>)
    %dma_wait3A_668 = arith.constant 4096 : i32
    %dma_wait3A_669 = tpu.memref_slice %arg4[%select_n3A_618, %sub3A_621, %dma_wait3A_668] : memref<26x16x16384xf32, #tpu.memory_space<hbm>> -> memref<1x1x4096xf32, #tpu.memory_space<hbm>>
    %dma_wait3A_670 = arith.constant 4096 : i32
    %dma_wait3A_671 = tpu.memref_slice %arg4[%select_n3A_618, %sub3A_621, %dma_wait3A_670] : memref<26x16x16384xf32, #tpu.memory_space<hbm>> -> memref<1x1x4096xf32, #tpu.memory_space<hbm>>
    tpu.wait_dma2 semaphore(%arg11 : memref<!tpu.dma_semaphore, #tpu.memory_space<semaphore_mem>>) src(%arg8 : memref<1x1x4096xf32, #tpu.memory_space<vmem>>) dst(%dma_wait3A_671 : memref<1x1x4096xf32, #tpu.memory_space<hbm>>)
    %parallel_loop3A_672 = arith.constant 0 : i32
    %parallel_loop3A_673 = arith.constant 4096 : i32
    %parallel_loop3A_674 = arith.constant 16 : i32
    scf.for %parallel_loop3A_1127 = %parallel_loop3A_672 to %parallel_loop3A_673 step %parallel_loop3A_674  : i32 {
      %parallel_loop3A_1128 = arith.constant 12288 : i32
      %parallel_loop3A_1129 = arith.addi %parallel_loop3A_1128, %parallel_loop3A_1127 : i32
      %parallel_loop3A_1130 = arith.constant 0 : i32
      %parallel_loop3A_1131 = arith.index_cast %parallel_loop3A_1130 : i32 to index
      %parallel_loop3A_1132 = arith.index_cast %parallel_loop3A_1129 : i32 to index
      %parallel_loop3A_1133 = tpu.vector_load %arg6[%parallel_loop3A_1131, %parallel_loop3A_1132] {strides = array<i32>} : memref<1x16384xi32, #tpu.memory_space<vmem>>, vector<16xi32>,
      %parallel_loop3A_1134 = tpu.vector_load_idx %arg5[%broadcast_in_dim3A_1, %broadcast_in_dim3A_1, %parallel_loop3A_1133] : memref<1x1x100000xf32, #tpu.memory_space<vmem>>[vector<16xi32>, vector<16xi32>, vector<16xi32>], vector<16xf32>,
      %parallel_loop3A_1135 = arith.constant 0 : i32
      %parallel_loop3A_1136 = arith.constant 0 : i32
      %parallel_loop3A_1137 = arith.index_cast %parallel_loop3A_1135 : i32 to index
      %parallel_loop3A_1138 = arith.index_cast %parallel_loop3A_1136 : i32 to index
      %parallel_loop3A_1139 = arith.index_cast %parallel_loop3A_1127 : i32 to index
      %parallel_loop3A_1140 = tpu.vector_load %arg8[%parallel_loop3A_1137, %parallel_loop3A_1138, %parallel_loop3A_1139] {strides = array<i32>} : memref<1x1x4096xf32, #tpu.memory_space<vmem>>, vector<16xf32>,
      tpu.vector_store %arg8[%parallel_loop3A_1137, %parallel_loop3A_1138, %parallel_loop3A_1139], %parallel_loop3A_1134 {strides = array<i32>} : memref<1x1x4096xf32, #tpu.memory_space<vmem>>, vector<16xf32>,
    } {sc.loop_unroll_factor = 8 : i64, sc.parallel_access}
    %dma_start3A_675 = arith.constant 12288 : i32
    %dma_start3A_676 = tpu.memref_slice %arg4[%select_n3A_618, %sub3A_621, %dma_start3A_675] : memref<26x16x16384xf32, #tpu.memory_space<hbm>> -> memref<1x1x4096xf32, #tpu.memory_space<hbm>>
    %dma_start3A_677 = arith.constant 12288 : i32
    %dma_start3A_678 = tpu.memref_slice %arg4[%select_n3A_618, %sub3A_621, %dma_start3A_677] : memref<26x16x16384xf32, #tpu.memory_space<hbm>> -> memref<1x1x4096xf32, #tpu.memory_space<hbm>>
    tpu.enqueue_dma source(%arg8 : memref<1x1x4096xf32, #tpu.memory_space<vmem>>) target(%dma_start3A_678 : memref<1x1x4096xf32, #tpu.memory_space<hbm>>) target_semaphore(%arg11 : memref<!tpu.dma_semaphore, #tpu.memory_space<semaphore_mem>>)
    %mul3A_679 = arith.constant 13 : i32
    %mul3A_680 = arith.muli %add3A, %mul3A_679 : i32
    %add3A_681 = arith.constant 8 : i32
    %add3A_682 = arith.addi %mul3A_680, %add3A_681 : i32
    %jit3A_683 = arith.constant 16 : i32
    %div3A_684 = arith.divsi %add3A_682, %jit3A_683 : i32
    %sign3A_685 = arith.constant 0 : i32
    %sign3A_686 = arith.cmpi sgt, %add3A_682, %sign3A_685 : i32
    %sign3A_687 = arith.extui %sign3A_686 : i1 to i32
    %sign3A_688 = arith.constant 0 : i32
    %sign3A_689 = arith.cmpi slt, %add3A_682, %sign3A_688 : i32
    %sign3A_690 = arith.extui %sign3A_689 : i1 to i32
    %sign3A_691 = arith.subi %sign3A_687, %sign3A_690 : i32
    %sign3A_692 = arith.constant 0 : i32
    %sign3A_693 = arith.cmpi sgt, %jit3A_683, %sign3A_692 : i32
    %sign3A_694 = arith.extui %sign3A_693 : i1 to i32
    %sign3A_695 = arith.constant 0 : i32
    %sign3A_696 = arith.cmpi slt, %jit3A_683, %sign3A_695 : i32
    %sign3A_697 = arith.extui %sign3A_696 : i1 to i32
    %sign3A_698 = arith.subi %sign3A_694, %sign3A_697 : i32
    %ne3A_699 = arith.cmpi ne, %sign3A_691, %sign3A_698 : i32
    %rem3A_700 = arith.remsi %add3A_682, %jit3A_683 : i32
    %ne3A_701 = arith.constant 0 : i32
    %ne3A_702 = arith.cmpi ne, %rem3A_700, %ne3A_701 : i32
    %and3A_703 = arith.andi %ne3A_699, %ne3A_702 : i1
    %sub3A_704 = arith.constant 1 : i32
    %sub3A_705 = arith.subi %div3A_684, %sub3A_704 : i32
    %select_n3A_706 = arith.select %and3A_703, %sub3A_705, %div3A_684 : i32
    %mul3A_707 = arith.constant 16 : i32
    %mul3A_708 = arith.muli %select_n3A_706, %mul3A_707 : i32
    %sub3A_709 = arith.subi %add3A_682, %mul3A_708 : i32
    %dma_start3A_710 = arith.constant 0 : i32
    %dma_start3A_711 = tpu.memref_slice %arg3[%select_n3A_706, %sub3A_709, %dma_start3A_710] : memref<26x16x100000xf32, #tpu.memory_space<hbm>> -> memref<1x1x100000xf32, #tpu.memory_space<hbm>>
    %dma_start3A_712 = arith.constant 0 : i32
    %dma_start3A_713 = tpu.memref_slice %arg3[%select_n3A_706, %sub3A_709, %dma_start3A_712] : memref<26x16x100000xf32, #tpu.memory_space<hbm>> -> memref<1x1x100000xf32, #tpu.memory_space<hbm>>
    tpu.enqueue_dma source(%dma_start3A_713 : memref<1x1x100000xf32, #tpu.memory_space<hbm>>) target(%arg5 : memref<1x1x100000xf32, #tpu.memory_space<vmem>>) target_semaphore(%arg9 : memref<!tpu.dma_semaphore, #tpu.memory_space<semaphore_mem>>)
    %eq3A_714 = arith.constant 0 : i32
    %eq3A_715 = arith.cmpi eq, %sub3A_709, %eq3A_714 : i32
    %convert_element_type3A_716 = arith.extui %eq3A_715 : i1 to i32
    %cond3A_717 = arith.constant 0 : i32
    %cond3A_718 = arith.cmpi ne, %convert_element_type3A_716, %cond3A_717 : i32
    scf.if %cond3A_718 {
      "tpu.region"() ({
        %run_scoped3A = tpu.sem_alloc : memref<!tpu.dma_semaphore, #tpu.memory_space<semaphore_mem>>
        %dma_start3A_1127 = arith.constant 0 : i32
        %dma_start3A_1128 = tpu.memref_slice %arg2[%select_n3A_706, %dma_start3A_1127] : memref<26x16384xi32, #tpu.memory_space<hbm>> -> memref<1x16384xi32, #tpu.memory_space<hbm>>
        %dma_start3A_1129 = arith.constant 0 : i32
        %dma_start3A_1130 = tpu.memref_slice %arg2[%select_n3A_706, %dma_start3A_1129] : memref<26x16384xi32, #tpu.memory_space<hbm>> -> memref<1x16384xi32, #tpu.memory_space<hbm>>
        tpu.enqueue_dma source(%dma_start3A_1130 : memref<1x16384xi32, #tpu.memory_space<hbm>>) target(%arg6 : memref<1x16384xi32, #tpu.memory_space<vmem>>) target_semaphore(%run_scoped3A : memref<!tpu.dma_semaphore, #tpu.memory_space<semaphore_mem>>)
        %dma_wait3A_1131 = arith.constant 0 : i32
        %dma_wait3A_1132 = tpu.memref_slice %arg2[%select_n3A_706, %dma_wait3A_1131] : memref<26x16384xi32, #tpu.memory_space<hbm>> -> memref<1x16384xi32, #tpu.memory_space<hbm>>
        %dma_wait3A_1133 = arith.constant 0 : i32
        %dma_wait3A_1134 = tpu.memref_slice %arg2[%select_n3A_706, %dma_wait3A_1133] : memref<26x16384xi32, #tpu.memory_space<hbm>> -> memref<1x16384xi32, #tpu.memory_space<hbm>>
        tpu.wait_dma2 semaphore(%run_scoped3A : memref<!tpu.dma_semaphore, #tpu.memory_space<semaphore_mem>>) src(%dma_wait3A_1134 : memref<1x16384xi32, #tpu.memory_space<hbm>>) dst(%arg6 : memref<1x16384xi32, #tpu.memory_space<vmem>>)
        tpu.yield
      }) : () -> ()
    } else {
    }
    %dma_wait3A_719 = arith.constant 0 : i32
    %dma_wait3A_720 = tpu.memref_slice %arg3[%select_n3A_706, %sub3A_709, %dma_wait3A_719] : memref<26x16x100000xf32, #tpu.memory_space<hbm>> -> memref<1x1x100000xf32, #tpu.memory_space<hbm>>
    %dma_wait3A_721 = arith.constant 0 : i32
    %dma_wait3A_722 = tpu.memref_slice %arg3[%select_n3A_706, %sub3A_709, %dma_wait3A_721] : memref<26x16x100000xf32, #tpu.memory_space<hbm>> -> memref<1x1x100000xf32, #tpu.memory_space<hbm>>
    tpu.wait_dma2 semaphore(%arg9 : memref<!tpu.dma_semaphore, #tpu.memory_space<semaphore_mem>>) src(%dma_wait3A_722 : memref<1x1x100000xf32, #tpu.memory_space<hbm>>) dst(%arg5 : memref<1x1x100000xf32, #tpu.memory_space<vmem>>)
    %dma_wait3A_723 = arith.constant 8192 : i32
    %dma_wait3A_724 = tpu.memref_slice %arg4[%select_n3A_618, %sub3A_621, %dma_wait3A_723] : memref<26x16x16384xf32, #tpu.memory_space<hbm>> -> memref<1x1x4096xf32, #tpu.memory_space<hbm>>
    %dma_wait3A_725 = arith.constant 8192 : i32
    %dma_wait3A_726 = tpu.memref_slice %arg4[%select_n3A_618, %sub3A_621, %dma_wait3A_725] : memref<26x16x16384xf32, #tpu.memory_space<hbm>> -> memref<1x1x4096xf32, #tpu.memory_space<hbm>>
    tpu.wait_dma2 semaphore(%arg10 : memref<!tpu.dma_semaphore, #tpu.memory_space<semaphore_mem>>) src(%arg7 : memref<1x1x4096xf32, #tpu.memory_space<vmem>>) dst(%dma_wait3A_726 : memref<1x1x4096xf32, #tpu.memory_space<hbm>>)
    %parallel_loop3A_727 = arith.constant 0 : i32
    %parallel_loop3A_728 = arith.constant 4096 : i32
    %parallel_loop3A_729 = arith.constant 16 : i32
    scf.for %parallel_loop3A_1127 = %parallel_loop3A_727 to %parallel_loop3A_728 step %parallel_loop3A_729  : i32 {
      %parallel_loop3A_1128 = arith.constant 0 : i32
      %parallel_loop3A_1129 = arith.addi %parallel_loop3A_1128, %parallel_loop3A_1127 : i32
      %parallel_loop3A_1130 = arith.constant 0 : i32
      %parallel_loop3A_1131 = arith.index_cast %parallel_loop3A_1130 : i32 to index
      %parallel_loop3A_1132 = arith.index_cast %parallel_loop3A_1129 : i32 to index
      %parallel_loop3A_1133 = tpu.vector_load %arg6[%parallel_loop3A_1131, %parallel_loop3A_1132] {strides = array<i32>} : memref<1x16384xi32, #tpu.memory_space<vmem>>, vector<16xi32>,
      %parallel_loop3A_1134 = tpu.vector_load_idx %arg5[%broadcast_in_dim3A_1, %broadcast_in_dim3A_1, %parallel_loop3A_1133] : memref<1x1x100000xf32, #tpu.memory_space<vmem>>[vector<16xi32>, vector<16xi32>, vector<16xi32>], vector<16xf32>,
      %parallel_loop3A_1135 = arith.constant 0 : i32
      %parallel_loop3A_1136 = arith.constant 0 : i32
      %parallel_loop3A_1137 = arith.index_cast %parallel_loop3A_1135 : i32 to index
      %parallel_loop3A_1138 = arith.index_cast %parallel_loop3A_1136 : i32 to index
      %parallel_loop3A_1139 = arith.index_cast %parallel_loop3A_1127 : i32 to index
      %parallel_loop3A_1140 = tpu.vector_load %arg7[%parallel_loop3A_1137, %parallel_loop3A_1138, %parallel_loop3A_1139] {strides = array<i32>} : memref<1x1x4096xf32, #tpu.memory_space<vmem>>, vector<16xf32>,
      tpu.vector_store %arg7[%parallel_loop3A_1137, %parallel_loop3A_1138, %parallel_loop3A_1139], %parallel_loop3A_1134 {strides = array<i32>} : memref<1x1x4096xf32, #tpu.memory_space<vmem>>, vector<16xf32>,
    } {sc.loop_unroll_factor = 8 : i64, sc.parallel_access}
    %dma_start3A_730 = arith.constant 0 : i32
    %dma_start3A_731 = tpu.memref_slice %arg4[%select_n3A_706, %sub3A_709, %dma_start3A_730] : memref<26x16x16384xf32, #tpu.memory_space<hbm>> -> memref<1x1x4096xf32, #tpu.memory_space<hbm>>
    %dma_start3A_732 = arith.constant 0 : i32
    %dma_start3A_733 = tpu.memref_slice %arg4[%select_n3A_706, %sub3A_709, %dma_start3A_732] : memref<26x16x16384xf32, #tpu.memory_space<hbm>> -> memref<1x1x4096xf32, #tpu.memory_space<hbm>>
    tpu.enqueue_dma source(%arg7 : memref<1x1x4096xf32, #tpu.memory_space<vmem>>) target(%dma_start3A_733 : memref<1x1x4096xf32, #tpu.memory_space<hbm>>) target_semaphore(%arg10 : memref<!tpu.dma_semaphore, #tpu.memory_space<semaphore_mem>>)
    %dma_wait3A_734 = arith.constant 12288 : i32
    %dma_wait3A_735 = tpu.memref_slice %arg4[%select_n3A_618, %sub3A_621, %dma_wait3A_734] : memref<26x16x16384xf32, #tpu.memory_space<hbm>> -> memref<1x1x4096xf32, #tpu.memory_space<hbm>>
    %dma_wait3A_736 = arith.constant 12288 : i32
    %dma_wait3A_737 = tpu.memref_slice %arg4[%select_n3A_618, %sub3A_621, %dma_wait3A_736] : memref<26x16x16384xf32, #tpu.memory_space<hbm>> -> memref<1x1x4096xf32, #tpu.memory_space<hbm>>
    tpu.wait_dma2 semaphore(%arg11 : memref<!tpu.dma_semaphore, #tpu.memory_space<semaphore_mem>>) src(%arg8 : memref<1x1x4096xf32, #tpu.memory_space<vmem>>) dst(%dma_wait3A_737 : memref<1x1x4096xf32, #tpu.memory_space<hbm>>)
    %parallel_loop3A_738 = arith.constant 0 : i32
    %parallel_loop3A_739 = arith.constant 4096 : i32
    %parallel_loop3A_740 = arith.constant 16 : i32
    scf.for %parallel_loop3A_1127 = %parallel_loop3A_738 to %parallel_loop3A_739 step %parallel_loop3A_740  : i32 {
      %parallel_loop3A_1128 = arith.constant 4096 : i32
      %parallel_loop3A_1129 = arith.addi %parallel_loop3A_1128, %parallel_loop3A_1127 : i32
      %parallel_loop3A_1130 = arith.constant 0 : i32
      %parallel_loop3A_1131 = arith.index_cast %parallel_loop3A_1130 : i32 to index
      %parallel_loop3A_1132 = arith.index_cast %parallel_loop3A_1129 : i32 to index
      %parallel_loop3A_1133 = tpu.vector_load %arg6[%parallel_loop3A_1131, %parallel_loop3A_1132] {strides = array<i32>} : memref<1x16384xi32, #tpu.memory_space<vmem>>, vector<16xi32>,
      %parallel_loop3A_1134 = tpu.vector_load_idx %arg5[%broadcast_in_dim3A_1, %broadcast_in_dim3A_1, %parallel_loop3A_1133] : memref<1x1x100000xf32, #tpu.memory_space<vmem>>[vector<16xi32>, vector<16xi32>, vector<16xi32>], vector<16xf32>,
      %parallel_loop3A_1135 = arith.constant 0 : i32
      %parallel_loop3A_1136 = arith.constant 0 : i32
      %parallel_loop3A_1137 = arith.index_cast %parallel_loop3A_1135 : i32 to index
      %parallel_loop3A_1138 = arith.index_cast %parallel_loop3A_1136 : i32 to index
      %parallel_loop3A_1139 = arith.index_cast %parallel_loop3A_1127 : i32 to index
      %parallel_loop3A_1140 = tpu.vector_load %arg8[%parallel_loop3A_1137, %parallel_loop3A_1138, %parallel_loop3A_1139] {strides = array<i32>} : memref<1x1x4096xf32, #tpu.memory_space<vmem>>, vector<16xf32>,
      tpu.vector_store %arg8[%parallel_loop3A_1137, %parallel_loop3A_1138, %parallel_loop3A_1139], %parallel_loop3A_1134 {strides = array<i32>} : memref<1x1x4096xf32, #tpu.memory_space<vmem>>, vector<16xf32>,
    } {sc.loop_unroll_factor = 8 : i64, sc.parallel_access}
    %dma_start3A_741 = arith.constant 4096 : i32
    %dma_start3A_742 = tpu.memref_slice %arg4[%select_n3A_706, %sub3A_709, %dma_start3A_741] : memref<26x16x16384xf32, #tpu.memory_space<hbm>> -> memref<1x1x4096xf32, #tpu.memory_space<hbm>>
    %dma_start3A_743 = arith.constant 4096 : i32
    %dma_start3A_744 = tpu.memref_slice %arg4[%select_n3A_706, %sub3A_709, %dma_start3A_743] : memref<26x16x16384xf32, #tpu.memory_space<hbm>> -> memref<1x1x4096xf32, #tpu.memory_space<hbm>>
    tpu.enqueue_dma source(%arg8 : memref<1x1x4096xf32, #tpu.memory_space<vmem>>) target(%dma_start3A_744 : memref<1x1x4096xf32, #tpu.memory_space<hbm>>) target_semaphore(%arg11 : memref<!tpu.dma_semaphore, #tpu.memory_space<semaphore_mem>>)
    %dma_wait3A_745 = arith.constant 0 : i32
    %dma_wait3A_746 = tpu.memref_slice %arg4[%select_n3A_706, %sub3A_709, %dma_wait3A_745] : memref<26x16x16384xf32, #tpu.memory_space<hbm>> -> memref<1x1x4096xf32, #tpu.memory_space<hbm>>
    %dma_wait3A_747 = arith.constant 0 : i32
    %dma_wait3A_748 = tpu.memref_slice %arg4[%select_n3A_706, %sub3A_709, %dma_wait3A_747] : memref<26x16x16384xf32, #tpu.memory_space<hbm>> -> memref<1x1x4096xf32, #tpu.memory_space<hbm>>
    tpu.wait_dma2 semaphore(%arg10 : memref<!tpu.dma_semaphore, #tpu.memory_space<semaphore_mem>>) src(%arg7 : memref<1x1x4096xf32, #tpu.memory_space<vmem>>) dst(%dma_wait3A_748 : memref<1x1x4096xf32, #tpu.memory_space<hbm>>)
    %parallel_loop3A_749 = arith.constant 0 : i32
    %parallel_loop3A_750 = arith.constant 4096 : i32
    %parallel_loop3A_751 = arith.constant 16 : i32
    scf.for %parallel_loop3A_1127 = %parallel_loop3A_749 to %parallel_loop3A_750 step %parallel_loop3A_751  : i32 {
      %parallel_loop3A_1128 = arith.constant 8192 : i32
      %parallel_loop3A_1129 = arith.addi %parallel_loop3A_1128, %parallel_loop3A_1127 : i32
      %parallel_loop3A_1130 = arith.constant 0 : i32
      %parallel_loop3A_1131 = arith.index_cast %parallel_loop3A_1130 : i32 to index
      %parallel_loop3A_1132 = arith.index_cast %parallel_loop3A_1129 : i32 to index
      %parallel_loop3A_1133 = tpu.vector_load %arg6[%parallel_loop3A_1131, %parallel_loop3A_1132] {strides = array<i32>} : memref<1x16384xi32, #tpu.memory_space<vmem>>, vector<16xi32>,
      %parallel_loop3A_1134 = tpu.vector_load_idx %arg5[%broadcast_in_dim3A_1, %broadcast_in_dim3A_1, %parallel_loop3A_1133] : memref<1x1x100000xf32, #tpu.memory_space<vmem>>[vector<16xi32>, vector<16xi32>, vector<16xi32>], vector<16xf32>,
      %parallel_loop3A_1135 = arith.constant 0 : i32
      %parallel_loop3A_1136 = arith.constant 0 : i32
      %parallel_loop3A_1137 = arith.index_cast %parallel_loop3A_1135 : i32 to index
      %parallel_loop3A_1138 = arith.index_cast %parallel_loop3A_1136 : i32 to index
      %parallel_loop3A_1139 = arith.index_cast %parallel_loop3A_1127 : i32 to index
      %parallel_loop3A_1140 = tpu.vector_load %arg7[%parallel_loop3A_1137, %parallel_loop3A_1138, %parallel_loop3A_1139] {strides = array<i32>} : memref<1x1x4096xf32, #tpu.memory_space<vmem>>, vector<16xf32>,
      tpu.vector_store %arg7[%parallel_loop3A_1137, %parallel_loop3A_1138, %parallel_loop3A_1139], %parallel_loop3A_1134 {strides = array<i32>} : memref<1x1x4096xf32, #tpu.memory_space<vmem>>, vector<16xf32>,
    } {sc.loop_unroll_factor = 8 : i64, sc.parallel_access}
    %dma_start3A_752 = arith.constant 8192 : i32
    %dma_start3A_753 = tpu.memref_slice %arg4[%select_n3A_706, %sub3A_709, %dma_start3A_752] : memref<26x16x16384xf32, #tpu.memory_space<hbm>> -> memref<1x1x4096xf32, #tpu.memory_space<hbm>>
    %dma_start3A_754 = arith.constant 8192 : i32
    %dma_start3A_755 = tpu.memref_slice %arg4[%select_n3A_706, %sub3A_709, %dma_start3A_754] : memref<26x16x16384xf32, #tpu.memory_space<hbm>> -> memref<1x1x4096xf32, #tpu.memory_space<hbm>>
    tpu.enqueue_dma source(%arg7 : memref<1x1x4096xf32, #tpu.memory_space<vmem>>) target(%dma_start3A_755 : memref<1x1x4096xf32, #tpu.memory_space<hbm>>) target_semaphore(%arg10 : memref<!tpu.dma_semaphore, #tpu.memory_space<semaphore_mem>>)
    %dma_wait3A_756 = arith.constant 4096 : i32
    %dma_wait3A_757 = tpu.memref_slice %arg4[%select_n3A_706, %sub3A_709, %dma_wait3A_756] : memref<26x16x16384xf32, #tpu.memory_space<hbm>> -> memref<1x1x4096xf32, #tpu.memory_space<hbm>>
    %dma_wait3A_758 = arith.constant 4096 : i32
    %dma_wait3A_759 = tpu.memref_slice %arg4[%select_n3A_706, %sub3A_709, %dma_wait3A_758] : memref<26x16x16384xf32, #tpu.memory_space<hbm>> -> memref<1x1x4096xf32, #tpu.memory_space<hbm>>
    tpu.wait_dma2 semaphore(%arg11 : memref<!tpu.dma_semaphore, #tpu.memory_space<semaphore_mem>>) src(%arg8 : memref<1x1x4096xf32, #tpu.memory_space<vmem>>) dst(%dma_wait3A_759 : memref<1x1x4096xf32, #tpu.memory_space<hbm>>)
    %parallel_loop3A_760 = arith.constant 0 : i32
    %parallel_loop3A_761 = arith.constant 4096 : i32
    %parallel_loop3A_762 = arith.constant 16 : i32
    scf.for %parallel_loop3A_1127 = %parallel_loop3A_760 to %parallel_loop3A_761 step %parallel_loop3A_762  : i32 {
      %parallel_loop3A_1128 = arith.constant 12288 : i32
      %parallel_loop3A_1129 = arith.addi %parallel_loop3A_1128, %parallel_loop3A_1127 : i32
      %parallel_loop3A_1130 = arith.constant 0 : i32
      %parallel_loop3A_1131 = arith.index_cast %parallel_loop3A_1130 : i32 to index
      %parallel_loop3A_1132 = arith.index_cast %parallel_loop3A_1129 : i32 to index
      %parallel_loop3A_1133 = tpu.vector_load %arg6[%parallel_loop3A_1131, %parallel_loop3A_1132] {strides = array<i32>} : memref<1x16384xi32, #tpu.memory_space<vmem>>, vector<16xi32>,
      %parallel_loop3A_1134 = tpu.vector_load_idx %arg5[%broadcast_in_dim3A_1, %broadcast_in_dim3A_1, %parallel_loop3A_1133] : memref<1x1x100000xf32, #tpu.memory_space<vmem>>[vector<16xi32>, vector<16xi32>, vector<16xi32>], vector<16xf32>,
      %parallel_loop3A_1135 = arith.constant 0 : i32
      %parallel_loop3A_1136 = arith.constant 0 : i32
      %parallel_loop3A_1137 = arith.index_cast %parallel_loop3A_1135 : i32 to index
      %parallel_loop3A_1138 = arith.index_cast %parallel_loop3A_1136 : i32 to index
      %parallel_loop3A_1139 = arith.index_cast %parallel_loop3A_1127 : i32 to index
      %parallel_loop3A_1140 = tpu.vector_load %arg8[%parallel_loop3A_1137, %parallel_loop3A_1138, %parallel_loop3A_1139] {strides = array<i32>} : memref<1x1x4096xf32, #tpu.memory_space<vmem>>, vector<16xf32>,
      tpu.vector_store %arg8[%parallel_loop3A_1137, %parallel_loop3A_1138, %parallel_loop3A_1139], %parallel_loop3A_1134 {strides = array<i32>} : memref<1x1x4096xf32, #tpu.memory_space<vmem>>, vector<16xf32>,
    } {sc.loop_unroll_factor = 8 : i64, sc.parallel_access}
    %dma_start3A_763 = arith.constant 12288 : i32
    %dma_start3A_764 = tpu.memref_slice %arg4[%select_n3A_706, %sub3A_709, %dma_start3A_763] : memref<26x16x16384xf32, #tpu.memory_space<hbm>> -> memref<1x1x4096xf32, #tpu.memory_space<hbm>>
    %dma_start3A_765 = arith.constant 12288 : i32
    %dma_start3A_766 = tpu.memref_slice %arg4[%select_n3A_706, %sub3A_709, %dma_start3A_765] : memref<26x16x16384xf32, #tpu.memory_space<hbm>> -> memref<1x1x4096xf32, #tpu.memory_space<hbm>>
    tpu.enqueue_dma source(%arg8 : memref<1x1x4096xf32, #tpu.memory_space<vmem>>) target(%dma_start3A_766 : memref<1x1x4096xf32, #tpu.memory_space<hbm>>) target_semaphore(%arg11 : memref<!tpu.dma_semaphore, #tpu.memory_space<semaphore_mem>>)
    %mul3A_767 = arith.constant 13 : i32
    %mul3A_768 = arith.muli %add3A, %mul3A_767 : i32
    %add3A_769 = arith.constant 9 : i32
    %add3A_770 = arith.addi %mul3A_768, %add3A_769 : i32
    %jit3A_771 = arith.constant 16 : i32
    %div3A_772 = arith.divsi %add3A_770, %jit3A_771 : i32
    %sign3A_773 = arith.constant 0 : i32
    %sign3A_774 = arith.cmpi sgt, %add3A_770, %sign3A_773 : i32
    %sign3A_775 = arith.extui %sign3A_774 : i1 to i32
    %sign3A_776 = arith.constant 0 : i32
    %sign3A_777 = arith.cmpi slt, %add3A_770, %sign3A_776 : i32
    %sign3A_778 = arith.extui %sign3A_777 : i1 to i32
    %sign3A_779 = arith.subi %sign3A_775, %sign3A_778 : i32
    %sign3A_780 = arith.constant 0 : i32
    %sign3A_781 = arith.cmpi sgt, %jit3A_771, %sign3A_780 : i32
    %sign3A_782 = arith.extui %sign3A_781 : i1 to i32
    %sign3A_783 = arith.constant 0 : i32
    %sign3A_784 = arith.cmpi slt, %jit3A_771, %sign3A_783 : i32
    %sign3A_785 = arith.extui %sign3A_784 : i1 to i32
    %sign3A_786 = arith.subi %sign3A_782, %sign3A_785 : i32
    %ne3A_787 = arith.cmpi ne, %sign3A_779, %sign3A_786 : i32
    %rem3A_788 = arith.remsi %add3A_770, %jit3A_771 : i32
    %ne3A_789 = arith.constant 0 : i32
    %ne3A_790 = arith.cmpi ne, %rem3A_788, %ne3A_789 : i32
    %and3A_791 = arith.andi %ne3A_787, %ne3A_790 : i1
    %sub3A_792 = arith.constant 1 : i32
    %sub3A_793 = arith.subi %div3A_772, %sub3A_792 : i32
    %select_n3A_794 = arith.select %and3A_791, %sub3A_793, %div3A_772 : i32
    %mul3A_795 = arith.constant 16 : i32
    %mul3A_796 = arith.muli %select_n3A_794, %mul3A_795 : i32
    %sub3A_797 = arith.subi %add3A_770, %mul3A_796 : i32
    %dma_start3A_798 = arith.constant 0 : i32
    %dma_start3A_799 = tpu.memref_slice %arg3[%select_n3A_794, %sub3A_797, %dma_start3A_798] : memref<26x16x100000xf32, #tpu.memory_space<hbm>> -> memref<1x1x100000xf32, #tpu.memory_space<hbm>>
    %dma_start3A_800 = arith.constant 0 : i32
    %dma_start3A_801 = tpu.memref_slice %arg3[%select_n3A_794, %sub3A_797, %dma_start3A_800] : memref<26x16x100000xf32, #tpu.memory_space<hbm>> -> memref<1x1x100000xf32, #tpu.memory_space<hbm>>
    tpu.enqueue_dma source(%dma_start3A_801 : memref<1x1x100000xf32, #tpu.memory_space<hbm>>) target(%arg5 : memref<1x1x100000xf32, #tpu.memory_space<vmem>>) target_semaphore(%arg9 : memref<!tpu.dma_semaphore, #tpu.memory_space<semaphore_mem>>)
    %eq3A_802 = arith.constant 0 : i32
    %eq3A_803 = arith.cmpi eq, %sub3A_797, %eq3A_802 : i32
    %convert_element_type3A_804 = arith.extui %eq3A_803 : i1 to i32
    %cond3A_805 = arith.constant 0 : i32
    %cond3A_806 = arith.cmpi ne, %convert_element_type3A_804, %cond3A_805 : i32
    scf.if %cond3A_806 {
      "tpu.region"() ({
        %run_scoped3A = tpu.sem_alloc : memref<!tpu.dma_semaphore, #tpu.memory_space<semaphore_mem>>
        %dma_start3A_1127 = arith.constant 0 : i32
        %dma_start3A_1128 = tpu.memref_slice %arg2[%select_n3A_794, %dma_start3A_1127] : memref<26x16384xi32, #tpu.memory_space<hbm>> -> memref<1x16384xi32, #tpu.memory_space<hbm>>
        %dma_start3A_1129 = arith.constant 0 : i32
        %dma_start3A_1130 = tpu.memref_slice %arg2[%select_n3A_794, %dma_start3A_1129] : memref<26x16384xi32, #tpu.memory_space<hbm>> -> memref<1x16384xi32, #tpu.memory_space<hbm>>
        tpu.enqueue_dma source(%dma_start3A_1130 : memref<1x16384xi32, #tpu.memory_space<hbm>>) target(%arg6 : memref<1x16384xi32, #tpu.memory_space<vmem>>) target_semaphore(%run_scoped3A : memref<!tpu.dma_semaphore, #tpu.memory_space<semaphore_mem>>)
        %dma_wait3A_1131 = arith.constant 0 : i32
        %dma_wait3A_1132 = tpu.memref_slice %arg2[%select_n3A_794, %dma_wait3A_1131] : memref<26x16384xi32, #tpu.memory_space<hbm>> -> memref<1x16384xi32, #tpu.memory_space<hbm>>
        %dma_wait3A_1133 = arith.constant 0 : i32
        %dma_wait3A_1134 = tpu.memref_slice %arg2[%select_n3A_794, %dma_wait3A_1133] : memref<26x16384xi32, #tpu.memory_space<hbm>> -> memref<1x16384xi32, #tpu.memory_space<hbm>>
        tpu.wait_dma2 semaphore(%run_scoped3A : memref<!tpu.dma_semaphore, #tpu.memory_space<semaphore_mem>>) src(%dma_wait3A_1134 : memref<1x16384xi32, #tpu.memory_space<hbm>>) dst(%arg6 : memref<1x16384xi32, #tpu.memory_space<vmem>>)
        tpu.yield
      }) : () -> ()
    } else {
    }
    %dma_wait3A_807 = arith.constant 0 : i32
    %dma_wait3A_808 = tpu.memref_slice %arg3[%select_n3A_794, %sub3A_797, %dma_wait3A_807] : memref<26x16x100000xf32, #tpu.memory_space<hbm>> -> memref<1x1x100000xf32, #tpu.memory_space<hbm>>
    %dma_wait3A_809 = arith.constant 0 : i32
    %dma_wait3A_810 = tpu.memref_slice %arg3[%select_n3A_794, %sub3A_797, %dma_wait3A_809] : memref<26x16x100000xf32, #tpu.memory_space<hbm>> -> memref<1x1x100000xf32, #tpu.memory_space<hbm>>
    tpu.wait_dma2 semaphore(%arg9 : memref<!tpu.dma_semaphore, #tpu.memory_space<semaphore_mem>>) src(%dma_wait3A_810 : memref<1x1x100000xf32, #tpu.memory_space<hbm>>) dst(%arg5 : memref<1x1x100000xf32, #tpu.memory_space<vmem>>)
    %dma_wait3A_811 = arith.constant 8192 : i32
    %dma_wait3A_812 = tpu.memref_slice %arg4[%select_n3A_706, %sub3A_709, %dma_wait3A_811] : memref<26x16x16384xf32, #tpu.memory_space<hbm>> -> memref<1x1x4096xf32, #tpu.memory_space<hbm>>
    %dma_wait3A_813 = arith.constant 8192 : i32
    %dma_wait3A_814 = tpu.memref_slice %arg4[%select_n3A_706, %sub3A_709, %dma_wait3A_813] : memref<26x16x16384xf32, #tpu.memory_space<hbm>> -> memref<1x1x4096xf32, #tpu.memory_space<hbm>>
    tpu.wait_dma2 semaphore(%arg10 : memref<!tpu.dma_semaphore, #tpu.memory_space<semaphore_mem>>) src(%arg7 : memref<1x1x4096xf32, #tpu.memory_space<vmem>>) dst(%dma_wait3A_814 : memref<1x1x4096xf32, #tpu.memory_space<hbm>>)
    %parallel_loop3A_815 = arith.constant 0 : i32
    %parallel_loop3A_816 = arith.constant 4096 : i32
    %parallel_loop3A_817 = arith.constant 16 : i32
    scf.for %parallel_loop3A_1127 = %parallel_loop3A_815 to %parallel_loop3A_816 step %parallel_loop3A_817  : i32 {
      %parallel_loop3A_1128 = arith.constant 0 : i32
      %parallel_loop3A_1129 = arith.addi %parallel_loop3A_1128, %parallel_loop3A_1127 : i32
      %parallel_loop3A_1130 = arith.constant 0 : i32
      %parallel_loop3A_1131 = arith.index_cast %parallel_loop3A_1130 : i32 to index
      %parallel_loop3A_1132 = arith.index_cast %parallel_loop3A_1129 : i32 to index
      %parallel_loop3A_1133 = tpu.vector_load %arg6[%parallel_loop3A_1131, %parallel_loop3A_1132] {strides = array<i32>} : memref<1x16384xi32, #tpu.memory_space<vmem>>, vector<16xi32>,
      %parallel_loop3A_1134 = tpu.vector_load_idx %arg5[%broadcast_in_dim3A_1, %broadcast_in_dim3A_1, %parallel_loop3A_1133] : memref<1x1x100000xf32, #tpu.memory_space<vmem>>[vector<16xi32>, vector<16xi32>, vector<16xi32>], vector<16xf32>,
      %parallel_loop3A_1135 = arith.constant 0 : i32
      %parallel_loop3A_1136 = arith.constant 0 : i32
      %parallel_loop3A_1137 = arith.index_cast %parallel_loop3A_1135 : i32 to index
      %parallel_loop3A_1138 = arith.index_cast %parallel_loop3A_1136 : i32 to index
      %parallel_loop3A_1139 = arith.index_cast %parallel_loop3A_1127 : i32 to index
      %parallel_loop3A_1140 = tpu.vector_load %arg7[%parallel_loop3A_1137, %parallel_loop3A_1138, %parallel_loop3A_1139] {strides = array<i32>} : memref<1x1x4096xf32, #tpu.memory_space<vmem>>, vector<16xf32>,
      tpu.vector_store %arg7[%parallel_loop3A_1137, %parallel_loop3A_1138, %parallel_loop3A_1139], %parallel_loop3A_1134 {strides = array<i32>} : memref<1x1x4096xf32, #tpu.memory_space<vmem>>, vector<16xf32>,
    } {sc.loop_unroll_factor = 8 : i64, sc.parallel_access}
    %dma_start3A_818 = arith.constant 0 : i32
    %dma_start3A_819 = tpu.memref_slice %arg4[%select_n3A_794, %sub3A_797, %dma_start3A_818] : memref<26x16x16384xf32, #tpu.memory_space<hbm>> -> memref<1x1x4096xf32, #tpu.memory_space<hbm>>
    %dma_start3A_820 = arith.constant 0 : i32
    %dma_start3A_821 = tpu.memref_slice %arg4[%select_n3A_794, %sub3A_797, %dma_start3A_820] : memref<26x16x16384xf32, #tpu.memory_space<hbm>> -> memref<1x1x4096xf32, #tpu.memory_space<hbm>>
    tpu.enqueue_dma source(%arg7 : memref<1x1x4096xf32, #tpu.memory_space<vmem>>) target(%dma_start3A_821 : memref<1x1x4096xf32, #tpu.memory_space<hbm>>) target_semaphore(%arg10 : memref<!tpu.dma_semaphore, #tpu.memory_space<semaphore_mem>>)
    %dma_wait3A_822 = arith.constant 12288 : i32
    %dma_wait3A_823 = tpu.memref_slice %arg4[%select_n3A_706, %sub3A_709, %dma_wait3A_822] : memref<26x16x16384xf32, #tpu.memory_space<hbm>> -> memref<1x1x4096xf32, #tpu.memory_space<hbm>>
    %dma_wait3A_824 = arith.constant 12288 : i32
    %dma_wait3A_825 = tpu.memref_slice %arg4[%select_n3A_706, %sub3A_709, %dma_wait3A_824] : memref<26x16x16384xf32, #tpu.memory_space<hbm>> -> memref<1x1x4096xf32, #tpu.memory_space<hbm>>
    tpu.wait_dma2 semaphore(%arg11 : memref<!tpu.dma_semaphore, #tpu.memory_space<semaphore_mem>>) src(%arg8 : memref<1x1x4096xf32, #tpu.memory_space<vmem>>) dst(%dma_wait3A_825 : memref<1x1x4096xf32, #tpu.memory_space<hbm>>)
    %parallel_loop3A_826 = arith.constant 0 : i32
    %parallel_loop3A_827 = arith.constant 4096 : i32
    %parallel_loop3A_828 = arith.constant 16 : i32
    scf.for %parallel_loop3A_1127 = %parallel_loop3A_826 to %parallel_loop3A_827 step %parallel_loop3A_828  : i32 {
      %parallel_loop3A_1128 = arith.constant 4096 : i32
      %parallel_loop3A_1129 = arith.addi %parallel_loop3A_1128, %parallel_loop3A_1127 : i32
      %parallel_loop3A_1130 = arith.constant 0 : i32
      %parallel_loop3A_1131 = arith.index_cast %parallel_loop3A_1130 : i32 to index
      %parallel_loop3A_1132 = arith.index_cast %parallel_loop3A_1129 : i32 to index
      %parallel_loop3A_1133 = tpu.vector_load %arg6[%parallel_loop3A_1131, %parallel_loop3A_1132] {strides = array<i32>} : memref<1x16384xi32, #tpu.memory_space<vmem>>, vector<16xi32>,
      %parallel_loop3A_1134 = tpu.vector_load_idx %arg5[%broadcast_in_dim3A_1, %broadcast_in_dim3A_1, %parallel_loop3A_1133] : memref<1x1x100000xf32, #tpu.memory_space<vmem>>[vector<16xi32>, vector<16xi32>, vector<16xi32>], vector<16xf32>,
      %parallel_loop3A_1135 = arith.constant 0 : i32
      %parallel_loop3A_1136 = arith.constant 0 : i32
      %parallel_loop3A_1137 = arith.index_cast %parallel_loop3A_1135 : i32 to index
      %parallel_loop3A_1138 = arith.index_cast %parallel_loop3A_1136 : i32 to index
      %parallel_loop3A_1139 = arith.index_cast %parallel_loop3A_1127 : i32 to index
      %parallel_loop3A_1140 = tpu.vector_load %arg8[%parallel_loop3A_1137, %parallel_loop3A_1138, %parallel_loop3A_1139] {strides = array<i32>} : memref<1x1x4096xf32, #tpu.memory_space<vmem>>, vector<16xf32>,
      tpu.vector_store %arg8[%parallel_loop3A_1137, %parallel_loop3A_1138, %parallel_loop3A_1139], %parallel_loop3A_1134 {strides = array<i32>} : memref<1x1x4096xf32, #tpu.memory_space<vmem>>, vector<16xf32>,
    } {sc.loop_unroll_factor = 8 : i64, sc.parallel_access}
    %dma_start3A_829 = arith.constant 4096 : i32
    %dma_start3A_830 = tpu.memref_slice %arg4[%select_n3A_794, %sub3A_797, %dma_start3A_829] : memref<26x16x16384xf32, #tpu.memory_space<hbm>> -> memref<1x1x4096xf32, #tpu.memory_space<hbm>>
    %dma_start3A_831 = arith.constant 4096 : i32
    %dma_start3A_832 = tpu.memref_slice %arg4[%select_n3A_794, %sub3A_797, %dma_start3A_831] : memref<26x16x16384xf32, #tpu.memory_space<hbm>> -> memref<1x1x4096xf32, #tpu.memory_space<hbm>>
    tpu.enqueue_dma source(%arg8 : memref<1x1x4096xf32, #tpu.memory_space<vmem>>) target(%dma_start3A_832 : memref<1x1x4096xf32, #tpu.memory_space<hbm>>) target_semaphore(%arg11 : memref<!tpu.dma_semaphore, #tpu.memory_space<semaphore_mem>>)
    %dma_wait3A_833 = arith.constant 0 : i32
    %dma_wait3A_834 = tpu.memref_slice %arg4[%select_n3A_794, %sub3A_797, %dma_wait3A_833] : memref<26x16x16384xf32, #tpu.memory_space<hbm>> -> memref<1x1x4096xf32, #tpu.memory_space<hbm>>
    %dma_wait3A_835 = arith.constant 0 : i32
    %dma_wait3A_836 = tpu.memref_slice %arg4[%select_n3A_794, %sub3A_797, %dma_wait3A_835] : memref<26x16x16384xf32, #tpu.memory_space<hbm>> -> memref<1x1x4096xf32, #tpu.memory_space<hbm>>
    tpu.wait_dma2 semaphore(%arg10 : memref<!tpu.dma_semaphore, #tpu.memory_space<semaphore_mem>>) src(%arg7 : memref<1x1x4096xf32, #tpu.memory_space<vmem>>) dst(%dma_wait3A_836 : memref<1x1x4096xf32, #tpu.memory_space<hbm>>)
    %parallel_loop3A_837 = arith.constant 0 : i32
    %parallel_loop3A_838 = arith.constant 4096 : i32
    %parallel_loop3A_839 = arith.constant 16 : i32
    scf.for %parallel_loop3A_1127 = %parallel_loop3A_837 to %parallel_loop3A_838 step %parallel_loop3A_839  : i32 {
      %parallel_loop3A_1128 = arith.constant 8192 : i32
      %parallel_loop3A_1129 = arith.addi %parallel_loop3A_1128, %parallel_loop3A_1127 : i32
      %parallel_loop3A_1130 = arith.constant 0 : i32
      %parallel_loop3A_1131 = arith.index_cast %parallel_loop3A_1130 : i32 to index
      %parallel_loop3A_1132 = arith.index_cast %parallel_loop3A_1129 : i32 to index
      %parallel_loop3A_1133 = tpu.vector_load %arg6[%parallel_loop3A_1131, %parallel_loop3A_1132] {strides = array<i32>} : memref<1x16384xi32, #tpu.memory_space<vmem>>, vector<16xi32>,
      %parallel_loop3A_1134 = tpu.vector_load_idx %arg5[%broadcast_in_dim3A_1, %broadcast_in_dim3A_1, %parallel_loop3A_1133] : memref<1x1x100000xf32, #tpu.memory_space<vmem>>[vector<16xi32>, vector<16xi32>, vector<16xi32>], vector<16xf32>,
      %parallel_loop3A_1135 = arith.constant 0 : i32
      %parallel_loop3A_1136 = arith.constant 0 : i32
      %parallel_loop3A_1137 = arith.index_cast %parallel_loop3A_1135 : i32 to index
      %parallel_loop3A_1138 = arith.index_cast %parallel_loop3A_1136 : i32 to index
      %parallel_loop3A_1139 = arith.index_cast %parallel_loop3A_1127 : i32 to index
      %parallel_loop3A_1140 = tpu.vector_load %arg7[%parallel_loop3A_1137, %parallel_loop3A_1138, %parallel_loop3A_1139] {strides = array<i32>} : memref<1x1x4096xf32, #tpu.memory_space<vmem>>, vector<16xf32>,
      tpu.vector_store %arg7[%parallel_loop3A_1137, %parallel_loop3A_1138, %parallel_loop3A_1139], %parallel_loop3A_1134 {strides = array<i32>} : memref<1x1x4096xf32, #tpu.memory_space<vmem>>, vector<16xf32>,
    } {sc.loop_unroll_factor = 8 : i64, sc.parallel_access}
    %dma_start3A_840 = arith.constant 8192 : i32
    %dma_start3A_841 = tpu.memref_slice %arg4[%select_n3A_794, %sub3A_797, %dma_start3A_840] : memref<26x16x16384xf32, #tpu.memory_space<hbm>> -> memref<1x1x4096xf32, #tpu.memory_space<hbm>>
    %dma_start3A_842 = arith.constant 8192 : i32
    %dma_start3A_843 = tpu.memref_slice %arg4[%select_n3A_794, %sub3A_797, %dma_start3A_842] : memref<26x16x16384xf32, #tpu.memory_space<hbm>> -> memref<1x1x4096xf32, #tpu.memory_space<hbm>>
    tpu.enqueue_dma source(%arg7 : memref<1x1x4096xf32, #tpu.memory_space<vmem>>) target(%dma_start3A_843 : memref<1x1x4096xf32, #tpu.memory_space<hbm>>) target_semaphore(%arg10 : memref<!tpu.dma_semaphore, #tpu.memory_space<semaphore_mem>>)
    %dma_wait3A_844 = arith.constant 4096 : i32
    %dma_wait3A_845 = tpu.memref_slice %arg4[%select_n3A_794, %sub3A_797, %dma_wait3A_844] : memref<26x16x16384xf32, #tpu.memory_space<hbm>> -> memref<1x1x4096xf32, #tpu.memory_space<hbm>>
    %dma_wait3A_846 = arith.constant 4096 : i32
    %dma_wait3A_847 = tpu.memref_slice %arg4[%select_n3A_794, %sub3A_797, %dma_wait3A_846] : memref<26x16x16384xf32, #tpu.memory_space<hbm>> -> memref<1x1x4096xf32, #tpu.memory_space<hbm>>
    tpu.wait_dma2 semaphore(%arg11 : memref<!tpu.dma_semaphore, #tpu.memory_space<semaphore_mem>>) src(%arg8 : memref<1x1x4096xf32, #tpu.memory_space<vmem>>) dst(%dma_wait3A_847 : memref<1x1x4096xf32, #tpu.memory_space<hbm>>)
    %parallel_loop3A_848 = arith.constant 0 : i32
    %parallel_loop3A_849 = arith.constant 4096 : i32
    %parallel_loop3A_850 = arith.constant 16 : i32
    scf.for %parallel_loop3A_1127 = %parallel_loop3A_848 to %parallel_loop3A_849 step %parallel_loop3A_850  : i32 {
      %parallel_loop3A_1128 = arith.constant 12288 : i32
      %parallel_loop3A_1129 = arith.addi %parallel_loop3A_1128, %parallel_loop3A_1127 : i32
      %parallel_loop3A_1130 = arith.constant 0 : i32
      %parallel_loop3A_1131 = arith.index_cast %parallel_loop3A_1130 : i32 to index
      %parallel_loop3A_1132 = arith.index_cast %parallel_loop3A_1129 : i32 to index
      %parallel_loop3A_1133 = tpu.vector_load %arg6[%parallel_loop3A_1131, %parallel_loop3A_1132] {strides = array<i32>} : memref<1x16384xi32, #tpu.memory_space<vmem>>, vector<16xi32>,
      %parallel_loop3A_1134 = tpu.vector_load_idx %arg5[%broadcast_in_dim3A_1, %broadcast_in_dim3A_1, %parallel_loop3A_1133] : memref<1x1x100000xf32, #tpu.memory_space<vmem>>[vector<16xi32>, vector<16xi32>, vector<16xi32>], vector<16xf32>,
      %parallel_loop3A_1135 = arith.constant 0 : i32
      %parallel_loop3A_1136 = arith.constant 0 : i32
      %parallel_loop3A_1137 = arith.index_cast %parallel_loop3A_1135 : i32 to index
      %parallel_loop3A_1138 = arith.index_cast %parallel_loop3A_1136 : i32 to index
      %parallel_loop3A_1139 = arith.index_cast %parallel_loop3A_1127 : i32 to index
      %parallel_loop3A_1140 = tpu.vector_load %arg8[%parallel_loop3A_1137, %parallel_loop3A_1138, %parallel_loop3A_1139] {strides = array<i32>} : memref<1x1x4096xf32, #tpu.memory_space<vmem>>, vector<16xf32>,
      tpu.vector_store %arg8[%parallel_loop3A_1137, %parallel_loop3A_1138, %parallel_loop3A_1139], %parallel_loop3A_1134 {strides = array<i32>} : memref<1x1x4096xf32, #tpu.memory_space<vmem>>, vector<16xf32>,
    } {sc.loop_unroll_factor = 8 : i64, sc.parallel_access}
    %dma_start3A_851 = arith.constant 12288 : i32
    %dma_start3A_852 = tpu.memref_slice %arg4[%select_n3A_794, %sub3A_797, %dma_start3A_851] : memref<26x16x16384xf32, #tpu.memory_space<hbm>> -> memref<1x1x4096xf32, #tpu.memory_space<hbm>>
    %dma_start3A_853 = arith.constant 12288 : i32
    %dma_start3A_854 = tpu.memref_slice %arg4[%select_n3A_794, %sub3A_797, %dma_start3A_853] : memref<26x16x16384xf32, #tpu.memory_space<hbm>> -> memref<1x1x4096xf32, #tpu.memory_space<hbm>>
    tpu.enqueue_dma source(%arg8 : memref<1x1x4096xf32, #tpu.memory_space<vmem>>) target(%dma_start3A_854 : memref<1x1x4096xf32, #tpu.memory_space<hbm>>) target_semaphore(%arg11 : memref<!tpu.dma_semaphore, #tpu.memory_space<semaphore_mem>>)
    %mul3A_855 = arith.constant 13 : i32
    %mul3A_856 = arith.muli %add3A, %mul3A_855 : i32
    %add3A_857 = arith.constant 10 : i32
    %add3A_858 = arith.addi %mul3A_856, %add3A_857 : i32
    %jit3A_859 = arith.constant 16 : i32
    %div3A_860 = arith.divsi %add3A_858, %jit3A_859 : i32
    %sign3A_861 = arith.constant 0 : i32
    %sign3A_862 = arith.cmpi sgt, %add3A_858, %sign3A_861 : i32
    %sign3A_863 = arith.extui %sign3A_862 : i1 to i32
    %sign3A_864 = arith.constant 0 : i32
    %sign3A_865 = arith.cmpi slt, %add3A_858, %sign3A_864 : i32
    %sign3A_866 = arith.extui %sign3A_865 : i1 to i32
    %sign3A_867 = arith.subi %sign3A_863, %sign3A_866 : i32
    %sign3A_868 = arith.constant 0 : i32
    %sign3A_869 = arith.cmpi sgt, %jit3A_859, %sign3A_868 : i32
    %sign3A_870 = arith.extui %sign3A_869 : i1 to i32
    %sign3A_871 = arith.constant 0 : i32
    %sign3A_872 = arith.cmpi slt, %jit3A_859, %sign3A_871 : i32
    %sign3A_873 = arith.extui %sign3A_872 : i1 to i32
    %sign3A_874 = arith.subi %sign3A_870, %sign3A_873 : i32
    %ne3A_875 = arith.cmpi ne, %sign3A_867, %sign3A_874 : i32
    %rem3A_876 = arith.remsi %add3A_858, %jit3A_859 : i32
    %ne3A_877 = arith.constant 0 : i32
    %ne3A_878 = arith.cmpi ne, %rem3A_876, %ne3A_877 : i32
    %and3A_879 = arith.andi %ne3A_875, %ne3A_878 : i1
    %sub3A_880 = arith.constant 1 : i32
    %sub3A_881 = arith.subi %div3A_860, %sub3A_880 : i32
    %select_n3A_882 = arith.select %and3A_879, %sub3A_881, %div3A_860 : i32
    %mul3A_883 = arith.constant 16 : i32
    %mul3A_884 = arith.muli %select_n3A_882, %mul3A_883 : i32
    %sub3A_885 = arith.subi %add3A_858, %mul3A_884 : i32
    %dma_start3A_886 = arith.constant 0 : i32
    %dma_start3A_887 = tpu.memref_slice %arg3[%select_n3A_882, %sub3A_885, %dma_start3A_886] : memref<26x16x100000xf32, #tpu.memory_space<hbm>> -> memref<1x1x100000xf32, #tpu.memory_space<hbm>>
    %dma_start3A_888 = arith.constant 0 : i32
    %dma_start3A_889 = tpu.memref_slice %arg3[%select_n3A_882, %sub3A_885, %dma_start3A_888] : memref<26x16x100000xf32, #tpu.memory_space<hbm>> -> memref<1x1x100000xf32, #tpu.memory_space<hbm>>
    tpu.enqueue_dma source(%dma_start3A_889 : memref<1x1x100000xf32, #tpu.memory_space<hbm>>) target(%arg5 : memref<1x1x100000xf32, #tpu.memory_space<vmem>>) target_semaphore(%arg9 : memref<!tpu.dma_semaphore, #tpu.memory_space<semaphore_mem>>)
    %eq3A_890 = arith.constant 0 : i32
    %eq3A_891 = arith.cmpi eq, %sub3A_885, %eq3A_890 : i32
    %convert_element_type3A_892 = arith.extui %eq3A_891 : i1 to i32
    %cond3A_893 = arith.constant 0 : i32
    %cond3A_894 = arith.cmpi ne, %convert_element_type3A_892, %cond3A_893 : i32
    scf.if %cond3A_894 {
      "tpu.region"() ({
        %run_scoped3A = tpu.sem_alloc : memref<!tpu.dma_semaphore, #tpu.memory_space<semaphore_mem>>
        %dma_start3A_1127 = arith.constant 0 : i32
        %dma_start3A_1128 = tpu.memref_slice %arg2[%select_n3A_882, %dma_start3A_1127] : memref<26x16384xi32, #tpu.memory_space<hbm>> -> memref<1x16384xi32, #tpu.memory_space<hbm>>
        %dma_start3A_1129 = arith.constant 0 : i32
        %dma_start3A_1130 = tpu.memref_slice %arg2[%select_n3A_882, %dma_start3A_1129] : memref<26x16384xi32, #tpu.memory_space<hbm>> -> memref<1x16384xi32, #tpu.memory_space<hbm>>
        tpu.enqueue_dma source(%dma_start3A_1130 : memref<1x16384xi32, #tpu.memory_space<hbm>>) target(%arg6 : memref<1x16384xi32, #tpu.memory_space<vmem>>) target_semaphore(%run_scoped3A : memref<!tpu.dma_semaphore, #tpu.memory_space<semaphore_mem>>)
        %dma_wait3A_1131 = arith.constant 0 : i32
        %dma_wait3A_1132 = tpu.memref_slice %arg2[%select_n3A_882, %dma_wait3A_1131] : memref<26x16384xi32, #tpu.memory_space<hbm>> -> memref<1x16384xi32, #tpu.memory_space<hbm>>
        %dma_wait3A_1133 = arith.constant 0 : i32
        %dma_wait3A_1134 = tpu.memref_slice %arg2[%select_n3A_882, %dma_wait3A_1133] : memref<26x16384xi32, #tpu.memory_space<hbm>> -> memref<1x16384xi32, #tpu.memory_space<hbm>>
        tpu.wait_dma2 semaphore(%run_scoped3A : memref<!tpu.dma_semaphore, #tpu.memory_space<semaphore_mem>>) src(%dma_wait3A_1134 : memref<1x16384xi32, #tpu.memory_space<hbm>>) dst(%arg6 : memref<1x16384xi32, #tpu.memory_space<vmem>>)
        tpu.yield
      }) : () -> ()
    } else {
    }
    %dma_wait3A_895 = arith.constant 0 : i32
    %dma_wait3A_896 = tpu.memref_slice %arg3[%select_n3A_882, %sub3A_885, %dma_wait3A_895] : memref<26x16x100000xf32, #tpu.memory_space<hbm>> -> memref<1x1x100000xf32, #tpu.memory_space<hbm>>
    %dma_wait3A_897 = arith.constant 0 : i32
    %dma_wait3A_898 = tpu.memref_slice %arg3[%select_n3A_882, %sub3A_885, %dma_wait3A_897] : memref<26x16x100000xf32, #tpu.memory_space<hbm>> -> memref<1x1x100000xf32, #tpu.memory_space<hbm>>
    tpu.wait_dma2 semaphore(%arg9 : memref<!tpu.dma_semaphore, #tpu.memory_space<semaphore_mem>>) src(%dma_wait3A_898 : memref<1x1x100000xf32, #tpu.memory_space<hbm>>) dst(%arg5 : memref<1x1x100000xf32, #tpu.memory_space<vmem>>)
    %dma_wait3A_899 = arith.constant 8192 : i32
    %dma_wait3A_900 = tpu.memref_slice %arg4[%select_n3A_794, %sub3A_797, %dma_wait3A_899] : memref<26x16x16384xf32, #tpu.memory_space<hbm>> -> memref<1x1x4096xf32, #tpu.memory_space<hbm>>
    %dma_wait3A_901 = arith.constant 8192 : i32
    %dma_wait3A_902 = tpu.memref_slice %arg4[%select_n3A_794, %sub3A_797, %dma_wait3A_901] : memref<26x16x16384xf32, #tpu.memory_space<hbm>> -> memref<1x1x4096xf32, #tpu.memory_space<hbm>>
    tpu.wait_dma2 semaphore(%arg10 : memref<!tpu.dma_semaphore, #tpu.memory_space<semaphore_mem>>) src(%arg7 : memref<1x1x4096xf32, #tpu.memory_space<vmem>>) dst(%dma_wait3A_902 : memref<1x1x4096xf32, #tpu.memory_space<hbm>>)
    %parallel_loop3A_903 = arith.constant 0 : i32
    %parallel_loop3A_904 = arith.constant 4096 : i32
    %parallel_loop3A_905 = arith.constant 16 : i32
    scf.for %parallel_loop3A_1127 = %parallel_loop3A_903 to %parallel_loop3A_904 step %parallel_loop3A_905  : i32 {
      %parallel_loop3A_1128 = arith.constant 0 : i32
      %parallel_loop3A_1129 = arith.addi %parallel_loop3A_1128, %parallel_loop3A_1127 : i32
      %parallel_loop3A_1130 = arith.constant 0 : i32
      %parallel_loop3A_1131 = arith.index_cast %parallel_loop3A_1130 : i32 to index
      %parallel_loop3A_1132 = arith.index_cast %parallel_loop3A_1129 : i32 to index
      %parallel_loop3A_1133 = tpu.vector_load %arg6[%parallel_loop3A_1131, %parallel_loop3A_1132] {strides = array<i32>} : memref<1x16384xi32, #tpu.memory_space<vmem>>, vector<16xi32>,
      %parallel_loop3A_1134 = tpu.vector_load_idx %arg5[%broadcast_in_dim3A_1, %broadcast_in_dim3A_1, %parallel_loop3A_1133] : memref<1x1x100000xf32, #tpu.memory_space<vmem>>[vector<16xi32>, vector<16xi32>, vector<16xi32>], vector<16xf32>,
      %parallel_loop3A_1135 = arith.constant 0 : i32
      %parallel_loop3A_1136 = arith.constant 0 : i32
      %parallel_loop3A_1137 = arith.index_cast %parallel_loop3A_1135 : i32 to index
      %parallel_loop3A_1138 = arith.index_cast %parallel_loop3A_1136 : i32 to index
      %parallel_loop3A_1139 = arith.index_cast %parallel_loop3A_1127 : i32 to index
      %parallel_loop3A_1140 = tpu.vector_load %arg7[%parallel_loop3A_1137, %parallel_loop3A_1138, %parallel_loop3A_1139] {strides = array<i32>} : memref<1x1x4096xf32, #tpu.memory_space<vmem>>, vector<16xf32>,
      tpu.vector_store %arg7[%parallel_loop3A_1137, %parallel_loop3A_1138, %parallel_loop3A_1139], %parallel_loop3A_1134 {strides = array<i32>} : memref<1x1x4096xf32, #tpu.memory_space<vmem>>, vector<16xf32>,
    } {sc.loop_unroll_factor = 8 : i64, sc.parallel_access}
    %dma_start3A_906 = arith.constant 0 : i32
    %dma_start3A_907 = tpu.memref_slice %arg4[%select_n3A_882, %sub3A_885, %dma_start3A_906] : memref<26x16x16384xf32, #tpu.memory_space<hbm>> -> memref<1x1x4096xf32, #tpu.memory_space<hbm>>
    %dma_start3A_908 = arith.constant 0 : i32
    %dma_start3A_909 = tpu.memref_slice %arg4[%select_n3A_882, %sub3A_885, %dma_start3A_908] : memref<26x16x16384xf32, #tpu.memory_space<hbm>> -> memref<1x1x4096xf32, #tpu.memory_space<hbm>>
    tpu.enqueue_dma source(%arg7 : memref<1x1x4096xf32, #tpu.memory_space<vmem>>) target(%dma_start3A_909 : memref<1x1x4096xf32, #tpu.memory_space<hbm>>) target_semaphore(%arg10 : memref<!tpu.dma_semaphore, #tpu.memory_space<semaphore_mem>>)
    %dma_wait3A_910 = arith.constant 12288 : i32
    %dma_wait3A_911 = tpu.memref_slice %arg4[%select_n3A_794, %sub3A_797, %dma_wait3A_910] : memref<26x16x16384xf32, #tpu.memory_space<hbm>> -> memref<1x1x4096xf32, #tpu.memory_space<hbm>>
    %dma_wait3A_912 = arith.constant 12288 : i32
    %dma_wait3A_913 = tpu.memref_slice %arg4[%select_n3A_794, %sub3A_797, %dma_wait3A_912] : memref<26x16x16384xf32, #tpu.memory_space<hbm>> -> memref<1x1x4096xf32, #tpu.memory_space<hbm>>
    tpu.wait_dma2 semaphore(%arg11 : memref<!tpu.dma_semaphore, #tpu.memory_space<semaphore_mem>>) src(%arg8 : memref<1x1x4096xf32, #tpu.memory_space<vmem>>) dst(%dma_wait3A_913 : memref<1x1x4096xf32, #tpu.memory_space<hbm>>)
    %parallel_loop3A_914 = arith.constant 0 : i32
    %parallel_loop3A_915 = arith.constant 4096 : i32
    %parallel_loop3A_916 = arith.constant 16 : i32
    scf.for %parallel_loop3A_1127 = %parallel_loop3A_914 to %parallel_loop3A_915 step %parallel_loop3A_916  : i32 {
      %parallel_loop3A_1128 = arith.constant 4096 : i32
      %parallel_loop3A_1129 = arith.addi %parallel_loop3A_1128, %parallel_loop3A_1127 : i32
      %parallel_loop3A_1130 = arith.constant 0 : i32
      %parallel_loop3A_1131 = arith.index_cast %parallel_loop3A_1130 : i32 to index
      %parallel_loop3A_1132 = arith.index_cast %parallel_loop3A_1129 : i32 to index
      %parallel_loop3A_1133 = tpu.vector_load %arg6[%parallel_loop3A_1131, %parallel_loop3A_1132] {strides = array<i32>} : memref<1x16384xi32, #tpu.memory_space<vmem>>, vector<16xi32>,
      %parallel_loop3A_1134 = tpu.vector_load_idx %arg5[%broadcast_in_dim3A_1, %broadcast_in_dim3A_1, %parallel_loop3A_1133] : memref<1x1x100000xf32, #tpu.memory_space<vmem>>[vector<16xi32>, vector<16xi32>, vector<16xi32>], vector<16xf32>,
      %parallel_loop3A_1135 = arith.constant 0 : i32
      %parallel_loop3A_1136 = arith.constant 0 : i32
      %parallel_loop3A_1137 = arith.index_cast %parallel_loop3A_1135 : i32 to index
      %parallel_loop3A_1138 = arith.index_cast %parallel_loop3A_1136 : i32 to index
      %parallel_loop3A_1139 = arith.index_cast %parallel_loop3A_1127 : i32 to index
      %parallel_loop3A_1140 = tpu.vector_load %arg8[%parallel_loop3A_1137, %parallel_loop3A_1138, %parallel_loop3A_1139] {strides = array<i32>} : memref<1x1x4096xf32, #tpu.memory_space<vmem>>, vector<16xf32>,
      tpu.vector_store %arg8[%parallel_loop3A_1137, %parallel_loop3A_1138, %parallel_loop3A_1139], %parallel_loop3A_1134 {strides = array<i32>} : memref<1x1x4096xf32, #tpu.memory_space<vmem>>, vector<16xf32>,
    } {sc.loop_unroll_factor = 8 : i64, sc.parallel_access}
    %dma_start3A_917 = arith.constant 4096 : i32
    %dma_start3A_918 = tpu.memref_slice %arg4[%select_n3A_882, %sub3A_885, %dma_start3A_917] : memref<26x16x16384xf32, #tpu.memory_space<hbm>> -> memref<1x1x4096xf32, #tpu.memory_space<hbm>>
    %dma_start3A_919 = arith.constant 4096 : i32
    %dma_start3A_920 = tpu.memref_slice %arg4[%select_n3A_882, %sub3A_885, %dma_start3A_919] : memref<26x16x16384xf32, #tpu.memory_space<hbm>> -> memref<1x1x4096xf32, #tpu.memory_space<hbm>>
    tpu.enqueue_dma source(%arg8 : memref<1x1x4096xf32, #tpu.memory_space<vmem>>) target(%dma_start3A_920 : memref<1x1x4096xf32, #tpu.memory_space<hbm>>) target_semaphore(%arg11 : memref<!tpu.dma_semaphore, #tpu.memory_space<semaphore_mem>>)
    %dma_wait3A_921 = arith.constant 0 : i32
    %dma_wait3A_922 = tpu.memref_slice %arg4[%select_n3A_882, %sub3A_885, %dma_wait3A_921] : memref<26x16x16384xf32, #tpu.memory_space<hbm>> -> memref<1x1x4096xf32, #tpu.memory_space<hbm>>
    %dma_wait3A_923 = arith.constant 0 : i32
    %dma_wait3A_924 = tpu.memref_slice %arg4[%select_n3A_882, %sub3A_885, %dma_wait3A_923] : memref<26x16x16384xf32, #tpu.memory_space<hbm>> -> memref<1x1x4096xf32, #tpu.memory_space<hbm>>
    tpu.wait_dma2 semaphore(%arg10 : memref<!tpu.dma_semaphore, #tpu.memory_space<semaphore_mem>>) src(%arg7 : memref<1x1x4096xf32, #tpu.memory_space<vmem>>) dst(%dma_wait3A_924 : memref<1x1x4096xf32, #tpu.memory_space<hbm>>)
    %parallel_loop3A_925 = arith.constant 0 : i32
    %parallel_loop3A_926 = arith.constant 4096 : i32
    %parallel_loop3A_927 = arith.constant 16 : i32
    scf.for %parallel_loop3A_1127 = %parallel_loop3A_925 to %parallel_loop3A_926 step %parallel_loop3A_927  : i32 {
      %parallel_loop3A_1128 = arith.constant 8192 : i32
      %parallel_loop3A_1129 = arith.addi %parallel_loop3A_1128, %parallel_loop3A_1127 : i32
      %parallel_loop3A_1130 = arith.constant 0 : i32
      %parallel_loop3A_1131 = arith.index_cast %parallel_loop3A_1130 : i32 to index
      %parallel_loop3A_1132 = arith.index_cast %parallel_loop3A_1129 : i32 to index
      %parallel_loop3A_1133 = tpu.vector_load %arg6[%parallel_loop3A_1131, %parallel_loop3A_1132] {strides = array<i32>} : memref<1x16384xi32, #tpu.memory_space<vmem>>, vector<16xi32>,
      %parallel_loop3A_1134 = tpu.vector_load_idx %arg5[%broadcast_in_dim3A_1, %broadcast_in_dim3A_1, %parallel_loop3A_1133] : memref<1x1x100000xf32, #tpu.memory_space<vmem>>[vector<16xi32>, vector<16xi32>, vector<16xi32>], vector<16xf32>,
      %parallel_loop3A_1135 = arith.constant 0 : i32
      %parallel_loop3A_1136 = arith.constant 0 : i32
      %parallel_loop3A_1137 = arith.index_cast %parallel_loop3A_1135 : i32 to index
      %parallel_loop3A_1138 = arith.index_cast %parallel_loop3A_1136 : i32 to index
      %parallel_loop3A_1139 = arith.index_cast %parallel_loop3A_1127 : i32 to index
      %parallel_loop3A_1140 = tpu.vector_load %arg7[%parallel_loop3A_1137, %parallel_loop3A_1138, %parallel_loop3A_1139] {strides = array<i32>} : memref<1x1x4096xf32, #tpu.memory_space<vmem>>, vector<16xf32>,
      tpu.vector_store %arg7[%parallel_loop3A_1137, %parallel_loop3A_1138, %parallel_loop3A_1139], %parallel_loop3A_1134 {strides = array<i32>} : memref<1x1x4096xf32, #tpu.memory_space<vmem>>, vector<16xf32>,
    } {sc.loop_unroll_factor = 8 : i64, sc.parallel_access}
    %dma_start3A_928 = arith.constant 8192 : i32
    %dma_start3A_929 = tpu.memref_slice %arg4[%select_n3A_882, %sub3A_885, %dma_start3A_928] : memref<26x16x16384xf32, #tpu.memory_space<hbm>> -> memref<1x1x4096xf32, #tpu.memory_space<hbm>>
    %dma_start3A_930 = arith.constant 8192 : i32
    %dma_start3A_931 = tpu.memref_slice %arg4[%select_n3A_882, %sub3A_885, %dma_start3A_930] : memref<26x16x16384xf32, #tpu.memory_space<hbm>> -> memref<1x1x4096xf32, #tpu.memory_space<hbm>>
    tpu.enqueue_dma source(%arg7 : memref<1x1x4096xf32, #tpu.memory_space<vmem>>) target(%dma_start3A_931 : memref<1x1x4096xf32, #tpu.memory_space<hbm>>) target_semaphore(%arg10 : memref<!tpu.dma_semaphore, #tpu.memory_space<semaphore_mem>>)
    %dma_wait3A_932 = arith.constant 4096 : i32
    %dma_wait3A_933 = tpu.memref_slice %arg4[%select_n3A_882, %sub3A_885, %dma_wait3A_932] : memref<26x16x16384xf32, #tpu.memory_space<hbm>> -> memref<1x1x4096xf32, #tpu.memory_space<hbm>>
    %dma_wait3A_934 = arith.constant 4096 : i32
    %dma_wait3A_935 = tpu.memref_slice %arg4[%select_n3A_882, %sub3A_885, %dma_wait3A_934] : memref<26x16x16384xf32, #tpu.memory_space<hbm>> -> memref<1x1x4096xf32, #tpu.memory_space<hbm>>
    tpu.wait_dma2 semaphore(%arg11 : memref<!tpu.dma_semaphore, #tpu.memory_space<semaphore_mem>>) src(%arg8 : memref<1x1x4096xf32, #tpu.memory_space<vmem>>) dst(%dma_wait3A_935 : memref<1x1x4096xf32, #tpu.memory_space<hbm>>)
    %parallel_loop3A_936 = arith.constant 0 : i32
    %parallel_loop3A_937 = arith.constant 4096 : i32
    %parallel_loop3A_938 = arith.constant 16 : i32
    scf.for %parallel_loop3A_1127 = %parallel_loop3A_936 to %parallel_loop3A_937 step %parallel_loop3A_938  : i32 {
      %parallel_loop3A_1128 = arith.constant 12288 : i32
      %parallel_loop3A_1129 = arith.addi %parallel_loop3A_1128, %parallel_loop3A_1127 : i32
      %parallel_loop3A_1130 = arith.constant 0 : i32
      %parallel_loop3A_1131 = arith.index_cast %parallel_loop3A_1130 : i32 to index
      %parallel_loop3A_1132 = arith.index_cast %parallel_loop3A_1129 : i32 to index
      %parallel_loop3A_1133 = tpu.vector_load %arg6[%parallel_loop3A_1131, %parallel_loop3A_1132] {strides = array<i32>} : memref<1x16384xi32, #tpu.memory_space<vmem>>, vector<16xi32>,
      %parallel_loop3A_1134 = tpu.vector_load_idx %arg5[%broadcast_in_dim3A_1, %broadcast_in_dim3A_1, %parallel_loop3A_1133] : memref<1x1x100000xf32, #tpu.memory_space<vmem>>[vector<16xi32>, vector<16xi32>, vector<16xi32>], vector<16xf32>,
      %parallel_loop3A_1135 = arith.constant 0 : i32
      %parallel_loop3A_1136 = arith.constant 0 : i32
      %parallel_loop3A_1137 = arith.index_cast %parallel_loop3A_1135 : i32 to index
      %parallel_loop3A_1138 = arith.index_cast %parallel_loop3A_1136 : i32 to index
      %parallel_loop3A_1139 = arith.index_cast %parallel_loop3A_1127 : i32 to index
      %parallel_loop3A_1140 = tpu.vector_load %arg8[%parallel_loop3A_1137, %parallel_loop3A_1138, %parallel_loop3A_1139] {strides = array<i32>} : memref<1x1x4096xf32, #tpu.memory_space<vmem>>, vector<16xf32>,
      tpu.vector_store %arg8[%parallel_loop3A_1137, %parallel_loop3A_1138, %parallel_loop3A_1139], %parallel_loop3A_1134 {strides = array<i32>} : memref<1x1x4096xf32, #tpu.memory_space<vmem>>, vector<16xf32>,
    } {sc.loop_unroll_factor = 8 : i64, sc.parallel_access}
    %dma_start3A_939 = arith.constant 12288 : i32
    %dma_start3A_940 = tpu.memref_slice %arg4[%select_n3A_882, %sub3A_885, %dma_start3A_939] : memref<26x16x16384xf32, #tpu.memory_space<hbm>> -> memref<1x1x4096xf32, #tpu.memory_space<hbm>>
    %dma_start3A_941 = arith.constant 12288 : i32
    %dma_start3A_942 = tpu.memref_slice %arg4[%select_n3A_882, %sub3A_885, %dma_start3A_941] : memref<26x16x16384xf32, #tpu.memory_space<hbm>> -> memref<1x1x4096xf32, #tpu.memory_space<hbm>>
    tpu.enqueue_dma source(%arg8 : memref<1x1x4096xf32, #tpu.memory_space<vmem>>) target(%dma_start3A_942 : memref<1x1x4096xf32, #tpu.memory_space<hbm>>) target_semaphore(%arg11 : memref<!tpu.dma_semaphore, #tpu.memory_space<semaphore_mem>>)
    %mul3A_943 = arith.constant 13 : i32
    %mul3A_944 = arith.muli %add3A, %mul3A_943 : i32
    %add3A_945 = arith.constant 11 : i32
    %add3A_946 = arith.addi %mul3A_944, %add3A_945 : i32
    %jit3A_947 = arith.constant 16 : i32
    %div3A_948 = arith.divsi %add3A_946, %jit3A_947 : i32
    %sign3A_949 = arith.constant 0 : i32
    %sign3A_950 = arith.cmpi sgt, %add3A_946, %sign3A_949 : i32
    %sign3A_951 = arith.extui %sign3A_950 : i1 to i32
    %sign3A_952 = arith.constant 0 : i32
    %sign3A_953 = arith.cmpi slt, %add3A_946, %sign3A_952 : i32
    %sign3A_954 = arith.extui %sign3A_953 : i1 to i32
    %sign3A_955 = arith.subi %sign3A_951, %sign3A_954 : i32
    %sign3A_956 = arith.constant 0 : i32
    %sign3A_957 = arith.cmpi sgt, %jit3A_947, %sign3A_956 : i32
    %sign3A_958 = arith.extui %sign3A_957 : i1 to i32
    %sign3A_959 = arith.constant 0 : i32
    %sign3A_960 = arith.cmpi slt, %jit3A_947, %sign3A_959 : i32
    %sign3A_961 = arith.extui %sign3A_960 : i1 to i32
    %sign3A_962 = arith.subi %sign3A_958, %sign3A_961 : i32
    %ne3A_963 = arith.cmpi ne, %sign3A_955, %sign3A_962 : i32
    %rem3A_964 = arith.remsi %add3A_946, %jit3A_947 : i32
    %ne3A_965 = arith.constant 0 : i32
    %ne3A_966 = arith.cmpi ne, %rem3A_964, %ne3A_965 : i32
    %and3A_967 = arith.andi %ne3A_963, %ne3A_966 : i1
    %sub3A_968 = arith.constant 1 : i32
    %sub3A_969 = arith.subi %div3A_948, %sub3A_968 : i32
    %select_n3A_970 = arith.select %and3A_967, %sub3A_969, %div3A_948 : i32
    %mul3A_971 = arith.constant 16 : i32
    %mul3A_972 = arith.muli %select_n3A_970, %mul3A_971 : i32
    %sub3A_973 = arith.subi %add3A_946, %mul3A_972 : i32
    %dma_start3A_974 = arith.constant 0 : i32
    %dma_start3A_975 = tpu.memref_slice %arg3[%select_n3A_970, %sub3A_973, %dma_start3A_974] : memref<26x16x100000xf32, #tpu.memory_space<hbm>> -> memref<1x1x100000xf32, #tpu.memory_space<hbm>>
    %dma_start3A_976 = arith.constant 0 : i32
    %dma_start3A_977 = tpu.memref_slice %arg3[%select_n3A_970, %sub3A_973, %dma_start3A_976] : memref<26x16x100000xf32, #tpu.memory_space<hbm>> -> memref<1x1x100000xf32, #tpu.memory_space<hbm>>
    tpu.enqueue_dma source(%dma_start3A_977 : memref<1x1x100000xf32, #tpu.memory_space<hbm>>) target(%arg5 : memref<1x1x100000xf32, #tpu.memory_space<vmem>>) target_semaphore(%arg9 : memref<!tpu.dma_semaphore, #tpu.memory_space<semaphore_mem>>)
    %eq3A_978 = arith.constant 0 : i32
    %eq3A_979 = arith.cmpi eq, %sub3A_973, %eq3A_978 : i32
    %convert_element_type3A_980 = arith.extui %eq3A_979 : i1 to i32
    %cond3A_981 = arith.constant 0 : i32
    %cond3A_982 = arith.cmpi ne, %convert_element_type3A_980, %cond3A_981 : i32
    scf.if %cond3A_982 {
      "tpu.region"() ({
        %run_scoped3A = tpu.sem_alloc : memref<!tpu.dma_semaphore, #tpu.memory_space<semaphore_mem>>
        %dma_start3A_1127 = arith.constant 0 : i32
        %dma_start3A_1128 = tpu.memref_slice %arg2[%select_n3A_970, %dma_start3A_1127] : memref<26x16384xi32, #tpu.memory_space<hbm>> -> memref<1x16384xi32, #tpu.memory_space<hbm>>
        %dma_start3A_1129 = arith.constant 0 : i32
        %dma_start3A_1130 = tpu.memref_slice %arg2[%select_n3A_970, %dma_start3A_1129] : memref<26x16384xi32, #tpu.memory_space<hbm>> -> memref<1x16384xi32, #tpu.memory_space<hbm>>
        tpu.enqueue_dma source(%dma_start3A_1130 : memref<1x16384xi32, #tpu.memory_space<hbm>>) target(%arg6 : memref<1x16384xi32, #tpu.memory_space<vmem>>) target_semaphore(%run_scoped3A : memref<!tpu.dma_semaphore, #tpu.memory_space<semaphore_mem>>)
        %dma_wait3A_1131 = arith.constant 0 : i32
        %dma_wait3A_1132 = tpu.memref_slice %arg2[%select_n3A_970, %dma_wait3A_1131] : memref<26x16384xi32, #tpu.memory_space<hbm>> -> memref<1x16384xi32, #tpu.memory_space<hbm>>
        %dma_wait3A_1133 = arith.constant 0 : i32
        %dma_wait3A_1134 = tpu.memref_slice %arg2[%select_n3A_970, %dma_wait3A_1133] : memref<26x16384xi32, #tpu.memory_space<hbm>> -> memref<1x16384xi32, #tpu.memory_space<hbm>>
        tpu.wait_dma2 semaphore(%run_scoped3A : memref<!tpu.dma_semaphore, #tpu.memory_space<semaphore_mem>>) src(%dma_wait3A_1134 : memref<1x16384xi32, #tpu.memory_space<hbm>>) dst(%arg6 : memref<1x16384xi32, #tpu.memory_space<vmem>>)
        tpu.yield
      }) : () -> ()
    } else {
    }
    %dma_wait3A_983 = arith.constant 0 : i32
    %dma_wait3A_984 = tpu.memref_slice %arg3[%select_n3A_970, %sub3A_973, %dma_wait3A_983] : memref<26x16x100000xf32, #tpu.memory_space<hbm>> -> memref<1x1x100000xf32, #tpu.memory_space<hbm>>
    %dma_wait3A_985 = arith.constant 0 : i32
    %dma_wait3A_986 = tpu.memref_slice %arg3[%select_n3A_970, %sub3A_973, %dma_wait3A_985] : memref<26x16x100000xf32, #tpu.memory_space<hbm>> -> memref<1x1x100000xf32, #tpu.memory_space<hbm>>
    tpu.wait_dma2 semaphore(%arg9 : memref<!tpu.dma_semaphore, #tpu.memory_space<semaphore_mem>>) src(%dma_wait3A_986 : memref<1x1x100000xf32, #tpu.memory_space<hbm>>) dst(%arg5 : memref<1x1x100000xf32, #tpu.memory_space<vmem>>)
    %dma_wait3A_987 = arith.constant 8192 : i32
    %dma_wait3A_988 = tpu.memref_slice %arg4[%select_n3A_882, %sub3A_885, %dma_wait3A_987] : memref<26x16x16384xf32, #tpu.memory_space<hbm>> -> memref<1x1x4096xf32, #tpu.memory_space<hbm>>
    %dma_wait3A_989 = arith.constant 8192 : i32
    %dma_wait3A_990 = tpu.memref_slice %arg4[%select_n3A_882, %sub3A_885, %dma_wait3A_989] : memref<26x16x16384xf32, #tpu.memory_space<hbm>> -> memref<1x1x4096xf32, #tpu.memory_space<hbm>>
    tpu.wait_dma2 semaphore(%arg10 : memref<!tpu.dma_semaphore, #tpu.memory_space<semaphore_mem>>) src(%arg7 : memref<1x1x4096xf32, #tpu.memory_space<vmem>>) dst(%dma_wait3A_990 : memref<1x1x4096xf32, #tpu.memory_space<hbm>>)
    %parallel_loop3A_991 = arith.constant 0 : i32
    %parallel_loop3A_992 = arith.constant 4096 : i32
    %parallel_loop3A_993 = arith.constant 16 : i32
    scf.for %parallel_loop3A_1127 = %parallel_loop3A_991 to %parallel_loop3A_992 step %parallel_loop3A_993  : i32 {
      %parallel_loop3A_1128 = arith.constant 0 : i32
      %parallel_loop3A_1129 = arith.addi %parallel_loop3A_1128, %parallel_loop3A_1127 : i32
      %parallel_loop3A_1130 = arith.constant 0 : i32
      %parallel_loop3A_1131 = arith.index_cast %parallel_loop3A_1130 : i32 to index
      %parallel_loop3A_1132 = arith.index_cast %parallel_loop3A_1129 : i32 to index
      %parallel_loop3A_1133 = tpu.vector_load %arg6[%parallel_loop3A_1131, %parallel_loop3A_1132] {strides = array<i32>} : memref<1x16384xi32, #tpu.memory_space<vmem>>, vector<16xi32>,
      %parallel_loop3A_1134 = tpu.vector_load_idx %arg5[%broadcast_in_dim3A_1, %broadcast_in_dim3A_1, %parallel_loop3A_1133] : memref<1x1x100000xf32, #tpu.memory_space<vmem>>[vector<16xi32>, vector<16xi32>, vector<16xi32>], vector<16xf32>,
      %parallel_loop3A_1135 = arith.constant 0 : i32
      %parallel_loop3A_1136 = arith.constant 0 : i32
      %parallel_loop3A_1137 = arith.index_cast %parallel_loop3A_1135 : i32 to index
      %parallel_loop3A_1138 = arith.index_cast %parallel_loop3A_1136 : i32 to index
      %parallel_loop3A_1139 = arith.index_cast %parallel_loop3A_1127 : i32 to index
      %parallel_loop3A_1140 = tpu.vector_load %arg7[%parallel_loop3A_1137, %parallel_loop3A_1138, %parallel_loop3A_1139] {strides = array<i32>} : memref<1x1x4096xf32, #tpu.memory_space<vmem>>, vector<16xf32>,
      tpu.vector_store %arg7[%parallel_loop3A_1137, %parallel_loop3A_1138, %parallel_loop3A_1139], %parallel_loop3A_1134 {strides = array<i32>} : memref<1x1x4096xf32, #tpu.memory_space<vmem>>, vector<16xf32>,
    } {sc.loop_unroll_factor = 8 : i64, sc.parallel_access}
    %dma_start3A_994 = arith.constant 0 : i32
    %dma_start3A_995 = tpu.memref_slice %arg4[%select_n3A_970, %sub3A_973, %dma_start3A_994] : memref<26x16x16384xf32, #tpu.memory_space<hbm>> -> memref<1x1x4096xf32, #tpu.memory_space<hbm>>
    %dma_start3A_996 = arith.constant 0 : i32
    %dma_start3A_997 = tpu.memref_slice %arg4[%select_n3A_970, %sub3A_973, %dma_start3A_996] : memref<26x16x16384xf32, #tpu.memory_space<hbm>> -> memref<1x1x4096xf32, #tpu.memory_space<hbm>>
    tpu.enqueue_dma source(%arg7 : memref<1x1x4096xf32, #tpu.memory_space<vmem>>) target(%dma_start3A_997 : memref<1x1x4096xf32, #tpu.memory_space<hbm>>) target_semaphore(%arg10 : memref<!tpu.dma_semaphore, #tpu.memory_space<semaphore_mem>>)
    %dma_wait3A_998 = arith.constant 12288 : i32
    %dma_wait3A_999 = tpu.memref_slice %arg4[%select_n3A_882, %sub3A_885, %dma_wait3A_998] : memref<26x16x16384xf32, #tpu.memory_space<hbm>> -> memref<1x1x4096xf32, #tpu.memory_space<hbm>>
    %dma_wait3A_1000 = arith.constant 12288 : i32
    %dma_wait3A_1001 = tpu.memref_slice %arg4[%select_n3A_882, %sub3A_885, %dma_wait3A_1000] : memref<26x16x16384xf32, #tpu.memory_space<hbm>> -> memref<1x1x4096xf32, #tpu.memory_space<hbm>>
    tpu.wait_dma2 semaphore(%arg11 : memref<!tpu.dma_semaphore, #tpu.memory_space<semaphore_mem>>) src(%arg8 : memref<1x1x4096xf32, #tpu.memory_space<vmem>>) dst(%dma_wait3A_1001 : memref<1x1x4096xf32, #tpu.memory_space<hbm>>)
    %parallel_loop3A_1002 = arith.constant 0 : i32
    %parallel_loop3A_1003 = arith.constant 4096 : i32
    %parallel_loop3A_1004 = arith.constant 16 : i32
    scf.for %parallel_loop3A_1127 = %parallel_loop3A_1002 to %parallel_loop3A_1003 step %parallel_loop3A_1004  : i32 {
      %parallel_loop3A_1128 = arith.constant 4096 : i32
      %parallel_loop3A_1129 = arith.addi %parallel_loop3A_1128, %parallel_loop3A_1127 : i32
      %parallel_loop3A_1130 = arith.constant 0 : i32
      %parallel_loop3A_1131 = arith.index_cast %parallel_loop3A_1130 : i32 to index
      %parallel_loop3A_1132 = arith.index_cast %parallel_loop3A_1129 : i32 to index
      %parallel_loop3A_1133 = tpu.vector_load %arg6[%parallel_loop3A_1131, %parallel_loop3A_1132] {strides = array<i32>} : memref<1x16384xi32, #tpu.memory_space<vmem>>, vector<16xi32>,
      %parallel_loop3A_1134 = tpu.vector_load_idx %arg5[%broadcast_in_dim3A_1, %broadcast_in_dim3A_1, %parallel_loop3A_1133] : memref<1x1x100000xf32, #tpu.memory_space<vmem>>[vector<16xi32>, vector<16xi32>, vector<16xi32>], vector<16xf32>,
      %parallel_loop3A_1135 = arith.constant 0 : i32
      %parallel_loop3A_1136 = arith.constant 0 : i32
      %parallel_loop3A_1137 = arith.index_cast %parallel_loop3A_1135 : i32 to index
      %parallel_loop3A_1138 = arith.index_cast %parallel_loop3A_1136 : i32 to index
      %parallel_loop3A_1139 = arith.index_cast %parallel_loop3A_1127 : i32 to index
      %parallel_loop3A_1140 = tpu.vector_load %arg8[%parallel_loop3A_1137, %parallel_loop3A_1138, %parallel_loop3A_1139] {strides = array<i32>} : memref<1x1x4096xf32, #tpu.memory_space<vmem>>, vector<16xf32>,
      tpu.vector_store %arg8[%parallel_loop3A_1137, %parallel_loop3A_1138, %parallel_loop3A_1139], %parallel_loop3A_1134 {strides = array<i32>} : memref<1x1x4096xf32, #tpu.memory_space<vmem>>, vector<16xf32>,
    } {sc.loop_unroll_factor = 8 : i64, sc.parallel_access}
    %dma_start3A_1005 = arith.constant 4096 : i32
    %dma_start3A_1006 = tpu.memref_slice %arg4[%select_n3A_970, %sub3A_973, %dma_start3A_1005] : memref<26x16x16384xf32, #tpu.memory_space<hbm>> -> memref<1x1x4096xf32, #tpu.memory_space<hbm>>
    %dma_start3A_1007 = arith.constant 4096 : i32
    %dma_start3A_1008 = tpu.memref_slice %arg4[%select_n3A_970, %sub3A_973, %dma_start3A_1007] : memref<26x16x16384xf32, #tpu.memory_space<hbm>> -> memref<1x1x4096xf32, #tpu.memory_space<hbm>>
    tpu.enqueue_dma source(%arg8 : memref<1x1x4096xf32, #tpu.memory_space<vmem>>) target(%dma_start3A_1008 : memref<1x1x4096xf32, #tpu.memory_space<hbm>>) target_semaphore(%arg11 : memref<!tpu.dma_semaphore, #tpu.memory_space<semaphore_mem>>)
    %dma_wait3A_1009 = arith.constant 0 : i32
    %dma_wait3A_1010 = tpu.memref_slice %arg4[%select_n3A_970, %sub3A_973, %dma_wait3A_1009] : memref<26x16x16384xf32, #tpu.memory_space<hbm>> -> memref<1x1x4096xf32, #tpu.memory_space<hbm>>
    %dma_wait3A_1011 = arith.constant 0 : i32
    %dma_wait3A_1012 = tpu.memref_slice %arg4[%select_n3A_970, %sub3A_973, %dma_wait3A_1011] : memref<26x16x16384xf32, #tpu.memory_space<hbm>> -> memref<1x1x4096xf32, #tpu.memory_space<hbm>>
    tpu.wait_dma2 semaphore(%arg10 : memref<!tpu.dma_semaphore, #tpu.memory_space<semaphore_mem>>) src(%arg7 : memref<1x1x4096xf32, #tpu.memory_space<vmem>>) dst(%dma_wait3A_1012 : memref<1x1x4096xf32, #tpu.memory_space<hbm>>)
    %parallel_loop3A_1013 = arith.constant 0 : i32
    %parallel_loop3A_1014 = arith.constant 4096 : i32
    %parallel_loop3A_1015 = arith.constant 16 : i32
    scf.for %parallel_loop3A_1127 = %parallel_loop3A_1013 to %parallel_loop3A_1014 step %parallel_loop3A_1015  : i32 {
      %parallel_loop3A_1128 = arith.constant 8192 : i32
      %parallel_loop3A_1129 = arith.addi %parallel_loop3A_1128, %parallel_loop3A_1127 : i32
      %parallel_loop3A_1130 = arith.constant 0 : i32
      %parallel_loop3A_1131 = arith.index_cast %parallel_loop3A_1130 : i32 to index
      %parallel_loop3A_1132 = arith.index_cast %parallel_loop3A_1129 : i32 to index
      %parallel_loop3A_1133 = tpu.vector_load %arg6[%parallel_loop3A_1131, %parallel_loop3A_1132] {strides = array<i32>} : memref<1x16384xi32, #tpu.memory_space<vmem>>, vector<16xi32>,
      %parallel_loop3A_1134 = tpu.vector_load_idx %arg5[%broadcast_in_dim3A_1, %broadcast_in_dim3A_1, %parallel_loop3A_1133] : memref<1x1x100000xf32, #tpu.memory_space<vmem>>[vector<16xi32>, vector<16xi32>, vector<16xi32>], vector<16xf32>,
      %parallel_loop3A_1135 = arith.constant 0 : i32
      %parallel_loop3A_1136 = arith.constant 0 : i32
      %parallel_loop3A_1137 = arith.index_cast %parallel_loop3A_1135 : i32 to index
      %parallel_loop3A_1138 = arith.index_cast %parallel_loop3A_1136 : i32 to index
      %parallel_loop3A_1139 = arith.index_cast %parallel_loop3A_1127 : i32 to index
      %parallel_loop3A_1140 = tpu.vector_load %arg7[%parallel_loop3A_1137, %parallel_loop3A_1138, %parallel_loop3A_1139] {strides = array<i32>} : memref<1x1x4096xf32, #tpu.memory_space<vmem>>, vector<16xf32>,
      tpu.vector_store %arg7[%parallel_loop3A_1137, %parallel_loop3A_1138, %parallel_loop3A_1139], %parallel_loop3A_1134 {strides = array<i32>} : memref<1x1x4096xf32, #tpu.memory_space<vmem>>, vector<16xf32>,
    } {sc.loop_unroll_factor = 8 : i64, sc.parallel_access}
    %dma_start3A_1016 = arith.constant 8192 : i32
    %dma_start3A_1017 = tpu.memref_slice %arg4[%select_n3A_970, %sub3A_973, %dma_start3A_1016] : memref<26x16x16384xf32, #tpu.memory_space<hbm>> -> memref<1x1x4096xf32, #tpu.memory_space<hbm>>
    %dma_start3A_1018 = arith.constant 8192 : i32
    %dma_start3A_1019 = tpu.memref_slice %arg4[%select_n3A_970, %sub3A_973, %dma_start3A_1018] : memref<26x16x16384xf32, #tpu.memory_space<hbm>> -> memref<1x1x4096xf32, #tpu.memory_space<hbm>>
    tpu.enqueue_dma source(%arg7 : memref<1x1x4096xf32, #tpu.memory_space<vmem>>) target(%dma_start3A_1019 : memref<1x1x4096xf32, #tpu.memory_space<hbm>>) target_semaphore(%arg10 : memref<!tpu.dma_semaphore, #tpu.memory_space<semaphore_mem>>)
    %dma_wait3A_1020 = arith.constant 4096 : i32
    %dma_wait3A_1021 = tpu.memref_slice %arg4[%select_n3A_970, %sub3A_973, %dma_wait3A_1020] : memref<26x16x16384xf32, #tpu.memory_space<hbm>> -> memref<1x1x4096xf32, #tpu.memory_space<hbm>>
    %dma_wait3A_1022 = arith.constant 4096 : i32
    %dma_wait3A_1023 = tpu.memref_slice %arg4[%select_n3A_970, %sub3A_973, %dma_wait3A_1022] : memref<26x16x16384xf32, #tpu.memory_space<hbm>> -> memref<1x1x4096xf32, #tpu.memory_space<hbm>>
    tpu.wait_dma2 semaphore(%arg11 : memref<!tpu.dma_semaphore, #tpu.memory_space<semaphore_mem>>) src(%arg8 : memref<1x1x4096xf32, #tpu.memory_space<vmem>>) dst(%dma_wait3A_1023 : memref<1x1x4096xf32, #tpu.memory_space<hbm>>)
    %parallel_loop3A_1024 = arith.constant 0 : i32
    %parallel_loop3A_1025 = arith.constant 4096 : i32
    %parallel_loop3A_1026 = arith.constant 16 : i32
    scf.for %parallel_loop3A_1127 = %parallel_loop3A_1024 to %parallel_loop3A_1025 step %parallel_loop3A_1026  : i32 {
      %parallel_loop3A_1128 = arith.constant 12288 : i32
      %parallel_loop3A_1129 = arith.addi %parallel_loop3A_1128, %parallel_loop3A_1127 : i32
      %parallel_loop3A_1130 = arith.constant 0 : i32
      %parallel_loop3A_1131 = arith.index_cast %parallel_loop3A_1130 : i32 to index
      %parallel_loop3A_1132 = arith.index_cast %parallel_loop3A_1129 : i32 to index
      %parallel_loop3A_1133 = tpu.vector_load %arg6[%parallel_loop3A_1131, %parallel_loop3A_1132] {strides = array<i32>} : memref<1x16384xi32, #tpu.memory_space<vmem>>, vector<16xi32>,
      %parallel_loop3A_1134 = tpu.vector_load_idx %arg5[%broadcast_in_dim3A_1, %broadcast_in_dim3A_1, %parallel_loop3A_1133] : memref<1x1x100000xf32, #tpu.memory_space<vmem>>[vector<16xi32>, vector<16xi32>, vector<16xi32>], vector<16xf32>,
      %parallel_loop3A_1135 = arith.constant 0 : i32
      %parallel_loop3A_1136 = arith.constant 0 : i32
      %parallel_loop3A_1137 = arith.index_cast %parallel_loop3A_1135 : i32 to index
      %parallel_loop3A_1138 = arith.index_cast %parallel_loop3A_1136 : i32 to index
      %parallel_loop3A_1139 = arith.index_cast %parallel_loop3A_1127 : i32 to index
      %parallel_loop3A_1140 = tpu.vector_load %arg8[%parallel_loop3A_1137, %parallel_loop3A_1138, %parallel_loop3A_1139] {strides = array<i32>} : memref<1x1x4096xf32, #tpu.memory_space<vmem>>, vector<16xf32>,
      tpu.vector_store %arg8[%parallel_loop3A_1137, %parallel_loop3A_1138, %parallel_loop3A_1139], %parallel_loop3A_1134 {strides = array<i32>} : memref<1x1x4096xf32, #tpu.memory_space<vmem>>, vector<16xf32>,
    } {sc.loop_unroll_factor = 8 : i64, sc.parallel_access}
    %dma_start3A_1027 = arith.constant 12288 : i32
    %dma_start3A_1028 = tpu.memref_slice %arg4[%select_n3A_970, %sub3A_973, %dma_start3A_1027] : memref<26x16x16384xf32, #tpu.memory_space<hbm>> -> memref<1x1x4096xf32, #tpu.memory_space<hbm>>
    %dma_start3A_1029 = arith.constant 12288 : i32
    %dma_start3A_1030 = tpu.memref_slice %arg4[%select_n3A_970, %sub3A_973, %dma_start3A_1029] : memref<26x16x16384xf32, #tpu.memory_space<hbm>> -> memref<1x1x4096xf32, #tpu.memory_space<hbm>>
    tpu.enqueue_dma source(%arg8 : memref<1x1x4096xf32, #tpu.memory_space<vmem>>) target(%dma_start3A_1030 : memref<1x1x4096xf32, #tpu.memory_space<hbm>>) target_semaphore(%arg11 : memref<!tpu.dma_semaphore, #tpu.memory_space<semaphore_mem>>)
    %mul3A_1031 = arith.constant 13 : i32
    %mul3A_1032 = arith.muli %add3A, %mul3A_1031 : i32
    %add3A_1033 = arith.constant 12 : i32
    %add3A_1034 = arith.addi %mul3A_1032, %add3A_1033 : i32
    %jit3A_1035 = arith.constant 16 : i32
    %div3A_1036 = arith.divsi %add3A_1034, %jit3A_1035 : i32
    %sign3A_1037 = arith.constant 0 : i32
    %sign3A_1038 = arith.cmpi sgt, %add3A_1034, %sign3A_1037 : i32
    %sign3A_1039 = arith.extui %sign3A_1038 : i1 to i32
    %sign3A_1040 = arith.constant 0 : i32
    %sign3A_1041 = arith.cmpi slt, %add3A_1034, %sign3A_1040 : i32
    %sign3A_1042 = arith.extui %sign3A_1041 : i1 to i32
    %sign3A_1043 = arith.subi %sign3A_1039, %sign3A_1042 : i32
    %sign3A_1044 = arith.constant 0 : i32
    %sign3A_1045 = arith.cmpi sgt, %jit3A_1035, %sign3A_1044 : i32
    %sign3A_1046 = arith.extui %sign3A_1045 : i1 to i32
    %sign3A_1047 = arith.constant 0 : i32
    %sign3A_1048 = arith.cmpi slt, %jit3A_1035, %sign3A_1047 : i32
    %sign3A_1049 = arith.extui %sign3A_1048 : i1 to i32
    %sign3A_1050 = arith.subi %sign3A_1046, %sign3A_1049 : i32
    %ne3A_1051 = arith.cmpi ne, %sign3A_1043, %sign3A_1050 : i32
    %rem3A_1052 = arith.remsi %add3A_1034, %jit3A_1035 : i32
    %ne3A_1053 = arith.constant 0 : i32
    %ne3A_1054 = arith.cmpi ne, %rem3A_1052, %ne3A_1053 : i32
    %and3A_1055 = arith.andi %ne3A_1051, %ne3A_1054 : i1
    %sub3A_1056 = arith.constant 1 : i32
    %sub3A_1057 = arith.subi %div3A_1036, %sub3A_1056 : i32
    %select_n3A_1058 = arith.select %and3A_1055, %sub3A_1057, %div3A_1036 : i32
    %mul3A_1059 = arith.constant 16 : i32
    %mul3A_1060 = arith.muli %select_n3A_1058, %mul3A_1059 : i32
    %sub3A_1061 = arith.subi %add3A_1034, %mul3A_1060 : i32
    %dma_start3A_1062 = arith.constant 0 : i32
    %dma_start3A_1063 = tpu.memref_slice %arg3[%select_n3A_1058, %sub3A_1061, %dma_start3A_1062] : memref<26x16x100000xf32, #tpu.memory_space<hbm>> -> memref<1x1x100000xf32, #tpu.memory_space<hbm>>
    %dma_start3A_1064 = arith.constant 0 : i32
    %dma_start3A_1065 = tpu.memref_slice %arg3[%select_n3A_1058, %sub3A_1061, %dma_start3A_1064] : memref<26x16x100000xf32, #tpu.memory_space<hbm>> -> memref<1x1x100000xf32, #tpu.memory_space<hbm>>
    tpu.enqueue_dma source(%dma_start3A_1065 : memref<1x1x100000xf32, #tpu.memory_space<hbm>>) target(%arg5 : memref<1x1x100000xf32, #tpu.memory_space<vmem>>) target_semaphore(%arg9 : memref<!tpu.dma_semaphore, #tpu.memory_space<semaphore_mem>>)
    %eq3A_1066 = arith.constant 0 : i32
    %eq3A_1067 = arith.cmpi eq, %sub3A_1061, %eq3A_1066 : i32
    %convert_element_type3A_1068 = arith.extui %eq3A_1067 : i1 to i32
    %cond3A_1069 = arith.constant 0 : i32
    %cond3A_1070 = arith.cmpi ne, %convert_element_type3A_1068, %cond3A_1069 : i32
    scf.if %cond3A_1070 {
      "tpu.region"() ({
        %run_scoped3A = tpu.sem_alloc : memref<!tpu.dma_semaphore, #tpu.memory_space<semaphore_mem>>
        %dma_start3A_1127 = arith.constant 0 : i32
        %dma_start3A_1128 = tpu.memref_slice %arg2[%select_n3A_1058, %dma_start3A_1127] : memref<26x16384xi32, #tpu.memory_space<hbm>> -> memref<1x16384xi32, #tpu.memory_space<hbm>>
        %dma_start3A_1129 = arith.constant 0 : i32
        %dma_start3A_1130 = tpu.memref_slice %arg2[%select_n3A_1058, %dma_start3A_1129] : memref<26x16384xi32, #tpu.memory_space<hbm>> -> memref<1x16384xi32, #tpu.memory_space<hbm>>
        tpu.enqueue_dma source(%dma_start3A_1130 : memref<1x16384xi32, #tpu.memory_space<hbm>>) target(%arg6 : memref<1x16384xi32, #tpu.memory_space<vmem>>) target_semaphore(%run_scoped3A : memref<!tpu.dma_semaphore, #tpu.memory_space<semaphore_mem>>)
        %dma_wait3A_1131 = arith.constant 0 : i32
        %dma_wait3A_1132 = tpu.memref_slice %arg2[%select_n3A_1058, %dma_wait3A_1131] : memref<26x16384xi32, #tpu.memory_space<hbm>> -> memref<1x16384xi32, #tpu.memory_space<hbm>>
        %dma_wait3A_1133 = arith.constant 0 : i32
        %dma_wait3A_1134 = tpu.memref_slice %arg2[%select_n3A_1058, %dma_wait3A_1133] : memref<26x16384xi32, #tpu.memory_space<hbm>> -> memref<1x16384xi32, #tpu.memory_space<hbm>>
        tpu.wait_dma2 semaphore(%run_scoped3A : memref<!tpu.dma_semaphore, #tpu.memory_space<semaphore_mem>>) src(%dma_wait3A_1134 : memref<1x16384xi32, #tpu.memory_space<hbm>>) dst(%arg6 : memref<1x16384xi32, #tpu.memory_space<vmem>>)
        tpu.yield
      }) : () -> ()
    } else {
    }
    %dma_wait3A_1071 = arith.constant 0 : i32
    %dma_wait3A_1072 = tpu.memref_slice %arg3[%select_n3A_1058, %sub3A_1061, %dma_wait3A_1071] : memref<26x16x100000xf32, #tpu.memory_space<hbm>> -> memref<1x1x100000xf32, #tpu.memory_space<hbm>>
    %dma_wait3A_1073 = arith.constant 0 : i32
    %dma_wait3A_1074 = tpu.memref_slice %arg3[%select_n3A_1058, %sub3A_1061, %dma_wait3A_1073] : memref<26x16x100000xf32, #tpu.memory_space<hbm>> -> memref<1x1x100000xf32, #tpu.memory_space<hbm>>
    tpu.wait_dma2 semaphore(%arg9 : memref<!tpu.dma_semaphore, #tpu.memory_space<semaphore_mem>>) src(%dma_wait3A_1074 : memref<1x1x100000xf32, #tpu.memory_space<hbm>>) dst(%arg5 : memref<1x1x100000xf32, #tpu.memory_space<vmem>>)
    %dma_wait3A_1075 = arith.constant 8192 : i32
    %dma_wait3A_1076 = tpu.memref_slice %arg4[%select_n3A_970, %sub3A_973, %dma_wait3A_1075] : memref<26x16x16384xf32, #tpu.memory_space<hbm>> -> memref<1x1x4096xf32, #tpu.memory_space<hbm>>
    %dma_wait3A_1077 = arith.constant 8192 : i32
    %dma_wait3A_1078 = tpu.memref_slice %arg4[%select_n3A_970, %sub3A_973, %dma_wait3A_1077] : memref<26x16x16384xf32, #tpu.memory_space<hbm>> -> memref<1x1x4096xf32, #tpu.memory_space<hbm>>
    tpu.wait_dma2 semaphore(%arg10 : memref<!tpu.dma_semaphore, #tpu.memory_space<semaphore_mem>>) src(%arg7 : memref<1x1x4096xf32, #tpu.memory_space<vmem>>) dst(%dma_wait3A_1078 : memref<1x1x4096xf32, #tpu.memory_space<hbm>>)
    %parallel_loop3A_1079 = arith.constant 0 : i32
    %parallel_loop3A_1080 = arith.constant 4096 : i32
    %parallel_loop3A_1081 = arith.constant 16 : i32
    scf.for %parallel_loop3A_1127 = %parallel_loop3A_1079 to %parallel_loop3A_1080 step %parallel_loop3A_1081  : i32 {
      %parallel_loop3A_1128 = arith.constant 0 : i32
      %parallel_loop3A_1129 = arith.addi %parallel_loop3A_1128, %parallel_loop3A_1127 : i32
      %parallel_loop3A_1130 = arith.constant 0 : i32
      %parallel_loop3A_1131 = arith.index_cast %parallel_loop3A_1130 : i32 to index
      %parallel_loop3A_1132 = arith.index_cast %parallel_loop3A_1129 : i32 to index
      %parallel_loop3A_1133 = tpu.vector_load %arg6[%parallel_loop3A_1131, %parallel_loop3A_1132] {strides = array<i32>} : memref<1x16384xi32, #tpu.memory_space<vmem>>, vector<16xi32>,
      %parallel_loop3A_1134 = tpu.vector_load_idx %arg5[%broadcast_in_dim3A_1, %broadcast_in_dim3A_1, %parallel_loop3A_1133] : memref<1x1x100000xf32, #tpu.memory_space<vmem>>[vector<16xi32>, vector<16xi32>, vector<16xi32>], vector<16xf32>,
      %parallel_loop3A_1135 = arith.constant 0 : i32
      %parallel_loop3A_1136 = arith.constant 0 : i32
      %parallel_loop3A_1137 = arith.index_cast %parallel_loop3A_1135 : i32 to index
      %parallel_loop3A_1138 = arith.index_cast %parallel_loop3A_1136 : i32 to index
      %parallel_loop3A_1139 = arith.index_cast %parallel_loop3A_1127 : i32 to index
      %parallel_loop3A_1140 = tpu.vector_load %arg7[%parallel_loop3A_1137, %parallel_loop3A_1138, %parallel_loop3A_1139] {strides = array<i32>} : memref<1x1x4096xf32, #tpu.memory_space<vmem>>, vector<16xf32>,
      tpu.vector_store %arg7[%parallel_loop3A_1137, %parallel_loop3A_1138, %parallel_loop3A_1139], %parallel_loop3A_1134 {strides = array<i32>} : memref<1x1x4096xf32, #tpu.memory_space<vmem>>, vector<16xf32>,
    } {sc.loop_unroll_factor = 8 : i64, sc.parallel_access}
    %dma_start3A_1082 = arith.constant 0 : i32
    %dma_start3A_1083 = tpu.memref_slice %arg4[%select_n3A_1058, %sub3A_1061, %dma_start3A_1082] : memref<26x16x16384xf32, #tpu.memory_space<hbm>> -> memref<1x1x4096xf32, #tpu.memory_space<hbm>>
    %dma_start3A_1084 = arith.constant 0 : i32
    %dma_start3A_1085 = tpu.memref_slice %arg4[%select_n3A_1058, %sub3A_1061, %dma_start3A_1084] : memref<26x16x16384xf32, #tpu.memory_space<hbm>> -> memref<1x1x4096xf32, #tpu.memory_space<hbm>>
    tpu.enqueue_dma source(%arg7 : memref<1x1x4096xf32, #tpu.memory_space<vmem>>) target(%dma_start3A_1085 : memref<1x1x4096xf32, #tpu.memory_space<hbm>>) target_semaphore(%arg10 : memref<!tpu.dma_semaphore, #tpu.memory_space<semaphore_mem>>)
    %dma_wait3A_1086 = arith.constant 12288 : i32
    %dma_wait3A_1087 = tpu.memref_slice %arg4[%select_n3A_970, %sub3A_973, %dma_wait3A_1086] : memref<26x16x16384xf32, #tpu.memory_space<hbm>> -> memref<1x1x4096xf32, #tpu.memory_space<hbm>>
    %dma_wait3A_1088 = arith.constant 12288 : i32
    %dma_wait3A_1089 = tpu.memref_slice %arg4[%select_n3A_970, %sub3A_973, %dma_wait3A_1088] : memref<26x16x16384xf32, #tpu.memory_space<hbm>> -> memref<1x1x4096xf32, #tpu.memory_space<hbm>>
    tpu.wait_dma2 semaphore(%arg11 : memref<!tpu.dma_semaphore, #tpu.memory_space<semaphore_mem>>) src(%arg8 : memref<1x1x4096xf32, #tpu.memory_space<vmem>>) dst(%dma_wait3A_1089 : memref<1x1x4096xf32, #tpu.memory_space<hbm>>)
    %parallel_loop3A_1090 = arith.constant 0 : i32
    %parallel_loop3A_1091 = arith.constant 4096 : i32
    %parallel_loop3A_1092 = arith.constant 16 : i32
    scf.for %parallel_loop3A_1127 = %parallel_loop3A_1090 to %parallel_loop3A_1091 step %parallel_loop3A_1092  : i32 {
      %parallel_loop3A_1128 = arith.constant 4096 : i32
      %parallel_loop3A_1129 = arith.addi %parallel_loop3A_1128, %parallel_loop3A_1127 : i32
      %parallel_loop3A_1130 = arith.constant 0 : i32
      %parallel_loop3A_1131 = arith.index_cast %parallel_loop3A_1130 : i32 to index
      %parallel_loop3A_1132 = arith.index_cast %parallel_loop3A_1129 : i32 to index
      %parallel_loop3A_1133 = tpu.vector_load %arg6[%parallel_loop3A_1131, %parallel_loop3A_1132] {strides = array<i32>} : memref<1x16384xi32, #tpu.memory_space<vmem>>, vector<16xi32>,
      %parallel_loop3A_1134 = tpu.vector_load_idx %arg5[%broadcast_in_dim3A_1, %broadcast_in_dim3A_1, %parallel_loop3A_1133] : memref<1x1x100000xf32, #tpu.memory_space<vmem>>[vector<16xi32>, vector<16xi32>, vector<16xi32>], vector<16xf32>,
      %parallel_loop3A_1135 = arith.constant 0 : i32
      %parallel_loop3A_1136 = arith.constant 0 : i32
      %parallel_loop3A_1137 = arith.index_cast %parallel_loop3A_1135 : i32 to index
      %parallel_loop3A_1138 = arith.index_cast %parallel_loop3A_1136 : i32 to index
      %parallel_loop3A_1139 = arith.index_cast %parallel_loop3A_1127 : i32 to index
      %parallel_loop3A_1140 = tpu.vector_load %arg8[%parallel_loop3A_1137, %parallel_loop3A_1138, %parallel_loop3A_1139] {strides = array<i32>} : memref<1x1x4096xf32, #tpu.memory_space<vmem>>, vector<16xf32>,
      tpu.vector_store %arg8[%parallel_loop3A_1137, %parallel_loop3A_1138, %parallel_loop3A_1139], %parallel_loop3A_1134 {strides = array<i32>} : memref<1x1x4096xf32, #tpu.memory_space<vmem>>, vector<16xf32>,
    } {sc.loop_unroll_factor = 8 : i64, sc.parallel_access}
    %dma_start3A_1093 = arith.constant 4096 : i32
    %dma_start3A_1094 = tpu.memref_slice %arg4[%select_n3A_1058, %sub3A_1061, %dma_start3A_1093] : memref<26x16x16384xf32, #tpu.memory_space<hbm>> -> memref<1x1x4096xf32, #tpu.memory_space<hbm>>
    %dma_start3A_1095 = arith.constant 4096 : i32
    %dma_start3A_1096 = tpu.memref_slice %arg4[%select_n3A_1058, %sub3A_1061, %dma_start3A_1095] : memref<26x16x16384xf32, #tpu.memory_space<hbm>> -> memref<1x1x4096xf32, #tpu.memory_space<hbm>>
    tpu.enqueue_dma source(%arg8 : memref<1x1x4096xf32, #tpu.memory_space<vmem>>) target(%dma_start3A_1096 : memref<1x1x4096xf32, #tpu.memory_space<hbm>>) target_semaphore(%arg11 : memref<!tpu.dma_semaphore, #tpu.memory_space<semaphore_mem>>)
    %dma_wait3A_1097 = arith.constant 0 : i32
    %dma_wait3A_1098 = tpu.memref_slice %arg4[%select_n3A_1058, %sub3A_1061, %dma_wait3A_1097] : memref<26x16x16384xf32, #tpu.memory_space<hbm>> -> memref<1x1x4096xf32, #tpu.memory_space<hbm>>
    %dma_wait3A_1099 = arith.constant 0 : i32
    %dma_wait3A_1100 = tpu.memref_slice %arg4[%select_n3A_1058, %sub3A_1061, %dma_wait3A_1099] : memref<26x16x16384xf32, #tpu.memory_space<hbm>> -> memref<1x1x4096xf32, #tpu.memory_space<hbm>>
    tpu.wait_dma2 semaphore(%arg10 : memref<!tpu.dma_semaphore, #tpu.memory_space<semaphore_mem>>) src(%arg7 : memref<1x1x4096xf32, #tpu.memory_space<vmem>>) dst(%dma_wait3A_1100 : memref<1x1x4096xf32, #tpu.memory_space<hbm>>)
    %parallel_loop3A_1101 = arith.constant 0 : i32
    %parallel_loop3A_1102 = arith.constant 4096 : i32
    %parallel_loop3A_1103 = arith.constant 16 : i32
    scf.for %parallel_loop3A_1127 = %parallel_loop3A_1101 to %parallel_loop3A_1102 step %parallel_loop3A_1103  : i32 {
      %parallel_loop3A_1128 = arith.constant 8192 : i32
      %parallel_loop3A_1129 = arith.addi %parallel_loop3A_1128, %parallel_loop3A_1127 : i32
      %parallel_loop3A_1130 = arith.constant 0 : i32
      %parallel_loop3A_1131 = arith.index_cast %parallel_loop3A_1130 : i32 to index
      %parallel_loop3A_1132 = arith.index_cast %parallel_loop3A_1129 : i32 to index
      %parallel_loop3A_1133 = tpu.vector_load %arg6[%parallel_loop3A_1131, %parallel_loop3A_1132] {strides = array<i32>} : memref<1x16384xi32, #tpu.memory_space<vmem>>, vector<16xi32>,
      %parallel_loop3A_1134 = tpu.vector_load_idx %arg5[%broadcast_in_dim3A_1, %broadcast_in_dim3A_1, %parallel_loop3A_1133] : memref<1x1x100000xf32, #tpu.memory_space<vmem>>[vector<16xi32>, vector<16xi32>, vector<16xi32>], vector<16xf32>,
      %parallel_loop3A_1135 = arith.constant 0 : i32
      %parallel_loop3A_1136 = arith.constant 0 : i32
      %parallel_loop3A_1137 = arith.index_cast %parallel_loop3A_1135 : i32 to index
      %parallel_loop3A_1138 = arith.index_cast %parallel_loop3A_1136 : i32 to index
      %parallel_loop3A_1139 = arith.index_cast %parallel_loop3A_1127 : i32 to index
      %parallel_loop3A_1140 = tpu.vector_load %arg7[%parallel_loop3A_1137, %parallel_loop3A_1138, %parallel_loop3A_1139] {strides = array<i32>} : memref<1x1x4096xf32, #tpu.memory_space<vmem>>, vector<16xf32>,
      tpu.vector_store %arg7[%parallel_loop3A_1137, %parallel_loop3A_1138, %parallel_loop3A_1139], %parallel_loop3A_1134 {strides = array<i32>} : memref<1x1x4096xf32, #tpu.memory_space<vmem>>, vector<16xf32>,
    } {sc.loop_unroll_factor = 8 : i64, sc.parallel_access}
    %dma_start3A_1104 = arith.constant 8192 : i32
    %dma_start3A_1105 = tpu.memref_slice %arg4[%select_n3A_1058, %sub3A_1061, %dma_start3A_1104] : memref<26x16x16384xf32, #tpu.memory_space<hbm>> -> memref<1x1x4096xf32, #tpu.memory_space<hbm>>
    %dma_start3A_1106 = arith.constant 8192 : i32
    %dma_start3A_1107 = tpu.memref_slice %arg4[%select_n3A_1058, %sub3A_1061, %dma_start3A_1106] : memref<26x16x16384xf32, #tpu.memory_space<hbm>> -> memref<1x1x4096xf32, #tpu.memory_space<hbm>>
    tpu.enqueue_dma source(%arg7 : memref<1x1x4096xf32, #tpu.memory_space<vmem>>) target(%dma_start3A_1107 : memref<1x1x4096xf32, #tpu.memory_space<hbm>>) target_semaphore(%arg10 : memref<!tpu.dma_semaphore, #tpu.memory_space<semaphore_mem>>)
    %dma_wait3A_1108 = arith.constant 4096 : i32
    %dma_wait3A_1109 = tpu.memref_slice %arg4[%select_n3A_1058, %sub3A_1061, %dma_wait3A_1108] : memref<26x16x16384xf32, #tpu.memory_space<hbm>> -> memref<1x1x4096xf32, #tpu.memory_space<hbm>>
    %dma_wait3A_1110 = arith.constant 4096 : i32
    %dma_wait3A_1111 = tpu.memref_slice %arg4[%select_n3A_1058, %sub3A_1061, %dma_wait3A_1110] : memref<26x16x16384xf32, #tpu.memory_space<hbm>> -> memref<1x1x4096xf32, #tpu.memory_space<hbm>>
    tpu.wait_dma2 semaphore(%arg11 : memref<!tpu.dma_semaphore, #tpu.memory_space<semaphore_mem>>) src(%arg8 : memref<1x1x4096xf32, #tpu.memory_space<vmem>>) dst(%dma_wait3A_1111 : memref<1x1x4096xf32, #tpu.memory_space<hbm>>)
    %parallel_loop3A_1112 = arith.constant 0 : i32
    %parallel_loop3A_1113 = arith.constant 4096 : i32
    %parallel_loop3A_1114 = arith.constant 16 : i32
    scf.for %parallel_loop3A_1127 = %parallel_loop3A_1112 to %parallel_loop3A_1113 step %parallel_loop3A_1114  : i32 {
      %parallel_loop3A_1128 = arith.constant 12288 : i32
      %parallel_loop3A_1129 = arith.addi %parallel_loop3A_1128, %parallel_loop3A_1127 : i32
      %parallel_loop3A_1130 = arith.constant 0 : i32
      %parallel_loop3A_1131 = arith.index_cast %parallel_loop3A_1130 : i32 to index
      %parallel_loop3A_1132 = arith.index_cast %parallel_loop3A_1129 : i32 to index
      %parallel_loop3A_1133 = tpu.vector_load %arg6[%parallel_loop3A_1131, %parallel_loop3A_1132] {strides = array<i32>} : memref<1x16384xi32, #tpu.memory_space<vmem>>, vector<16xi32>,
      %parallel_loop3A_1134 = tpu.vector_load_idx %arg5[%broadcast_in_dim3A_1, %broadcast_in_dim3A_1, %parallel_loop3A_1133] : memref<1x1x100000xf32, #tpu.memory_space<vmem>>[vector<16xi32>, vector<16xi32>, vector<16xi32>], vector<16xf32>,
      %parallel_loop3A_1135 = arith.constant 0 : i32
      %parallel_loop3A_1136 = arith.constant 0 : i32
      %parallel_loop3A_1137 = arith.index_cast %parallel_loop3A_1135 : i32 to index
      %parallel_loop3A_1138 = arith.index_cast %parallel_loop3A_1136 : i32 to index
      %parallel_loop3A_1139 = arith.index_cast %parallel_loop3A_1127 : i32 to index
      %parallel_loop3A_1140 = tpu.vector_load %arg8[%parallel_loop3A_1137, %parallel_loop3A_1138, %parallel_loop3A_1139] {strides = array<i32>} : memref<1x1x4096xf32, #tpu.memory_space<vmem>>, vector<16xf32>,
      tpu.vector_store %arg8[%parallel_loop3A_1137, %parallel_loop3A_1138, %parallel_loop3A_1139], %parallel_loop3A_1134 {strides = array<i32>} : memref<1x1x4096xf32, #tpu.memory_space<vmem>>, vector<16xf32>,
    } {sc.loop_unroll_factor = 8 : i64, sc.parallel_access}
    %dma_start3A_1115 = arith.constant 12288 : i32
    %dma_start3A_1116 = tpu.memref_slice %arg4[%select_n3A_1058, %sub3A_1061, %dma_start3A_1115] : memref<26x16x16384xf32, #tpu.memory_space<hbm>> -> memref<1x1x4096xf32, #tpu.memory_space<hbm>>
    %dma_start3A_1117 = arith.constant 12288 : i32
    %dma_start3A_1118 = tpu.memref_slice %arg4[%select_n3A_1058, %sub3A_1061, %dma_start3A_1117] : memref<26x16x16384xf32, #tpu.memory_space<hbm>> -> memref<1x1x4096xf32, #tpu.memory_space<hbm>>
    tpu.enqueue_dma source(%arg8 : memref<1x1x4096xf32, #tpu.memory_space<vmem>>) target(%dma_start3A_1118 : memref<1x1x4096xf32, #tpu.memory_space<hbm>>) target_semaphore(%arg11 : memref<!tpu.dma_semaphore, #tpu.memory_space<semaphore_mem>>)
    %dma_wait3A_1119 = arith.constant 8192 : i32
    %dma_wait3A_1120 = tpu.memref_slice %arg4[%select_n3A_1058, %sub3A_1061, %dma_wait3A_1119] : memref<26x16x16384xf32, #tpu.memory_space<hbm>> -> memref<1x1x4096xf32, #tpu.memory_space<hbm>>
    %dma_wait3A_1121 = arith.constant 8192 : i32
    %dma_wait3A_1122 = tpu.memref_slice %arg4[%select_n3A_1058, %sub3A_1061, %dma_wait3A_1121] : memref<26x16x16384xf32, #tpu.memory_space<hbm>> -> memref<1x1x4096xf32, #tpu.memory_space<hbm>>
    tpu.wait_dma2 semaphore(%arg10 : memref<!tpu.dma_semaphore, #tpu.memory_space<semaphore_mem>>) src(%arg7 : memref<1x1x4096xf32, #tpu.memory_space<vmem>>) dst(%dma_wait3A_1122 : memref<1x1x4096xf32, #tpu.memory_space<hbm>>)
    %dma_wait3A_1123 = arith.constant 12288 : i32
    %dma_wait3A_1124 = tpu.memref_slice %arg4[%select_n3A_1058, %sub3A_1061, %dma_wait3A_1123] : memref<26x16x16384xf32, #tpu.memory_space<hbm>> -> memref<1x1x4096xf32, #tpu.memory_space<hbm>>
    %dma_wait3A_1125 = arith.constant 12288 : i32
    %dma_wait3A_1126 = tpu.memref_slice %arg4[%select_n3A_1058, %sub3A_1061, %dma_wait3A_1125] : memref<26x16x16384xf32, #tpu.memory_space<hbm>> -> memref<1x1x4096xf32, #tpu.memory_space<hbm>>
    tpu.wait_dma2 semaphore(%arg11 : memref<!tpu.dma_semaphore, #tpu.memory_space<semaphore_mem>>) src(%arg8 : memref<1x1x4096xf32, #tpu.memory_space<vmem>>) dst(%dma_wait3A_1126 : memref<1x1x4096xf32, #tpu.memory_space<hbm>>)
    return
  }
}

</mosaic_0001>

<sc_bundles>
// kernel: kernel.3.cloned.1.call-start
scs
__scs_entry_jumppad:
0x0: {  	(pc) =	sbr.rel $0x88, $3  }
0x1: {  	(tag) =	ssettag $0x0;
	lr =	simm.s32 $0x1  }
0x2: {  	[smem:$0x3F9F] =	sst lr;
	_ =	strace $0xD0000000  }
0x3: {  	_ = 	snop  }
0x4: {  	_ = 	snop  }
0x5: {  	_ = 	snop  }
0x6: {  	_ = 	snop  }
0x7: {  	_ = 	snop  }
__scs_overlays_trampoline_lowered:
0x8: {  	[smem:$0x3FAE] =	sst s0  }
0x9: {  	[smem:$0x3FAF] =	sst s1  }
0xa: {  	[smem:$0x3FB0] =	sst s2  }
0xb: {  	[smem:$0x3FB1] =	sst s3  }
0xc: {  	[smem:$0x3FB2] =	sst s4  }
0xd: {  	[smem:$0x3FB3] =	sst s5  }
0xe: {  	[smem:$0x3FB4] =	sst s6  }
0xf: {  	[smem:$0x3FB5] =	sst s7  }
0x10: {  	[smem:$0x3FB6] =	sst s8  }
0x11: {  	[smem:$0x3FB7] =	sst s9;
	s0 =	simm.s32 @!p0 $0x0  }
0x12: {  	s1 =	sld [smem:$0x3F9D];
	s0 =	simm.s32 @p0 $0x1  }
0x13: {  	[smem:$0x3FB8] =	sst s0;
	s0 =	simm.s32 @!p1 $0x0  }
0x14: {  	s2 =	sld [smem:$0x3F9C];
	s0 =	simm.s32 @p1 $0x1  }
0x15: {  	[smem:$0x3FB9] =	sst s0;
	s0 =	simm.s32 @!p2 $0x0  }
0x16: {  	s3 =	sld [smem:$0x3FDB];
	s0 =	simm.s32 @p2 $0x1  }
0x17: {  	s4 =	simm.s32 $0x1BF5;
	[smem:$0x3FBB] =	sst s0  }
0x18: {  	s0 =	sld [smem:$0x3F9E];
	_ =	swait.ge [sflag:s4], $0x0  }
0x19: {  	s7 =	sld [smem:$0x3F9F]  }
0x1a: {  	s8 =	sadd.s32 $0xFFFFE003, lr  }
0x1b: {  	s9 =	sadd.s32 $0xFFFFFEF7, lr;
	s5 =	simm.s32 $0xFFFFFFFF;
	p2 =	slt.u32 s8, $0xFFFFF086  }
0x1c: {  	p1 =	slt.u32 s9, $0xF7A;
	s5 =	simm.s32 @!p2 $0x0  }
0x1d: {  	s5 =	simm.s32 @p1 $0x1;
	p0 =	seq.s32 s7, s2  }
0x1e: {  	s7 =	smul.u32 @!p0 $0xF7A, s2;
	p2 =	seq.s32 @!p0 s5, $0x0  }
0x1f: {  	s9 =	smul.u32 $0xF7A, s1;
	s8 =	simm.s32 @!p0 $0x1BF5;
	p2 =	por !p2, p0  }
0x20: {  	[sflag:s8] =	ssyncset.s32 @!p0 $0xFFFFF086;
	s6 =	sadd.s32 @!p0 s3, s7;
	s7 =	simm.s32 @!p0 $0x108  }
0x21: {  	s3 =	sadd.s32 s3, s9;
	s6 =	sadd.s32 @!p0 $0x88, s6;
	s7 =	simm.s32 @p2 $0x1082  }
0x22: {  	[simem:s7], [sflag:s8] =	dma.local @!p0 [hbm:s6], $0xF7A  }
0x23: {  	s9 =	sor.u32 $0xD0000000, s2;
	s6 =	simm.s32 $0x108;
	_ =	swait.ge @!p0 [sflag:s8], $0x0  }
0x24: {  	s3 =	sadd.s32 $0x88, s3;
	s6 =	simm.s32 @!p1 $0x1082;
	[sflag:s4] =	ssyncset.s32 $0xFFFFF086  }
0x25: {  	[simem:s6], [sflag:s4] =	dma.local [hbm:s3], $0xF7A  }
0x26: {  	[smem:$0x3F9F] =	sst s1;
	(tag) =	ssettag s2;
	_ =	strace s9  }
0x27: {  	s1 =	sld [smem:$0x3FAF]  }
0x28: {  	s2 =	sld [smem:$0x3FB0]  }
0x29: {  	s4 =	sld [smem:$0x3FB2]  }
0x2a: {  	p0 =	seq.s32 s5, $0x0;
	s5 =	sld [smem:$0x3FB3]  }
0x2b: {  	s6 =	sld [smem:$0x3FB4]  }
0x2c: {  	s7 =	sld [smem:$0x3FB5]  }
0x2d: {  	s3 =	simm.s32 $0x108;
	s8 =	sld [smem:$0x3FB6]  }
0x2e: {  	s3 =	simm.s32 @!p0 $0x1082;
	s9 =	sld [smem:$0x3FB7]  }
0x2f: {  	lr =	sadd.s32 s0, s3;
	s0 =	sld [smem:$0x3FAE]  }
0x30: {  	s3 =	sld [smem:$0x3FB1]  }
0x31: {  	[smem:$0x3FBA] =	sst s10  }
0x32: {  	s10 =	sld [smem:$0x3FB8];
	_ =	sdelay $0x3  }
0x33: {  	p0 =	seq.s32 s10, $0x1;
	s10 =	sld [smem:$0x3FBA];
	_ =	sdelay $0x3  }
0x34: {  	[smem:$0x3FBA] =	sst s10  }
0x35: {  	s10 =	sld [smem:$0x3FB9];
	_ =	sdelay $0x3  }
0x36: {  	p1 =	seq.s32 s10, $0x1;
	s10 =	sld [smem:$0x3FBA];
	_ =	sdelay $0x3  }
0x37: {  	[smem:$0x3FBA] =	sst s10  }
0x38: {  	s10 =	sld [smem:$0x3FBB]  }
0x39: {  	_ = 	snop;
	(pc) =	sbr.ind lr, $3  }
0x3a: {  	_ = 	snop  }
0x3b: {  	_ = 	snop  }
0x3c: {  	p2 =	seq.s32 s10, $0x1;
	s10 =	sld [smem:$0x3FBA]  }
0x3d: {  	_ =	shalt  }
0x3e: {  	_ =	shalt  }
0x3f: {  	_ =	shalt  }
0x40: {  	_ =	shalt  }
0x41: {  	_ =	shalt  }
0x42: {  	_ =	shalt  }
0x43: {  	_ =	shalt  }
0x44: {  	_ =	shalt  }
0x45: {  	_ =	shalt  }
0x46: {  	_ =	shalt  }
0x47: {  	_ =	shalt  }
0x48: {  	_ =	shalt  }
0x49: {  	_ =	shalt  }
0x4a: {  	_ =	shalt  }
0x4b: {  	_ =	shalt  }
0x4c: {  	_ =	shalt  }
0x4d: {  	_ =	shalt  }
0x4e: {  	_ =	shalt  }
0x4f: {  	_ =	shalt  }
0x50: {  	_ =	shalt  }
0x51: {  	_ =	shalt  }
0x52: {  	_ =	shalt  }
0x53: {  	_ =	shalt  }
0x54: {  	_ =	shalt  }
0x55: {  	_ =	shalt  }
0x56: {  	_ =	shalt  }
0x57: {  	_ =	shalt  }
0x58: {  	_ =	shalt  }
0x59: {  	_ =	shalt  }
0x5a: {  	_ =	shalt  }
0x5b: {  	_ =	shalt  }
0x5c: {  	_ =	shalt  }
0x5d: {  	_ =	shalt  }
0x5e: {  	_ =	shalt  }
0x5f: {  	_ =	shalt  }
0x60: {  	_ =	shalt  }
0x61: {  	_ =	shalt  }
0x62: {  	_ =	shalt  }
0x63: {  	_ =	shalt  }
0x64: {  	_ =	shalt  }
0x65: {  	_ =	shalt  }
0x66: {  	_ =	shalt  }
0x67: {  	_ =	shalt  }
0x68: {  	_ =	shalt  }
0x69: {  	_ =	shalt  }
0x6a: {  	_ =	shalt  }
0x6b: {  	_ =	shalt  }
0x6c: {  	_ =	shalt  }
0x6d: {  	_ =	shalt  }
0x6e: {  	_ =	shalt  }
0x6f: {  	_ =	shalt  }
0x70: {  	_ =	shalt  }
0x71: {  	_ =	shalt  }
0x72: {  	_ =	shalt  }
0x73: {  	_ =	shalt  }
0x74: {  	_ =	shalt  }
0x75: {  	_ =	shalt  }
0x76: {  	_ =	shalt  }
0x77: {  	_ =	shalt  }
0x78: {  	_ =	shalt  }
0x79: {  	_ =	shalt  }
0x7a: {  	_ =	shalt  }
0x7b: {  	_ =	shalt  }
0x7c: {  	_ =	shalt  }
0x7d: {  	_ =	shalt  }
0x7e: {  	_ =	shalt  }
0x7f: {  	_ =	shalt  }
0x80: {  	_ =	shalt  }
0x81: {  	_ =	shalt  }
0x82: {  	_ =	shalt  }
0x83: {  	_ =	shalt  }
0x84: {  	_ =	shalt  }
0x85: {  	_ =	shalt  }
0x86: {  	_ =	shalt  }
0x87: {  	_ =	shalt  }
.Lfunc_end0:
.L_simem_size_0:
called_computation_lowered:
.L_overlay_start_0:
0x88: {  	s2 =	sld [smem:$0x3FD9]  }
0x89: {  	s3 =	sld [smem:$0x3FFE];
	_ =	sdelay $0x1  }
0x8a: {  	s1 =	srdreg.scid  }
0x8b: {  	s0 =	sand.u32 $0x1, s1  }
0x8c: {  	s18 =	sshll.u32 s0, $0xA;
	s2 =	sadd.s32 s3, s2  }
0x8d: {  	s2 =	sadd.s32 s2, s18  }
0x8e: {  	[smem:$0x3FC6] =	sst s2  }
0x8f: {  	_ = 	snop  }
0x90: {  	s2 =	sld [smem:$0x3FC9]  }
0x91: {  	s19 =	sld [smem:$0x3FC8]  }
0x92: {  	s4 =	sld [smem:$0x3FD0];
	(tm) =	ssettm $0x1  }
0x93: {  	s5 =	sld [smem:$0x3FFB];
	_ =	sdelay $0x3  }
0x94: {  	_ =	strace s5  }
0x95: {  	s5 =	sld [smem:$0x3FFC];
	_ =	sdelay $0x3  }
0x96: {  	_ =	strace s5  }
0x97: {  	s5 =	sld [smem:$0x3FFD];
	_ =	sdelay $0x3  }
0x98: {  	_ =	strace s5  }
0x99: {  	_ =	strace $0x8FFFFFFF  }
0x9a: {  	s20 =	sld [smem:$0x3FDB];
	_ =	sdelay $0x1  }
0x9b: {  	s6 =	simm.s32 $_scs_section_size  }
0x9c: {  	s7 =	simm.s32 $_size__tile_overlayer_lowered;
	s8 =	simm.s32 $_tile_overlayer_lowered  }
0x9d: {  	s23 =	simm.s32 $0x1BFF;
	s22 =	sshll.u32 s8, $0x1;
	s5 =	sadd.s32 s6, s20  }
0x9e: {  	s9 =	simm.s32 $0x0;
	s21 =	sshll.u32 s7, $0x1;
	s7 =	sadd.s32 s22, s5  }
0x9f: {  	[timem:s9], [sflag:s23] =	dma.local [hbm:s7], s21  }
0xa0: {  	_ =	swait.ge [sflag:s23], s21  }
0xa1: {  	s6 =	ssub.s32 $0x0, s21;
	[sflag:s23] =	ssyncset.done $0x0  }
0xa2: {  	[sflag:s23] =	ssyncadd.s32 s6;
	_ =	sdelay $0x1  }
0xa3: {  	s24 =	simm.s32 $0x1B8B  }
0xa4: {  	_ =	swait.ge [sflag:s24], $0x1  }
0xa5: {  	[sflag:s24] =	ssyncset.done $0x0  }
0xa6: {  	s25 =	simm.s32 $0x1B8E;
	[sflag:s24] =	ssyncadd.s32 $0xFFFFFFFF  }
0xa7: {  	s26 =	simm.s32 $execute0_lowered;
	[smem:$0x3FD2] =	sst s25  }
0xa8: {  	s6 =	sshll.u32 s26, $0x1;
	_ =	strace $0x80000046;
	[dreg:$0x1] =	wrdreg $0xFFFFFFFF  }
0xa9: {  	s28 =	simm.s32 $_size_execute0_lowered;
	s5 =	sadd.s32 s5, s6;
	[dreg:$0x0] =	wrdreg $0x0  }
0xaa: {  	s6 =	sshll.u32 s28, $0x1;
	[dreg:$0x2] =	wrdreg s5  }
0xab: {  	[dreg:$0x3] =	wrdreg s6  }
0xac: {  	[dreg:$0x4] =	wrdreg $0xC0  }
0xad: {  	_ =	task [dreg:s9], $0x5FFFF  }
0xae: {  	[dreg:$0x1] =	wrdreg $0xFFFFFFFF  }
0xaf: {  	[dreg:$0x0] =	wrdreg $0x60  }
0xb0: {  	[dreg:$0x2] =	wrdreg s2  }
0xb1: {  	[dreg:$0x3] =	wrdreg s19  }
0xb2: {  	[dreg:$0x4] =	wrdreg s4  }
0xb3: {  	[dreg:$0x5] =	wrdreg $0x9  }
0xb4: {  	_ =	task.clear_ibuf [dreg:s9], $0x6FFFF;
	_ =	strace $0x90000046  }
0xb5: {  	s29 =	simm.s32 $0x9;
	_ =	strace $0x80000048  }
0xb6: {  	_ =	swait.ge [sflag:s29], $0x1  }
0xb7: {  	[sflag:s29] =	ssyncadd.s32 $0xFFFFFFFF  }
0xb8: {  	_ =	strace $0x90000048  }
0xb9: {  	_ =	sfence  }
0xba: {  	s30 =	sld [smem:$0x0];
	_ =	sdelay $0x2  }
0xbb: {  	s31 =	sshll.u32 s1, $0xD;
	s1 =	sshrl.u32 s1, $0x2  }
0xbc: {  	s3 =	sand.u32 $0x4000, s31;
	s1 =	sadd.s32 s1, s30  }
0xbd: {  	s0 =	sor.u32 s3, s0;
	s1 =	sshll.u32 s1, $0x11  }
0xbe: {  	s0 =	sor.u32 s1, s0  }
0xbf: {  	s0 =	sadd.s32 $0x8F2B, s0  }
0xc0: {  	[sflag:s0] =	ssyncadd.remote.s32 $0x1  }
0xc1: {  	_ =	sfence.sel $0xFFFF  }
0xc2: {  	[dreg:$0x0] =	wrdreg $0xFFFFFFFF;
	(pc) =	sbr.abs _section_cstart, $3  }
0xc3: {  	[dreg:$0x1] =	wrdreg $0xFFFFFFFF  }
0xc4: {  	_ =	task.clear_ibuf [dreg:s9], $0x2FFFF;
	_ =	strace $0x9FFFFFFF  }
0xc5: {  	(tm) =	ssettm $0x7FFFFFFF  }
tec
execute0_lowered:
.L_overlay_start_1:
0x0: {  	(tag) =	ssettag $0x1  }
0x1: {  	s0 =	srdreg.scid;
	s1 =	stileid.u32  }
0x2: {  	s0 =	sand.u32 $0x1, s0;
	s1 =	sshll.u32 s1, $0x1  }
0x3: {  	s11 =	sor.u32 s0, s1  }
0x4: {  	s0 =	ssub.s32 $0x2, s0;
	s3 =	smul.u32 $0xD, s11  }
0x5: {  	s13 =	rddreg [dreg:$0x0];
	s6 =	sshrl.u32 s0, $0x1  }
0x6: {  	s11 =	smul.u32 $0x280, s11;
	s0 =	ssub.s32 s0, s6;
	s2 =	sshrl.u32 s3, $0x4  }
0x7: {  	s16 =	sshrl.u32 s3, $0x3;
	[smem:$0x7FD] =	sst s0;
	s17 =	sshll.u32 s3, $0x7  }
0x8: {  	s18 =	sand.u32 $0x70, s3;
	s11 =	sand.u32 $0x380, s11;
	s5 =	sand.u32 $0x1, s16  }
0x9: {  	s4 =	smul.u32 $0x187000, s2;
	s0 =	sand.u32 $0xC000, s17;
	s19 =	sadd.s32 s13, s18  }
0xa: {  	s17 =	sadd.s32 $0x1, s3;
	s2 =	sshll.u32 s2, $0x12;
	s18 =	sadd.s32 $0x2, s3  }
0xb: {  	s7 =	smul.u32 $0xC3800, s5;
	s0 =	sadd.s32 s0, s19;
	s20 =	sshrl.u32 s17, $0x4  }
0xc: {  	s21 =	sshrl.u32 s17, $0x3;
	s5 =	sshll.u32 s5, $0x11;
	s8 =	sshll.u32 s17, $0x7  }
0xd: {  	s24 =	sand.u32 $0x70, s17;
	s10 =	sshrl.u32 s18, $0x3;
	s16 =	sshll.u32 s18, $0x7  }
0xe: {  	[smem:$0x7FC] =	sst s0;
	s6 =	sand.u32 $0x1, s21;
	s22 =	smul.u32 $0x187000, s20  }
0xf: {  	s15 =	sor.u32 s2, s5;
	s23 =	sand.u32 $0x380, s8;
	s8 =	sand.u32 $0x1C000, s8  }
0x10: {  	s5 =	sadd.s32 s13, s24;
	s0 =	sshll.u32 s20, $0x12;
	s20 =	sand.u32 $0x380, s16  }
0x11: {  	s21 =	sand.u32 $0x70, s18;
	s14 =	sadd.s32 s4, s7;
	s9 =	smul.u32 $0xC3800, s6  }
0x12: {  	s26 =	sadd.s32 s8, s5;
	s4 =	sshrl.u32 s18, $0x4;
	s6 =	sshll.u32 s6, $0x11  }
0x13: {  	s2 =	sadd.s32 s13, s21;
	[smem:$0x7F5] =	sst s26;
	s12 =	smul.u32 $0x187000, s4  }
0x14: {  	s0 =	sor.u32 s0, s6;
	s6 =	sand.u32 $0x1C000, s16;
	s7 =	sadd.s32 s22, s9  }
0x15: {  	s24 =	sshll.u32 s4, $0x12;
	s0 =	sor.u32 s23, s0;
	s25 =	sor.u32 s23, s7  }
0x16: {  	s7 =	sand.u32 $0x1, s10;
	[smem:$0x7CC] =	sst s0;
	s23 =	sadd.s32 s6, s2  }
0x17: {  	[smem:$0x7C7] =	sst s25;
	s19 =	smul.u32 $0xC3800, s7;
	s7 =	sshll.u32 s7, $0x11  }
0x18: {  	s30 =	sor.u32 s11, s15;
	[dreg:$0x4] =	wrdreg s23;
	s2 =	sor.u32 s24, s7  }
0x19: {  	s8 =	sadd.s32 s12, s19;
	s19 =	sadd.s32 $0x3, s3;
	s0 =	sor.u32 s20, s2  }
0x1a: {  	s22 =	sor.u32 s20, s8;
	s25 =	sshrl.u32 s19, $0x4;
	s26 =	sshrl.u32 s19, $0x3  }
0x1b: {  	s4 =	sshll.u32 s19, $0x7;
	[smem:$0x7CD] =	sst s0;
	s8 =	sand.u32 $0x70, s19  }
0x1c: {  	s20 =	sadd.s32 $0x4, s3;
	[smem:$0x7C8] =	sst s22;
	s6 =	sand.u32 $0x1, s26  }
0x1d: {  	s1 =	smul.u32 $0x187000, s25;
	s0 =	sand.u32 $0x380, s4;
	s7 =	sand.u32 $0x1C000, s4  }
0x1e: {  	s2 =	sadd.s32 s13, s8;
	s12 =	sshll.u32 s25, $0x12;
	s21 =	sshrl.u32 s20, $0x4  }
0x1f: {  	s22 =	sshrl.u32 s20, $0x3;
	s25 =	sshll.u32 s20, $0x7;
	s10 =	smul.u32 $0xC3800, s6  }
0x20: {  	s16 =	sshll.u32 s6, $0x11;
	s23 =	sand.u32 $0x1, s22;
	s24 =	smul.u32 $0x187000, s21  }
0x21: {  	s4 =	sand.u32 $0x1C000, s25;
	s5 =	sshll.u32 s23, $0x11;
	s9 =	sadd.s32 s1, s10  }
0x22: {  	s10 =	sadd.s32 s7, s2;
	s2 =	sor.u32 s12, s16;
	s12 =	smul.u32 $0xC3800, s23  }
0x23: {  	s16 =	sand.u32 $0x70, s20;
	[dreg:$0x5] =	wrdreg s10;
	s26 =	sor.u32 s0, s9  }
0x24: {  	s23 =	sand.u32 $0x380, s25;
	s0 =	sor.u32 s0, s2;
	[smem:$0x7C9] =	sst s26  }
0x25: {  	s1 =	sadd.s32 s13, s16;
	[smem:$0x7D6] =	sst s0;
	s8 =	sadd.s32 s24, s12  }
0x26: {  	s9 =	sadd.s32 s4, s1;
	s12 =	sshll.u32 s21, $0x12;
	s21 =	sadd.s32 $0x5, s3  }
0x27: {  	[dreg:$0x6] =	wrdreg s9;
	s2 =	sor.u32 s12, s5;
	s16 =	sshrl.u32 s21, $0x4  }
0x28: {  	s22 =	sshrl.u32 s21, $0x3;
	s10 =	sshll.u32 s21, $0x7;
	s0 =	sor.u32 s23, s8  }
0x29: {  	s6 =	sand.u32 $0x1, s22;
	s24 =	smul.u32 $0x187000, s16;
	s22 =	sand.u32 $0x70, s21  }
0x2a: {  	[smem:$0x7CA] =	sst s0;
	s4 =	sand.u32 $0x1C000, s10;
	s8 =	sor.u32 s23, s2  }
0x2b: {  	s16 =	sshll.u32 s16, $0x12;
	s25 =	smul.u32 $0xC3800, s6;
	s26 =	sadd.s32 s13, s22  }
0x2c: {  	[smem:$0x7DB] =	sst s8;
	s23 =	sshll.u32 s6, $0x11;
	s22 =	sadd.s32 $0x6, s3  }
0x2d: {  	s0 =	sadd.s32 s4, s26;
	s5 =	sshrl.u32 s22, $0x4;
	s12 =	sshll.u32 s22, $0x7  }
0x2e: {  	s9 =	sadd.s32 s24, s25;
	[dreg:$0x7] =	wrdreg s0;
	s0 =	sor.u32 s16, s23  }
0x2f: {  	s24 =	sshrl.u32 s22, $0x3;
	s25 =	sand.u32 $0x380, s10;
	s26 =	smul.u32 $0x187000, s5  }
0x30: {  	s8 =	sand.u32 $0x1C000, s12;
	s6 =	sand.u32 $0x1, s24;
	s24 =	sand.u32 $0x70, s22  }
0x31: {  	s4 =	sor.u32 s25, s9;
	s0 =	sor.u32 s25, s0;
	s25 =	sshll.u32 s5, $0x12  }
0x32: {  	s23 =	smul.u32 $0xC3800, s6;
	[smem:$0x7CB] =	sst s4;
	s7 =	sadd.s32 s13, s24  }
0x33: {  	[smem:$0x7DC] =	sst s0;
	s24 =	sadd.s32 s8, s7;
	s7 =	sand.u32 $0x380, s12  }
0x34: {  	s16 =	sadd.s32 s26, s23;
	[dreg:$0x8] =	wrdreg s24;
	s26 =	sshll.u32 s6, $0x11  }
0x35: {  	s23 =	sadd.s32 $0x7, s3;
	s24 =	sadd.s32 $0x8, s3;
	s2 =	sor.u32 s25, s26  }
0x36: {  	s1 =	sshrl.u32 s23, $0x4;
	s4 =	sshrl.u32 s23, $0x3;
	s31 =	sor.u32 s7, s16  }
0x37: {  	s26 =	sshrl.u32 s24, $0x3;
	s12 =	sand.u32 $0x70, s24;
	s6 =	sand.u32 $0x1, s4  }
0x38: {  	s8 =	smul.u32 $0x187000, s1;
	s9 =	sor.u32 s7, s2;
	s16 =	sshll.u32 s1, $0x12  }
0x39: {  	s1 =	sshll.u32 s23, $0x7;
	[smem:$0x7E5] =	sst s9;
	s10 =	smul.u32 $0xC3800, s6  }
0x3a: {  	s25 =	sshll.u32 s6, $0x11;
	s6 =	sand.u32 $0x1, s26;
	s4 =	sand.u32 $0x380, s1  }
0x3b: {  	s26 =	sand.u32 $0x70, s23;
	s5 =	sand.u32 $0x1C000, s1;
	s2 =	sor.u32 s16, s25  }
0x3c: {  	s25 =	sshrl.u32 s24, $0x4;
	s26 =	sadd.s32 s13, s26;
	s29 =	smul.u32 $0xC3800, s6  }
0x3d: {  	s6 =	sshll.u32 s6, $0x11;
	s0 =	sadd.s32 s8, s10;
	s28 =	smul.u32 $0x187000, s25  }
0x3e: {  	s7 =	sadd.s32 s5, s26;
	s8 =	sor.u32 s4, s2;
	s10 =	sshll.u32 s24, $0x7  }
0x3f: {  	s26 =	sadd.s32 s13, s12;
	[dreg:$0x9] =	wrdreg s7;
	s16 =	sor.u32 s4, s0  }
0x40: {  	[smem:$0x7EA] =	sst s8;
	s0 =	sand.u32 $0x1C000, s10;
	s10 =	sor.u32 s11, s14  }
0x41: {  	s9 =	sadd.s32 s28, s29;
	s0 =	sadd.s32 s0, s26;
	s26 =	sshll.u32 s25, $0x12  }
0x42: {  	s25 =	sadd.s32 $0x9, s3;
	[dreg:$0xa] =	wrdreg s0;
	s2 =	sor.u32 s26, s6  }
0x43: {  	s4 =	sshrl.u32 s25, $0x4;
	s28 =	sshrl.u32 s25, $0x3;
	s29 =	sshll.u32 s25, $0x7  }
0x44: {  	s7 =	sand.u32 $0x70, s25;
	s12 =	sor.u32 s11, s9;
	s26 =	sadd.s32 $0xA, s3  }
0x45: {  	s5 =	sand.u32 $0x1, s28;
	s28 =	smul.u32 $0x187000, s4;
	s8 =	sadd.s32 s13, s7  }
0x46: {  	s9 =	sand.u32 $0x1C000, s29;
	s11 =	sor.u32 s11, s2;
	s4 =	sshll.u32 s4, $0x12  }
0x47: {  	s1 =	sshrl.u32 s26, $0x4;
	s15 =	sand.u32 $0x380, s29;
	s14 =	sshll.u32 s26, $0x7  }
0x48: {  	s7 =	sand.u32 $0x70, s26;
	s6 =	smul.u32 $0xC3800, s5;
	s0 =	sadd.s32 s9, s8  }
0x49: {  	s5 =	sshll.u32 s5, $0x11;
	s29 =	smul.u32 $0x187000, s1;
	[dreg:$0xb] =	wrdreg s0  }
0x4a: {  	s8 =	sor.u32 s4, s5;
	s5 =	sadd.s32 s13, s7;
	s7 =	sshll.u32 s1, $0x12  }
0x4b: {  	s2 =	sadd.s32 s28, s6;
	s6 =	sshrl.u32 s26, $0x3;
	s8 =	sor.u32 s15, s8  }
0x4c: {  	s28 =	sand.u32 $0x1, s6;
	s9 =	sor.u32 s15, s2;
	s6 =	sand.u32 $0x1C000, s14  }
0x4d: {  	s14 =	sand.u32 $0x380, s14;
	s4 =	smul.u32 $0xC3800, s28;
	s0 =	sadd.s32 s6, s5  }
0x4e: {  	s15 =	sshll.u32 s28, $0x11;
	s28 =	sadd.s32 $0xB, s3;
	[dreg:$0xc] =	wrdreg s0  }
0x4f: {  	s6 =	sor.u32 s7, s15;
	s1 =	sshrl.u32 s28, $0x4;
	s0 =	sshrl.u32 s28, $0x3  }
0x50: {  	s15 =	sshll.u32 s28, $0x7;
	s4 =	sadd.s32 s29, s4;
	s2 =	sand.u32 $0x1, s0  }
0x51: {  	s29 =	smul.u32 $0x187000, s1;
	s0 =	sand.u32 $0x70, s28;
	s1 =	sshll.u32 s1, $0x12  }
0x52: {  	s5 =	smul.u32 $0xC3800, s2;
	s7 =	sor.u32 s14, s4;
	s4 =	sadd.s32 s13, s0  }
0x53: {  	s0 =	sand.u32 $0x1C000, s15;
	s14 =	sor.u32 s14, s6;
	s2 =	sshll.u32 s2, $0x11  }
0x54: {  	s6 =	sand.u32 $0x380, s15;
	s15 =	sld [smem:$0x7C7];
	s0 =	sadd.s32 s0, s4  }
0x55: {  	s5 =	sadd.s32 s29, s5;
	[dreg:$0xd] =	wrdreg s0;
	s0 =	sor.u32 s1, s2  }
0x56: {  	s29 =	sadd.s32 $0xC, s3;
	s5 =	sor.u32 s6, s5;
	s3 =	sor.u32 s6, s0  }
0x57: {  	s6 =	sshrl.u32 s10, $0x3;
	s10 =	sshrl.u32 s15, $0x3;
	s15 =	rddreg [dreg:$0x1]  }
0x58: {  	s6 =	sadd.s32 s15, s6  }
0x59: {  	s10 =	sadd.s32 s15, s10;
	[dreg:$0xe] =	wrdreg s6  }
0x5a: {  	[dreg:$0xf] =	wrdreg s10  }
0x5b: {  	s1 =	sshrl.u32 s29, $0x4;
	s4 =	sshrl.u32 s29, $0x3;
	s6 =	sld [smem:$0x7C8]  }
0x5c: {  	s2 =	sand.u32 $0x1, s4;
	s4 =	smul.u32 $0x187000, s1;
	s10 =	sld [smem:$0x7C9]  }
0x5d: {  	s0 =	smul.u32 $0xC3800, s2;
	_ =	sdelay $0x1  }
0x5e: {  	s0 =	sadd.s32 s4, s0;
	s4 =	sshrl.u32 s6, $0x3;
	s6 =	sshrl.u32 s10, $0x3  }
0x5f: {  	s10 =	sld [smem:$0x7CA];
	s6 =	sadd.s32 s15, s6  }
0x60: {  	[dreg:$0x11] =	wrdreg s6  }
0x61: {  	s16 =	sshrl.u32 s16, $0x3;
	s5 =	sshrl.u32 s5, $0x3;
	s6 =	sld [smem:$0x7CB]  }
0x62: {  	s12 =	sshrl.u32 s12, $0x3;
	s1 =	sshll.u32 s1, $0x12;
	s5 =	sadd.s32 s15, s5  }
0x63: {  	[dreg:$0x19] =	wrdreg s5;
	s4 =	sadd.s32 s15, s4;
	s10 =	sshrl.u32 s10, $0x3  }
0x64: {  	[dreg:$0x10] =	wrdreg s4;
	s10 =	sadd.s32 s15, s10;
	s4 =	sshrl.u32 s6, $0x3  }
0x65: {  	[dreg:$0x12] =	wrdreg s10;
	s10 =	sshrl.u32 s31, $0x3;
	s4 =	sadd.s32 s15, s4  }
0x66: {  	s2 =	sshll.u32 s2, $0x11;
	s6 =	sadd.s32 s15, s10;
	[dreg:$0x13] =	wrdreg s4  }
0x67: {  	s1 =	sor.u32 s1, s2;
	s10 =	sadd.s32 s15, s16;
	[dreg:$0x14] =	wrdreg s6  }
0x68: {  	s16 =	sshrl.u32 s9, $0x3;
	s9 =	sshll.u32 s29, $0x7;
	[dreg:$0x15] =	wrdreg s10  }
0x69: {  	s4 =	sadd.s32 s15, s12;
	s6 =	sadd.s32 s15, s16;
	s10 =	sand.u32 $0x380, s9  }
0x6a: {  	s12 =	sshrl.u32 s7, $0x3;
	s16 =	sand.u32 $0x70, s29;
	[dreg:$0x16] =	wrdreg s4  }
0x6b: {  	s7 =	sand.u32 $0x1C000, s9;
	[dreg:$0x17] =	wrdreg s6;
	s0 =	sor.u32 s10, s0  }
0x6c: {  	s6 =	sadd.s32 s15, s12;
	s5 =	sadd.s32 s13, s16;
	s13 =	rddreg [dreg:$0x2]  }
0x6d: {  	s2 =	sor.u32 s10, s1;
	s4 =	sld [smem:$0x7CC];
	s0 =	sshrl.u32 s0, $0x3  }
0x6e: {  	[dreg:$0x18] =	wrdreg s6;
	s6 =	sshrl.u32 s30, $0x3;
	s0 =	sadd.s32 s15, s0  }
0x6f: {  	s16 =	sadd.s32 $0x1000, s13;
	s9 =	sadd.s32 s13, s6;
	[dreg:$0x1a] =	wrdreg s0  }
0x70: {  	s31 =	sadd.s32 $0x2000, s13;
	s10 =	sadd.s32 s6, s16;
	[dreg:$0x1c] =	wrdreg s9  }
0x71: {  	s1 =	sadd.s32 $0x3000, s13;
	s12 =	sadd.s32 s6, s31;
	[dreg:$0x1d] =	wrdreg s10  }
0x72: {  	s15 =	sadd.s32 s6, s1;
	[dreg:$0x1e] =	wrdreg s12  }
0x73: {  	s0 =	sadd.s32 s7, s5;
	[dreg:$0x1f] =	wrdreg s15  }
0x74: {  	[dreg:$0x1b] =	wrdreg s0;
	s0 =	sshrl.u32 s4, $0x3  }
0x75: {  	s5 =	sld [smem:$0x7CD];
	s6 =	sadd.s32 s13, s0  }
0x76: {  	s7 =	sadd.s32 s0, s16;
	[smem:$0x7CE] =	sst s6  }
0x77: {  	s9 =	sadd.s32 s0, s31;
	[smem:$0x7CF] =	sst s7  }
0x78: {  	s0 =	sadd.s32 s0, s1;
	[smem:$0x7D0] =	sst s9  }
0x79: {  	s4 =	sshrl.u32 s5, $0x3;
	[smem:$0x7D1] =	sst s0  }
0x7a: {  	s5 =	sld [smem:$0x7D6];
	s10 =	sadd.s32 s13, s4  }
0x7b: {  	s12 =	sadd.s32 s4, s16;
	[smem:$0x7D2] =	sst s10  }
0x7c: {  	s15 =	sadd.s32 s4, s31;
	[smem:$0x7D3] =	sst s12  }
0x7d: {  	s4 =	sadd.s32 s4, s1;
	[smem:$0x7D4] =	sst s15  }
0x7e: {  	[smem:$0x7D5] =	sst s4  }
0x7f: {  	s10 =	sld [smem:$0x7DB];
	s0 =	sshrl.u32 s5, $0x3  }
0x80: {  	s12 =	sld [smem:$0x7DC];
	s6 =	sadd.s32 s13, s0  }
0x81: {  	s7 =	sadd.s32 s0, s16;
	[smem:$0x7D7] =	sst s6  }
0x82: {  	s9 =	sadd.s32 s0, s31;
	s0 =	sadd.s32 s0, s1;
	[smem:$0x7D8] =	sst s7  }
0x83: {  	[smem:$0x7DA] =	sst s0;
	s0 =	sshrl.u32 s10, $0x3  }
0x84: {  	[smem:$0x7D9] =	sst s9;
	s15 =	sadd.s32 s13, s0  }
0x85: {  	s6 =	sadd.s32 s0, s16;
	[smem:$0x7DD] =	sst s15  }
0x86: {  	s7 =	sadd.s32 s0, s31;
	[smem:$0x7DE] =	sst s6  }
0x87: {  	s4 =	sshrl.u32 s12, $0x3;
	s0 =	sadd.s32 s0, s1;
	[smem:$0x7DF] =	sst s7  }
0x88: {  	s9 =	sadd.s32 s13, s4;
	[smem:$0x7E0] =	sst s0  }
0x89: {  	s10 =	sadd.s32 s4, s16;
	[smem:$0x7E1] =	sst s9  }
0x8a: {  	s12 =	sadd.s32 s4, s31;
	s15 =	sadd.s32 s4, s1;
	s4 =	sld [smem:$0x7E5]  }
0x8b: {  	[smem:$0x7E2] =	sst s10  }
0x8c: {  	[smem:$0x7E3] =	sst s12  }
0x8d: {  	s9 =	sld [smem:$0x7EA];
	s0 =	sshrl.u32 s4, $0x3  }
0x8e: {  	[smem:$0x7E4] =	sst s15;
	s5 =	sadd.s32 s13, s0  }
0x8f: {  	s17 =	sand.u32 $0xF, s17;
	s6 =	sadd.s32 s0, s16;
	[smem:$0x7E6] =	sst s5  }
0x90: {  	p0 =	sne.s32 s17, $0x0;
	s7 =	sadd.s32 s0, s31;
	[smem:$0x7E7] =	sst s6  }
0x91: {  	s10 =	sshrl.u32 s11, $0x3;
	s0 =	sadd.s32 s0, s1;
	[smem:$0x7E8] =	sst s7  }
0x92: {  	s17 =	sand.u32 $0xF, s20;
	[smem:$0x7E9] =	sst s0;
	s6 =	sadd.s32 s13, s10  }
0x93: {  	s20 =	sand.u32 $0xF, s23;
	s7 =	sadd.s32 s10, s16;
	[smem:$0x7EF] =	sst s6  }
0x94: {  	s0 =	sshrl.u32 s9, $0x3;
	s9 =	sadd.s32 s10, s31;
	[smem:$0x7F0] =	sst s7  }
0x95: {  	p6 =	sne.s32 s20, $0x0;
	s10 =	sadd.s32 s10, s1;
	[smem:$0x7F1] =	sst s9  }
0x96: {  	s20 =	simm.s32 $0x400;
	s11 =	sadd.s32 s13, s0;
	[smem:$0x7F2] =	sst s10  }
0x97: {  	s3 =	sshrl.u32 s3, $0x3;
	s12 =	sadd.s32 s0, s16;
	[smem:$0x7EB] =	sst s11  }
0x98: {  	s2 =	sshrl.u32 s2, $0x3;
	s15 =	sadd.s32 s0, s31;
	[smem:$0x7EC] =	sst s12  }
0x99: {  	s0 =	sadd.s32 s0, s1;
	s9 =	sadd.s32 s13, s3;
	[smem:$0x7ED] =	sst s15  }
0x9a: {  	s10 =	sadd.s32 s3, s16;
	[smem:$0x7EE] =	sst s0;
	s11 =	sshrl.u32 s8, $0x3  }
0x9b: {  	s0 =	sshrl.u32 s14, $0x3;
	s14 =	sadd.s32 s2, s16;
	s12 =	sadd.s32 s13, s11  }
0x9c: {  	s15 =	sadd.s32 s11, s16;
	s30 =	sadd.s32 s11, s31;
	s4 =	sadd.s32 s11, s1  }
0x9d: {  	s5 =	sadd.s32 s13, s0;
	s6 =	sadd.s32 s0, s16;
	s7 =	sadd.s32 s0, s31  }
0x9e: {  	s8 =	sadd.s32 s0, s1;
	s11 =	sadd.s32 s3, s31;
	s13 =	sadd.s32 s13, s2  }
0x9f: {  	s16 =	sadd.s32 s2, s1;
	s0 =	simm.s32 @!p0 $0x0;
	[smem:$0x7F3] =	sst s12  }
0xa0: {  	[smem:$0x7F4] =	sst s15;
	s15 =	sadd.s32 s2, s31;
	s2 =	sand.u32 $0xF, s18  }
0xa1: {  	s12 =	sadd.s32 s3, s1;
	s0 =	simm.s32 @p0 $0x1;
	p0 =	sne.s32 s2, $0x0  }
0xa2: {  	s3 =	sand.u32 $0xF, s19;
	[smem:$0x7F6] =	sst s0;
	s0 =	simm.s32 @!p0 $0x0  }
0xa3: {  	s23 =	sand.u32 $0xF, s26;
	s0 =	simm.s32 @p0 $0x1;
	p0 =	sne.s32 s3, $0x0  }
0xa4: {  	p2 =	sne.s32 s23, $0x0;
	[smem:$0x7F7] =	sst s0;
	s0 =	simm.s32 @!p0 $0x0  }
0xa5: {  	s23 =	simm.s32 $0x1C700;
	s0 =	simm.s32 @p0 $0x1;
	p0 =	sne.s32 s17, $0x0  }
0xa6: {  	s18 =	sand.u32 $0xF, s21;
	[smem:$0x7F8] =	sst s0;
	s0 =	simm.s32 @!p0 $0x0  }
0xa7: {  	s31 =	sld [smem:$0x7F5];
	s0 =	simm.s32 @p0 $0x1;
	p0 =	sne.s32 s18, $0x0  }
0xa8: {  	s19 =	sand.u32 $0xF, s22;
	[smem:$0x7F9] =	sst s0;
	s0 =	simm.s32 @!p0 $0x0  }
0xa9: {  	s21 =	sand.u32 $0xF, s24;
	s0 =	simm.s32 @p0 $0x1;
	p0 =	sne.s32 s19, $0x0  }
0xaa: {  	s17 =	simm.s32 $0x0;
	[smem:$0x7FA] =	sst s0;
	s0 =	simm.s32 @!p0 $0x0  }
0xab: {  	s22 =	sand.u32 $0xF, s25;
	[smem:$0x7FF] =	sst s17;
	s0 =	simm.s32 @p0 $0x1  }
0xac: {  	s24 =	sand.u32 $0xF, s28;
	s25 =	sand.u32 $0xF, s29;
	[smem:$0x7FB] =	sst s0  }
0xad: {  	s29 =	sld [smem:$0x7FC];
	s28 =	simm.s32 $0x0;
	_ =	strace $0x80000047  }
0xae: {  	p1 =	sne.s32 s22, $0x0;
	p3 =	sne.s32 s24, $0x0;
	s26 =	sld [smem:$0x7FD]  }
0xaf: {  	p4 =	sne.s32 s25, $0x0;
	s22 =	simm.s32 $0x1;
	s24 =	simm.s32 $0x1D700  }
0xb0: {  	s25 =	simm.s32 $0x2;
	s19 =	simm.s32 $0x80;
	p0 =	sne.s32 s21, $0x0  }
0xb1: {  	s21 =	simm.s32 $0x4;
	s18 =	smax.u32 s26, $0x1;
	s26 =	simm.s32 $0x3  }
.LBB2_1:
0xb2: {  	s0 =	rddreg [dreg:$0xe]  }
0xb3: {  	[tilespmem:s17], [sflag:$0x1] =	stream.strided.gather [hbm4b:s0+s19], $0x18700, s20, s19, $0x38;
	[tilespmem:$0x1E700] =	vst v63  }
0xb4: {  	s3 =	simm.s32 $0x18700  }
0xb5: {  	[tilespmem:s3], [sflag:$0x4] =	stream.strided.gather [hbm4b:s29+s19], $0x4000, s20, s19, $0x38;
	[tilespmem:$0x1E700] =	vst v63  }
0xb6: {  	_ =	swait.ge [sflag:s21], $0x4000  }
0xb7: {  	[sflag:s21] =	ssyncset.done $0x0  }
0xb8: {  	[sflag:s21] =	ssyncadd.s32 $0xFFFFC000  }
0xb9: {  	_ =	swait.ge [sflag:s22], $0x18700  }
0xba: {  	[sflag:s22] =	ssyncset.done $0x0  }
0xbb: {  	s1 =	simm.s32 $0x18740;
	[sflag:s22] =	ssyncadd.s32 $0xFFFE7900  }
0xbc: {  	v0 =	vld [tilespmem:s1+$0x30]  }
0xbd: {  	v1 =	vld [tilespmem:s1+$0xFFFFFFD0]  }
0xbe: {  	v2 =	vld [tilespmem:s1+$0xFFFFFFE0]  }
0xbf: {  	v3 =	vld [tilespmem:s1+$0xFFFFFFF0]  }
0xc0: {  	v4 =	vld [tilespmem:s1+$0x0]  }
0xc1: {  	v6 =	vld [tilespmem:s1+$0x10]  }
0xc2: {  	v7 =	vld [tilespmem:s1+$0x20]  }
0xc3: {  	v8 =	vld [tilespmem:s1+$0xFFFFFFC0]  }
0xc4: {  	v9 =	vld.idx.msk [tilespmem:v0+s17+$0x0], $0xffff  }
0xc5: {  	v10 =	vld.idx.msk [tilespmem:v1+s17+$0x0], $0xffff  }
0xc6: {  	v5 =	vld.idx.msk [tilespmem:v2+s17+$0x0], $0xffff  }
0xc7: {  	v3 =	vld.idx.msk [tilespmem:v3+s17+$0x0], $0xffff  }
0xc8: {  	v0 =	vld.idx.msk [tilespmem:v4+s17+$0x0], $0xffff  }
0xc9: {  	s1 =	simm.s32 $0x1C740;
	v1 =	vld.idx.msk [tilespmem:v6+s17+$0x0], $0xffff  }
0xca: {  	v2 =	vld.idx.msk [tilespmem:v7+s17+$0x0], $0xffff;
	[tilespmem:s1+$0x30] =	vst v9  }
0xcb: {  	s2 =	simm.s32 $0x0;
	s3 =	simm.s32 $0x187C0;
	v4 =	vld.idx.msk [tilespmem:v8+s17+$0x0], $0xffff;
	[tilespmem:s1+$0xFFFFFFD0] =	vst v10  }
.LBB2_2:
0xcc: {  	v6 =	vld [tilespmem:s3+$0x30];
	s2 =	sadd.s32 $0x80, s2;
	[tilespmem:s1+$0xFFFFFFE0] =	vst v5  }
0xcd: {  	v5 =	vld [tilespmem:s3+$0xFFFFFFD0];
	p5 =	slt.u32 s2, $0xF80;
	[tilespmem:s1+$0xFFFFFFF0] =	vst v3  }
0xce: {  	v3 =	vld [tilespmem:s3+$0xFFFFFFE0];
	[tilespmem:s1+$0x0] =	vst v0  }
0xcf: {  	v0 =	vld [tilespmem:s3+$0xFFFFFFF0];
	[tilespmem:s1+$0x10] =	vst v1  }
0xd0: {  	v1 =	vld [tilespmem:s3+$0x0];
	[tilespmem:s1+$0x20] =	vst v2  }
0xd1: {  	v2 =	vld [tilespmem:s3+$0x10];
	[tilespmem:s1+$0xFFFFFFC0] =	vst v4  }
0xd2: {  	v4 =	vld [tilespmem:s3+$0x20]  }
0xd3: {  	v7 =	vld [tilespmem:s3+$0xFFFFFFC0]  }
0xd4: {  	v6 =	vld.idx.msk [tilespmem:v6+s17+$0x0], $0xffff  }
0xd5: {  	v8 =	vld.idx.msk [tilespmem:v5+s17+$0x0], $0xffff  }
0xd6: {  	v5 =	vld.idx.msk [tilespmem:v3+s17+$0x0], $0xffff  }
.Ltmp0:
0xd7: {  	v3 =	vld.idx.msk [tilespmem:v0+s17+$0x0], $0xffff;
	(pc) =	sbr.rel @p5 .LBB2_2-.Ltmp0, $4  }
0xd8: {  	v0 =	vld.idx.msk [tilespmem:v1+s17+$0x0], $0xffff  }
0xd9: {  	s1 =	sadd.s32 $0x80, s1;
	v1 =	vld.idx.msk [tilespmem:v2+s17+$0x0], $0xffff  }
0xda: {  	v2 =	vld.idx.msk [tilespmem:v4+s17+$0x0], $0xffff;
	[tilespmem:s1+$0x30] =	vst v6  }
0xdb: {  	s3 =	sadd.s32 $0x80, s3;
	v4 =	vld.idx.msk [tilespmem:v7+s17+$0x0], $0xffff;
	[tilespmem:s1+$0xFFFFFFD0] =	vst v8  }
0xdc: {  	[tilespmem:s1+$0xFFFFFFE0] =	vst v5  }
0xdd: {  	[tilespmem:s1+$0xFFFFFFF0] =	vst v3  }
0xde: {  	[tilespmem:s1+$0x0] =	vst v0  }
0xdf: {  	[tilespmem:s1+$0x10] =	vst v1  }
0xe0: {  	[tilespmem:s1+$0x20] =	vst v2  }
0xe1: {  	[tilespmem:s1+$0xFFFFFFC0] =	vst v4  }
0xe2: {  	s3 =	simm.s32 $0x19770;
	s0 =	rddreg [dreg:$0x1c]  }
0xe3: {  	[hbm4b:s0+s19] =	stream.strided.scatter [tilespmem:s23], [sflag:$0x2], $0x1000, s20, s19, $0x38;
	[tilespmem:$0x1E700] =	vst v63  }
0xe4: {  	v0 =	vld [tilespmem:s3+$0x0]  }
0xe5: {  	v1 =	vld [tilespmem:s3+$0xFFFFFFA0]  }
0xe6: {  	v2 =	vld [tilespmem:s3+$0xFFFFFFB0]  }
0xe7: {  	v3 =	vld [tilespmem:s3+$0xFFFFFFC0]  }
0xe8: {  	v4 =	vld [tilespmem:s3+$0xFFFFFFD0]  }
0xe9: {  	v6 =	vld [tilespmem:s3+$0xFFFFFFE0]  }
0xea: {  	v7 =	vld [tilespmem:s3+$0xFFFFFFF0]  }
0xeb: {  	v8 =	vld [tilespmem:s3+$0xFFFFFF90]  }
0xec: {  	v9 =	vld.idx.msk [tilespmem:v0+s17+$0x0], $0xffff  }
0xed: {  	v10 =	vld.idx.msk [tilespmem:v1+s17+$0x0], $0xffff  }
0xee: {  	v5 =	vld.idx.msk [tilespmem:v2+s17+$0x0], $0xffff  }
0xef: {  	v3 =	vld.idx.msk [tilespmem:v3+s17+$0x0], $0xffff  }
0xf0: {  	v0 =	vld.idx.msk [tilespmem:v4+s17+$0x0], $0xffff  }
0xf1: {  	s1 =	simm.s32 $0x1D740;
	v1 =	vld.idx.msk [tilespmem:v6+s17+$0x0], $0xffff  }
0xf2: {  	v2 =	vld.idx.msk [tilespmem:v7+s17+$0x0], $0xffff;
	[tilespmem:s1+$0x30] =	vst v9  }
0xf3: {  	s2 =	simm.s32 $0x0;
	s3 =	simm.s32 $0x197F0;
	v4 =	vld.idx.msk [tilespmem:v8+s17+$0x0], $0xffff;
	[tilespmem:s1+$0xFFFFFFD0] =	vst v10  }
.LBB2_4:
0xf4: {  	v6 =	vld [tilespmem:s3+$0x0];
	s2 =	sadd.s32 $0x80, s2;
	[tilespmem:s1+$0xFFFFFFE0] =	vst v5  }
0xf5: {  	v5 =	vld [tilespmem:s3+$0xFFFFFFA0];
	p5 =	slt.u32 s2, $0xF80;
	[tilespmem:s1+$0xFFFFFFF0] =	vst v3  }
0xf6: {  	v3 =	vld [tilespmem:s3+$0xFFFFFFB0];
	[tilespmem:s1+$0x0] =	vst v0  }
0xf7: {  	v0 =	vld [tilespmem:s3+$0xFFFFFFC0];
	[tilespmem:s1+$0x10] =	vst v1  }
0xf8: {  	v1 =	vld [tilespmem:s3+$0xFFFFFFD0];
	[tilespmem:s1+$0x20] =	vst v2  }
0xf9: {  	v2 =	vld [tilespmem:s3+$0xFFFFFFE0];
	[tilespmem:s1+$0xFFFFFFC0] =	vst v4  }
0xfa: {  	v4 =	vld [tilespmem:s3+$0xFFFFFFF0]  }
0xfb: {  	v7 =	vld [tilespmem:s3+$0xFFFFFF90]  }
0xfc: {  	v6 =	vld.idx.msk [tilespmem:v6+s17+$0x0], $0xffff  }
0xfd: {  	v8 =	vld.idx.msk [tilespmem:v5+s17+$0x0], $0xffff  }
0xfe: {  	v5 =	vld.idx.msk [tilespmem:v3+s17+$0x0], $0xffff  }
.Ltmp1:
0xff: {  	v3 =	vld.idx.msk [tilespmem:v0+s17+$0x0], $0xffff;
	(pc) =	sbr.rel @p5 .LBB2_4-.Ltmp1, $4  }
0x100: {  	v0 =	vld.idx.msk [tilespmem:v1+s17+$0x0], $0xffff  }
0x101: {  	s1 =	sadd.s32 $0x80, s1;
	v1 =	vld.idx.msk [tilespmem:v2+s17+$0x0], $0xffff  }
0x102: {  	v2 =	vld.idx.msk [tilespmem:v4+s17+$0x0], $0xffff;
	[tilespmem:s1+$0x30] =	vst v6  }
0x103: {  	s3 =	sadd.s32 $0x80, s3;
	v4 =	vld.idx.msk [tilespmem:v7+s17+$0x0], $0xffff;
	[tilespmem:s1+$0xFFFFFFD0] =	vst v8  }
0x104: {  	[tilespmem:s1+$0xFFFFFFE0] =	vst v5  }
0x105: {  	[tilespmem:s1+$0xFFFFFFF0] =	vst v3  }
0x106: {  	[tilespmem:s1+$0x0] =	vst v0  }
0x107: {  	[tilespmem:s1+$0x10] =	vst v1  }
0x108: {  	[tilespmem:s1+$0x20] =	vst v2  }
0x109: {  	[tilespmem:s1+$0xFFFFFFC0] =	vst v4  }
0x10a: {  	s0 =	rddreg [dreg:$0x1d]  }
0x10b: {  	[hbm4b:s0+s19] =	stream.strided.scatter [tilespmem:s24], [sflag:$0x3], $0x1000, s20, s19, $0x38;
	[tilespmem:$0x1E700] =	vst v63  }
0x10c: {  	_ =	swait.ge [sflag:s25], $0x1000  }
0x10d: {  	[sflag:s25] =	ssyncset.done $0x0  }
0x10e: {  	s3 =	simm.s32 $0x1A770;
	[sflag:s25] =	ssyncadd.s32 $0xFFFFF000  }
0x10f: {  	v0 =	vld [tilespmem:s3+$0x0]  }
0x110: {  	v1 =	vld [tilespmem:s3+$0xFFFFFFA0]  }
0x111: {  	v2 =	vld [tilespmem:s3+$0xFFFFFFB0]  }
0x112: {  	v3 =	vld [tilespmem:s3+$0xFFFFFFC0]  }
0x113: {  	v4 =	vld [tilespmem:s3+$0xFFFFFFD0]  }
0x114: {  	v6 =	vld [tilespmem:s3+$0xFFFFFFE0]  }
0x115: {  	v7 =	vld [tilespmem:s3+$0xFFFFFFF0]  }
0x116: {  	v8 =	vld [tilespmem:s3+$0xFFFFFF90]  }
0x117: {  	v9 =	vld.idx.msk [tilespmem:v0+s17+$0x0], $0xffff  }
0x118: {  	v10 =	vld.idx.msk [tilespmem:v1+s17+$0x0], $0xffff  }
0x119: {  	v5 =	vld.idx.msk [tilespmem:v2+s17+$0x0], $0xffff  }
0x11a: {  	v3 =	vld.idx.msk [tilespmem:v3+s17+$0x0], $0xffff  }
0x11b: {  	v0 =	vld.idx.msk [tilespmem:v4+s17+$0x0], $0xffff  }
0x11c: {  	s1 =	simm.s32 $0x1C740;
	v1 =	vld.idx.msk [tilespmem:v6+s17+$0x0], $0xffff  }
0x11d: {  	v2 =	vld.idx.msk [tilespmem:v7+s17+$0x0], $0xffff;
	[tilespmem:s1+$0x30] =	vst v9  }
0x11e: {  	s2 =	simm.s32 $0x0;
	s3 =	simm.s32 $0x1A7F0;
	v4 =	vld.idx.msk [tilespmem:v8+s17+$0x0], $0xffff;
	[tilespmem:s1+$0xFFFFFFD0] =	vst v10  }
.LBB2_6:
0x11f: {  	v6 =	vld [tilespmem:s3+$0x0];
	s2 =	sadd.s32 $0x80, s2;
	[tilespmem:s1+$0xFFFFFFE0] =	vst v5  }
0x120: {  	v5 =	vld [tilespmem:s3+$0xFFFFFFA0];
	p5 =	slt.u32 s2, $0xF80;
	[tilespmem:s1+$0xFFFFFFF0] =	vst v3  }
0x121: {  	v3 =	vld [tilespmem:s3+$0xFFFFFFB0];
	[tilespmem:s1+$0x0] =	vst v0  }
0x122: {  	v0 =	vld [tilespmem:s3+$0xFFFFFFC0];
	[tilespmem:s1+$0x10] =	vst v1  }
0x123: {  	v1 =	vld [tilespmem:s3+$0xFFFFFFD0];
	[tilespmem:s1+$0x20] =	vst v2  }
0x124: {  	v2 =	vld [tilespmem:s3+$0xFFFFFFE0];
	[tilespmem:s1+$0xFFFFFFC0] =	vst v4  }
0x125: {  	v4 =	vld [tilespmem:s3+$0xFFFFFFF0]  }
0x126: {  	v7 =	vld [tilespmem:s3+$0xFFFFFF90]  }
0x127: {  	v6 =	vld.idx.msk [tilespmem:v6+s17+$0x0], $0xffff  }
0x128: {  	v8 =	vld.idx.msk [tilespmem:v5+s17+$0x0], $0xffff  }
0x129: {  	v5 =	vld.idx.msk [tilespmem:v3+s17+$0x0], $0xffff  }
.Ltmp2:
0x12a: {  	v3 =	vld.idx.msk [tilespmem:v0+s17+$0x0], $0xffff;
	(pc) =	sbr.rel @p5 .LBB2_6-.Ltmp2, $4  }
0x12b: {  	v0 =	vld.idx.msk [tilespmem:v1+s17+$0x0], $0xffff  }
0x12c: {  	s1 =	sadd.s32 $0x80, s1;
	v1 =	vld.idx.msk [tilespmem:v2+s17+$0x0], $0xffff  }
0x12d: {  	v2 =	vld.idx.msk [tilespmem:v4+s17+$0x0], $0xffff;
	[tilespmem:s1+$0x30] =	vst v6  }
0x12e: {  	s3 =	sadd.s32 $0x80, s3;
	v4 =	vld.idx.msk [tilespmem:v7+s17+$0x0], $0xffff;
	[tilespmem:s1+$0xFFFFFFD0] =	vst v8  }
0x12f: {  	[tilespmem:s1+$0xFFFFFFE0] =	vst v5  }
0x130: {  	[tilespmem:s1+$0xFFFFFFF0] =	vst v3  }
0x131: {  	[tilespmem:s1+$0x0] =	vst v0  }
0x132: {  	[tilespmem:s1+$0x10] =	vst v1  }
0x133: {  	[tilespmem:s1+$0x20] =	vst v2  }
0x134: {  	[tilespmem:s1+$0xFFFFFFC0] =	vst v4  }
0x135: {  	s0 =	rddreg [dreg:$0x1e]  }
0x136: {  	[hbm4b:s0+s19] =	stream.strided.scatter [tilespmem:s23], [sflag:$0x2], $0x1000, s20, s19, $0x38;
	[tilespmem:$0x1E700] =	vst v63  }
0x137: {  	_ =	swait.ge [sflag:s26], $0x1000  }
0x138: {  	[sflag:s26] =	ssyncset.done $0x0  }
0x139: {  	s3 =	simm.s32 $0x1B770;
	[sflag:s26] =	ssyncadd.s32 $0xFFFFF000  }
0x13a: {  	v0 =	vld [tilespmem:s3+$0x0]  }
0x13b: {  	v1 =	vld [tilespmem:s3+$0xFFFFFFA0]  }
0x13c: {  	v2 =	vld [tilespmem:s3+$0xFFFFFFB0]  }
0x13d: {  	v3 =	vld [tilespmem:s3+$0xFFFFFFC0]  }
0x13e: {  	v4 =	vld [tilespmem:s3+$0xFFFFFFD0]  }
0x13f: {  	v6 =	vld [tilespmem:s3+$0xFFFFFFE0]  }
0x140: {  	v7 =	vld [tilespmem:s3+$0xFFFFFFF0]  }
0x141: {  	v8 =	vld [tilespmem:s3+$0xFFFFFF90]  }
0x142: {  	v9 =	vld.idx.msk [tilespmem:v0+s17+$0x0], $0xffff  }
0x143: {  	v10 =	vld.idx.msk [tilespmem:v1+s17+$0x0], $0xffff  }
0x144: {  	v5 =	vld.idx.msk [tilespmem:v2+s17+$0x0], $0xffff  }
0x145: {  	v3 =	vld.idx.msk [tilespmem:v3+s17+$0x0], $0xffff  }
0x146: {  	v0 =	vld.idx.msk [tilespmem:v4+s17+$0x0], $0xffff  }
0x147: {  	s1 =	simm.s32 $0x1D740;
	v1 =	vld.idx.msk [tilespmem:v6+s17+$0x0], $0xffff  }
0x148: {  	v2 =	vld.idx.msk [tilespmem:v7+s17+$0x0], $0xffff;
	[tilespmem:s1+$0x30] =	vst v9  }
0x149: {  	s2 =	simm.s32 $0x0;
	s3 =	simm.s32 $0x1B7F0;
	v4 =	vld.idx.msk [tilespmem:v8+s17+$0x0], $0xffff;
	[tilespmem:s1+$0xFFFFFFD0] =	vst v10  }
.LBB2_8:
0x14a: {  	v6 =	vld [tilespmem:s3+$0x0];
	s2 =	sadd.s32 $0x80, s2;
	[tilespmem:s1+$0xFFFFFFE0] =	vst v5  }
0x14b: {  	v5 =	vld [tilespmem:s3+$0xFFFFFFA0];
	p5 =	slt.u32 s2, $0xF80;
	[tilespmem:s1+$0xFFFFFFF0] =	vst v3  }
0x14c: {  	v3 =	vld [tilespmem:s3+$0xFFFFFFB0];
	[tilespmem:s1+$0x0] =	vst v0  }
0x14d: {  	v0 =	vld [tilespmem:s3+$0xFFFFFFC0];
	[tilespmem:s1+$0x10] =	vst v1  }
0x14e: {  	v1 =	vld [tilespmem:s3+$0xFFFFFFD0];
	[tilespmem:s1+$0x20] =	vst v2  }
0x14f: {  	v2 =	vld [tilespmem:s3+$0xFFFFFFE0];
	[tilespmem:s1+$0xFFFFFFC0] =	vst v4  }
0x150: {  	v4 =	vld [tilespmem:s3+$0xFFFFFFF0]  }
0x151: {  	v7 =	vld [tilespmem:s3+$0xFFFFFF90]  }
0x152: {  	v6 =	vld.idx.msk [tilespmem:v6+s17+$0x0], $0xffff  }
0x153: {  	v8 =	vld.idx.msk [tilespmem:v5+s17+$0x0], $0xffff  }
0x154: {  	v5 =	vld.idx.msk [tilespmem:v3+s17+$0x0], $0xffff  }
.Ltmp3:
0x155: {  	v3 =	vld.idx.msk [tilespmem:v0+s17+$0x0], $0xffff;
	(pc) =	sbr.rel @p5 .LBB2_8-.Ltmp3, $4  }
0x156: {  	v0 =	vld.idx.msk [tilespmem:v1+s17+$0x0], $0xffff  }
0x157: {  	s1 =	sadd.s32 $0x80, s1;
	v1 =	vld.idx.msk [tilespmem:v2+s17+$0x0], $0xffff  }
0x158: {  	v2 =	vld.idx.msk [tilespmem:v4+s17+$0x0], $0xffff;
	[tilespmem:s1+$0x30] =	vst v6  }
0x159: {  	s3 =	sadd.s32 $0x80, s3;
	v4 =	vld.idx.msk [tilespmem:v7+s17+$0x0], $0xffff;
	[tilespmem:s1+$0xFFFFFFD0] =	vst v8  }
0x15a: {  	[tilespmem:s1+$0xFFFFFFE0] =	vst v5  }
0x15b: {  	[tilespmem:s1+$0xFFFFFFF0] =	vst v3  }
0x15c: {  	[tilespmem:s1+$0x0] =	vst v0  }
0x15d: {  	[tilespmem:s1+$0x10] =	vst v1  }
0x15e: {  	[tilespmem:s1+$0x20] =	vst v2  }
0x15f: {  	[tilespmem:s1+$0xFFFFFFC0] =	vst v4  }
0x160: {  	s0 =	rddreg [dreg:$0x1f]  }
0x161: {  	s2 =	sld [smem:$0x7F6]  }
0x162: {  	[hbm4b:s0+s19] =	stream.strided.scatter [tilespmem:s24], [sflag:$0x3], $0x1000, s20, s19, $0x38;
	[tilespmem:$0x1E700] =	vst v63  }
0x163: {  	s1 =	rddreg [dreg:$0xf]  }
0x164: {  	[tilespmem:s17], [sflag:$0x1] =	stream.strided.gather [hbm4b:s1+s19], $0x18700, s20, s19, $0x38;
	[tilespmem:$0x1E700] =	vst v63  }
0x165: {  	p5 =	seq.s32 s2, $0x1  }
0x166: {  	s1 =	simm.s32 @!p5 $0x80;
	s2 =	simm.s32 @!p5 $0x400;
	s3 =	simm.s32 @!p5 $0x18700  }
0x167: {  	[tilespmem:s3], [sflag:$0x4] =	stream.strided.gather @!p5 [hbm4b:s31+s1], $0x4000, s2, s1, $0x38;
	[tilespmem:$0x1E700] =	vst v63  }
0x168: {  	s1 =	simm.s32 @!p5 $0x4  }
0x169: {  	_ =	swait.ge @!p5 [sflag:s1], $0x4000  }
0x16a: {  	[sflag:s1] =	ssyncset.done @!p5 $0x0  }
0x16b: {  	[sflag:s1] =	ssyncadd.s32 @!p5 $0xFFFFC000  }
0x16c: {  	_ =	swait.ge [sflag:s22], $0x18700  }
0x16d: {  	[sflag:s22] =	ssyncset.done $0x0  }
0x16e: {  	[sflag:s22] =	ssyncadd.s32 $0xFFFE7900  }
0x16f: {  	_ =	swait.ge [sflag:s25], $0x1000  }
0x170: {  	[sflag:s25] =	ssyncset.done $0x0  }
0x171: {  	s3 =	simm.s32 $0x18740;
	[sflag:s25] =	ssyncadd.s32 $0xFFFFF000  }
0x172: {  	v0 =	vld [tilespmem:s3+$0x30]  }
0x173: {  	v1 =	vld [tilespmem:s3+$0xFFFFFFD0]  }
0x174: {  	v2 =	vld [tilespmem:s3+$0xFFFFFFE0]  }
0x175: {  	v3 =	vld [tilespmem:s3+$0xFFFFFFF0]  }
0x176: {  	v4 =	vld [tilespmem:s3+$0x0]  }
0x177: {  	v6 =	vld [tilespmem:s3+$0x10]  }
0x178: {  	v7 =	vld [tilespmem:s3+$0x20]  }
0x179: {  	v8 =	vld [tilespmem:s3+$0xFFFFFFC0]  }
0x17a: {  	v9 =	vld.idx.msk [tilespmem:v0+s17+$0x0], $0xffff  }
0x17b: {  	v10 =	vld.idx.msk [tilespmem:v1+s17+$0x0], $0xffff  }
0x17c: {  	v5 =	vld.idx.msk [tilespmem:v2+s17+$0x0], $0xffff  }
0x17d: {  	v3 =	vld.idx.msk [tilespmem:v3+s17+$0x0], $0xffff  }
0x17e: {  	v0 =	vld.idx.msk [tilespmem:v4+s17+$0x0], $0xffff  }
0x17f: {  	s1 =	simm.s32 $0x1C740;
	v1 =	vld.idx.msk [tilespmem:v6+s17+$0x0], $0xffff  }
0x180: {  	v2 =	vld.idx.msk [tilespmem:v7+s17+$0x0], $0xffff;
	[tilespmem:s1+$0x30] =	vst v9  }
0x181: {  	s2 =	simm.s32 $0x0;
	s3 =	simm.s32 $0x187C0;
	v4 =	vld.idx.msk [tilespmem:v8+s17+$0x0], $0xffff;
	[tilespmem:s1+$0xFFFFFFD0] =	vst v10  }
.LBB2_10:
0x182: {  	v6 =	vld [tilespmem:s3+$0x30];
	s2 =	sadd.s32 $0x80, s2;
	[tilespmem:s1+$0xFFFFFFE0] =	vst v5  }
0x183: {  	v5 =	vld [tilespmem:s3+$0xFFFFFFD0];
	p5 =	slt.u32 s2, $0xF80;
	[tilespmem:s1+$0xFFFFFFF0] =	vst v3  }
0x184: {  	v3 =	vld [tilespmem:s3+$0xFFFFFFE0];
	[tilespmem:s1+$0x0] =	vst v0  }
0x185: {  	v0 =	vld [tilespmem:s3+$0xFFFFFFF0];
	[tilespmem:s1+$0x10] =	vst v1  }
0x186: {  	v1 =	vld [tilespmem:s3+$0x0];
	[tilespmem:s1+$0x20] =	vst v2  }
0x187: {  	v2 =	vld [tilespmem:s3+$0x10];
	[tilespmem:s1+$0xFFFFFFC0] =	vst v4  }
0x188: {  	v4 =	vld [tilespmem:s3+$0x20]  }
0x189: {  	v7 =	vld [tilespmem:s3+$0xFFFFFFC0]  }
0x18a: {  	v6 =	vld.idx.msk [tilespmem:v6+s17+$0x0], $0xffff  }
0x18b: {  	v8 =	vld.idx.msk [tilespmem:v5+s17+$0x0], $0xffff  }
0x18c: {  	v5 =	vld.idx.msk [tilespmem:v3+s17+$0x0], $0xffff  }
.Ltmp4:
0x18d: {  	v3 =	vld.idx.msk [tilespmem:v0+s17+$0x0], $0xffff;
	(pc) =	sbr.rel @p5 .LBB2_10-.Ltmp4, $4  }
0x18e: {  	v0 =	vld.idx.msk [tilespmem:v1+s17+$0x0], $0xffff  }
0x18f: {  	s1 =	sadd.s32 $0x80, s1;
	v1 =	vld.idx.msk [tilespmem:v2+s17+$0x0], $0xffff  }
0x190: {  	v2 =	vld.idx.msk [tilespmem:v4+s17+$0x0], $0xffff;
	[tilespmem:s1+$0x30] =	vst v6  }
0x191: {  	s3 =	sadd.s32 $0x80, s3;
	v4 =	vld.idx.msk [tilespmem:v7+s17+$0x0], $0xffff;
	[tilespmem:s1+$0xFFFFFFD0] =	vst v8  }
0x192: {  	[tilespmem:s1+$0xFFFFFFE0] =	vst v5  }
0x193: {  	[tilespmem:s1+$0xFFFFFFF0] =	vst v3  }
0x194: {  	[tilespmem:s1+$0x0] =	vst v0  }
0x195: {  	[tilespmem:s1+$0x10] =	vst v1  }
0x196: {  	[tilespmem:s1+$0x20] =	vst v2  }
0x197: {  	[tilespmem:s1+$0xFFFFFFC0] =	vst v4  }
0x198: {  	s0 =	sld [smem:$0x7CE];
	_ =	sdelay $0x2  }
0x199: {  	[hbm4b:s0+s19] =	stream.strided.scatter [tilespmem:s23], [sflag:$0x2], $0x1000, s20, s19, $0x38;
	[tilespmem:$0x1E700] =	vst v63  }
0x19a: {  	_ =	swait.ge [sflag:s26], $0x1000  }
0x19b: {  	[sflag:s26] =	ssyncset.done $0x0  }
0x19c: {  	s3 =	simm.s32 $0x19770;
	[sflag:s26] =	ssyncadd.s32 $0xFFFFF000  }
0x19d: {  	v0 =	vld [tilespmem:s3+$0x0]  }
0x19e: {  	v1 =	vld [tilespmem:s3+$0xFFFFFFA0]  }
0x19f: {  	v2 =	vld [tilespmem:s3+$0xFFFFFFB0]  }
0x1a0: {  	v3 =	vld [tilespmem:s3+$0xFFFFFFC0]  }
0x1a1: {  	v4 =	vld [tilespmem:s3+$0xFFFFFFD0]  }
0x1a2: {  	v6 =	vld [tilespmem:s3+$0xFFFFFFE0]  }
0x1a3: {  	v7 =	vld [tilespmem:s3+$0xFFFFFFF0]  }
0x1a4: {  	v8 =	vld [tilespmem:s3+$0xFFFFFF90]  }
0x1a5: {  	v9 =	vld.idx.msk [tilespmem:v0+s17+$0x0], $0xffff  }
0x1a6: {  	v10 =	vld.idx.msk [tilespmem:v1+s17+$0x0], $0xffff  }
0x1a7: {  	v5 =	vld.idx.msk [tilespmem:v2+s17+$0x0], $0xffff  }
0x1a8: {  	v3 =	vld.idx.msk [tilespmem:v3+s17+$0x0], $0xffff  }
0x1a9: {  	v0 =	vld.idx.msk [tilespmem:v4+s17+$0x0], $0xffff  }
0x1aa: {  	s1 =	simm.s32 $0x1D740;
	v1 =	vld.idx.msk [tilespmem:v6+s17+$0x0], $0xffff  }
0x1ab: {  	v2 =	vld.idx.msk [tilespmem:v7+s17+$0x0], $0xffff;
	[tilespmem:s1+$0x30] =	vst v9  }
0x1ac: {  	s2 =	simm.s32 $0x0;
	s3 =	simm.s32 $0x197F0;
	v4 =	vld.idx.msk [tilespmem:v8+s17+$0x0], $0xffff;
	[tilespmem:s1+$0xFFFFFFD0] =	vst v10  }
.LBB2_12:
0x1ad: {  	v6 =	vld [tilespmem:s3+$0x0];
	s2 =	sadd.s32 $0x80, s2;
	[tilespmem:s1+$0xFFFFFFE0] =	vst v5  }
0x1ae: {  	v5 =	vld [tilespmem:s3+$0xFFFFFFA0];
	p5 =	slt.u32 s2, $0xF80;
	[tilespmem:s1+$0xFFFFFFF0] =	vst v3  }
0x1af: {  	v3 =	vld [tilespmem:s3+$0xFFFFFFB0];
	[tilespmem:s1+$0x0] =	vst v0  }
0x1b0: {  	v0 =	vld [tilespmem:s3+$0xFFFFFFC0];
	[tilespmem:s1+$0x10] =	vst v1  }
0x1b1: {  	v1 =	vld [tilespmem:s3+$0xFFFFFFD0];
	[tilespmem:s1+$0x20] =	vst v2  }
0x1b2: {  	v2 =	vld [tilespmem:s3+$0xFFFFFFE0];
	[tilespmem:s1+$0xFFFFFFC0] =	vst v4  }
0x1b3: {  	v4 =	vld [tilespmem:s3+$0xFFFFFFF0]  }
0x1b4: {  	v7 =	vld [tilespmem:s3+$0xFFFFFF90]  }
0x1b5: {  	v6 =	vld.idx.msk [tilespmem:v6+s17+$0x0], $0xffff  }
0x1b6: {  	v8 =	vld.idx.msk [tilespmem:v5+s17+$0x0], $0xffff  }
0x1b7: {  	v5 =	vld.idx.msk [tilespmem:v3+s17+$0x0], $0xffff  }
.Ltmp5:
0x1b8: {  	v3 =	vld.idx.msk [tilespmem:v0+s17+$0x0], $0xffff;
	(pc) =	sbr.rel @p5 .LBB2_12-.Ltmp5, $4  }
0x1b9: {  	v0 =	vld.idx.msk [tilespmem:v1+s17+$0x0], $0xffff  }
0x1ba: {  	s1 =	sadd.s32 $0x80, s1;
	v1 =	vld.idx.msk [tilespmem:v2+s17+$0x0], $0xffff  }
0x1bb: {  	v2 =	vld.idx.msk [tilespmem:v4+s17+$0x0], $0xffff;
	[tilespmem:s1+$0x30] =	vst v6  }
0x1bc: {  	s3 =	sadd.s32 $0x80, s3;
	v4 =	vld.idx.msk [tilespmem:v7+s17+$0x0], $0xffff;
	[tilespmem:s1+$0xFFFFFFD0] =	vst v8  }
0x1bd: {  	[tilespmem:s1+$0xFFFFFFE0] =	vst v5  }
0x1be: {  	[tilespmem:s1+$0xFFFFFFF0] =	vst v3  }
0x1bf: {  	[tilespmem:s1+$0x0] =	vst v0  }
0x1c0: {  	[tilespmem:s1+$0x10] =	vst v1  }
0x1c1: {  	[tilespmem:s1+$0x20] =	vst v2  }
0x1c2: {  	[tilespmem:s1+$0xFFFFFFC0] =	vst v4  }
0x1c3: {  	s0 =	sld [smem:$0x7CF];
	_ =	sdelay $0x2  }
0x1c4: {  	[hbm4b:s0+s19] =	stream.strided.scatter [tilespmem:s24], [sflag:$0x3], $0x1000, s20, s19, $0x38;
	[tilespmem:$0x1E700] =	vst v63  }
0x1c5: {  	_ =	swait.ge [sflag:s25], $0x1000  }
0x1c6: {  	[sflag:s25] =	ssyncset.done $0x0  }
0x1c7: {  	s3 =	simm.s32 $0x1A770;
	[sflag:s25] =	ssyncadd.s32 $0xFFFFF000  }
0x1c8: {  	v0 =	vld [tilespmem:s3+$0x0]  }
0x1c9: {  	v1 =	vld [tilespmem:s3+$0xFFFFFFA0]  }
0x1ca: {  	v2 =	vld [tilespmem:s3+$0xFFFFFFB0]  }
0x1cb: {  	v3 =	vld [tilespmem:s3+$0xFFFFFFC0]  }
0x1cc: {  	v4 =	vld [tilespmem:s3+$0xFFFFFFD0]  }
0x1cd: {  	v6 =	vld [tilespmem:s3+$0xFFFFFFE0]  }
0x1ce: {  	v7 =	vld [tilespmem:s3+$0xFFFFFFF0]  }
0x1cf: {  	v8 =	vld [tilespmem:s3+$0xFFFFFF90]  }
0x1d0: {  	v9 =	vld.idx.msk [tilespmem:v0+s17+$0x0], $0xffff  }
0x1d1: {  	v10 =	vld.idx.msk [tilespmem:v1+s17+$0x0], $0xffff  }
0x1d2: {  	v5 =	vld.idx.msk [tilespmem:v2+s17+$0x0], $0xffff  }
0x1d3: {  	v3 =	vld.idx.msk [tilespmem:v3+s17+$0x0], $0xffff  }
0x1d4: {  	v0 =	vld.idx.msk [tilespmem:v4+s17+$0x0], $0xffff  }
0x1d5: {  	s1 =	simm.s32 $0x1C740;
	v1 =	vld.idx.msk [tilespmem:v6+s17+$0x0], $0xffff  }
0x1d6: {  	v2 =	vld.idx.msk [tilespmem:v7+s17+$0x0], $0xffff;
	[tilespmem:s1+$0x30] =	vst v9  }
0x1d7: {  	s2 =	simm.s32 $0x0;
	s3 =	simm.s32 $0x1A7F0;
	v4 =	vld.idx.msk [tilespmem:v8+s17+$0x0], $0xffff;
	[tilespmem:s1+$0xFFFFFFD0] =	vst v10  }
.LBB2_14:
0x1d8: {  	v6 =	vld [tilespmem:s3+$0x0];
	s2 =	sadd.s32 $0x80, s2;
	[tilespmem:s1+$0xFFFFFFE0] =	vst v5  }
0x1d9: {  	v5 =	vld [tilespmem:s3+$0xFFFFFFA0];
	p5 =	slt.u32 s2, $0xF80;
	[tilespmem:s1+$0xFFFFFFF0] =	vst v3  }
0x1da: {  	v3 =	vld [tilespmem:s3+$0xFFFFFFB0];
	[tilespmem:s1+$0x0] =	vst v0  }
0x1db: {  	v0 =	vld [tilespmem:s3+$0xFFFFFFC0];
	[tilespmem:s1+$0x10] =	vst v1  }
0x1dc: {  	v1 =	vld [tilespmem:s3+$0xFFFFFFD0];
	[tilespmem:s1+$0x20] =	vst v2  }
0x1dd: {  	v2 =	vld [tilespmem:s3+$0xFFFFFFE0];
	[tilespmem:s1+$0xFFFFFFC0] =	vst v4  }
0x1de: {  	v4 =	vld [tilespmem:s3+$0xFFFFFFF0]  }
0x1df: {  	v7 =	vld [tilespmem:s3+$0xFFFFFF90]  }
0x1e0: {  	v6 =	vld.idx.msk [tilespmem:v6+s17+$0x0], $0xffff  }
0x1e1: {  	v8 =	vld.idx.msk [tilespmem:v5+s17+$0x0], $0xffff  }
0x1e2: {  	v5 =	vld.idx.msk [tilespmem:v3+s17+$0x0], $0xffff  }
.Ltmp6:
0x1e3: {  	v3 =	vld.idx.msk [tilespmem:v0+s17+$0x0], $0xffff;
	(pc) =	sbr.rel @p5 .LBB2_14-.Ltmp6, $4  }
0x1e4: {  	v0 =	vld.idx.msk [tilespmem:v1+s17+$0x0], $0xffff  }
0x1e5: {  	s1 =	sadd.s32 $0x80, s1;
	v1 =	vld.idx.msk [tilespmem:v2+s17+$0x0], $0xffff  }
0x1e6: {  	v2 =	vld.idx.msk [tilespmem:v4+s17+$0x0], $0xffff;
	[tilespmem:s1+$0x30] =	vst v6  }
0x1e7: {  	s3 =	sadd.s32 $0x80, s3;
	v4 =	vld.idx.msk [tilespmem:v7+s17+$0x0], $0xffff;
	[tilespmem:s1+$0xFFFFFFD0] =	vst v8  }
0x1e8: {  	[tilespmem:s1+$0xFFFFFFE0] =	vst v5  }
0x1e9: {  	[tilespmem:s1+$0xFFFFFFF0] =	vst v3  }
0x1ea: {  	[tilespmem:s1+$0x0] =	vst v0  }
0x1eb: {  	[tilespmem:s1+$0x10] =	vst v1  }
0x1ec: {  	[tilespmem:s1+$0x20] =	vst v2  }
0x1ed: {  	[tilespmem:s1+$0xFFFFFFC0] =	vst v4  }
0x1ee: {  	s0 =	sld [smem:$0x7D0];
	_ =	sdelay $0x2  }
0x1ef: {  	[hbm4b:s0+s19] =	stream.strided.scatter [tilespmem:s23], [sflag:$0x2], $0x1000, s20, s19, $0x38;
	[tilespmem:$0x1E700] =	vst v63  }
0x1f0: {  	_ =	swait.ge [sflag:s26], $0x1000  }
0x1f1: {  	[sflag:s26] =	ssyncset.done $0x0  }
0x1f2: {  	s3 =	simm.s32 $0x1B770;
	[sflag:s26] =	ssyncadd.s32 $0xFFFFF000  }
0x1f3: {  	v0 =	vld [tilespmem:s3+$0x0]  }
0x1f4: {  	v1 =	vld [tilespmem:s3+$0xFFFFFFA0]  }
0x1f5: {  	v2 =	vld [tilespmem:s3+$0xFFFFFFB0]  }
0x1f6: {  	v3 =	vld [tilespmem:s3+$0xFFFFFFC0]  }
0x1f7: {  	v4 =	vld [tilespmem:s3+$0xFFFFFFD0]  }
0x1f8: {  	v6 =	vld [tilespmem:s3+$0xFFFFFFE0]  }
0x1f9: {  	v7 =	vld [tilespmem:s3+$0xFFFFFFF0]  }
0x1fa: {  	v8 =	vld [tilespmem:s3+$0xFFFFFF90]  }
0x1fb: {  	v9 =	vld.idx.msk [tilespmem:v0+s17+$0x0], $0xffff  }
0x1fc: {  	v10 =	vld.idx.msk [tilespmem:v1+s17+$0x0], $0xffff  }
0x1fd: {  	v5 =	vld.idx.msk [tilespmem:v2+s17+$0x0], $0xffff  }
0x1fe: {  	v3 =	vld.idx.msk [tilespmem:v3+s17+$0x0], $0xffff  }
0x1ff: {  	v0 =	vld.idx.msk [tilespmem:v4+s17+$0x0], $0xffff  }
0x200: {  	s1 =	simm.s32 $0x1D740;
	v1 =	vld.idx.msk [tilespmem:v6+s17+$0x0], $0xffff  }
0x201: {  	v2 =	vld.idx.msk [tilespmem:v7+s17+$0x0], $0xffff;
	[tilespmem:s1+$0x30] =	vst v9  }
0x202: {  	s2 =	simm.s32 $0x0;
	s3 =	simm.s32 $0x1B7F0;
	v4 =	vld.idx.msk [tilespmem:v8+s17+$0x0], $0xffff;
	[tilespmem:s1+$0xFFFFFFD0] =	vst v10  }
.LBB2_16:
0x203: {  	v6 =	vld [tilespmem:s3+$0x0];
	s2 =	sadd.s32 $0x80, s2;
	[tilespmem:s1+$0xFFFFFFE0] =	vst v5  }
0x204: {  	v5 =	vld [tilespmem:s3+$0xFFFFFFA0];
	p5 =	slt.u32 s2, $0xF80;
	[tilespmem:s1+$0xFFFFFFF0] =	vst v3  }
0x205: {  	v3 =	vld [tilespmem:s3+$0xFFFFFFB0];
	[tilespmem:s1+$0x0] =	vst v0  }
0x206: {  	v0 =	vld [tilespmem:s3+$0xFFFFFFC0];
	[tilespmem:s1+$0x10] =	vst v1  }
0x207: {  	v1 =	vld [tilespmem:s3+$0xFFFFFFD0];
	[tilespmem:s1+$0x20] =	vst v2  }
0x208: {  	v2 =	vld [tilespmem:s3+$0xFFFFFFE0];
	[tilespmem:s1+$0xFFFFFFC0] =	vst v4  }
0x209: {  	v4 =	vld [tilespmem:s3+$0xFFFFFFF0]  }
0x20a: {  	v7 =	vld [tilespmem:s3+$0xFFFFFF90]  }
0x20b: {  	v6 =	vld.idx.msk [tilespmem:v6+s17+$0x0], $0xffff  }
0x20c: {  	v8 =	vld.idx.msk [tilespmem:v5+s17+$0x0], $0xffff  }
0x20d: {  	v5 =	vld.idx.msk [tilespmem:v3+s17+$0x0], $0xffff  }
.Ltmp7:
0x20e: {  	v3 =	vld.idx.msk [tilespmem:v0+s17+$0x0], $0xffff;
	(pc) =	sbr.rel @p5 .LBB2_16-.Ltmp7, $4  }
0x20f: {  	v0 =	vld.idx.msk [tilespmem:v1+s17+$0x0], $0xffff  }
0x210: {  	s1 =	sadd.s32 $0x80, s1;
	v1 =	vld.idx.msk [tilespmem:v2+s17+$0x0], $0xffff  }
0x211: {  	v2 =	vld.idx.msk [tilespmem:v4+s17+$0x0], $0xffff;
	[tilespmem:s1+$0x30] =	vst v6  }
0x212: {  	s3 =	sadd.s32 $0x80, s3;
	v4 =	vld.idx.msk [tilespmem:v7+s17+$0x0], $0xffff;
	[tilespmem:s1+$0xFFFFFFD0] =	vst v8  }
0x213: {  	[tilespmem:s1+$0xFFFFFFE0] =	vst v5  }
0x214: {  	[tilespmem:s1+$0xFFFFFFF0] =	vst v3  }
0x215: {  	[tilespmem:s1+$0x0] =	vst v0  }
0x216: {  	[tilespmem:s1+$0x10] =	vst v1  }
0x217: {  	[tilespmem:s1+$0x20] =	vst v2  }
0x218: {  	[tilespmem:s1+$0xFFFFFFC0] =	vst v4  }
0x219: {  	s0 =	sld [smem:$0x7D1]  }
0x21a: {  	s2 =	sld [smem:$0x7F7]  }
0x21b: {  	s1 =	rddreg [dreg:$0x10]  }
0x21c: {  	[hbm4b:s0+s19] =	stream.strided.scatter [tilespmem:s24], [sflag:$0x3], $0x1000, s20, s19, $0x38;
	[tilespmem:$0x1E700] =	vst v63  }
0x21d: {  	p5 =	seq.s32 s2, $0x1;
	s0 =	rddreg [dreg:$0x4]  }
0x21e: {  	[tilespmem:s17], [sflag:$0x1] =	stream.strided.gather [hbm4b:s1+s19], $0x18700, s20, s19, $0x38;
	[tilespmem:$0x1E700] =	vst v63  }
0x21f: {  	s2 =	simm.s32 @!p5 $0x400;
	s3 =	simm.s32 @!p5 $0x18700;
	s1 =	simm.s32 @!p5 $0x80  }
0x220: {  	[tilespmem:s3], [sflag:$0x4] =	stream.strided.gather @!p5 [hbm4b:s0+s1], $0x4000, s2, s1, $0x38;
	[tilespmem:$0x1E700] =	vst v63  }
0x221: {  	s1 =	simm.s32 @!p5 $0x4  }
0x222: {  	_ =	swait.ge @!p5 [sflag:s1], $0x4000  }
0x223: {  	[sflag:s1] =	ssyncset.done @!p5 $0x0  }
0x224: {  	[sflag:s1] =	ssyncadd.s32 @!p5 $0xFFFFC000  }
0x225: {  	_ =	swait.ge [sflag:s22], $0x18700  }
0x226: {  	[sflag:s22] =	ssyncset.done $0x0  }
0x227: {  	[sflag:s22] =	ssyncadd.s32 $0xFFFE7900  }
0x228: {  	_ =	swait.ge [sflag:s25], $0x1000  }
0x229: {  	[sflag:s25] =	ssyncset.done $0x0  }
0x22a: {  	s3 =	simm.s32 $0x18740;
	[sflag:s25] =	ssyncadd.s32 $0xFFFFF000  }
0x22b: {  	v0 =	vld [tilespmem:s3+$0x30]  }
0x22c: {  	v1 =	vld [tilespmem:s3+$0xFFFFFFD0]  }
0x22d: {  	v2 =	vld [tilespmem:s3+$0xFFFFFFE0]  }
0x22e: {  	v3 =	vld [tilespmem:s3+$0xFFFFFFF0]  }
0x22f: {  	v4 =	vld [tilespmem:s3+$0x0]  }
0x230: {  	v6 =	vld [tilespmem:s3+$0x10]  }
0x231: {  	v7 =	vld [tilespmem:s3+$0x20]  }
0x232: {  	v8 =	vld [tilespmem:s3+$0xFFFFFFC0]  }
0x233: {  	v9 =	vld.idx.msk [tilespmem:v0+s17+$0x0], $0xffff  }
0x234: {  	v10 =	vld.idx.msk [tilespmem:v1+s17+$0x0], $0xffff  }
0x235: {  	v5 =	vld.idx.msk [tilespmem:v2+s17+$0x0], $0xffff  }
0x236: {  	v3 =	vld.idx.msk [tilespmem:v3+s17+$0x0], $0xffff  }
0x237: {  	v0 =	vld.idx.msk [tilespmem:v4+s17+$0x0], $0xffff  }
0x238: {  	s1 =	simm.s32 $0x1C740;
	v1 =	vld.idx.msk [tilespmem:v6+s17+$0x0], $0xffff  }
0x239: {  	v2 =	vld.idx.msk [tilespmem:v7+s17+$0x0], $0xffff;
	[tilespmem:s1+$0x30] =	vst v9  }
0x23a: {  	s2 =	simm.s32 $0x0;
	s3 =	simm.s32 $0x187C0;
	v4 =	vld.idx.msk [tilespmem:v8+s17+$0x0], $0xffff;
	[tilespmem:s1+$0xFFFFFFD0] =	vst v10  }
.LBB2_18:
0x23b: {  	v6 =	vld [tilespmem:s3+$0x30];
	s2 =	sadd.s32 $0x80, s2;
	[tilespmem:s1+$0xFFFFFFE0] =	vst v5  }
0x23c: {  	v5 =	vld [tilespmem:s3+$0xFFFFFFD0];
	p5 =	slt.u32 s2, $0xF80;
	[tilespmem:s1+$0xFFFFFFF0] =	vst v3  }
0x23d: {  	v3 =	vld [tilespmem:s3+$0xFFFFFFE0];
	[tilespmem:s1+$0x0] =	vst v0  }
0x23e: {  	v0 =	vld [tilespmem:s3+$0xFFFFFFF0];
	[tilespmem:s1+$0x10] =	vst v1  }
0x23f: {  	v1 =	vld [tilespmem:s3+$0x0];
	[tilespmem:s1+$0x20] =	vst v2  }
0x240: {  	v2 =	vld [tilespmem:s3+$0x10];
	[tilespmem:s1+$0xFFFFFFC0] =	vst v4  }
0x241: {  	v4 =	vld [tilespmem:s3+$0x20]  }
0x242: {  	v7 =	vld [tilespmem:s3+$0xFFFFFFC0]  }
0x243: {  	v6 =	vld.idx.msk [tilespmem:v6+s17+$0x0], $0xffff  }
0x244: {  	v8 =	vld.idx.msk [tilespmem:v5+s17+$0x0], $0xffff  }
0x245: {  	v5 =	vld.idx.msk [tilespmem:v3+s17+$0x0], $0xffff  }
.Ltmp8:
0x246: {  	v3 =	vld.idx.msk [tilespmem:v0+s17+$0x0], $0xffff;
	(pc) =	sbr.rel @p5 .LBB2_18-.Ltmp8, $4  }
0x247: {  	v0 =	vld.idx.msk [tilespmem:v1+s17+$0x0], $0xffff  }
0x248: {  	s1 =	sadd.s32 $0x80, s1;
	v1 =	vld.idx.msk [tilespmem:v2+s17+$0x0], $0xffff  }
0x249: {  	v2 =	vld.idx.msk [tilespmem:v4+s17+$0x0], $0xffff;
	[tilespmem:s1+$0x30] =	vst v6  }
0x24a: {  	s3 =	sadd.s32 $0x80, s3;
	v4 =	vld.idx.msk [tilespmem:v7+s17+$0x0], $0xffff;
	[tilespmem:s1+$0xFFFFFFD0] =	vst v8  }
0x24b: {  	[tilespmem:s1+$0xFFFFFFE0] =	vst v5  }
0x24c: {  	[tilespmem:s1+$0xFFFFFFF0] =	vst v3  }
0x24d: {  	[tilespmem:s1+$0x0] =	vst v0  }
0x24e: {  	[tilespmem:s1+$0x10] =	vst v1  }
0x24f: {  	[tilespmem:s1+$0x20] =	vst v2  }
0x250: {  	[tilespmem:s1+$0xFFFFFFC0] =	vst v4  }
0x251: {  	s0 =	sld [smem:$0x7D2];
	_ =	sdelay $0x2  }
0x252: {  	[hbm4b:s0+s19] =	stream.strided.scatter [tilespmem:s23], [sflag:$0x2], $0x1000, s20, s19, $0x38;
	[tilespmem:$0x1E700] =	vst v63  }
0x253: {  	_ =	swait.ge [sflag:s26], $0x1000  }
0x254: {  	[sflag:s26] =	ssyncset.done $0x0  }
0x255: {  	s3 =	simm.s32 $0x19770;
	[sflag:s26] =	ssyncadd.s32 $0xFFFFF000  }
0x256: {  	v0 =	vld [tilespmem:s3+$0x0]  }
0x257: {  	v1 =	vld [tilespmem:s3+$0xFFFFFFA0]  }
0x258: {  	v2 =	vld [tilespmem:s3+$0xFFFFFFB0]  }
0x259: {  	v3 =	vld [tilespmem:s3+$0xFFFFFFC0]  }
0x25a: {  	v4 =	vld [tilespmem:s3+$0xFFFFFFD0]  }
0x25b: {  	v6 =	vld [tilespmem:s3+$0xFFFFFFE0]  }
0x25c: {  	v7 =	vld [tilespmem:s3+$0xFFFFFFF0]  }
0x25d: {  	v8 =	vld [tilespmem:s3+$0xFFFFFF90]  }
0x25e: {  	v9 =	vld.idx.msk [tilespmem:v0+s17+$0x0], $0xffff  }
0x25f: {  	v10 =	vld.idx.msk [tilespmem:v1+s17+$0x0], $0xffff  }
0x260: {  	v5 =	vld.idx.msk [tilespmem:v2+s17+$0x0], $0xffff  }
0x261: {  	v3 =	vld.idx.msk [tilespmem:v3+s17+$0x0], $0xffff  }
0x262: {  	v0 =	vld.idx.msk [tilespmem:v4+s17+$0x0], $0xffff  }
0x263: {  	s1 =	simm.s32 $0x1D740;
	v1 =	vld.idx.msk [tilespmem:v6+s17+$0x0], $0xffff  }
0x264: {  	v2 =	vld.idx.msk [tilespmem:v7+s17+$0x0], $0xffff;
	[tilespmem:s1+$0x30] =	vst v9  }
0x265: {  	s2 =	simm.s32 $0x0;
	s3 =	simm.s32 $0x197F0;
	v4 =	vld.idx.msk [tilespmem:v8+s17+$0x0], $0xffff;
	[tilespmem:s1+$0xFFFFFFD0] =	vst v10  }
.LBB2_20:
0x266: {  	v6 =	vld [tilespmem:s3+$0x0];
	s2 =	sadd.s32 $0x80, s2;
	[tilespmem:s1+$0xFFFFFFE0] =	vst v5  }
0x267: {  	v5 =	vld [tilespmem:s3+$0xFFFFFFA0];
	p5 =	slt.u32 s2, $0xF80;
	[tilespmem:s1+$0xFFFFFFF0] =	vst v3  }
0x268: {  	v3 =	vld [tilespmem:s3+$0xFFFFFFB0];
	[tilespmem:s1+$0x0] =	vst v0  }
0x269: {  	v0 =	vld [tilespmem:s3+$0xFFFFFFC0];
	[tilespmem:s1+$0x10] =	vst v1  }
0x26a: {  	v1 =	vld [tilespmem:s3+$0xFFFFFFD0];
	[tilespmem:s1+$0x20] =	vst v2  }
0x26b: {  	v2 =	vld [tilespmem:s3+$0xFFFFFFE0];
	[tilespmem:s1+$0xFFFFFFC0] =	vst v4  }
0x26c: {  	v4 =	vld [tilespmem:s3+$0xFFFFFFF0]  }
0x26d: {  	v7 =	vld [tilespmem:s3+$0xFFFFFF90]  }
0x26e: {  	v6 =	vld.idx.msk [tilespmem:v6+s17+$0x0], $0xffff  }
0x26f: {  	v8 =	vld.idx.msk [tilespmem:v5+s17+$0x0], $0xffff  }
0x270: {  	v5 =	vld.idx.msk [tilespmem:v3+s17+$0x0], $0xffff  }
.Ltmp9:
0x271: {  	v3 =	vld.idx.msk [tilespmem:v0+s17+$0x0], $0xffff;
	(pc) =	sbr.rel @p5 .LBB2_20-.Ltmp9, $4  }
0x272: {  	v0 =	vld.idx.msk [tilespmem:v1+s17+$0x0], $0xffff  }
0x273: {  	s1 =	sadd.s32 $0x80, s1;
	v1 =	vld.idx.msk [tilespmem:v2+s17+$0x0], $0xffff  }
0x274: {  	v2 =	vld.idx.msk [tilespmem:v4+s17+$0x0], $0xffff;
	[tilespmem:s1+$0x30] =	vst v6  }
0x275: {  	s3 =	sadd.s32 $0x80, s3;
	v4 =	vld.idx.msk [tilespmem:v7+s17+$0x0], $0xffff;
	[tilespmem:s1+$0xFFFFFFD0] =	vst v8  }
0x276: {  	[tilespmem:s1+$0xFFFFFFE0] =	vst v5  }
0x277: {  	[tilespmem:s1+$0xFFFFFFF0] =	vst v3  }
0x278: {  	[tilespmem:s1+$0x0] =	vst v0  }
0x279: {  	[tilespmem:s1+$0x10] =	vst v1  }
0x27a: {  	[tilespmem:s1+$0x20] =	vst v2  }
0x27b: {  	[tilespmem:s1+$0xFFFFFFC0] =	vst v4  }
0x27c: {  	s0 =	sld [smem:$0x7D3];
	_ =	sdelay $0x2  }
0x27d: {  	[hbm4b:s0+s19] =	stream.strided.scatter [tilespmem:s24], [sflag:$0x3], $0x1000, s20, s19, $0x38;
	[tilespmem:$0x1E700] =	vst v63  }
0x27e: {  	_ =	swait.ge [sflag:s25], $0x1000  }
0x27f: {  	[sflag:s25] =	ssyncset.done $0x0  }
0x280: {  	s3 =	simm.s32 $0x1A770;
	[sflag:s25] =	ssyncadd.s32 $0xFFFFF000  }
0x281: {  	v0 =	vld [tilespmem:s3+$0x0]  }
0x282: {  	v1 =	vld [tilespmem:s3+$0xFFFFFFA0]  }
0x283: {  	v2 =	vld [tilespmem:s3+$0xFFFFFFB0]  }
0x284: {  	v3 =	vld [tilespmem:s3+$0xFFFFFFC0]  }
0x285: {  	v4 =	vld [tilespmem:s3+$0xFFFFFFD0]  }
0x286: {  	v6 =	vld [tilespmem:s3+$0xFFFFFFE0]  }
0x287: {  	v7 =	vld [tilespmem:s3+$0xFFFFFFF0]  }
0x288: {  	v8 =	vld [tilespmem:s3+$0xFFFFFF90]  }
0x289: {  	v9 =	vld.idx.msk [tilespmem:v0+s17+$0x0], $0xffff  }
0x28a: {  	v10 =	vld.idx.msk [tilespmem:v1+s17+$0x0], $0xffff  }
0x28b: {  	v5 =	vld.idx.msk [tilespmem:v2+s17+$0x0], $0xffff  }
0x28c: {  	v3 =	vld.idx.msk [tilespmem:v3+s17+$0x0], $0xffff  }
0x28d: {  	v0 =	vld.idx.msk [tilespmem:v4+s17+$0x0], $0xffff  }
0x28e: {  	s1 =	simm.s32 $0x1C740;
	v1 =	vld.idx.msk [tilespmem:v6+s17+$0x0], $0xffff  }
0x28f: {  	v2 =	vld.idx.msk [tilespmem:v7+s17+$0x0], $0xffff;
	[tilespmem:s1+$0x30] =	vst v9  }
0x290: {  	s2 =	simm.s32 $0x0;
	s3 =	simm.s32 $0x1A7F0;
	v4 =	vld.idx.msk [tilespmem:v8+s17+$0x0], $0xffff;
	[tilespmem:s1+$0xFFFFFFD0] =	vst v10  }
.LBB2_22:
0x291: {  	v6 =	vld [tilespmem:s3+$0x0];
	s2 =	sadd.s32 $0x80, s2;
	[tilespmem:s1+$0xFFFFFFE0] =	vst v5  }
0x292: {  	v5 =	vld [tilespmem:s3+$0xFFFFFFA0];
	p5 =	slt.u32 s2, $0xF80;
	[tilespmem:s1+$0xFFFFFFF0] =	vst v3  }
0x293: {  	v3 =	vld [tilespmem:s3+$0xFFFFFFB0];
	[tilespmem:s1+$0x0] =	vst v0  }
0x294: {  	v0 =	vld [tilespmem:s3+$0xFFFFFFC0];
	[tilespmem:s1+$0x10] =	vst v1  }
0x295: {  	v1 =	vld [tilespmem:s3+$0xFFFFFFD0];
	[tilespmem:s1+$0x20] =	vst v2  }
0x296: {  	v2 =	vld [tilespmem:s3+$0xFFFFFFE0];
	[tilespmem:s1+$0xFFFFFFC0] =	vst v4  }
0x297: {  	v4 =	vld [tilespmem:s3+$0xFFFFFFF0]  }
0x298: {  	v7 =	vld [tilespmem:s3+$0xFFFFFF90]  }
0x299: {  	v6 =	vld.idx.msk [tilespmem:v6+s17+$0x0], $0xffff  }
0x29a: {  	v8 =	vld.idx.msk [tilespmem:v5+s17+$0x0], $0xffff  }
0x29b: {  	v5 =	vld.idx.msk [tilespmem:v3+s17+$0x0], $0xffff  }
.Ltmp10:
0x29c: {  	v3 =	vld.idx.msk [tilespmem:v0+s17+$0x0], $0xffff;
	(pc) =	sbr.rel @p5 .LBB2_22-.Ltmp10, $4  }
0x29d: {  	v0 =	vld.idx.msk [tilespmem:v1+s17+$0x0], $0xffff  }
0x29e: {  	s1 =	sadd.s32 $0x80, s1;
	v1 =	vld.idx.msk [tilespmem:v2+s17+$0x0], $0xffff  }
0x29f: {  	v2 =	vld.idx.msk [tilespmem:v4+s17+$0x0], $0xffff;
	[tilespmem:s1+$0x30] =	vst v6  }
0x2a0: {  	s3 =	sadd.s32 $0x80, s3;
	v4 =	vld.idx.msk [tilespmem:v7+s17+$0x0], $0xffff;
	[tilespmem:s1+$0xFFFFFFD0] =	vst v8  }
0x2a1: {  	[tilespmem:s1+$0xFFFFFFE0] =	vst v5  }
0x2a2: {  	[tilespmem:s1+$0xFFFFFFF0] =	vst v3  }
0x2a3: {  	[tilespmem:s1+$0x0] =	vst v0  }
0x2a4: {  	[tilespmem:s1+$0x10] =	vst v1  }
0x2a5: {  	[tilespmem:s1+$0x20] =	vst v2  }
0x2a6: {  	[tilespmem:s1+$0xFFFFFFC0] =	vst v4  }
0x2a7: {  	s0 =	sld [smem:$0x7D4];
	_ =	sdelay $0x2  }
0x2a8: {  	[hbm4b:s0+s19] =	stream.strided.scatter [tilespmem:s23], [sflag:$0x2], $0x1000, s20, s19, $0x38;
	[tilespmem:$0x1E700] =	vst v63  }
0x2a9: {  	_ =	swait.ge [sflag:s26], $0x1000  }
0x2aa: {  	[sflag:s26] =	ssyncset.done $0x0  }
0x2ab: {  	s3 =	simm.s32 $0x1B770;
	[sflag:s26] =	ssyncadd.s32 $0xFFFFF000  }
0x2ac: {  	v0 =	vld [tilespmem:s3+$0x0]  }
0x2ad: {  	v1 =	vld [tilespmem:s3+$0xFFFFFFA0]  }
0x2ae: {  	v2 =	vld [tilespmem:s3+$0xFFFFFFB0]  }
0x2af: {  	v3 =	vld [tilespmem:s3+$0xFFFFFFC0]  }
0x2b0: {  	v4 =	vld [tilespmem:s3+$0xFFFFFFD0]  }
0x2b1: {  	v6 =	vld [tilespmem:s3+$0xFFFFFFE0]  }
0x2b2: {  	v7 =	vld [tilespmem:s3+$0xFFFFFFF0]  }
0x2b3: {  	v8 =	vld [tilespmem:s3+$0xFFFFFF90]  }
0x2b4: {  	v9 =	vld.idx.msk [tilespmem:v0+s17+$0x0], $0xffff  }
0x2b5: {  	v10 =	vld.idx.msk [tilespmem:v1+s17+$0x0], $0xffff  }
0x2b6: {  	v5 =	vld.idx.msk [tilespmem:v2+s17+$0x0], $0xffff  }
0x2b7: {  	v3 =	vld.idx.msk [tilespmem:v3+s17+$0x0], $0xffff  }
0x2b8: {  	v0 =	vld.idx.msk [tilespmem:v4+s17+$0x0], $0xffff  }
0x2b9: {  	s1 =	simm.s32 $0x1D740;
	v1 =	vld.idx.msk [tilespmem:v6+s17+$0x0], $0xffff  }
0x2ba: {  	v2 =	vld.idx.msk [tilespmem:v7+s17+$0x0], $0xffff;
	[tilespmem:s1+$0x30] =	vst v9  }
0x2bb: {  	s2 =	simm.s32 $0x0;
	s3 =	simm.s32 $0x1B7F0;
	v4 =	vld.idx.msk [tilespmem:v8+s17+$0x0], $0xffff;
	[tilespmem:s1+$0xFFFFFFD0] =	vst v10  }
.LBB2_24:
0x2bc: {  	v6 =	vld [tilespmem:s3+$0x0];
	s2 =	sadd.s32 $0x80, s2;
	[tilespmem:s1+$0xFFFFFFE0] =	vst v5  }
0x2bd: {  	v5 =	vld [tilespmem:s3+$0xFFFFFFA0];
	p5 =	slt.u32 s2, $0xF80;
	[tilespmem:s1+$0xFFFFFFF0] =	vst v3  }
0x2be: {  	v3 =	vld [tilespmem:s3+$0xFFFFFFB0];
	[tilespmem:s1+$0x0] =	vst v0  }
0x2bf: {  	v0 =	vld [tilespmem:s3+$0xFFFFFFC0];
	[tilespmem:s1+$0x10] =	vst v1  }
0x2c0: {  	v1 =	vld [tilespmem:s3+$0xFFFFFFD0];
	[tilespmem:s1+$0x20] =	vst v2  }
0x2c1: {  	v2 =	vld [tilespmem:s3+$0xFFFFFFE0];
	[tilespmem:s1+$0xFFFFFFC0] =	vst v4  }
0x2c2: {  	v4 =	vld [tilespmem:s3+$0xFFFFFFF0]  }
0x2c3: {  	v7 =	vld [tilespmem:s3+$0xFFFFFF90]  }
0x2c4: {  	v6 =	vld.idx.msk [tilespmem:v6+s17+$0x0], $0xffff  }
0x2c5: {  	v8 =	vld.idx.msk [tilespmem:v5+s17+$0x0], $0xffff  }
0x2c6: {  	v5 =	vld.idx.msk [tilespmem:v3+s17+$0x0], $0xffff  }
.Ltmp11:
0x2c7: {  	v3 =	vld.idx.msk [tilespmem:v0+s17+$0x0], $0xffff;
	(pc) =	sbr.rel @p5 .LBB2_24-.Ltmp11, $4  }
0x2c8: {  	v0 =	vld.idx.msk [tilespmem:v1+s17+$0x0], $0xffff  }
0x2c9: {  	s1 =	sadd.s32 $0x80, s1;
	v1 =	vld.idx.msk [tilespmem:v2+s17+$0x0], $0xffff  }
0x2ca: {  	v2 =	vld.idx.msk [tilespmem:v4+s17+$0x0], $0xffff;
	[tilespmem:s1+$0x30] =	vst v6  }
0x2cb: {  	s3 =	sadd.s32 $0x80, s3;
	v4 =	vld.idx.msk [tilespmem:v7+s17+$0x0], $0xffff;
	[tilespmem:s1+$0xFFFFFFD0] =	vst v8  }
0x2cc: {  	[tilespmem:s1+$0xFFFFFFE0] =	vst v5  }
0x2cd: {  	[tilespmem:s1+$0xFFFFFFF0] =	vst v3  }
0x2ce: {  	[tilespmem:s1+$0x0] =	vst v0  }
0x2cf: {  	[tilespmem:s1+$0x10] =	vst v1  }
0x2d0: {  	[tilespmem:s1+$0x20] =	vst v2  }
0x2d1: {  	[tilespmem:s1+$0xFFFFFFC0] =	vst v4  }
0x2d2: {  	s0 =	sld [smem:$0x7D5]  }
0x2d3: {  	s2 =	sld [smem:$0x7F8]  }
0x2d4: {  	s1 =	rddreg [dreg:$0x11]  }
0x2d5: {  	[hbm4b:s0+s19] =	stream.strided.scatter [tilespmem:s24], [sflag:$0x3], $0x1000, s20, s19, $0x38;
	[tilespmem:$0x1E700] =	vst v63  }
0x2d6: {  	p5 =	seq.s32 s2, $0x1;
	s0 =	rddreg [dreg:$0x5]  }
0x2d7: {  	[tilespmem:s17], [sflag:$0x1] =	stream.strided.gather [hbm4b:s1+s19], $0x18700, s20, s19, $0x38;
	[tilespmem:$0x1E700] =	vst v63  }
0x2d8: {  	s2 =	simm.s32 @!p5 $0x400;
	s3 =	simm.s32 @!p5 $0x18700;
	s1 =	simm.s32 @!p5 $0x80  }
0x2d9: {  	[tilespmem:s3], [sflag:$0x4] =	stream.strided.gather @!p5 [hbm4b:s0+s1], $0x4000, s2, s1, $0x38;
	[tilespmem:$0x1E700] =	vst v63  }
0x2da: {  	s1 =	simm.s32 @!p5 $0x4  }
0x2db: {  	_ =	swait.ge @!p5 [sflag:s1], $0x4000  }
0x2dc: {  	[sflag:s1] =	ssyncset.done @!p5 $0x0  }
0x2dd: {  	[sflag:s1] =	ssyncadd.s32 @!p5 $0xFFFFC000  }
0x2de: {  	_ =	swait.ge [sflag:s22], $0x18700  }
0x2df: {  	[sflag:s22] =	ssyncset.done $0x0  }
0x2e0: {  	[sflag:s22] =	ssyncadd.s32 $0xFFFE7900  }
0x2e1: {  	_ =	swait.ge [sflag:s25], $0x1000  }
0x2e2: {  	[sflag:s25] =	ssyncset.done $0x0  }
0x2e3: {  	s3 =	simm.s32 $0x18740;
	[sflag:s25] =	ssyncadd.s32 $0xFFFFF000  }
0x2e4: {  	v0 =	vld [tilespmem:s3+$0x30]  }
0x2e5: {  	v1 =	vld [tilespmem:s3+$0xFFFFFFD0]  }
0x2e6: {  	v2 =	vld [tilespmem:s3+$0xFFFFFFE0]  }
0x2e7: {  	v3 =	vld [tilespmem:s3+$0xFFFFFFF0]  }
0x2e8: {  	v4 =	vld [tilespmem:s3+$0x0]  }
0x2e9: {  	v6 =	vld [tilespmem:s3+$0x10]  }
0x2ea: {  	v7 =	vld [tilespmem:s3+$0x20]  }
0x2eb: {  	v8 =	vld [tilespmem:s3+$0xFFFFFFC0]  }
0x2ec: {  	v9 =	vld.idx.msk [tilespmem:v0+s17+$0x0], $0xffff  }
0x2ed: {  	v10 =	vld.idx.msk [tilespmem:v1+s17+$0x0], $0xffff  }
0x2ee: {  	v5 =	vld.idx.msk [tilespmem:v2+s17+$0x0], $0xffff  }
0x2ef: {  	v3 =	vld.idx.msk [tilespmem:v3+s17+$0x0], $0xffff  }
0x2f0: {  	v0 =	vld.idx.msk [tilespmem:v4+s17+$0x0], $0xffff  }
0x2f1: {  	s1 =	simm.s32 $0x1C740;
	v1 =	vld.idx.msk [tilespmem:v6+s17+$0x0], $0xffff  }
0x2f2: {  	v2 =	vld.idx.msk [tilespmem:v7+s17+$0x0], $0xffff;
	[tilespmem:s1+$0x30] =	vst v9  }
0x2f3: {  	s2 =	simm.s32 $0x0;
	s3 =	simm.s32 $0x187C0;
	v4 =	vld.idx.msk [tilespmem:v8+s17+$0x0], $0xffff;
	[tilespmem:s1+$0xFFFFFFD0] =	vst v10  }
.LBB2_26:
0x2f4: {  	v6 =	vld [tilespmem:s3+$0x30];
	s2 =	sadd.s32 $0x80, s2;
	[tilespmem:s1+$0xFFFFFFE0] =	vst v5  }
0x2f5: {  	v5 =	vld [tilespmem:s3+$0xFFFFFFD0];
	p5 =	slt.u32 s2, $0xF80;
	[tilespmem:s1+$0xFFFFFFF0] =	vst v3  }
0x2f6: {  	v3 =	vld [tilespmem:s3+$0xFFFFFFE0];
	[tilespmem:s1+$0x0] =	vst v0  }
0x2f7: {  	v0 =	vld [tilespmem:s3+$0xFFFFFFF0];
	[tilespmem:s1+$0x10] =	vst v1  }
0x2f8: {  	v1 =	vld [tilespmem:s3+$0x0];
	[tilespmem:s1+$0x20] =	vst v2  }
0x2f9: {  	v2 =	vld [tilespmem:s3+$0x10];
	[tilespmem:s1+$0xFFFFFFC0] =	vst v4  }
0x2fa: {  	v4 =	vld [tilespmem:s3+$0x20]  }
0x2fb: {  	v7 =	vld [tilespmem:s3+$0xFFFFFFC0]  }
0x2fc: {  	v6 =	vld.idx.msk [tilespmem:v6+s17+$0x0], $0xffff  }
0x2fd: {  	v8 =	vld.idx.msk [tilespmem:v5+s17+$0x0], $0xffff  }
0x2fe: {  	v5 =	vld.idx.msk [tilespmem:v3+s17+$0x0], $0xffff  }
.Ltmp12:
0x2ff: {  	v3 =	vld.idx.msk [tilespmem:v0+s17+$0x0], $0xffff;
	(pc) =	sbr.rel @p5 .LBB2_26-.Ltmp12, $4  }
0x300: {  	v0 =	vld.idx.msk [tilespmem:v1+s17+$0x0], $0xffff  }
0x301: {  	s1 =	sadd.s32 $0x80, s1;
	v1 =	vld.idx.msk [tilespmem:v2+s17+$0x0], $0xffff  }
0x302: {  	v2 =	vld.idx.msk [tilespmem:v4+s17+$0x0], $0xffff;
	[tilespmem:s1+$0x30] =	vst v6  }
0x303: {  	s3 =	sadd.s32 $0x80, s3;
	v4 =	vld.idx.msk [tilespmem:v7+s17+$0x0], $0xffff;
	[tilespmem:s1+$0xFFFFFFD0] =	vst v8  }
0x304: {  	[tilespmem:s1+$0xFFFFFFE0] =	vst v5  }
0x305: {  	[tilespmem:s1+$0xFFFFFFF0] =	vst v3  }
0x306: {  	[tilespmem:s1+$0x0] =	vst v0  }
0x307: {  	[tilespmem:s1+$0x10] =	vst v1  }
0x308: {  	[tilespmem:s1+$0x20] =	vst v2  }
0x309: {  	[tilespmem:s1+$0xFFFFFFC0] =	vst v4  }
0x30a: {  	s0 =	sld [smem:$0x7D7];
	_ =	sdelay $0x2  }
0x30b: {  	[hbm4b:s0+s19] =	stream.strided.scatter [tilespmem:s23], [sflag:$0x2], $0x1000, s20, s19, $0x38;
	[tilespmem:$0x1E700] =	vst v63  }
0x30c: {  	_ =	swait.ge [sflag:s26], $0x1000  }
0x30d: {  	[sflag:s26] =	ssyncset.done $0x0  }
0x30e: {  	s3 =	simm.s32 $0x19770;
	[sflag:s26] =	ssyncadd.s32 $0xFFFFF000  }
0x30f: {  	v0 =	vld [tilespmem:s3+$0x0]  }
0x310: {  	v1 =	vld [tilespmem:s3+$0xFFFFFFA0]  }
0x311: {  	v2 =	vld [tilespmem:s3+$0xFFFFFFB0]  }
0x312: {  	v3 =	vld [tilespmem:s3+$0xFFFFFFC0]  }
0x313: {  	v4 =	vld [tilespmem:s3+$0xFFFFFFD0]  }
0x314: {  	v6 =	vld [tilespmem:s3+$0xFFFFFFE0]  }
0x315: {  	v7 =	vld [tilespmem:s3+$0xFFFFFFF0]  }
0x316: {  	v8 =	vld [tilespmem:s3+$0xFFFFFF90]  }
0x317: {  	v9 =	vld.idx.msk [tilespmem:v0+s17+$0x0], $0xffff  }
0x318: {  	v10 =	vld.idx.msk [tilespmem:v1+s17+$0x0], $0xffff  }
0x319: {  	v5 =	vld.idx.msk [tilespmem:v2+s17+$0x0], $0xffff  }
0x31a: {  	v3 =	vld.idx.msk [tilespmem:v3+s17+$0x0], $0xffff  }
0x31b: {  	v0 =	vld.idx.msk [tilespmem:v4+s17+$0x0], $0xffff  }
0x31c: {  	s1 =	simm.s32 $0x1D740;
	v1 =	vld.idx.msk [tilespmem:v6+s17+$0x0], $0xffff  }
0x31d: {  	v2 =	vld.idx.msk [tilespmem:v7+s17+$0x0], $0xffff;
	[tilespmem:s1+$0x30] =	vst v9  }
0x31e: {  	s2 =	simm.s32 $0x0;
	s3 =	simm.s32 $0x197F0;
	v4 =	vld.idx.msk [tilespmem:v8+s17+$0x0], $0xffff;
	[tilespmem:s1+$0xFFFFFFD0] =	vst v10  }
.LBB2_28:
0x31f: {  	v6 =	vld [tilespmem:s3+$0x0];
	s2 =	sadd.s32 $0x80, s2;
	[tilespmem:s1+$0xFFFFFFE0] =	vst v5  }
0x320: {  	v5 =	vld [tilespmem:s3+$0xFFFFFFA0];
	p5 =	slt.u32 s2, $0xF80;
	[tilespmem:s1+$0xFFFFFFF0] =	vst v3  }
0x321: {  	v3 =	vld [tilespmem:s3+$0xFFFFFFB0];
	[tilespmem:s1+$0x0] =	vst v0  }
0x322: {  	v0 =	vld [tilespmem:s3+$0xFFFFFFC0];
	[tilespmem:s1+$0x10] =	vst v1  }
0x323: {  	v1 =	vld [tilespmem:s3+$0xFFFFFFD0];
	[tilespmem:s1+$0x20] =	vst v2  }
0x324: {  	v2 =	vld [tilespmem:s3+$0xFFFFFFE0];
	[tilespmem:s1+$0xFFFFFFC0] =	vst v4  }
0x325: {  	v4 =	vld [tilespmem:s3+$0xFFFFFFF0]  }
0x326: {  	v7 =	vld [tilespmem:s3+$0xFFFFFF90]  }
0x327: {  	v6 =	vld.idx.msk [tilespmem:v6+s17+$0x0], $0xffff  }
0x328: {  	v8 =	vld.idx.msk [tilespmem:v5+s17+$0x0], $0xffff  }
0x329: {  	v5 =	vld.idx.msk [tilespmem:v3+s17+$0x0], $0xffff  }
.Ltmp13:
0x32a: {  	v3 =	vld.idx.msk [tilespmem:v0+s17+$0x0], $0xffff;
	(pc) =	sbr.rel @p5 .LBB2_28-.Ltmp13, $4  }
0x32b: {  	v0 =	vld.idx.msk [tilespmem:v1+s17+$0x0], $0xffff  }
0x32c: {  	s1 =	sadd.s32 $0x80, s1;
	v1 =	vld.idx.msk [tilespmem:v2+s17+$0x0], $0xffff  }
0x32d: {  	v2 =	vld.idx.msk [tilespmem:v4+s17+$0x0], $0xffff;
	[tilespmem:s1+$0x30] =	vst v6  }
0x32e: {  	s3 =	sadd.s32 $0x80, s3;
	v4 =	vld.idx.msk [tilespmem:v7+s17+$0x0], $0xffff;
	[tilespmem:s1+$0xFFFFFFD0] =	vst v8  }
0x32f: {  	[tilespmem:s1+$0xFFFFFFE0] =	vst v5  }
0x330: {  	[tilespmem:s1+$0xFFFFFFF0] =	vst v3  }
0x331: {  	[tilespmem:s1+$0x0] =	vst v0  }
0x332: {  	[tilespmem:s1+$0x10] =	vst v1  }
0x333: {  	[tilespmem:s1+$0x20] =	vst v2  }
0x334: {  	[tilespmem:s1+$0xFFFFFFC0] =	vst v4  }
0x335: {  	s0 =	sld [smem:$0x7D8];
	_ =	sdelay $0x2  }
0x336: {  	[hbm4b:s0+s19] =	stream.strided.scatter [tilespmem:s24], [sflag:$0x3], $0x1000, s20, s19, $0x38;
	[tilespmem:$0x1E700] =	vst v63  }
0x337: {  	_ =	swait.ge [sflag:s25], $0x1000  }
0x338: {  	[sflag:s25] =	ssyncset.done $0x0  }
0x339: {  	s3 =	simm.s32 $0x1A770;
	[sflag:s25] =	ssyncadd.s32 $0xFFFFF000  }
0x33a: {  	v0 =	vld [tilespmem:s3+$0x0]  }
0x33b: {  	v1 =	vld [tilespmem:s3+$0xFFFFFFA0]  }
0x33c: {  	v2 =	vld [tilespmem:s3+$0xFFFFFFB0]  }
0x33d: {  	v3 =	vld [tilespmem:s3+$0xFFFFFFC0]  }
0x33e: {  	v4 =	vld [tilespmem:s3+$0xFFFFFFD0]  }
0x33f: {  	v6 =	vld [tilespmem:s3+$0xFFFFFFE0]  }
0x340: {  	v7 =	vld [tilespmem:s3+$0xFFFFFFF0]  }
0x341: {  	v8 =	vld [tilespmem:s3+$0xFFFFFF90]  }
0x342: {  	v9 =	vld.idx.msk [tilespmem:v0+s17+$0x0], $0xffff  }
0x343: {  	v10 =	vld.idx.msk [tilespmem:v1+s17+$0x0], $0xffff  }
0x344: {  	v5 =	vld.idx.msk [tilespmem:v2+s17+$0x0], $0xffff  }
0x345: {  	v3 =	vld.idx.msk [tilespmem:v3+s17+$0x0], $0xffff  }
0x346: {  	v0 =	vld.idx.msk [tilespmem:v4+s17+$0x0], $0xffff  }
0x347: {  	s1 =	simm.s32 $0x1C740;
	v1 =	vld.idx.msk [tilespmem:v6+s17+$0x0], $0xffff  }
0x348: {  	v2 =	vld.idx.msk [tilespmem:v7+s17+$0x0], $0xffff;
	[tilespmem:s1+$0x30] =	vst v9  }
0x349: {  	s2 =	simm.s32 $0x0;
	s3 =	simm.s32 $0x1A7F0;
	v4 =	vld.idx.msk [tilespmem:v8+s17+$0x0], $0xffff;
	[tilespmem:s1+$0xFFFFFFD0] =	vst v10  }
.LBB2_30:
0x34a: {  	v6 =	vld [tilespmem:s3+$0x0];
	s2 =	sadd.s32 $0x80, s2;
	[tilespmem:s1+$0xFFFFFFE0] =	vst v5  }
0x34b: {  	v5 =	vld [tilespmem:s3+$0xFFFFFFA0];
	p5 =	slt.u32 s2, $0xF80;
	[tilespmem:s1+$0xFFFFFFF0] =	vst v3  }
0x34c: {  	v3 =	vld [tilespmem:s3+$0xFFFFFFB0];
	[tilespmem:s1+$0x0] =	vst v0  }
0x34d: {  	v0 =	vld [tilespmem:s3+$0xFFFFFFC0];
	[tilespmem:s1+$0x10] =	vst v1  }
0x34e: {  	v1 =	vld [tilespmem:s3+$0xFFFFFFD0];
	[tilespmem:s1+$0x20] =	vst v2  }
0x34f: {  	v2 =	vld [tilespmem:s3+$0xFFFFFFE0];
	[tilespmem:s1+$0xFFFFFFC0] =	vst v4  }
0x350: {  	v4 =	vld [tilespmem:s3+$0xFFFFFFF0]  }
0x351: {  	v7 =	vld [tilespmem:s3+$0xFFFFFF90]  }
0x352: {  	v6 =	vld.idx.msk [tilespmem:v6+s17+$0x0], $0xffff  }
0x353: {  	v8 =	vld.idx.msk [tilespmem:v5+s17+$0x0], $0xffff  }
0x354: {  	v5 =	vld.idx.msk [tilespmem:v3+s17+$0x0], $0xffff  }
.Ltmp14:
0x355: {  	v3 =	vld.idx.msk [tilespmem:v0+s17+$0x0], $0xffff;
	(pc) =	sbr.rel @p5 .LBB2_30-.Ltmp14, $4  }
0x356: {  	v0 =	vld.idx.msk [tilespmem:v1+s17+$0x0], $0xffff  }
0x357: {  	s1 =	sadd.s32 $0x80, s1;
	v1 =	vld.idx.msk [tilespmem:v2+s17+$0x0], $0xffff  }
0x358: {  	v2 =	vld.idx.msk [tilespmem:v4+s17+$0x0], $0xffff;
	[tilespmem:s1+$0x30] =	vst v6  }
0x359: {  	s3 =	sadd.s32 $0x80, s3;
	v4 =	vld.idx.msk [tilespmem:v7+s17+$0x0], $0xffff;
	[tilespmem:s1+$0xFFFFFFD0] =	vst v8  }
0x35a: {  	[tilespmem:s1+$0xFFFFFFE0] =	vst v5  }
0x35b: {  	[tilespmem:s1+$0xFFFFFFF0] =	vst v3  }
0x35c: {  	[tilespmem:s1+$0x0] =	vst v0  }
0x35d: {  	[tilespmem:s1+$0x10] =	vst v1  }
0x35e: {  	[tilespmem:s1+$0x20] =	vst v2  }
0x35f: {  	[tilespmem:s1+$0xFFFFFFC0] =	vst v4  }
0x360: {  	s0 =	sld [smem:$0x7D9];
	_ =	sdelay $0x2  }
0x361: {  	[hbm4b:s0+s19] =	stream.strided.scatter [tilespmem:s23], [sflag:$0x2], $0x1000, s20, s19, $0x38;
	[tilespmem:$0x1E700] =	vst v63  }
0x362: {  	_ =	swait.ge [sflag:s26], $0x1000  }
0x363: {  	[sflag:s26] =	ssyncset.done $0x0  }
0x364: {  	s3 =	simm.s32 $0x1B770;
	[sflag:s26] =	ssyncadd.s32 $0xFFFFF000  }
0x365: {  	v0 =	vld [tilespmem:s3+$0x0]  }
0x366: {  	v1 =	vld [tilespmem:s3+$0xFFFFFFA0]  }
0x367: {  	v2 =	vld [tilespmem:s3+$0xFFFFFFB0]  }
0x368: {  	v3 =	vld [tilespmem:s3+$0xFFFFFFC0]  }
0x369: {  	v4 =	vld [tilespmem:s3+$0xFFFFFFD0]  }
0x36a: {  	v6 =	vld [tilespmem:s3+$0xFFFFFFE0]  }
0x36b: {  	v7 =	vld [tilespmem:s3+$0xFFFFFFF0]  }
0x36c: {  	v8 =	vld [tilespmem:s3+$0xFFFFFF90]  }
0x36d: {  	v9 =	vld.idx.msk [tilespmem:v0+s17+$0x0], $0xffff  }
0x36e: {  	v10 =	vld.idx.msk [tilespmem:v1+s17+$0x0], $0xffff  }
0x36f: {  	v5 =	vld.idx.msk [tilespmem:v2+s17+$0x0], $0xffff  }
0x370: {  	v3 =	vld.idx.msk [tilespmem:v3+s17+$0x0], $0xffff  }
0x371: {  	v0 =	vld.idx.msk [tilespmem:v4+s17+$0x0], $0xffff  }
0x372: {  	s1 =	simm.s32 $0x1D740;
	v1 =	vld.idx.msk [tilespmem:v6+s17+$0x0], $0xffff  }
0x373: {  	v2 =	vld.idx.msk [tilespmem:v7+s17+$0x0], $0xffff;
	[tilespmem:s1+$0x30] =	vst v9  }
0x374: {  	s2 =	simm.s32 $0x0;
	s3 =	simm.s32 $0x1B7F0;
	v4 =	vld.idx.msk [tilespmem:v8+s17+$0x0], $0xffff;
	[tilespmem:s1+$0xFFFFFFD0] =	vst v10  }
.LBB2_32:
0x375: {  	v6 =	vld [tilespmem:s3+$0x0];
	s2 =	sadd.s32 $0x80, s2;
	[tilespmem:s1+$0xFFFFFFE0] =	vst v5  }
0x376: {  	v5 =	vld [tilespmem:s3+$0xFFFFFFA0];
	p5 =	slt.u32 s2, $0xF80;
	[tilespmem:s1+$0xFFFFFFF0] =	vst v3  }
0x377: {  	v3 =	vld [tilespmem:s3+$0xFFFFFFB0];
	[tilespmem:s1+$0x0] =	vst v0  }
0x378: {  	v0 =	vld [tilespmem:s3+$0xFFFFFFC0];
	[tilespmem:s1+$0x10] =	vst v1  }
0x379: {  	v1 =	vld [tilespmem:s3+$0xFFFFFFD0];
	[tilespmem:s1+$0x20] =	vst v2  }
0x37a: {  	v2 =	vld [tilespmem:s3+$0xFFFFFFE0];
	[tilespmem:s1+$0xFFFFFFC0] =	vst v4  }
0x37b: {  	v4 =	vld [tilespmem:s3+$0xFFFFFFF0]  }
0x37c: {  	v7 =	vld [tilespmem:s3+$0xFFFFFF90]  }
0x37d: {  	v6 =	vld.idx.msk [tilespmem:v6+s17+$0x0], $0xffff  }
0x37e: {  	v8 =	vld.idx.msk [tilespmem:v5+s17+$0x0], $0xffff  }
0x37f: {  	v5 =	vld.idx.msk [tilespmem:v3+s17+$0x0], $0xffff  }
.Ltmp15:
0x380: {  	v3 =	vld.idx.msk [tilespmem:v0+s17+$0x0], $0xffff;
	(pc) =	sbr.rel @p5 .LBB2_32-.Ltmp15, $4  }
0x381: {  	v0 =	vld.idx.msk [tilespmem:v1+s17+$0x0], $0xffff  }
0x382: {  	s1 =	sadd.s32 $0x80, s1;
	v1 =	vld.idx.msk [tilespmem:v2+s17+$0x0], $0xffff  }
0x383: {  	v2 =	vld.idx.msk [tilespmem:v4+s17+$0x0], $0xffff;
	[tilespmem:s1+$0x30] =	vst v6  }
0x384: {  	s3 =	sadd.s32 $0x80, s3;
	v4 =	vld.idx.msk [tilespmem:v7+s17+$0x0], $0xffff;
	[tilespmem:s1+$0xFFFFFFD0] =	vst v8  }
0x385: {  	[tilespmem:s1+$0xFFFFFFE0] =	vst v5  }
0x386: {  	[tilespmem:s1+$0xFFFFFFF0] =	vst v3  }
0x387: {  	[tilespmem:s1+$0x0] =	vst v0  }
0x388: {  	[tilespmem:s1+$0x10] =	vst v1  }
0x389: {  	[tilespmem:s1+$0x20] =	vst v2  }
0x38a: {  	[tilespmem:s1+$0xFFFFFFC0] =	vst v4  }
0x38b: {  	s0 =	sld [smem:$0x7DA]  }
0x38c: {  	s2 =	sld [smem:$0x7F9]  }
0x38d: {  	s1 =	rddreg [dreg:$0x12]  }
0x38e: {  	[hbm4b:s0+s19] =	stream.strided.scatter [tilespmem:s24], [sflag:$0x3], $0x1000, s20, s19, $0x38;
	[tilespmem:$0x1E700] =	vst v63  }
0x38f: {  	p5 =	seq.s32 s2, $0x1;
	s0 =	rddreg [dreg:$0x6]  }
0x390: {  	[tilespmem:s17], [sflag:$0x1] =	stream.strided.gather [hbm4b:s1+s19], $0x18700, s20, s19, $0x38;
	[tilespmem:$0x1E700] =	vst v63  }
0x391: {  	s2 =	simm.s32 @!p5 $0x400;
	s3 =	simm.s32 @!p5 $0x18700;
	s1 =	simm.s32 @!p5 $0x80  }
0x392: {  	[tilespmem:s3], [sflag:$0x4] =	stream.strided.gather @!p5 [hbm4b:s0+s1], $0x4000, s2, s1, $0x38;
	[tilespmem:$0x1E700] =	vst v63  }
0x393: {  	s1 =	simm.s32 @!p5 $0x4  }
0x394: {  	_ =	swait.ge @!p5 [sflag:s1], $0x4000  }
0x395: {  	[sflag:s1] =	ssyncset.done @!p5 $0x0  }
0x396: {  	[sflag:s1] =	ssyncadd.s32 @!p5 $0xFFFFC000  }
0x397: {  	_ =	swait.ge [sflag:s22], $0x18700  }
0x398: {  	[sflag:s22] =	ssyncset.done $0x0  }
0x399: {  	[sflag:s22] =	ssyncadd.s32 $0xFFFE7900  }
0x39a: {  	_ =	swait.ge [sflag:s25], $0x1000  }
0x39b: {  	[sflag:s25] =	ssyncset.done $0x0  }
0x39c: {  	s3 =	simm.s32 $0x18740;
	[sflag:s25] =	ssyncadd.s32 $0xFFFFF000  }
0x39d: {  	v0 =	vld [tilespmem:s3+$0x30]  }
0x39e: {  	v1 =	vld [tilespmem:s3+$0xFFFFFFD0]  }
0x39f: {  	v2 =	vld [tilespmem:s3+$0xFFFFFFE0]  }
0x3a0: {  	v3 =	vld [tilespmem:s3+$0xFFFFFFF0]  }
0x3a1: {  	v4 =	vld [tilespmem:s3+$0x0]  }
0x3a2: {  	v6 =	vld [tilespmem:s3+$0x10]  }
0x3a3: {  	v7 =	vld [tilespmem:s3+$0x20]  }
0x3a4: {  	v8 =	vld [tilespmem:s3+$0xFFFFFFC0]  }
0x3a5: {  	v9 =	vld.idx.msk [tilespmem:v0+s17+$0x0], $0xffff  }
0x3a6: {  	v10 =	vld.idx.msk [tilespmem:v1+s17+$0x0], $0xffff  }
0x3a7: {  	v5 =	vld.idx.msk [tilespmem:v2+s17+$0x0], $0xffff  }
0x3a8: {  	v3 =	vld.idx.msk [tilespmem:v3+s17+$0x0], $0xffff  }
0x3a9: {  	v0 =	vld.idx.msk [tilespmem:v4+s17+$0x0], $0xffff  }
0x3aa: {  	s1 =	simm.s32 $0x1C740;
	v1 =	vld.idx.msk [tilespmem:v6+s17+$0x0], $0xffff  }
0x3ab: {  	v2 =	vld.idx.msk [tilespmem:v7+s17+$0x0], $0xffff;
	[tilespmem:s1+$0x30] =	vst v9  }
0x3ac: {  	s2 =	simm.s32 $0x0;
	s3 =	simm.s32 $0x187C0;
	v4 =	vld.idx.msk [tilespmem:v8+s17+$0x0], $0xffff;
	[tilespmem:s1+$0xFFFFFFD0] =	vst v10  }
.LBB2_34:
0x3ad: {  	v6 =	vld [tilespmem:s3+$0x30];
	s2 =	sadd.s32 $0x80, s2;
	[tilespmem:s1+$0xFFFFFFE0] =	vst v5  }
0x3ae: {  	v5 =	vld [tilespmem:s3+$0xFFFFFFD0];
	p5 =	slt.u32 s2, $0xF80;
	[tilespmem:s1+$0xFFFFFFF0] =	vst v3  }
0x3af: {  	v3 =	vld [tilespmem:s3+$0xFFFFFFE0];
	[tilespmem:s1+$0x0] =	vst v0  }
0x3b0: {  	v0 =	vld [tilespmem:s3+$0xFFFFFFF0];
	[tilespmem:s1+$0x10] =	vst v1  }
0x3b1: {  	v1 =	vld [tilespmem:s3+$0x0];
	[tilespmem:s1+$0x20] =	vst v2  }
0x3b2: {  	v2 =	vld [tilespmem:s3+$0x10];
	[tilespmem:s1+$0xFFFFFFC0] =	vst v4  }
0x3b3: {  	v4 =	vld [tilespmem:s3+$0x20]  }
0x3b4: {  	v7 =	vld [tilespmem:s3+$0xFFFFFFC0]  }
0x3b5: {  	v6 =	vld.idx.msk [tilespmem:v6+s17+$0x0], $0xffff  }
0x3b6: {  	v8 =	vld.idx.msk [tilespmem:v5+s17+$0x0], $0xffff  }
0x3b7: {  	v5 =	vld.idx.msk [tilespmem:v3+s17+$0x0], $0xffff  }
.Ltmp16:
0x3b8: {  	v3 =	vld.idx.msk [tilespmem:v0+s17+$0x0], $0xffff;
	(pc) =	sbr.rel @p5 .LBB2_34-.Ltmp16, $4  }
0x3b9: {  	v0 =	vld.idx.msk [tilespmem:v1+s17+$0x0], $0xffff  }
0x3ba: {  	s1 =	sadd.s32 $0x80, s1;
	v1 =	vld.idx.msk [tilespmem:v2+s17+$0x0], $0xffff  }
0x3bb: {  	v2 =	vld.idx.msk [tilespmem:v4+s17+$0x0], $0xffff;
	[tilespmem:s1+$0x30] =	vst v6  }
0x3bc: {  	s3 =	sadd.s32 $0x80, s3;
	v4 =	vld.idx.msk [tilespmem:v7+s17+$0x0], $0xffff;
	[tilespmem:s1+$0xFFFFFFD0] =	vst v8  }
0x3bd: {  	[tilespmem:s1+$0xFFFFFFE0] =	vst v5  }
0x3be: {  	[tilespmem:s1+$0xFFFFFFF0] =	vst v3  }
0x3bf: {  	[tilespmem:s1+$0x0] =	vst v0  }
0x3c0: {  	[tilespmem:s1+$0x10] =	vst v1  }
0x3c1: {  	[tilespmem:s1+$0x20] =	vst v2  }
0x3c2: {  	[tilespmem:s1+$0xFFFFFFC0] =	vst v4  }
0x3c3: {  	s0 =	sld [smem:$0x7DD];
	_ =	sdelay $0x2  }
0x3c4: {  	[hbm4b:s0+s19] =	stream.strided.scatter [tilespmem:s23], [sflag:$0x2], $0x1000, s20, s19, $0x38;
	[tilespmem:$0x1E700] =	vst v63  }
0x3c5: {  	_ =	swait.ge [sflag:s26], $0x1000  }
0x3c6: {  	[sflag:s26] =	ssyncset.done $0x0  }
0x3c7: {  	s3 =	simm.s32 $0x19770;
	[sflag:s26] =	ssyncadd.s32 $0xFFFFF000  }
0x3c8: {  	v0 =	vld [tilespmem:s3+$0x0]  }
0x3c9: {  	v1 =	vld [tilespmem:s3+$0xFFFFFFA0]  }
0x3ca: {  	v2 =	vld [tilespmem:s3+$0xFFFFFFB0]  }
0x3cb: {  	v3 =	vld [tilespmem:s3+$0xFFFFFFC0]  }
0x3cc: {  	v4 =	vld [tilespmem:s3+$0xFFFFFFD0]  }
0x3cd: {  	v6 =	vld [tilespmem:s3+$0xFFFFFFE0]  }
0x3ce: {  	v7 =	vld [tilespmem:s3+$0xFFFFFFF0]  }
0x3cf: {  	v8 =	vld [tilespmem:s3+$0xFFFFFF90]  }
0x3d0: {  	v9 =	vld.idx.msk [tilespmem:v0+s17+$0x0], $0xffff  }
0x3d1: {  	v10 =	vld.idx.msk [tilespmem:v1+s17+$0x0], $0xffff  }
0x3d2: {  	v5 =	vld.idx.msk [tilespmem:v2+s17+$0x0], $0xffff  }
0x3d3: {  	v3 =	vld.idx.msk [tilespmem:v3+s17+$0x0], $0xffff  }
0x3d4: {  	v0 =	vld.idx.msk [tilespmem:v4+s17+$0x0], $0xffff  }
0x3d5: {  	s1 =	simm.s32 $0x1D740;
	v1 =	vld.idx.msk [tilespmem:v6+s17+$0x0], $0xffff  }
0x3d6: {  	v2 =	vld.idx.msk [tilespmem:v7+s17+$0x0], $0xffff;
	[tilespmem:s1+$0x30] =	vst v9  }
0x3d7: {  	s2 =	simm.s32 $0x0;
	s3 =	simm.s32 $0x197F0;
	v4 =	vld.idx.msk [tilespmem:v8+s17+$0x0], $0xffff;
	[tilespmem:s1+$0xFFFFFFD0] =	vst v10  }
.LBB2_36:
0x3d8: {  	v6 =	vld [tilespmem:s3+$0x0];
	s2 =	sadd.s32 $0x80, s2;
	[tilespmem:s1+$0xFFFFFFE0] =	vst v5  }
0x3d9: {  	v5 =	vld [tilespmem:s3+$0xFFFFFFA0];
	p5 =	slt.u32 s2, $0xF80;
	[tilespmem:s1+$0xFFFFFFF0] =	vst v3  }
0x3da: {  	v3 =	vld [tilespmem:s3+$0xFFFFFFB0];
	[tilespmem:s1+$0x0] =	vst v0  }
0x3db: {  	v0 =	vld [tilespmem:s3+$0xFFFFFFC0];
	[tilespmem:s1+$0x10] =	vst v1  }
0x3dc: {  	v1 =	vld [tilespmem:s3+$0xFFFFFFD0];
	[tilespmem:s1+$0x20] =	vst v2  }
0x3dd: {  	v2 =	vld [tilespmem:s3+$0xFFFFFFE0];
	[tilespmem:s1+$0xFFFFFFC0] =	vst v4  }
0x3de: {  	v4 =	vld [tilespmem:s3+$0xFFFFFFF0]  }
0x3df: {  	v7 =	vld [tilespmem:s3+$0xFFFFFF90]  }
0x3e0: {  	v6 =	vld.idx.msk [tilespmem:v6+s17+$0x0], $0xffff  }
0x3e1: {  	v8 =	vld.idx.msk [tilespmem:v5+s17+$0x0], $0xffff  }
0x3e2: {  	v5 =	vld.idx.msk [tilespmem:v3+s17+$0x0], $0xffff  }
.Ltmp17:
0x3e3: {  	v3 =	vld.idx.msk [tilespmem:v0+s17+$0x0], $0xffff;
	(pc) =	sbr.rel @p5 .LBB2_36-.Ltmp17, $4  }
0x3e4: {  	v0 =	vld.idx.msk [tilespmem:v1+s17+$0x0], $0xffff  }
0x3e5: {  	s1 =	sadd.s32 $0x80, s1;
	v1 =	vld.idx.msk [tilespmem:v2+s17+$0x0], $0xffff  }
0x3e6: {  	v2 =	vld.idx.msk [tilespmem:v4+s17+$0x0], $0xffff;
	[tilespmem:s1+$0x30] =	vst v6  }
0x3e7: {  	s3 =	sadd.s32 $0x80, s3;
	v4 =	vld.idx.msk [tilespmem:v7+s17+$0x0], $0xffff;
	[tilespmem:s1+$0xFFFFFFD0] =	vst v8  }
0x3e8: {  	[tilespmem:s1+$0xFFFFFFE0] =	vst v5  }
0x3e9: {  	[tilespmem:s1+$0xFFFFFFF0] =	vst v3  }
0x3ea: {  	[tilespmem:s1+$0x0] =	vst v0  }
0x3eb: {  	[tilespmem:s1+$0x10] =	vst v1  }
0x3ec: {  	[tilespmem:s1+$0x20] =	vst v2  }
0x3ed: {  	[tilespmem:s1+$0xFFFFFFC0] =	vst v4  }
0x3ee: {  	s0 =	sld [smem:$0x7DE];
	_ =	sdelay $0x2  }
0x3ef: {  	[hbm4b:s0+s19] =	stream.strided.scatter [tilespmem:s24], [sflag:$0x3], $0x1000, s20, s19, $0x38;
	[tilespmem:$0x1E700] =	vst v63  }
0x3f0: {  	_ =	swait.ge [sflag:s25], $0x1000  }
0x3f1: {  	[sflag:s25] =	ssyncset.done $0x0  }
0x3f2: {  	s3 =	simm.s32 $0x1A770;
	[sflag:s25] =	ssyncadd.s32 $0xFFFFF000  }
0x3f3: {  	v0 =	vld [tilespmem:s3+$0x0]  }
0x3f4: {  	v1 =	vld [tilespmem:s3+$0xFFFFFFA0]  }
0x3f5: {  	v2 =	vld [tilespmem:s3+$0xFFFFFFB0]  }
0x3f6: {  	v3 =	vld [tilespmem:s3+$0xFFFFFFC0]  }
0x3f7: {  	v4 =	vld [tilespmem:s3+$0xFFFFFFD0]  }
0x3f8: {  	v6 =	vld [tilespmem:s3+$0xFFFFFFE0]  }
0x3f9: {  	v7 =	vld [tilespmem:s3+$0xFFFFFFF0]  }
0x3fa: {  	v8 =	vld [tilespmem:s3+$0xFFFFFF90]  }
0x3fb: {  	v9 =	vld.idx.msk [tilespmem:v0+s17+$0x0], $0xffff  }
0x3fc: {  	v10 =	vld.idx.msk [tilespmem:v1+s17+$0x0], $0xffff  }
0x3fd: {  	v5 =	vld.idx.msk [tilespmem:v2+s17+$0x0], $0xffff  }
0x3fe: {  	v3 =	vld.idx.msk [tilespmem:v3+s17+$0x0], $0xffff  }
0x3ff: {  	v0 =	vld.idx.msk [tilespmem:v4+s17+$0x0], $0xffff  }
0x400: {  	s1 =	simm.s32 $0x1C740;
	v1 =	vld.idx.msk [tilespmem:v6+s17+$0x0], $0xffff  }
0x401: {  	v2 =	vld.idx.msk [tilespmem:v7+s17+$0x0], $0xffff;
	[tilespmem:s1+$0x30] =	vst v9  }
0x402: {  	s2 =	simm.s32 $0x0;
	s3 =	simm.s32 $0x1A7F0;
	v4 =	vld.idx.msk [tilespmem:v8+s17+$0x0], $0xffff;
	[tilespmem:s1+$0xFFFFFFD0] =	vst v10  }
.LBB2_38:
0x403: {  	v6 =	vld [tilespmem:s3+$0x0];
	s2 =	sadd.s32 $0x80, s2;
	[tilespmem:s1+$0xFFFFFFE0] =	vst v5  }
0x404: {  	v5 =	vld [tilespmem:s3+$0xFFFFFFA0];
	p5 =	slt.u32 s2, $0xF80;
	[tilespmem:s1+$0xFFFFFFF0] =	vst v3  }
0x405: {  	v3 =	vld [tilespmem:s3+$0xFFFFFFB0];
	[tilespmem:s1+$0x0] =	vst v0  }
0x406: {  	v0 =	vld [tilespmem:s3+$0xFFFFFFC0];
	[tilespmem:s1+$0x10] =	vst v1  }
0x407: {  	v1 =	vld [tilespmem:s3+$0xFFFFFFD0];
	[tilespmem:s1+$0x20] =	vst v2  }
0x408: {  	v2 =	vld [tilespmem:s3+$0xFFFFFFE0];
	[tilespmem:s1+$0xFFFFFFC0] =	vst v4  }
0x409: {  	v4 =	vld [tilespmem:s3+$0xFFFFFFF0]  }
0x40a: {  	v7 =	vld [tilespmem:s3+$0xFFFFFF90]  }
0x40b: {  	v6 =	vld.idx.msk [tilespmem:v6+s17+$0x0], $0xffff  }
0x40c: {  	v8 =	vld.idx.msk [tilespmem:v5+s17+$0x0], $0xffff  }
0x40d: {  	v5 =	vld.idx.msk [tilespmem:v3+s17+$0x0], $0xffff  }
.Ltmp18:
0x40e: {  	v3 =	vld.idx.msk [tilespmem:v0+s17+$0x0], $0xffff;
	(pc) =	sbr.rel @p5 .LBB2_38-.Ltmp18, $4  }
0x40f: {  	v0 =	vld.idx.msk [tilespmem:v1+s17+$0x0], $0xffff  }
0x410: {  	s1 =	sadd.s32 $0x80, s1;
	v1 =	vld.idx.msk [tilespmem:v2+s17+$0x0], $0xffff  }
0x411: {  	v2 =	vld.idx.msk [tilespmem:v4+s17+$0x0], $0xffff;
	[tilespmem:s1+$0x30] =	vst v6  }
0x412: {  	s3 =	sadd.s32 $0x80, s3;
	v4 =	vld.idx.msk [tilespmem:v7+s17+$0x0], $0xffff;
	[tilespmem:s1+$0xFFFFFFD0] =	vst v8  }
0x413: {  	[tilespmem:s1+$0xFFFFFFE0] =	vst v5  }
0x414: {  	[tilespmem:s1+$0xFFFFFFF0] =	vst v3  }
0x415: {  	[tilespmem:s1+$0x0] =	vst v0  }
0x416: {  	[tilespmem:s1+$0x10] =	vst v1  }
0x417: {  	[tilespmem:s1+$0x20] =	vst v2  }
0x418: {  	[tilespmem:s1+$0xFFFFFFC0] =	vst v4  }
0x419: {  	s0 =	sld [smem:$0x7DF];
	_ =	sdelay $0x2  }
0x41a: {  	[hbm4b:s0+s19] =	stream.strided.scatter [tilespmem:s23], [sflag:$0x2], $0x1000, s20, s19, $0x38;
	[tilespmem:$0x1E700] =	vst v63  }
0x41b: {  	_ =	swait.ge [sflag:s26], $0x1000  }
0x41c: {  	[sflag:s26] =	ssyncset.done $0x0  }
0x41d: {  	s3 =	simm.s32 $0x1B770;
	[sflag:s26] =	ssyncadd.s32 $0xFFFFF000  }
0x41e: {  	v0 =	vld [tilespmem:s3+$0x0]  }
0x41f: {  	v1 =	vld [tilespmem:s3+$0xFFFFFFA0]  }
0x420: {  	v2 =	vld [tilespmem:s3+$0xFFFFFFB0]  }
0x421: {  	v3 =	vld [tilespmem:s3+$0xFFFFFFC0]  }
0x422: {  	v4 =	vld [tilespmem:s3+$0xFFFFFFD0]  }
0x423: {  	v6 =	vld [tilespmem:s3+$0xFFFFFFE0]  }
0x424: {  	v7 =	vld [tilespmem:s3+$0xFFFFFFF0]  }
0x425: {  	v8 =	vld [tilespmem:s3+$0xFFFFFF90]  }
0x426: {  	v9 =	vld.idx.msk [tilespmem:v0+s17+$0x0], $0xffff  }
0x427: {  	v10 =	vld.idx.msk [tilespmem:v1+s17+$0x0], $0xffff  }
0x428: {  	v5 =	vld.idx.msk [tilespmem:v2+s17+$0x0], $0xffff  }
0x429: {  	v3 =	vld.idx.msk [tilespmem:v3+s17+$0x0], $0xffff  }
0x42a: {  	v0 =	vld.idx.msk [tilespmem:v4+s17+$0x0], $0xffff  }
0x42b: {  	s1 =	simm.s32 $0x1D740;
	v1 =	vld.idx.msk [tilespmem:v6+s17+$0x0], $0xffff  }
0x42c: {  	v2 =	vld.idx.msk [tilespmem:v7+s17+$0x0], $0xffff;
	[tilespmem:s1+$0x30] =	vst v9  }
0x42d: {  	s2 =	simm.s32 $0x0;
	s3 =	simm.s32 $0x1B7F0;
	v4 =	vld.idx.msk [tilespmem:v8+s17+$0x0], $0xffff;
	[tilespmem:s1+$0xFFFFFFD0] =	vst v10  }
.LBB2_40:
0x42e: {  	v6 =	vld [tilespmem:s3+$0x0];
	s2 =	sadd.s32 $0x80, s2;
	[tilespmem:s1+$0xFFFFFFE0] =	vst v5  }
0x42f: {  	v5 =	vld [tilespmem:s3+$0xFFFFFFA0];
	p5 =	slt.u32 s2, $0xF80;
	[tilespmem:s1+$0xFFFFFFF0] =	vst v3  }
0x430: {  	v3 =	vld [tilespmem:s3+$0xFFFFFFB0];
	[tilespmem:s1+$0x0] =	vst v0  }
0x431: {  	v0 =	vld [tilespmem:s3+$0xFFFFFFC0];
	[tilespmem:s1+$0x10] =	vst v1  }
0x432: {  	v1 =	vld [tilespmem:s3+$0xFFFFFFD0];
	[tilespmem:s1+$0x20] =	vst v2  }
0x433: {  	v2 =	vld [tilespmem:s3+$0xFFFFFFE0];
	[tilespmem:s1+$0xFFFFFFC0] =	vst v4  }
0x434: {  	v4 =	vld [tilespmem:s3+$0xFFFFFFF0]  }
0x435: {  	v7 =	vld [tilespmem:s3+$0xFFFFFF90]  }
0x436: {  	v6 =	vld.idx.msk [tilespmem:v6+s17+$0x0], $0xffff  }
0x437: {  	v8 =	vld.idx.msk [tilespmem:v5+s17+$0x0], $0xffff  }
0x438: {  	v5 =	vld.idx.msk [tilespmem:v3+s17+$0x0], $0xffff  }
.Ltmp19:
0x439: {  	v3 =	vld.idx.msk [tilespmem:v0+s17+$0x0], $0xffff;
	(pc) =	sbr.rel @p5 .LBB2_40-.Ltmp19, $4  }
0x43a: {  	v0 =	vld.idx.msk [tilespmem:v1+s17+$0x0], $0xffff  }
0x43b: {  	s1 =	sadd.s32 $0x80, s1;
	v1 =	vld.idx.msk [tilespmem:v2+s17+$0x0], $0xffff  }
0x43c: {  	v2 =	vld.idx.msk [tilespmem:v4+s17+$0x0], $0xffff;
	[tilespmem:s1+$0x30] =	vst v6  }
0x43d: {  	s3 =	sadd.s32 $0x80, s3;
	v4 =	vld.idx.msk [tilespmem:v7+s17+$0x0], $0xffff;
	[tilespmem:s1+$0xFFFFFFD0] =	vst v8  }
0x43e: {  	[tilespmem:s1+$0xFFFFFFE0] =	vst v5  }
0x43f: {  	[tilespmem:s1+$0xFFFFFFF0] =	vst v3  }
0x440: {  	[tilespmem:s1+$0x0] =	vst v0  }
0x441: {  	[tilespmem:s1+$0x10] =	vst v1  }
0x442: {  	[tilespmem:s1+$0x20] =	vst v2  }
0x443: {  	[tilespmem:s1+$0xFFFFFFC0] =	vst v4  }
0x444: {  	s0 =	sld [smem:$0x7E0]  }
0x445: {  	s2 =	sld [smem:$0x7FA]  }
0x446: {  	s1 =	rddreg [dreg:$0x13]  }
0x447: {  	[hbm4b:s0+s19] =	stream.strided.scatter [tilespmem:s24], [sflag:$0x3], $0x1000, s20, s19, $0x38;
	[tilespmem:$0x1E700] =	vst v63  }
0x448: {  	p5 =	seq.s32 s2, $0x1;
	s0 =	rddreg [dreg:$0x7]  }
0x449: {  	[tilespmem:s17], [sflag:$0x1] =	stream.strided.gather [hbm4b:s1+s19], $0x18700, s20, s19, $0x38;
	[tilespmem:$0x1E700] =	vst v63  }
0x44a: {  	s2 =	simm.s32 @!p5 $0x400;
	s3 =	simm.s32 @!p5 $0x18700;
	s1 =	simm.s32 @!p5 $0x80  }
0x44b: {  	[tilespmem:s3], [sflag:$0x4] =	stream.strided.gather @!p5 [hbm4b:s0+s1], $0x4000, s2, s1, $0x38;
	[tilespmem:$0x1E700] =	vst v63  }
0x44c: {  	s1 =	simm.s32 @!p5 $0x4  }
0x44d: {  	_ =	swait.ge @!p5 [sflag:s1], $0x4000  }
0x44e: {  	[sflag:s1] =	ssyncset.done @!p5 $0x0  }
0x44f: {  	[sflag:s1] =	ssyncadd.s32 @!p5 $0xFFFFC000  }
0x450: {  	_ =	swait.ge [sflag:s22], $0x18700  }
0x451: {  	[sflag:s22] =	ssyncset.done $0x0  }
0x452: {  	[sflag:s22] =	ssyncadd.s32 $0xFFFE7900  }
0x453: {  	_ =	swait.ge [sflag:s25], $0x1000  }
0x454: {  	[sflag:s25] =	ssyncset.done $0x0  }
0x455: {  	s3 =	simm.s32 $0x18740;
	[sflag:s25] =	ssyncadd.s32 $0xFFFFF000  }
0x456: {  	v0 =	vld [tilespmem:s3+$0x30]  }
0x457: {  	v1 =	vld [tilespmem:s3+$0xFFFFFFD0]  }
0x458: {  	v2 =	vld [tilespmem:s3+$0xFFFFFFE0]  }
0x459: {  	v3 =	vld [tilespmem:s3+$0xFFFFFFF0]  }
0x45a: {  	v4 =	vld [tilespmem:s3+$0x0]  }
0x45b: {  	v6 =	vld [tilespmem:s3+$0x10]  }
0x45c: {  	v7 =	vld [tilespmem:s3+$0x20]  }
0x45d: {  	v8 =	vld [tilespmem:s3+$0xFFFFFFC0]  }
0x45e: {  	v9 =	vld.idx.msk [tilespmem:v0+s17+$0x0], $0xffff  }
0x45f: {  	v10 =	vld.idx.msk [tilespmem:v1+s17+$0x0], $0xffff  }
0x460: {  	v5 =	vld.idx.msk [tilespmem:v2+s17+$0x0], $0xffff  }
0x461: {  	v3 =	vld.idx.msk [tilespmem:v3+s17+$0x0], $0xffff  }
0x462: {  	v0 =	vld.idx.msk [tilespmem:v4+s17+$0x0], $0xffff  }
0x463: {  	s1 =	simm.s32 $0x1C740;
	v1 =	vld.idx.msk [tilespmem:v6+s17+$0x0], $0xffff  }
0x464: {  	v2 =	vld.idx.msk [tilespmem:v7+s17+$0x0], $0xffff;
	[tilespmem:s1+$0x30] =	vst v9  }
0x465: {  	s2 =	simm.s32 $0x0;
	s3 =	simm.s32 $0x187C0;
	v4 =	vld.idx.msk [tilespmem:v8+s17+$0x0], $0xffff;
	[tilespmem:s1+$0xFFFFFFD0] =	vst v10  }
.LBB2_42:
0x466: {  	v6 =	vld [tilespmem:s3+$0x30];
	s2 =	sadd.s32 $0x80, s2;
	[tilespmem:s1+$0xFFFFFFE0] =	vst v5  }
0x467: {  	v5 =	vld [tilespmem:s3+$0xFFFFFFD0];
	p5 =	slt.u32 s2, $0xF80;
	[tilespmem:s1+$0xFFFFFFF0] =	vst v3  }
0x468: {  	v3 =	vld [tilespmem:s3+$0xFFFFFFE0];
	[tilespmem:s1+$0x0] =	vst v0  }
0x469: {  	v0 =	vld [tilespmem:s3+$0xFFFFFFF0];
	[tilespmem:s1+$0x10] =	vst v1  }
0x46a: {  	v1 =	vld [tilespmem:s3+$0x0];
	[tilespmem:s1+$0x20] =	vst v2  }
0x46b: {  	v2 =	vld [tilespmem:s3+$0x10];
	[tilespmem:s1+$0xFFFFFFC0] =	vst v4  }
0x46c: {  	v4 =	vld [tilespmem:s3+$0x20]  }
0x46d: {  	v7 =	vld [tilespmem:s3+$0xFFFFFFC0]  }
0x46e: {  	v6 =	vld.idx.msk [tilespmem:v6+s17+$0x0], $0xffff  }
0x46f: {  	v8 =	vld.idx.msk [tilespmem:v5+s17+$0x0], $0xffff  }
0x470: {  	v5 =	vld.idx.msk [tilespmem:v3+s17+$0x0], $0xffff  }
.Ltmp20:
0x471: {  	v3 =	vld.idx.msk [tilespmem:v0+s17+$0x0], $0xffff;
	(pc) =	sbr.rel @p5 .LBB2_42-.Ltmp20, $4  }
0x472: {  	v0 =	vld.idx.msk [tilespmem:v1+s17+$0x0], $0xffff  }
0x473: {  	s1 =	sadd.s32 $0x80, s1;
	v1 =	vld.idx.msk [tilespmem:v2+s17+$0x0], $0xffff  }
0x474: {  	v2 =	vld.idx.msk [tilespmem:v4+s17+$0x0], $0xffff;
	[tilespmem:s1+$0x30] =	vst v6  }
0x475: {  	s3 =	sadd.s32 $0x80, s3;
	v4 =	vld.idx.msk [tilespmem:v7+s17+$0x0], $0xffff;
	[tilespmem:s1+$0xFFFFFFD0] =	vst v8  }
0x476: {  	[tilespmem:s1+$0xFFFFFFE0] =	vst v5  }
0x477: {  	[tilespmem:s1+$0xFFFFFFF0] =	vst v3  }
0x478: {  	[tilespmem:s1+$0x0] =	vst v0  }
0x479: {  	[tilespmem:s1+$0x10] =	vst v1  }
0x47a: {  	[tilespmem:s1+$0x20] =	vst v2  }
0x47b: {  	[tilespmem:s1+$0xFFFFFFC0] =	vst v4  }
0x47c: {  	s0 =	sld [smem:$0x7E1];
	_ =	sdelay $0x2  }
0x47d: {  	[hbm4b:s0+s19] =	stream.strided.scatter [tilespmem:s23], [sflag:$0x2], $0x1000, s20, s19, $0x38;
	[tilespmem:$0x1E700] =	vst v63  }
0x47e: {  	_ =	swait.ge [sflag:s26], $0x1000  }
0x47f: {  	[sflag:s26] =	ssyncset.done $0x0  }
0x480: {  	s3 =	simm.s32 $0x19770;
	[sflag:s26] =	ssyncadd.s32 $0xFFFFF000  }
0x481: {  	v0 =	vld [tilespmem:s3+$0x0]  }
0x482: {  	v1 =	vld [tilespmem:s3+$0xFFFFFFA0]  }
0x483: {  	v2 =	vld [tilespmem:s3+$0xFFFFFFB0]  }
0x484: {  	v3 =	vld [tilespmem:s3+$0xFFFFFFC0]  }
0x485: {  	v4 =	vld [tilespmem:s3+$0xFFFFFFD0]  }
0x486: {  	v6 =	vld [tilespmem:s3+$0xFFFFFFE0]  }
0x487: {  	v7 =	vld [tilespmem:s3+$0xFFFFFFF0]  }
0x488: {  	v8 =	vld [tilespmem:s3+$0xFFFFFF90]  }
0x489: {  	v9 =	vld.idx.msk [tilespmem:v0+s17+$0x0], $0xffff  }
0x48a: {  	v10 =	vld.idx.msk [tilespmem:v1+s17+$0x0], $0xffff  }
0x48b: {  	v5 =	vld.idx.msk [tilespmem:v2+s17+$0x0], $0xffff  }
0x48c: {  	v3 =	vld.idx.msk [tilespmem:v3+s17+$0x0], $0xffff  }
0x48d: {  	v0 =	vld.idx.msk [tilespmem:v4+s17+$0x0], $0xffff  }
0x48e: {  	s1 =	simm.s32 $0x1D740;
	v1 =	vld.idx.msk [tilespmem:v6+s17+$0x0], $0xffff  }
0x48f: {  	v2 =	vld.idx.msk [tilespmem:v7+s17+$0x0], $0xffff;
	[tilespmem:s1+$0x30] =	vst v9  }
0x490: {  	s2 =	simm.s32 $0x0;
	s3 =	simm.s32 $0x197F0;
	v4 =	vld.idx.msk [tilespmem:v8+s17+$0x0], $0xffff;
	[tilespmem:s1+$0xFFFFFFD0] =	vst v10  }
.LBB2_44:
0x491: {  	v6 =	vld [tilespmem:s3+$0x0];
	s2 =	sadd.s32 $0x80, s2;
	[tilespmem:s1+$0xFFFFFFE0] =	vst v5  }
0x492: {  	v5 =	vld [tilespmem:s3+$0xFFFFFFA0];
	p5 =	slt.u32 s2, $0xF80;
	[tilespmem:s1+$0xFFFFFFF0] =	vst v3  }
0x493: {  	v3 =	vld [tilespmem:s3+$0xFFFFFFB0];
	[tilespmem:s1+$0x0] =	vst v0  }
0x494: {  	v0 =	vld [tilespmem:s3+$0xFFFFFFC0];
	[tilespmem:s1+$0x10] =	vst v1  }
0x495: {  	v1 =	vld [tilespmem:s3+$0xFFFFFFD0];
	[tilespmem:s1+$0x20] =	vst v2  }
0x496: {  	v2 =	vld [tilespmem:s3+$0xFFFFFFE0];
	[tilespmem:s1+$0xFFFFFFC0] =	vst v4  }
0x497: {  	v4 =	vld [tilespmem:s3+$0xFFFFFFF0]  }
0x498: {  	v7 =	vld [tilespmem:s3+$0xFFFFFF90]  }
0x499: {  	v6 =	vld.idx.msk [tilespmem:v6+s17+$0x0], $0xffff  }
0x49a: {  	v8 =	vld.idx.msk [tilespmem:v5+s17+$0x0], $0xffff  }
0x49b: {  	v5 =	vld.idx.msk [tilespmem:v3+s17+$0x0], $0xffff  }
.Ltmp21:
0x49c: {  	v3 =	vld.idx.msk [tilespmem:v0+s17+$0x0], $0xffff;
	(pc) =	sbr.rel @p5 .LBB2_44-.Ltmp21, $4  }
0x49d: {  	v0 =	vld.idx.msk [tilespmem:v1+s17+$0x0], $0xffff  }
0x49e: {  	s1 =	sadd.s32 $0x80, s1;
	v1 =	vld.idx.msk [tilespmem:v2+s17+$0x0], $0xffff  }
0x49f: {  	v2 =	vld.idx.msk [tilespmem:v4+s17+$0x0], $0xffff;
	[tilespmem:s1+$0x30] =	vst v6  }
0x4a0: {  	s3 =	sadd.s32 $0x80, s3;
	v4 =	vld.idx.msk [tilespmem:v7+s17+$0x0], $0xffff;
	[tilespmem:s1+$0xFFFFFFD0] =	vst v8  }
0x4a1: {  	[tilespmem:s1+$0xFFFFFFE0] =	vst v5  }
0x4a2: {  	[tilespmem:s1+$0xFFFFFFF0] =	vst v3  }
0x4a3: {  	[tilespmem:s1+$0x0] =	vst v0  }
0x4a4: {  	[tilespmem:s1+$0x10] =	vst v1  }
0x4a5: {  	[tilespmem:s1+$0x20] =	vst v2  }
0x4a6: {  	[tilespmem:s1+$0xFFFFFFC0] =	vst v4  }
0x4a7: {  	s0 =	sld [smem:$0x7E2];
	_ =	sdelay $0x2  }
0x4a8: {  	[hbm4b:s0+s19] =	stream.strided.scatter [tilespmem:s24], [sflag:$0x3], $0x1000, s20, s19, $0x38;
	[tilespmem:$0x1E700] =	vst v63  }
0x4a9: {  	_ =	swait.ge [sflag:s25], $0x1000  }
0x4aa: {  	[sflag:s25] =	ssyncset.done $0x0  }
0x4ab: {  	s3 =	simm.s32 $0x1A770;
	[sflag:s25] =	ssyncadd.s32 $0xFFFFF000  }
0x4ac: {  	v0 =	vld [tilespmem:s3+$0x0]  }
0x4ad: {  	v1 =	vld [tilespmem:s3+$0xFFFFFFA0]  }
0x4ae: {  	v2 =	vld [tilespmem:s3+$0xFFFFFFB0]  }
0x4af: {  	v3 =	vld [tilespmem:s3+$0xFFFFFFC0]  }
0x4b0: {  	v4 =	vld [tilespmem:s3+$0xFFFFFFD0]  }
0x4b1: {  	v6 =	vld [tilespmem:s3+$0xFFFFFFE0]  }
0x4b2: {  	v7 =	vld [tilespmem:s3+$0xFFFFFFF0]  }
0x4b3: {  	v8 =	vld [tilespmem:s3+$0xFFFFFF90]  }
0x4b4: {  	v9 =	vld.idx.msk [tilespmem:v0+s17+$0x0], $0xffff  }
0x4b5: {  	v10 =	vld.idx.msk [tilespmem:v1+s17+$0x0], $0xffff  }
0x4b6: {  	v5 =	vld.idx.msk [tilespmem:v2+s17+$0x0], $0xffff  }
0x4b7: {  	v3 =	vld.idx.msk [tilespmem:v3+s17+$0x0], $0xffff  }
0x4b8: {  	v0 =	vld.idx.msk [tilespmem:v4+s17+$0x0], $0xffff  }
0x4b9: {  	s1 =	simm.s32 $0x1C740;
	v1 =	vld.idx.msk [tilespmem:v6+s17+$0x0], $0xffff  }
0x4ba: {  	v2 =	vld.idx.msk [tilespmem:v7+s17+$0x0], $0xffff;
	[tilespmem:s1+$0x30] =	vst v9  }
0x4bb: {  	s2 =	simm.s32 $0x0;
	s3 =	simm.s32 $0x1A7F0;
	v4 =	vld.idx.msk [tilespmem:v8+s17+$0x0], $0xffff;
	[tilespmem:s1+$0xFFFFFFD0] =	vst v10  }
.LBB2_46:
0x4bc: {  	v6 =	vld [tilespmem:s3+$0x0];
	s2 =	sadd.s32 $0x80, s2;
	[tilespmem:s1+$0xFFFFFFE0] =	vst v5  }
0x4bd: {  	v5 =	vld [tilespmem:s3+$0xFFFFFFA0];
	p5 =	slt.u32 s2, $0xF80;
	[tilespmem:s1+$0xFFFFFFF0] =	vst v3  }
0x4be: {  	v3 =	vld [tilespmem:s3+$0xFFFFFFB0];
	[tilespmem:s1+$0x0] =	vst v0  }
0x4bf: {  	v0 =	vld [tilespmem:s3+$0xFFFFFFC0];
	[tilespmem:s1+$0x10] =	vst v1  }
0x4c0: {  	v1 =	vld [tilespmem:s3+$0xFFFFFFD0];
	[tilespmem:s1+$0x20] =	vst v2  }
0x4c1: {  	v2 =	vld [tilespmem:s3+$0xFFFFFFE0];
	[tilespmem:s1+$0xFFFFFFC0] =	vst v4  }
0x4c2: {  	v4 =	vld [tilespmem:s3+$0xFFFFFFF0]  }
0x4c3: {  	v7 =	vld [tilespmem:s3+$0xFFFFFF90]  }
0x4c4: {  	v6 =	vld.idx.msk [tilespmem:v6+s17+$0x0], $0xffff  }
0x4c5: {  	v8 =	vld.idx.msk [tilespmem:v5+s17+$0x0], $0xffff  }
0x4c6: {  	v5 =	vld.idx.msk [tilespmem:v3+s17+$0x0], $0xffff  }
.Ltmp22:
0x4c7: {  	v3 =	vld.idx.msk [tilespmem:v0+s17+$0x0], $0xffff;
	(pc) =	sbr.rel @p5 .LBB2_46-.Ltmp22, $4  }
0x4c8: {  	v0 =	vld.idx.msk [tilespmem:v1+s17+$0x0], $0xffff  }
0x4c9: {  	s1 =	sadd.s32 $0x80, s1;
	v1 =	vld.idx.msk [tilespmem:v2+s17+$0x0], $0xffff  }
0x4ca: {  	v2 =	vld.idx.msk [tilespmem:v4+s17+$0x0], $0xffff;
	[tilespmem:s1+$0x30] =	vst v6  }
0x4cb: {  	s3 =	sadd.s32 $0x80, s3;
	v4 =	vld.idx.msk [tilespmem:v7+s17+$0x0], $0xffff;
	[tilespmem:s1+$0xFFFFFFD0] =	vst v8  }
0x4cc: {  	[tilespmem:s1+$0xFFFFFFE0] =	vst v5  }
0x4cd: {  	[tilespmem:s1+$0xFFFFFFF0] =	vst v3  }
0x4ce: {  	[tilespmem:s1+$0x0] =	vst v0  }
0x4cf: {  	[tilespmem:s1+$0x10] =	vst v1  }
0x4d0: {  	[tilespmem:s1+$0x20] =	vst v2  }
0x4d1: {  	[tilespmem:s1+$0xFFFFFFC0] =	vst v4  }
0x4d2: {  	s0 =	sld [smem:$0x7E3];
	_ =	sdelay $0x2  }
0x4d3: {  	[hbm4b:s0+s19] =	stream.strided.scatter [tilespmem:s23], [sflag:$0x2], $0x1000, s20, s19, $0x38;
	[tilespmem:$0x1E700] =	vst v63  }
0x4d4: {  	_ =	swait.ge [sflag:s26], $0x1000  }
0x4d5: {  	[sflag:s26] =	ssyncset.done $0x0  }
0x4d6: {  	s3 =	simm.s32 $0x1B770;
	[sflag:s26] =	ssyncadd.s32 $0xFFFFF000  }
0x4d7: {  	v0 =	vld [tilespmem:s3+$0x0]  }
0x4d8: {  	v1 =	vld [tilespmem:s3+$0xFFFFFFA0]  }
0x4d9: {  	v2 =	vld [tilespmem:s3+$0xFFFFFFB0]  }
0x4da: {  	v3 =	vld [tilespmem:s3+$0xFFFFFFC0]  }
0x4db: {  	v4 =	vld [tilespmem:s3+$0xFFFFFFD0]  }
0x4dc: {  	v6 =	vld [tilespmem:s3+$0xFFFFFFE0]  }
0x4dd: {  	v7 =	vld [tilespmem:s3+$0xFFFFFFF0]  }
0x4de: {  	v8 =	vld [tilespmem:s3+$0xFFFFFF90]  }
0x4df: {  	v9 =	vld.idx.msk [tilespmem:v0+s17+$0x0], $0xffff  }
0x4e0: {  	v10 =	vld.idx.msk [tilespmem:v1+s17+$0x0], $0xffff  }
0x4e1: {  	v5 =	vld.idx.msk [tilespmem:v2+s17+$0x0], $0xffff  }
0x4e2: {  	v3 =	vld.idx.msk [tilespmem:v3+s17+$0x0], $0xffff  }
0x4e3: {  	v0 =	vld.idx.msk [tilespmem:v4+s17+$0x0], $0xffff  }
0x4e4: {  	s1 =	simm.s32 $0x1D740;
	v1 =	vld.idx.msk [tilespmem:v6+s17+$0x0], $0xffff  }
0x4e5: {  	v2 =	vld.idx.msk [tilespmem:v7+s17+$0x0], $0xffff;
	[tilespmem:s1+$0x30] =	vst v9  }
0x4e6: {  	s2 =	simm.s32 $0x0;
	s3 =	simm.s32 $0x1B7F0;
	v4 =	vld.idx.msk [tilespmem:v8+s17+$0x0], $0xffff;
	[tilespmem:s1+$0xFFFFFFD0] =	vst v10  }
.LBB2_48:
0x4e7: {  	v6 =	vld [tilespmem:s3+$0x0];
	s2 =	sadd.s32 $0x80, s2;
	[tilespmem:s1+$0xFFFFFFE0] =	vst v5  }
0x4e8: {  	v5 =	vld [tilespmem:s3+$0xFFFFFFA0];
	p5 =	slt.u32 s2, $0xF80;
	[tilespmem:s1+$0xFFFFFFF0] =	vst v3  }
0x4e9: {  	v3 =	vld [tilespmem:s3+$0xFFFFFFB0];
	[tilespmem:s1+$0x0] =	vst v0  }
0x4ea: {  	v0 =	vld [tilespmem:s3+$0xFFFFFFC0];
	[tilespmem:s1+$0x10] =	vst v1  }
0x4eb: {  	v1 =	vld [tilespmem:s3+$0xFFFFFFD0];
	[tilespmem:s1+$0x20] =	vst v2  }
0x4ec: {  	v2 =	vld [tilespmem:s3+$0xFFFFFFE0];
	[tilespmem:s1+$0xFFFFFFC0] =	vst v4  }
0x4ed: {  	v4 =	vld [tilespmem:s3+$0xFFFFFFF0]  }
0x4ee: {  	v7 =	vld [tilespmem:s3+$0xFFFFFF90]  }
0x4ef: {  	v6 =	vld.idx.msk [tilespmem:v6+s17+$0x0], $0xffff  }
0x4f0: {  	v8 =	vld.idx.msk [tilespmem:v5+s17+$0x0], $0xffff  }
0x4f1: {  	v5 =	vld.idx.msk [tilespmem:v3+s17+$0x0], $0xffff  }
.Ltmp23:
0x4f2: {  	v3 =	vld.idx.msk [tilespmem:v0+s17+$0x0], $0xffff;
	(pc) =	sbr.rel @p5 .LBB2_48-.Ltmp23, $4  }
0x4f3: {  	v0 =	vld.idx.msk [tilespmem:v1+s17+$0x0], $0xffff  }
0x4f4: {  	s1 =	sadd.s32 $0x80, s1;
	v1 =	vld.idx.msk [tilespmem:v2+s17+$0x0], $0xffff  }
0x4f5: {  	v2 =	vld.idx.msk [tilespmem:v4+s17+$0x0], $0xffff;
	[tilespmem:s1+$0x30] =	vst v6  }
0x4f6: {  	s3 =	sadd.s32 $0x80, s3;
	v4 =	vld.idx.msk [tilespmem:v7+s17+$0x0], $0xffff;
	[tilespmem:s1+$0xFFFFFFD0] =	vst v8  }
0x4f7: {  	[tilespmem:s1+$0xFFFFFFE0] =	vst v5  }
0x4f8: {  	[tilespmem:s1+$0xFFFFFFF0] =	vst v3  }
0x4f9: {  	[tilespmem:s1+$0x0] =	vst v0  }
0x4fa: {  	[tilespmem:s1+$0x10] =	vst v1  }
0x4fb: {  	[tilespmem:s1+$0x20] =	vst v2  }
0x4fc: {  	[tilespmem:s1+$0xFFFFFFC0] =	vst v4  }
0x4fd: {  	s0 =	sld [smem:$0x7E4]  }
0x4fe: {  	s2 =	sld [smem:$0x7FB]  }
0x4ff: {  	s1 =	rddreg [dreg:$0x14]  }
0x500: {  	[hbm4b:s0+s19] =	stream.strided.scatter [tilespmem:s24], [sflag:$0x3], $0x1000, s20, s19, $0x38;
	[tilespmem:$0x1E700] =	vst v63  }
0x501: {  	p5 =	seq.s32 s2, $0x1;
	s0 =	rddreg [dreg:$0x8]  }
0x502: {  	[tilespmem:s17], [sflag:$0x1] =	stream.strided.gather [hbm4b:s1+s19], $0x18700, s20, s19, $0x38;
	[tilespmem:$0x1E700] =	vst v63  }
0x503: {  	s2 =	simm.s32 @!p5 $0x400;
	s3 =	simm.s32 @!p5 $0x18700;
	s1 =	simm.s32 @!p5 $0x80  }
0x504: {  	[tilespmem:s3], [sflag:$0x4] =	stream.strided.gather @!p5 [hbm4b:s0+s1], $0x4000, s2, s1, $0x38;
	[tilespmem:$0x1E700] =	vst v63  }
0x505: {  	s1 =	simm.s32 @!p5 $0x4  }
0x506: {  	_ =	swait.ge @!p5 [sflag:s1], $0x4000  }
0x507: {  	[sflag:s1] =	ssyncset.done @!p5 $0x0  }
0x508: {  	[sflag:s1] =	ssyncadd.s32 @!p5 $0xFFFFC000  }
0x509: {  	_ =	swait.ge [sflag:s22], $0x18700  }
0x50a: {  	[sflag:s22] =	ssyncset.done $0x0  }
0x50b: {  	[sflag:s22] =	ssyncadd.s32 $0xFFFE7900  }
0x50c: {  	_ =	swait.ge [sflag:s25], $0x1000  }
0x50d: {  	[sflag:s25] =	ssyncset.done $0x0  }
0x50e: {  	s3 =	simm.s32 $0x18740;
	[sflag:s25] =	ssyncadd.s32 $0xFFFFF000  }
0x50f: {  	v0 =	vld [tilespmem:s3+$0x30]  }
0x510: {  	v1 =	vld [tilespmem:s3+$0xFFFFFFD0]  }
0x511: {  	v2 =	vld [tilespmem:s3+$0xFFFFFFE0]  }
0x512: {  	v3 =	vld [tilespmem:s3+$0xFFFFFFF0]  }
0x513: {  	v4 =	vld [tilespmem:s3+$0x0]  }
0x514: {  	v6 =	vld [tilespmem:s3+$0x10]  }
0x515: {  	v7 =	vld [tilespmem:s3+$0x20]  }
0x516: {  	v8 =	vld [tilespmem:s3+$0xFFFFFFC0]  }
0x517: {  	v9 =	vld.idx.msk [tilespmem:v0+s17+$0x0], $0xffff  }
0x518: {  	v10 =	vld.idx.msk [tilespmem:v1+s17+$0x0], $0xffff  }
0x519: {  	v5 =	vld.idx.msk [tilespmem:v2+s17+$0x0], $0xffff  }
0x51a: {  	v3 =	vld.idx.msk [tilespmem:v3+s17+$0x0], $0xffff  }
0x51b: {  	v0 =	vld.idx.msk [tilespmem:v4+s17+$0x0], $0xffff  }
0x51c: {  	s1 =	simm.s32 $0x1C740;
	v1 =	vld.idx.msk [tilespmem:v6+s17+$0x0], $0xffff  }
0x51d: {  	v2 =	vld.idx.msk [tilespmem:v7+s17+$0x0], $0xffff;
	[tilespmem:s1+$0x30] =	vst v9  }
0x51e: {  	s2 =	simm.s32 $0x0;
	s3 =	simm.s32 $0x187C0;
	v4 =	vld.idx.msk [tilespmem:v8+s17+$0x0], $0xffff;
	[tilespmem:s1+$0xFFFFFFD0] =	vst v10  }
.LBB2_50:
0x51f: {  	v6 =	vld [tilespmem:s3+$0x30];
	s2 =	sadd.s32 $0x80, s2;
	[tilespmem:s1+$0xFFFFFFE0] =	vst v5  }
0x520: {  	v5 =	vld [tilespmem:s3+$0xFFFFFFD0];
	p5 =	slt.u32 s2, $0xF80;
	[tilespmem:s1+$0xFFFFFFF0] =	vst v3  }
0x521: {  	v3 =	vld [tilespmem:s3+$0xFFFFFFE0];
	[tilespmem:s1+$0x0] =	vst v0  }
0x522: {  	v0 =	vld [tilespmem:s3+$0xFFFFFFF0];
	[tilespmem:s1+$0x10] =	vst v1  }
0x523: {  	v1 =	vld [tilespmem:s3+$0x0];
	[tilespmem:s1+$0x20] =	vst v2  }
0x524: {  	v2 =	vld [tilespmem:s3+$0x10];
	[tilespmem:s1+$0xFFFFFFC0] =	vst v4  }
0x525: {  	v4 =	vld [tilespmem:s3+$0x20]  }
0x526: {  	v7 =	vld [tilespmem:s3+$0xFFFFFFC0]  }
0x527: {  	v6 =	vld.idx.msk [tilespmem:v6+s17+$0x0], $0xffff  }
0x528: {  	v8 =	vld.idx.msk [tilespmem:v5+s17+$0x0], $0xffff  }
0x529: {  	v5 =	vld.idx.msk [tilespmem:v3+s17+$0x0], $0xffff  }
.Ltmp24:
0x52a: {  	v3 =	vld.idx.msk [tilespmem:v0+s17+$0x0], $0xffff;
	(pc) =	sbr.rel @p5 .LBB2_50-.Ltmp24, $4  }
0x52b: {  	v0 =	vld.idx.msk [tilespmem:v1+s17+$0x0], $0xffff  }
0x52c: {  	s1 =	sadd.s32 $0x80, s1;
	v1 =	vld.idx.msk [tilespmem:v2+s17+$0x0], $0xffff  }
0x52d: {  	v2 =	vld.idx.msk [tilespmem:v4+s17+$0x0], $0xffff;
	[tilespmem:s1+$0x30] =	vst v6  }
0x52e: {  	s3 =	sadd.s32 $0x80, s3;
	v4 =	vld.idx.msk [tilespmem:v7+s17+$0x0], $0xffff;
	[tilespmem:s1+$0xFFFFFFD0] =	vst v8  }
0x52f: {  	[tilespmem:s1+$0xFFFFFFE0] =	vst v5  }
0x530: {  	[tilespmem:s1+$0xFFFFFFF0] =	vst v3  }
0x531: {  	[tilespmem:s1+$0x0] =	vst v0  }
0x532: {  	[tilespmem:s1+$0x10] =	vst v1  }
0x533: {  	[tilespmem:s1+$0x20] =	vst v2  }
0x534: {  	[tilespmem:s1+$0xFFFFFFC0] =	vst v4  }
0x535: {  	s0 =	sld [smem:$0x7E6];
	_ =	sdelay $0x2  }
0x536: {  	[hbm4b:s0+s19] =	stream.strided.scatter [tilespmem:s23], [sflag:$0x2], $0x1000, s20, s19, $0x38;
	[tilespmem:$0x1E700] =	vst v63  }
0x537: {  	_ =	swait.ge [sflag:s26], $0x1000  }
0x538: {  	[sflag:s26] =	ssyncset.done $0x0  }
0x539: {  	s3 =	simm.s32 $0x19770;
	[sflag:s26] =	ssyncadd.s32 $0xFFFFF000  }
0x53a: {  	v0 =	vld [tilespmem:s3+$0x0]  }
0x53b: {  	v1 =	vld [tilespmem:s3+$0xFFFFFFA0]  }
0x53c: {  	v2 =	vld [tilespmem:s3+$0xFFFFFFB0]  }
0x53d: {  	v3 =	vld [tilespmem:s3+$0xFFFFFFC0]  }
0x53e: {  	v4 =	vld [tilespmem:s3+$0xFFFFFFD0]  }
0x53f: {  	v6 =	vld [tilespmem:s3+$0xFFFFFFE0]  }
0x540: {  	v7 =	vld [tilespmem:s3+$0xFFFFFFF0]  }
0x541: {  	v8 =	vld [tilespmem:s3+$0xFFFFFF90]  }
0x542: {  	v9 =	vld.idx.msk [tilespmem:v0+s17+$0x0], $0xffff  }
0x543: {  	v10 =	vld.idx.msk [tilespmem:v1+s17+$0x0], $0xffff  }
0x544: {  	v5 =	vld.idx.msk [tilespmem:v2+s17+$0x0], $0xffff  }
0x545: {  	v3 =	vld.idx.msk [tilespmem:v3+s17+$0x0], $0xffff  }
0x546: {  	v0 =	vld.idx.msk [tilespmem:v4+s17+$0x0], $0xffff  }
0x547: {  	s1 =	simm.s32 $0x1D740;
	v1 =	vld.idx.msk [tilespmem:v6+s17+$0x0], $0xffff  }
0x548: {  	v2 =	vld.idx.msk [tilespmem:v7+s17+$0x0], $0xffff;
	[tilespmem:s1+$0x30] =	vst v9  }
0x549: {  	s2 =	simm.s32 $0x0;
	s3 =	simm.s32 $0x197F0;
	v4 =	vld.idx.msk [tilespmem:v8+s17+$0x0], $0xffff;
	[tilespmem:s1+$0xFFFFFFD0] =	vst v10  }
.LBB2_52:
0x54a: {  	v6 =	vld [tilespmem:s3+$0x0];
	s2 =	sadd.s32 $0x80, s2;
	[tilespmem:s1+$0xFFFFFFE0] =	vst v5  }
0x54b: {  	v5 =	vld [tilespmem:s3+$0xFFFFFFA0];
	p5 =	slt.u32 s2, $0xF80;
	[tilespmem:s1+$0xFFFFFFF0] =	vst v3  }
0x54c: {  	v3 =	vld [tilespmem:s3+$0xFFFFFFB0];
	[tilespmem:s1+$0x0] =	vst v0  }
0x54d: {  	v0 =	vld [tilespmem:s3+$0xFFFFFFC0];
	[tilespmem:s1+$0x10] =	vst v1  }
0x54e: {  	v1 =	vld [tilespmem:s3+$0xFFFFFFD0];
	[tilespmem:s1+$0x20] =	vst v2  }
0x54f: {  	v2 =	vld [tilespmem:s3+$0xFFFFFFE0];
	[tilespmem:s1+$0xFFFFFFC0] =	vst v4  }
0x550: {  	v4 =	vld [tilespmem:s3+$0xFFFFFFF0]  }
0x551: {  	v7 =	vld [tilespmem:s3+$0xFFFFFF90]  }
0x552: {  	v6 =	vld.idx.msk [tilespmem:v6+s17+$0x0], $0xffff  }
0x553: {  	v8 =	vld.idx.msk [tilespmem:v5+s17+$0x0], $0xffff  }
0x554: {  	v5 =	vld.idx.msk [tilespmem:v3+s17+$0x0], $0xffff  }
.Ltmp25:
0x555: {  	v3 =	vld.idx.msk [tilespmem:v0+s17+$0x0], $0xffff;
	(pc) =	sbr.rel @p5 .LBB2_52-.Ltmp25, $4  }
0x556: {  	v0 =	vld.idx.msk [tilespmem:v1+s17+$0x0], $0xffff  }
0x557: {  	s1 =	sadd.s32 $0x80, s1;
	v1 =	vld.idx.msk [tilespmem:v2+s17+$0x0], $0xffff  }
0x558: {  	v2 =	vld.idx.msk [tilespmem:v4+s17+$0x0], $0xffff;
	[tilespmem:s1+$0x30] =	vst v6  }
0x559: {  	s3 =	sadd.s32 $0x80, s3;
	v4 =	vld.idx.msk [tilespmem:v7+s17+$0x0], $0xffff;
	[tilespmem:s1+$0xFFFFFFD0] =	vst v8  }
0x55a: {  	[tilespmem:s1+$0xFFFFFFE0] =	vst v5  }
0x55b: {  	[tilespmem:s1+$0xFFFFFFF0] =	vst v3  }
0x55c: {  	[tilespmem:s1+$0x0] =	vst v0  }
0x55d: {  	[tilespmem:s1+$0x10] =	vst v1  }
0x55e: {  	[tilespmem:s1+$0x20] =	vst v2  }
0x55f: {  	[tilespmem:s1+$0xFFFFFFC0] =	vst v4  }
0x560: {  	s0 =	sld [smem:$0x7E7];
	_ =	sdelay $0x2  }
0x561: {  	[hbm4b:s0+s19] =	stream.strided.scatter [tilespmem:s24], [sflag:$0x3], $0x1000, s20, s19, $0x38;
	[tilespmem:$0x1E700] =	vst v63  }
0x562: {  	_ =	swait.ge [sflag:s25], $0x1000  }
0x563: {  	[sflag:s25] =	ssyncset.done $0x0  }
0x564: {  	s3 =	simm.s32 $0x1A770;
	[sflag:s25] =	ssyncadd.s32 $0xFFFFF000  }
0x565: {  	v0 =	vld [tilespmem:s3+$0x0]  }
0x566: {  	v1 =	vld [tilespmem:s3+$0xFFFFFFA0]  }
0x567: {  	v2 =	vld [tilespmem:s3+$0xFFFFFFB0]  }
0x568: {  	v3 =	vld [tilespmem:s3+$0xFFFFFFC0]  }
0x569: {  	v4 =	vld [tilespmem:s3+$0xFFFFFFD0]  }
0x56a: {  	v6 =	vld [tilespmem:s3+$0xFFFFFFE0]  }
0x56b: {  	v7 =	vld [tilespmem:s3+$0xFFFFFFF0]  }
0x56c: {  	v8 =	vld [tilespmem:s3+$0xFFFFFF90]  }
0x56d: {  	v9 =	vld.idx.msk [tilespmem:v0+s17+$0x0], $0xffff  }
0x56e: {  	v10 =	vld.idx.msk [tilespmem:v1+s17+$0x0], $0xffff  }
0x56f: {  	v5 =	vld.idx.msk [tilespmem:v2+s17+$0x0], $0xffff  }
0x570: {  	v3 =	vld.idx.msk [tilespmem:v3+s17+$0x0], $0xffff  }
0x571: {  	v0 =	vld.idx.msk [tilespmem:v4+s17+$0x0], $0xffff  }
0x572: {  	s1 =	simm.s32 $0x1C740;
	v1 =	vld.idx.msk [tilespmem:v6+s17+$0x0], $0xffff  }
0x573: {  	v2 =	vld.idx.msk [tilespmem:v7+s17+$0x0], $0xffff;
	[tilespmem:s1+$0x30] =	vst v9  }
0x574: {  	s2 =	simm.s32 $0x0;
	s3 =	simm.s32 $0x1A7F0;
	v4 =	vld.idx.msk [tilespmem:v8+s17+$0x0], $0xffff;
	[tilespmem:s1+$0xFFFFFFD0] =	vst v10  }
.LBB2_54:
0x575: {  	v6 =	vld [tilespmem:s3+$0x0];
	s2 =	sadd.s32 $0x80, s2;
	[tilespmem:s1+$0xFFFFFFE0] =	vst v5  }
0x576: {  	v5 =	vld [tilespmem:s3+$0xFFFFFFA0];
	p5 =	slt.u32 s2, $0xF80;
	[tilespmem:s1+$0xFFFFFFF0] =	vst v3  }
0x577: {  	v3 =	vld [tilespmem:s3+$0xFFFFFFB0];
	[tilespmem:s1+$0x0] =	vst v0  }
0x578: {  	v0 =	vld [tilespmem:s3+$0xFFFFFFC0];
	[tilespmem:s1+$0x10] =	vst v1  }
0x579: {  	v1 =	vld [tilespmem:s3+$0xFFFFFFD0];
	[tilespmem:s1+$0x20] =	vst v2  }
0x57a: {  	v2 =	vld [tilespmem:s3+$0xFFFFFFE0];
	[tilespmem:s1+$0xFFFFFFC0] =	vst v4  }
0x57b: {  	v4 =	vld [tilespmem:s3+$0xFFFFFFF0]  }
0x57c: {  	v7 =	vld [tilespmem:s3+$0xFFFFFF90]  }
0x57d: {  	v6 =	vld.idx.msk [tilespmem:v6+s17+$0x0], $0xffff  }
0x57e: {  	v8 =	vld.idx.msk [tilespmem:v5+s17+$0x0], $0xffff  }
0x57f: {  	v5 =	vld.idx.msk [tilespmem:v3+s17+$0x0], $0xffff  }
.Ltmp26:
0x580: {  	v3 =	vld.idx.msk [tilespmem:v0+s17+$0x0], $0xffff;
	(pc) =	sbr.rel @p5 .LBB2_54-.Ltmp26, $4  }
0x581: {  	v0 =	vld.idx.msk [tilespmem:v1+s17+$0x0], $0xffff  }
0x582: {  	s1 =	sadd.s32 $0x80, s1;
	v1 =	vld.idx.msk [tilespmem:v2+s17+$0x0], $0xffff  }
0x583: {  	v2 =	vld.idx.msk [tilespmem:v4+s17+$0x0], $0xffff;
	[tilespmem:s1+$0x30] =	vst v6  }
0x584: {  	s3 =	sadd.s32 $0x80, s3;
	v4 =	vld.idx.msk [tilespmem:v7+s17+$0x0], $0xffff;
	[tilespmem:s1+$0xFFFFFFD0] =	vst v8  }
0x585: {  	[tilespmem:s1+$0xFFFFFFE0] =	vst v5  }
0x586: {  	[tilespmem:s1+$0xFFFFFFF0] =	vst v3  }
0x587: {  	[tilespmem:s1+$0x0] =	vst v0  }
0x588: {  	[tilespmem:s1+$0x10] =	vst v1  }
0x589: {  	[tilespmem:s1+$0x20] =	vst v2  }
0x58a: {  	[tilespmem:s1+$0xFFFFFFC0] =	vst v4  }
0x58b: {  	s0 =	sld [smem:$0x7E8];
	_ =	sdelay $0x2  }
0x58c: {  	[hbm4b:s0+s19] =	stream.strided.scatter [tilespmem:s23], [sflag:$0x2], $0x1000, s20, s19, $0x38;
	[tilespmem:$0x1E700] =	vst v63  }
0x58d: {  	_ =	swait.ge [sflag:s26], $0x1000  }
0x58e: {  	[sflag:s26] =	ssyncset.done $0x0  }
0x58f: {  	s3 =	simm.s32 $0x1B770;
	[sflag:s26] =	ssyncadd.s32 $0xFFFFF000  }
0x590: {  	v0 =	vld [tilespmem:s3+$0x0]  }
0x591: {  	v1 =	vld [tilespmem:s3+$0xFFFFFFA0]  }
0x592: {  	v2 =	vld [tilespmem:s3+$0xFFFFFFB0]  }
0x593: {  	v3 =	vld [tilespmem:s3+$0xFFFFFFC0]  }
0x594: {  	v4 =	vld [tilespmem:s3+$0xFFFFFFD0]  }
0x595: {  	v6 =	vld [tilespmem:s3+$0xFFFFFFE0]  }
0x596: {  	v7 =	vld [tilespmem:s3+$0xFFFFFFF0]  }
0x597: {  	v8 =	vld [tilespmem:s3+$0xFFFFFF90]  }
0x598: {  	v9 =	vld.idx.msk [tilespmem:v0+s17+$0x0], $0xffff  }
0x599: {  	v10 =	vld.idx.msk [tilespmem:v1+s17+$0x0], $0xffff  }
0x59a: {  	v5 =	vld.idx.msk [tilespmem:v2+s17+$0x0], $0xffff  }
0x59b: {  	v3 =	vld.idx.msk [tilespmem:v3+s17+$0x0], $0xffff  }
0x59c: {  	v0 =	vld.idx.msk [tilespmem:v4+s17+$0x0], $0xffff  }
0x59d: {  	s1 =	simm.s32 $0x1D740;
	v1 =	vld.idx.msk [tilespmem:v6+s17+$0x0], $0xffff  }
0x59e: {  	v2 =	vld.idx.msk [tilespmem:v7+s17+$0x0], $0xffff;
	[tilespmem:s1+$0x30] =	vst v9  }
0x59f: {  	s2 =	simm.s32 $0x0;
	s3 =	simm.s32 $0x1B7F0;
	v4 =	vld.idx.msk [tilespmem:v8+s17+$0x0], $0xffff;
	[tilespmem:s1+$0xFFFFFFD0] =	vst v10  }
.LBB2_56:
0x5a0: {  	v6 =	vld [tilespmem:s3+$0x0];
	s2 =	sadd.s32 $0x80, s2;
	[tilespmem:s1+$0xFFFFFFE0] =	vst v5  }
0x5a1: {  	v5 =	vld [tilespmem:s3+$0xFFFFFFA0];
	p5 =	slt.u32 s2, $0xF80;
	[tilespmem:s1+$0xFFFFFFF0] =	vst v3  }
0x5a2: {  	v3 =	vld [tilespmem:s3+$0xFFFFFFB0];
	[tilespmem:s1+$0x0] =	vst v0  }
0x5a3: {  	v0 =	vld [tilespmem:s3+$0xFFFFFFC0];
	[tilespmem:s1+$0x10] =	vst v1  }
0x5a4: {  	v1 =	vld [tilespmem:s3+$0xFFFFFFD0];
	[tilespmem:s1+$0x20] =	vst v2  }
0x5a5: {  	v2 =	vld [tilespmem:s3+$0xFFFFFFE0];
	[tilespmem:s1+$0xFFFFFFC0] =	vst v4  }
0x5a6: {  	v4 =	vld [tilespmem:s3+$0xFFFFFFF0]  }
0x5a7: {  	v7 =	vld [tilespmem:s3+$0xFFFFFF90]  }
0x5a8: {  	v6 =	vld.idx.msk [tilespmem:v6+s17+$0x0], $0xffff  }
0x5a9: {  	v8 =	vld.idx.msk [tilespmem:v5+s17+$0x0], $0xffff  }
0x5aa: {  	v5 =	vld.idx.msk [tilespmem:v3+s17+$0x0], $0xffff  }
.Ltmp27:
0x5ab: {  	v3 =	vld.idx.msk [tilespmem:v0+s17+$0x0], $0xffff;
	(pc) =	sbr.rel @p5 .LBB2_56-.Ltmp27, $4  }
0x5ac: {  	v0 =	vld.idx.msk [tilespmem:v1+s17+$0x0], $0xffff  }
0x5ad: {  	s1 =	sadd.s32 $0x80, s1;
	v1 =	vld.idx.msk [tilespmem:v2+s17+$0x0], $0xffff  }
0x5ae: {  	v2 =	vld.idx.msk [tilespmem:v4+s17+$0x0], $0xffff;
	[tilespmem:s1+$0x30] =	vst v6  }
0x5af: {  	s3 =	sadd.s32 $0x80, s3;
	v4 =	vld.idx.msk [tilespmem:v7+s17+$0x0], $0xffff;
	[tilespmem:s1+$0xFFFFFFD0] =	vst v8  }
0x5b0: {  	[tilespmem:s1+$0xFFFFFFE0] =	vst v5  }
0x5b1: {  	[tilespmem:s1+$0xFFFFFFF0] =	vst v3  }
0x5b2: {  	[tilespmem:s1+$0x0] =	vst v0  }
0x5b3: {  	[tilespmem:s1+$0x10] =	vst v1  }
0x5b4: {  	[tilespmem:s1+$0x20] =	vst v2  }
0x5b5: {  	[tilespmem:s1+$0xFFFFFFC0] =	vst v4  }
0x5b6: {  	s0 =	sld [smem:$0x7E9];
	_ =	sdelay $0x2  }
0x5b7: {  	[hbm4b:s0+s19] =	stream.strided.scatter [tilespmem:s24], [sflag:$0x3], $0x1000, s20, s19, $0x38;
	[tilespmem:$0x1E700] =	vst v63  }
0x5b8: {  	s3 =	simm.s32 @!p6 $0x18700;
	s2 =	rddreg [dreg:$0x15]  }
0x5b9: {  	[tilespmem:s17], [sflag:$0x1] =	stream.strided.gather [hbm4b:s2+s19], $0x18700, s20, s19, $0x38;
	[tilespmem:$0x1E700] =	vst v63  }
0x5ba: {  	s1 =	simm.s32 @!p6 $0x80;
	s0 =	rddreg [dreg:$0x9];
	s2 =	simm.s32 @!p6 $0x400  }
0x5bb: {  	[tilespmem:s3], [sflag:$0x4] =	stream.strided.gather @!p6 [hbm4b:s0+s1], $0x4000, s2, s1, $0x38;
	[tilespmem:$0x1E700] =	vst v63  }
0x5bc: {  	s1 =	simm.s32 @!p6 $0x4  }
0x5bd: {  	_ =	swait.ge @!p6 [sflag:s1], $0x4000  }
0x5be: {  	[sflag:s1] =	ssyncset.done @!p6 $0x0  }
0x5bf: {  	[sflag:s1] =	ssyncadd.s32 @!p6 $0xFFFFC000  }
0x5c0: {  	_ =	swait.ge [sflag:s22], $0x18700  }
0x5c1: {  	[sflag:s22] =	ssyncset.done $0x0  }
0x5c2: {  	[sflag:s22] =	ssyncadd.s32 $0xFFFE7900  }
0x5c3: {  	_ =	swait.ge [sflag:s25], $0x1000  }
0x5c4: {  	[sflag:s25] =	ssyncset.done $0x0  }
0x5c5: {  	s3 =	simm.s32 $0x18740;
	[sflag:s25] =	ssyncadd.s32 $0xFFFFF000  }
0x5c6: {  	v0 =	vld [tilespmem:s3+$0x30]  }
0x5c7: {  	v1 =	vld [tilespmem:s3+$0xFFFFFFD0]  }
0x5c8: {  	v2 =	vld [tilespmem:s3+$0xFFFFFFE0]  }
0x5c9: {  	v3 =	vld [tilespmem:s3+$0xFFFFFFF0]  }
0x5ca: {  	v4 =	vld [tilespmem:s3+$0x0]  }
0x5cb: {  	v6 =	vld [tilespmem:s3+$0x10]  }
0x5cc: {  	v7 =	vld [tilespmem:s3+$0x20]  }
0x5cd: {  	v8 =	vld [tilespmem:s3+$0xFFFFFFC0]  }
0x5ce: {  	v9 =	vld.idx.msk [tilespmem:v0+s17+$0x0], $0xffff  }
0x5cf: {  	v10 =	vld.idx.msk [tilespmem:v1+s17+$0x0], $0xffff  }
0x5d0: {  	v5 =	vld.idx.msk [tilespmem:v2+s17+$0x0], $0xffff  }
0x5d1: {  	v3 =	vld.idx.msk [tilespmem:v3+s17+$0x0], $0xffff  }
0x5d2: {  	v0 =	vld.idx.msk [tilespmem:v4+s17+$0x0], $0xffff  }
0x5d3: {  	s1 =	simm.s32 $0x1C740;
	v1 =	vld.idx.msk [tilespmem:v6+s17+$0x0], $0xffff  }
0x5d4: {  	v2 =	vld.idx.msk [tilespmem:v7+s17+$0x0], $0xffff;
	[tilespmem:s1+$0x30] =	vst v9  }
0x5d5: {  	s2 =	simm.s32 $0x0;
	s3 =	simm.s32 $0x187C0;
	v4 =	vld.idx.msk [tilespmem:v8+s17+$0x0], $0xffff;
	[tilespmem:s1+$0xFFFFFFD0] =	vst v10  }
.LBB2_58:
0x5d6: {  	v6 =	vld [tilespmem:s3+$0x30];
	s2 =	sadd.s32 $0x80, s2;
	[tilespmem:s1+$0xFFFFFFE0] =	vst v5  }
0x5d7: {  	v5 =	vld [tilespmem:s3+$0xFFFFFFD0];
	p5 =	slt.u32 s2, $0xF80;
	[tilespmem:s1+$0xFFFFFFF0] =	vst v3  }
0x5d8: {  	v3 =	vld [tilespmem:s3+$0xFFFFFFE0];
	[tilespmem:s1+$0x0] =	vst v0  }
0x5d9: {  	v0 =	vld [tilespmem:s3+$0xFFFFFFF0];
	[tilespmem:s1+$0x10] =	vst v1  }
0x5da: {  	v1 =	vld [tilespmem:s3+$0x0];
	[tilespmem:s1+$0x20] =	vst v2  }
0x5db: {  	v2 =	vld [tilespmem:s3+$0x10];
	[tilespmem:s1+$0xFFFFFFC0] =	vst v4  }
0x5dc: {  	v4 =	vld [tilespmem:s3+$0x20]  }
0x5dd: {  	v7 =	vld [tilespmem:s3+$0xFFFFFFC0]  }
0x5de: {  	v6 =	vld.idx.msk [tilespmem:v6+s17+$0x0], $0xffff  }
0x5df: {  	v8 =	vld.idx.msk [tilespmem:v5+s17+$0x0], $0xffff  }
0x5e0: {  	v5 =	vld.idx.msk [tilespmem:v3+s17+$0x0], $0xffff  }
.Ltmp28:
0x5e1: {  	v3 =	vld.idx.msk [tilespmem:v0+s17+$0x0], $0xffff;
	(pc) =	sbr.rel @p5 .LBB2_58-.Ltmp28, $4  }
0x5e2: {  	v0 =	vld.idx.msk [tilespmem:v1+s17+$0x0], $0xffff  }
0x5e3: {  	s1 =	sadd.s32 $0x80, s1;
	v1 =	vld.idx.msk [tilespmem:v2+s17+$0x0], $0xffff  }
0x5e4: {  	v2 =	vld.idx.msk [tilespmem:v4+s17+$0x0], $0xffff;
	[tilespmem:s1+$0x30] =	vst v6  }
0x5e5: {  	s3 =	sadd.s32 $0x80, s3;
	v4 =	vld.idx.msk [tilespmem:v7+s17+$0x0], $0xffff;
	[tilespmem:s1+$0xFFFFFFD0] =	vst v8  }
0x5e6: {  	[tilespmem:s1+$0xFFFFFFE0] =	vst v5  }
0x5e7: {  	[tilespmem:s1+$0xFFFFFFF0] =	vst v3  }
0x5e8: {  	[tilespmem:s1+$0x0] =	vst v0  }
0x5e9: {  	[tilespmem:s1+$0x10] =	vst v1  }
0x5ea: {  	[tilespmem:s1+$0x20] =	vst v2  }
0x5eb: {  	[tilespmem:s1+$0xFFFFFFC0] =	vst v4  }
0x5ec: {  	s0 =	sld [smem:$0x7EB];
	_ =	sdelay $0x2  }
0x5ed: {  	[hbm4b:s0+s19] =	stream.strided.scatter [tilespmem:s23], [sflag:$0x2], $0x1000, s20, s19, $0x38;
	[tilespmem:$0x1E700] =	vst v63  }
0x5ee: {  	_ =	swait.ge [sflag:s26], $0x1000  }
0x5ef: {  	[sflag:s26] =	ssyncset.done $0x0  }
0x5f0: {  	s3 =	simm.s32 $0x19770;
	[sflag:s26] =	ssyncadd.s32 $0xFFFFF000  }
0x5f1: {  	v0 =	vld [tilespmem:s3+$0x0]  }
0x5f2: {  	v1 =	vld [tilespmem:s3+$0xFFFFFFA0]  }
0x5f3: {  	v2 =	vld [tilespmem:s3+$0xFFFFFFB0]  }
0x5f4: {  	v3 =	vld [tilespmem:s3+$0xFFFFFFC0]  }
0x5f5: {  	v4 =	vld [tilespmem:s3+$0xFFFFFFD0]  }
0x5f6: {  	v6 =	vld [tilespmem:s3+$0xFFFFFFE0]  }
0x5f7: {  	v7 =	vld [tilespmem:s3+$0xFFFFFFF0]  }
0x5f8: {  	v8 =	vld [tilespmem:s3+$0xFFFFFF90]  }
0x5f9: {  	v9 =	vld.idx.msk [tilespmem:v0+s17+$0x0], $0xffff  }
0x5fa: {  	v10 =	vld.idx.msk [tilespmem:v1+s17+$0x0], $0xffff  }
0x5fb: {  	v5 =	vld.idx.msk [tilespmem:v2+s17+$0x0], $0xffff  }
0x5fc: {  	v3 =	vld.idx.msk [tilespmem:v3+s17+$0x0], $0xffff  }
0x5fd: {  	v0 =	vld.idx.msk [tilespmem:v4+s17+$0x0], $0xffff  }
0x5fe: {  	s1 =	simm.s32 $0x1D740;
	v1 =	vld.idx.msk [tilespmem:v6+s17+$0x0], $0xffff  }
0x5ff: {  	v2 =	vld.idx.msk [tilespmem:v7+s17+$0x0], $0xffff;
	[tilespmem:s1+$0x30] =	vst v9  }
0x600: {  	s2 =	simm.s32 $0x0;
	s3 =	simm.s32 $0x197F0;
	v4 =	vld.idx.msk [tilespmem:v8+s17+$0x0], $0xffff;
	[tilespmem:s1+$0xFFFFFFD0] =	vst v10  }
.LBB2_60:
0x601: {  	v6 =	vld [tilespmem:s3+$0x0];
	s2 =	sadd.s32 $0x80, s2;
	[tilespmem:s1+$0xFFFFFFE0] =	vst v5  }
0x602: {  	v5 =	vld [tilespmem:s3+$0xFFFFFFA0];
	p5 =	slt.u32 s2, $0xF80;
	[tilespmem:s1+$0xFFFFFFF0] =	vst v3  }
0x603: {  	v3 =	vld [tilespmem:s3+$0xFFFFFFB0];
	[tilespmem:s1+$0x0] =	vst v0  }
0x604: {  	v0 =	vld [tilespmem:s3+$0xFFFFFFC0];
	[tilespmem:s1+$0x10] =	vst v1  }
0x605: {  	v1 =	vld [tilespmem:s3+$0xFFFFFFD0];
	[tilespmem:s1+$0x20] =	vst v2  }
0x606: {  	v2 =	vld [tilespmem:s3+$0xFFFFFFE0];
	[tilespmem:s1+$0xFFFFFFC0] =	vst v4  }
0x607: {  	v4 =	vld [tilespmem:s3+$0xFFFFFFF0]  }
0x608: {  	v7 =	vld [tilespmem:s3+$0xFFFFFF90]  }
0x609: {  	v6 =	vld.idx.msk [tilespmem:v6+s17+$0x0], $0xffff  }
0x60a: {  	v8 =	vld.idx.msk [tilespmem:v5+s17+$0x0], $0xffff  }
0x60b: {  	v5 =	vld.idx.msk [tilespmem:v3+s17+$0x0], $0xffff  }
.Ltmp29:
0x60c: {  	v3 =	vld.idx.msk [tilespmem:v0+s17+$0x0], $0xffff;
	(pc) =	sbr.rel @p5 .LBB2_60-.Ltmp29, $4  }
0x60d: {  	v0 =	vld.idx.msk [tilespmem:v1+s17+$0x0], $0xffff  }
0x60e: {  	s1 =	sadd.s32 $0x80, s1;
	v1 =	vld.idx.msk [tilespmem:v2+s17+$0x0], $0xffff  }
0x60f: {  	v2 =	vld.idx.msk [tilespmem:v4+s17+$0x0], $0xffff;
	[tilespmem:s1+$0x30] =	vst v6  }
0x610: {  	s3 =	sadd.s32 $0x80, s3;
	v4 =	vld.idx.msk [tilespmem:v7+s17+$0x0], $0xffff;
	[tilespmem:s1+$0xFFFFFFD0] =	vst v8  }
0x611: {  	[tilespmem:s1+$0xFFFFFFE0] =	vst v5  }
0x612: {  	[tilespmem:s1+$0xFFFFFFF0] =	vst v3  }
0x613: {  	[tilespmem:s1+$0x0] =	vst v0  }
0x614: {  	[tilespmem:s1+$0x10] =	vst v1  }
0x615: {  	[tilespmem:s1+$0x20] =	vst v2  }
0x616: {  	[tilespmem:s1+$0xFFFFFFC0] =	vst v4  }
0x617: {  	s0 =	sld [smem:$0x7EC];
	_ =	sdelay $0x2  }
0x618: {  	[hbm4b:s0+s19] =	stream.strided.scatter [tilespmem:s24], [sflag:$0x3], $0x1000, s20, s19, $0x38;
	[tilespmem:$0x1E700] =	vst v63  }
0x619: {  	_ =	swait.ge [sflag:s25], $0x1000  }
0x61a: {  	[sflag:s25] =	ssyncset.done $0x0  }
0x61b: {  	s3 =	simm.s32 $0x1A770;
	[sflag:s25] =	ssyncadd.s32 $0xFFFFF000  }
0x61c: {  	v0 =	vld [tilespmem:s3+$0x0]  }
0x61d: {  	v1 =	vld [tilespmem:s3+$0xFFFFFFA0]  }
0x61e: {  	v2 =	vld [tilespmem:s3+$0xFFFFFFB0]  }
0x61f: {  	v3 =	vld [tilespmem:s3+$0xFFFFFFC0]  }
0x620: {  	v4 =	vld [tilespmem:s3+$0xFFFFFFD0]  }
0x621: {  	v6 =	vld [tilespmem:s3+$0xFFFFFFE0]  }
0x622: {  	v7 =	vld [tilespmem:s3+$0xFFFFFFF0]  }
0x623: {  	v8 =	vld [tilespmem:s3+$0xFFFFFF90]  }
0x624: {  	v9 =	vld.idx.msk [tilespmem:v0+s17+$0x0], $0xffff  }
0x625: {  	v10 =	vld.idx.msk [tilespmem:v1+s17+$0x0], $0xffff  }
0x626: {  	v5 =	vld.idx.msk [tilespmem:v2+s17+$0x0], $0xffff  }
0x627: {  	v3 =	vld.idx.msk [tilespmem:v3+s17+$0x0], $0xffff  }
0x628: {  	v0 =	vld.idx.msk [tilespmem:v4+s17+$0x0], $0xffff  }
0x629: {  	s1 =	simm.s32 $0x1C740;
	v1 =	vld.idx.msk [tilespmem:v6+s17+$0x0], $0xffff  }
0x62a: {  	v2 =	vld.idx.msk [tilespmem:v7+s17+$0x0], $0xffff;
	[tilespmem:s1+$0x30] =	vst v9  }
0x62b: {  	s2 =	simm.s32 $0x0;
	s3 =	simm.s32 $0x1A7F0;
	v4 =	vld.idx.msk [tilespmem:v8+s17+$0x0], $0xffff;
	[tilespmem:s1+$0xFFFFFFD0] =	vst v10  }
.LBB2_62:
0x62c: {  	v6 =	vld [tilespmem:s3+$0x0];
	s2 =	sadd.s32 $0x80, s2;
	[tilespmem:s1+$0xFFFFFFE0] =	vst v5  }
0x62d: {  	v5 =	vld [tilespmem:s3+$0xFFFFFFA0];
	p5 =	slt.u32 s2, $0xF80;
	[tilespmem:s1+$0xFFFFFFF0] =	vst v3  }
0x62e: {  	v3 =	vld [tilespmem:s3+$0xFFFFFFB0];
	[tilespmem:s1+$0x0] =	vst v0  }
0x62f: {  	v0 =	vld [tilespmem:s3+$0xFFFFFFC0];
	[tilespmem:s1+$0x10] =	vst v1  }
0x630: {  	v1 =	vld [tilespmem:s3+$0xFFFFFFD0];
	[tilespmem:s1+$0x20] =	vst v2  }
0x631: {  	v2 =	vld [tilespmem:s3+$0xFFFFFFE0];
	[tilespmem:s1+$0xFFFFFFC0] =	vst v4  }
0x632: {  	v4 =	vld [tilespmem:s3+$0xFFFFFFF0]  }
0x633: {  	v7 =	vld [tilespmem:s3+$0xFFFFFF90]  }
0x634: {  	v6 =	vld.idx.msk [tilespmem:v6+s17+$0x0], $0xffff  }
0x635: {  	v8 =	vld.idx.msk [tilespmem:v5+s17+$0x0], $0xffff  }
0x636: {  	v5 =	vld.idx.msk [tilespmem:v3+s17+$0x0], $0xffff  }
.Ltmp30:
0x637: {  	v3 =	vld.idx.msk [tilespmem:v0+s17+$0x0], $0xffff;
	(pc) =	sbr.rel @p5 .LBB2_62-.Ltmp30, $4  }
0x638: {  	v0 =	vld.idx.msk [tilespmem:v1+s17+$0x0], $0xffff  }
0x639: {  	s1 =	sadd.s32 $0x80, s1;
	v1 =	vld.idx.msk [tilespmem:v2+s17+$0x0], $0xffff  }
0x63a: {  	v2 =	vld.idx.msk [tilespmem:v4+s17+$0x0], $0xffff;
	[tilespmem:s1+$0x30] =	vst v6  }
0x63b: {  	s3 =	sadd.s32 $0x80, s3;
	v4 =	vld.idx.msk [tilespmem:v7+s17+$0x0], $0xffff;
	[tilespmem:s1+$0xFFFFFFD0] =	vst v8  }
0x63c: {  	[tilespmem:s1+$0xFFFFFFE0] =	vst v5  }
0x63d: {  	[tilespmem:s1+$0xFFFFFFF0] =	vst v3  }
0x63e: {  	[tilespmem:s1+$0x0] =	vst v0  }
0x63f: {  	[tilespmem:s1+$0x10] =	vst v1  }
0x640: {  	[tilespmem:s1+$0x20] =	vst v2  }
0x641: {  	[tilespmem:s1+$0xFFFFFFC0] =	vst v4  }
0x642: {  	s0 =	sld [smem:$0x7ED];
	_ =	sdelay $0x2  }
0x643: {  	[hbm4b:s0+s19] =	stream.strided.scatter [tilespmem:s23], [sflag:$0x2], $0x1000, s20, s19, $0x38;
	[tilespmem:$0x1E700] =	vst v63  }
0x644: {  	_ =	swait.ge [sflag:s26], $0x1000  }
0x645: {  	[sflag:s26] =	ssyncset.done $0x0  }
0x646: {  	s3 =	simm.s32 $0x1B770;
	[sflag:s26] =	ssyncadd.s32 $0xFFFFF000  }
0x647: {  	v0 =	vld [tilespmem:s3+$0x0]  }
0x648: {  	v1 =	vld [tilespmem:s3+$0xFFFFFFA0]  }
0x649: {  	v2 =	vld [tilespmem:s3+$0xFFFFFFB0]  }
0x64a: {  	v3 =	vld [tilespmem:s3+$0xFFFFFFC0]  }
0x64b: {  	v4 =	vld [tilespmem:s3+$0xFFFFFFD0]  }
0x64c: {  	v6 =	vld [tilespmem:s3+$0xFFFFFFE0]  }
0x64d: {  	v7 =	vld [tilespmem:s3+$0xFFFFFFF0]  }
0x64e: {  	v8 =	vld [tilespmem:s3+$0xFFFFFF90]  }
0x64f: {  	v9 =	vld.idx.msk [tilespmem:v0+s17+$0x0], $0xffff  }
0x650: {  	v10 =	vld.idx.msk [tilespmem:v1+s17+$0x0], $0xffff  }
0x651: {  	v5 =	vld.idx.msk [tilespmem:v2+s17+$0x0], $0xffff  }
0x652: {  	v3 =	vld.idx.msk [tilespmem:v3+s17+$0x0], $0xffff  }
0x653: {  	v0 =	vld.idx.msk [tilespmem:v4+s17+$0x0], $0xffff  }
0x654: {  	s1 =	simm.s32 $0x1D740;
	v1 =	vld.idx.msk [tilespmem:v6+s17+$0x0], $0xffff  }
0x655: {  	v2 =	vld.idx.msk [tilespmem:v7+s17+$0x0], $0xffff;
	[tilespmem:s1+$0x30] =	vst v9  }
0x656: {  	s2 =	simm.s32 $0x0;
	s3 =	simm.s32 $0x1B7F0;
	v4 =	vld.idx.msk [tilespmem:v8+s17+$0x0], $0xffff;
	[tilespmem:s1+$0xFFFFFFD0] =	vst v10  }
.LBB2_64:
0x657: {  	v6 =	vld [tilespmem:s3+$0x0];
	s2 =	sadd.s32 $0x80, s2;
	[tilespmem:s1+$0xFFFFFFE0] =	vst v5  }
0x658: {  	v5 =	vld [tilespmem:s3+$0xFFFFFFA0];
	p5 =	slt.u32 s2, $0xF80;
	[tilespmem:s1+$0xFFFFFFF0] =	vst v3  }
0x659: {  	v3 =	vld [tilespmem:s3+$0xFFFFFFB0];
	[tilespmem:s1+$0x0] =	vst v0  }
0x65a: {  	v0 =	vld [tilespmem:s3+$0xFFFFFFC0];
	[tilespmem:s1+$0x10] =	vst v1  }
0x65b: {  	v1 =	vld [tilespmem:s3+$0xFFFFFFD0];
	[tilespmem:s1+$0x20] =	vst v2  }
0x65c: {  	v2 =	vld [tilespmem:s3+$0xFFFFFFE0];
	[tilespmem:s1+$0xFFFFFFC0] =	vst v4  }
0x65d: {  	v4 =	vld [tilespmem:s3+$0xFFFFFFF0]  }
0x65e: {  	v7 =	vld [tilespmem:s3+$0xFFFFFF90]  }
0x65f: {  	v6 =	vld.idx.msk [tilespmem:v6+s17+$0x0], $0xffff  }
0x660: {  	v8 =	vld.idx.msk [tilespmem:v5+s17+$0x0], $0xffff  }
0x661: {  	v5 =	vld.idx.msk [tilespmem:v3+s17+$0x0], $0xffff  }
.Ltmp31:
0x662: {  	v3 =	vld.idx.msk [tilespmem:v0+s17+$0x0], $0xffff;
	(pc) =	sbr.rel @p5 .LBB2_64-.Ltmp31, $4  }
0x663: {  	v0 =	vld.idx.msk [tilespmem:v1+s17+$0x0], $0xffff  }
0x664: {  	s1 =	sadd.s32 $0x80, s1;
	v1 =	vld.idx.msk [tilespmem:v2+s17+$0x0], $0xffff  }
0x665: {  	v2 =	vld.idx.msk [tilespmem:v4+s17+$0x0], $0xffff;
	[tilespmem:s1+$0x30] =	vst v6  }
0x666: {  	s3 =	sadd.s32 $0x80, s3;
	v4 =	vld.idx.msk [tilespmem:v7+s17+$0x0], $0xffff;
	[tilespmem:s1+$0xFFFFFFD0] =	vst v8  }
0x667: {  	[tilespmem:s1+$0xFFFFFFE0] =	vst v5  }
0x668: {  	[tilespmem:s1+$0xFFFFFFF0] =	vst v3  }
0x669: {  	[tilespmem:s1+$0x0] =	vst v0  }
0x66a: {  	[tilespmem:s1+$0x10] =	vst v1  }
0x66b: {  	[tilespmem:s1+$0x20] =	vst v2  }
0x66c: {  	[tilespmem:s1+$0xFFFFFFC0] =	vst v4  }
0x66d: {  	s0 =	sld [smem:$0x7EE];
	_ =	sdelay $0x2  }
0x66e: {  	[hbm4b:s0+s19] =	stream.strided.scatter [tilespmem:s24], [sflag:$0x3], $0x1000, s20, s19, $0x38;
	[tilespmem:$0x1E700] =	vst v63  }
0x66f: {  	s3 =	simm.s32 @!p0 $0x18700;
	s2 =	rddreg [dreg:$0x16]  }
0x670: {  	[tilespmem:s17], [sflag:$0x1] =	stream.strided.gather [hbm4b:s2+s19], $0x18700, s20, s19, $0x38;
	[tilespmem:$0x1E700] =	vst v63  }
0x671: {  	s1 =	simm.s32 @!p0 $0x80;
	s0 =	rddreg [dreg:$0xa];
	s2 =	simm.s32 @!p0 $0x400  }
0x672: {  	[tilespmem:s3], [sflag:$0x4] =	stream.strided.gather @!p0 [hbm4b:s0+s1], $0x4000, s2, s1, $0x38;
	[tilespmem:$0x1E700] =	vst v63  }
0x673: {  	s1 =	simm.s32 @!p0 $0x4  }
0x674: {  	_ =	swait.ge @!p0 [sflag:s1], $0x4000  }
0x675: {  	[sflag:s1] =	ssyncset.done @!p0 $0x0  }
0x676: {  	[sflag:s1] =	ssyncadd.s32 @!p0 $0xFFFFC000  }
0x677: {  	_ =	swait.ge [sflag:s22], $0x18700  }
0x678: {  	[sflag:s22] =	ssyncset.done $0x0  }
0x679: {  	[sflag:s22] =	ssyncadd.s32 $0xFFFE7900  }
0x67a: {  	_ =	swait.ge [sflag:s25], $0x1000  }
0x67b: {  	[sflag:s25] =	ssyncset.done $0x0  }
0x67c: {  	s3 =	simm.s32 $0x18740;
	[sflag:s25] =	ssyncadd.s32 $0xFFFFF000  }
0x67d: {  	v0 =	vld [tilespmem:s3+$0x30]  }
0x67e: {  	v1 =	vld [tilespmem:s3+$0xFFFFFFD0]  }
0x67f: {  	v2 =	vld [tilespmem:s3+$0xFFFFFFE0]  }
0x680: {  	v3 =	vld [tilespmem:s3+$0xFFFFFFF0]  }
0x681: {  	v4 =	vld [tilespmem:s3+$0x0]  }
0x682: {  	v6 =	vld [tilespmem:s3+$0x10]  }
0x683: {  	v7 =	vld [tilespmem:s3+$0x20]  }
0x684: {  	v8 =	vld [tilespmem:s3+$0xFFFFFFC0]  }
0x685: {  	v9 =	vld.idx.msk [tilespmem:v0+s17+$0x0], $0xffff  }
0x686: {  	v10 =	vld.idx.msk [tilespmem:v1+s17+$0x0], $0xffff  }
0x687: {  	v5 =	vld.idx.msk [tilespmem:v2+s17+$0x0], $0xffff  }
0x688: {  	v3 =	vld.idx.msk [tilespmem:v3+s17+$0x0], $0xffff  }
0x689: {  	v0 =	vld.idx.msk [tilespmem:v4+s17+$0x0], $0xffff  }
0x68a: {  	s1 =	simm.s32 $0x1C740;
	v1 =	vld.idx.msk [tilespmem:v6+s17+$0x0], $0xffff  }
0x68b: {  	v2 =	vld.idx.msk [tilespmem:v7+s17+$0x0], $0xffff;
	[tilespmem:s1+$0x30] =	vst v9  }
0x68c: {  	s2 =	simm.s32 $0x0;
	s3 =	simm.s32 $0x187C0;
	v4 =	vld.idx.msk [tilespmem:v8+s17+$0x0], $0xffff;
	[tilespmem:s1+$0xFFFFFFD0] =	vst v10  }
.LBB2_66:
0x68d: {  	v6 =	vld [tilespmem:s3+$0x30];
	s2 =	sadd.s32 $0x80, s2;
	[tilespmem:s1+$0xFFFFFFE0] =	vst v5  }
0x68e: {  	v5 =	vld [tilespmem:s3+$0xFFFFFFD0];
	p5 =	slt.u32 s2, $0xF80;
	[tilespmem:s1+$0xFFFFFFF0] =	vst v3  }
0x68f: {  	v3 =	vld [tilespmem:s3+$0xFFFFFFE0];
	[tilespmem:s1+$0x0] =	vst v0  }
0x690: {  	v0 =	vld [tilespmem:s3+$0xFFFFFFF0];
	[tilespmem:s1+$0x10] =	vst v1  }
0x691: {  	v1 =	vld [tilespmem:s3+$0x0];
	[tilespmem:s1+$0x20] =	vst v2  }
0x692: {  	v2 =	vld [tilespmem:s3+$0x10];
	[tilespmem:s1+$0xFFFFFFC0] =	vst v4  }
0x693: {  	v4 =	vld [tilespmem:s3+$0x20]  }
0x694: {  	v7 =	vld [tilespmem:s3+$0xFFFFFFC0]  }
0x695: {  	v6 =	vld.idx.msk [tilespmem:v6+s17+$0x0], $0xffff  }
0x696: {  	v8 =	vld.idx.msk [tilespmem:v5+s17+$0x0], $0xffff  }
0x697: {  	v5 =	vld.idx.msk [tilespmem:v3+s17+$0x0], $0xffff  }
.Ltmp32:
0x698: {  	v3 =	vld.idx.msk [tilespmem:v0+s17+$0x0], $0xffff;
	(pc) =	sbr.rel @p5 .LBB2_66-.Ltmp32, $4  }
0x699: {  	v0 =	vld.idx.msk [tilespmem:v1+s17+$0x0], $0xffff  }
0x69a: {  	s1 =	sadd.s32 $0x80, s1;
	v1 =	vld.idx.msk [tilespmem:v2+s17+$0x0], $0xffff  }
0x69b: {  	v2 =	vld.idx.msk [tilespmem:v4+s17+$0x0], $0xffff;
	[tilespmem:s1+$0x30] =	vst v6  }
0x69c: {  	s3 =	sadd.s32 $0x80, s3;
	v4 =	vld.idx.msk [tilespmem:v7+s17+$0x0], $0xffff;
	[tilespmem:s1+$0xFFFFFFD0] =	vst v8  }
0x69d: {  	[tilespmem:s1+$0xFFFFFFE0] =	vst v5  }
0x69e: {  	[tilespmem:s1+$0xFFFFFFF0] =	vst v3  }
0x69f: {  	[tilespmem:s1+$0x0] =	vst v0  }
0x6a0: {  	[tilespmem:s1+$0x10] =	vst v1  }
0x6a1: {  	[tilespmem:s1+$0x20] =	vst v2  }
0x6a2: {  	[tilespmem:s1+$0xFFFFFFC0] =	vst v4  }
0x6a3: {  	s0 =	sld [smem:$0x7EF];
	_ =	sdelay $0x2  }
0x6a4: {  	[hbm4b:s0+s19] =	stream.strided.scatter [tilespmem:s23], [sflag:$0x2], $0x1000, s20, s19, $0x38;
	[tilespmem:$0x1E700] =	vst v63  }
0x6a5: {  	_ =	swait.ge [sflag:s26], $0x1000  }
0x6a6: {  	[sflag:s26] =	ssyncset.done $0x0  }
0x6a7: {  	s3 =	simm.s32 $0x19770;
	[sflag:s26] =	ssyncadd.s32 $0xFFFFF000  }
0x6a8: {  	v0 =	vld [tilespmem:s3+$0x0]  }
0x6a9: {  	v1 =	vld [tilespmem:s3+$0xFFFFFFA0]  }
0x6aa: {  	v2 =	vld [tilespmem:s3+$0xFFFFFFB0]  }
0x6ab: {  	v3 =	vld [tilespmem:s3+$0xFFFFFFC0]  }
0x6ac: {  	v4 =	vld [tilespmem:s3+$0xFFFFFFD0]  }
0x6ad: {  	v6 =	vld [tilespmem:s3+$0xFFFFFFE0]  }
0x6ae: {  	v7 =	vld [tilespmem:s3+$0xFFFFFFF0]  }
0x6af: {  	v8 =	vld [tilespmem:s3+$0xFFFFFF90]  }
0x6b0: {  	v9 =	vld.idx.msk [tilespmem:v0+s17+$0x0], $0xffff  }
0x6b1: {  	v10 =	vld.idx.msk [tilespmem:v1+s17+$0x0], $0xffff  }
0x6b2: {  	v5 =	vld.idx.msk [tilespmem:v2+s17+$0x0], $0xffff  }
0x6b3: {  	v3 =	vld.idx.msk [tilespmem:v3+s17+$0x0], $0xffff  }
0x6b4: {  	v0 =	vld.idx.msk [tilespmem:v4+s17+$0x0], $0xffff  }
0x6b5: {  	s1 =	simm.s32 $0x1D740;
	v1 =	vld.idx.msk [tilespmem:v6+s17+$0x0], $0xffff  }
0x6b6: {  	v2 =	vld.idx.msk [tilespmem:v7+s17+$0x0], $0xffff;
	[tilespmem:s1+$0x30] =	vst v9  }
0x6b7: {  	s2 =	simm.s32 $0x0;
	s3 =	simm.s32 $0x197F0;
	v4 =	vld.idx.msk [tilespmem:v8+s17+$0x0], $0xffff;
	[tilespmem:s1+$0xFFFFFFD0] =	vst v10  }
.LBB2_68:
0x6b8: {  	v6 =	vld [tilespmem:s3+$0x0];
	s2 =	sadd.s32 $0x80, s2;
	[tilespmem:s1+$0xFFFFFFE0] =	vst v5  }
0x6b9: {  	v5 =	vld [tilespmem:s3+$0xFFFFFFA0];
	p5 =	slt.u32 s2, $0xF80;
	[tilespmem:s1+$0xFFFFFFF0] =	vst v3  }
0x6ba: {  	v3 =	vld [tilespmem:s3+$0xFFFFFFB0];
	[tilespmem:s1+$0x0] =	vst v0  }
0x6bb: {  	v0 =	vld [tilespmem:s3+$0xFFFFFFC0];
	[tilespmem:s1+$0x10] =	vst v1  }
0x6bc: {  	v1 =	vld [tilespmem:s3+$0xFFFFFFD0];
	[tilespmem:s1+$0x20] =	vst v2  }
0x6bd: {  	v2 =	vld [tilespmem:s3+$0xFFFFFFE0];
	[tilespmem:s1+$0xFFFFFFC0] =	vst v4  }
0x6be: {  	v4 =	vld [tilespmem:s3+$0xFFFFFFF0]  }
0x6bf: {  	v7 =	vld [tilespmem:s3+$0xFFFFFF90]  }
0x6c0: {  	v6 =	vld.idx.msk [tilespmem:v6+s17+$0x0], $0xffff  }
0x6c1: {  	v8 =	vld.idx.msk [tilespmem:v5+s17+$0x0], $0xffff  }
0x6c2: {  	v5 =	vld.idx.msk [tilespmem:v3+s17+$0x0], $0xffff  }
.Ltmp33:
0x6c3: {  	v3 =	vld.idx.msk [tilespmem:v0+s17+$0x0], $0xffff;
	(pc) =	sbr.rel @p5 .LBB2_68-.Ltmp33, $4  }
0x6c4: {  	v0 =	vld.idx.msk [tilespmem:v1+s17+$0x0], $0xffff  }
0x6c5: {  	s1 =	sadd.s32 $0x80, s1;
	v1 =	vld.idx.msk [tilespmem:v2+s17+$0x0], $0xffff  }
0x6c6: {  	v2 =	vld.idx.msk [tilespmem:v4+s17+$0x0], $0xffff;
	[tilespmem:s1+$0x30] =	vst v6  }
0x6c7: {  	s3 =	sadd.s32 $0x80, s3;
	v4 =	vld.idx.msk [tilespmem:v7+s17+$0x0], $0xffff;
	[tilespmem:s1+$0xFFFFFFD0] =	vst v8  }
0x6c8: {  	[tilespmem:s1+$0xFFFFFFE0] =	vst v5  }
0x6c9: {  	[tilespmem:s1+$0xFFFFFFF0] =	vst v3  }
0x6ca: {  	[tilespmem:s1+$0x0] =	vst v0  }
0x6cb: {  	[tilespmem:s1+$0x10] =	vst v1  }
0x6cc: {  	[tilespmem:s1+$0x20] =	vst v2  }
0x6cd: {  	[tilespmem:s1+$0xFFFFFFC0] =	vst v4  }
0x6ce: {  	s0 =	sld [smem:$0x7F0];
	_ =	sdelay $0x2  }
0x6cf: {  	[hbm4b:s0+s19] =	stream.strided.scatter [tilespmem:s24], [sflag:$0x3], $0x1000, s20, s19, $0x38;
	[tilespmem:$0x1E700] =	vst v63  }
0x6d0: {  	_ =	swait.ge [sflag:s25], $0x1000  }
0x6d1: {  	[sflag:s25] =	ssyncset.done $0x0  }
0x6d2: {  	s3 =	simm.s32 $0x1A770;
	[sflag:s25] =	ssyncadd.s32 $0xFFFFF000  }
0x6d3: {  	v0 =	vld [tilespmem:s3+$0x0]  }
0x6d4: {  	v1 =	vld [tilespmem:s3+$0xFFFFFFA0]  }
0x6d5: {  	v2 =	vld [tilespmem:s3+$0xFFFFFFB0]  }
0x6d6: {  	v3 =	vld [tilespmem:s3+$0xFFFFFFC0]  }
0x6d7: {  	v4 =	vld [tilespmem:s3+$0xFFFFFFD0]  }
0x6d8: {  	v6 =	vld [tilespmem:s3+$0xFFFFFFE0]  }
0x6d9: {  	v7 =	vld [tilespmem:s3+$0xFFFFFFF0]  }
0x6da: {  	v8 =	vld [tilespmem:s3+$0xFFFFFF90]  }
0x6db: {  	v9 =	vld.idx.msk [tilespmem:v0+s17+$0x0], $0xffff  }
0x6dc: {  	v10 =	vld.idx.msk [tilespmem:v1+s17+$0x0], $0xffff  }
0x6dd: {  	v5 =	vld.idx.msk [tilespmem:v2+s17+$0x0], $0xffff  }
0x6de: {  	v3 =	vld.idx.msk [tilespmem:v3+s17+$0x0], $0xffff  }
0x6df: {  	v0 =	vld.idx.msk [tilespmem:v4+s17+$0x0], $0xffff  }
0x6e0: {  	s1 =	simm.s32 $0x1C740;
	v1 =	vld.idx.msk [tilespmem:v6+s17+$0x0], $0xffff  }
0x6e1: {  	v2 =	vld.idx.msk [tilespmem:v7+s17+$0x0], $0xffff;
	[tilespmem:s1+$0x30] =	vst v9  }
0x6e2: {  	s2 =	simm.s32 $0x0;
	s3 =	simm.s32 $0x1A7F0;
	v4 =	vld.idx.msk [tilespmem:v8+s17+$0x0], $0xffff;
	[tilespmem:s1+$0xFFFFFFD0] =	vst v10  }
.LBB2_70:
0x6e3: {  	v6 =	vld [tilespmem:s3+$0x0];
	s2 =	sadd.s32 $0x80, s2;
	[tilespmem:s1+$0xFFFFFFE0] =	vst v5  }
0x6e4: {  	v5 =	vld [tilespmem:s3+$0xFFFFFFA0];
	p5 =	slt.u32 s2, $0xF80;
	[tilespmem:s1+$0xFFFFFFF0] =	vst v3  }
0x6e5: {  	v3 =	vld [tilespmem:s3+$0xFFFFFFB0];
	[tilespmem:s1+$0x0] =	vst v0  }
0x6e6: {  	v0 =	vld [tilespmem:s3+$0xFFFFFFC0];
	[tilespmem:s1+$0x10] =	vst v1  }
0x6e7: {  	v1 =	vld [tilespmem:s3+$0xFFFFFFD0];
	[tilespmem:s1+$0x20] =	vst v2  }
0x6e8: {  	v2 =	vld [tilespmem:s3+$0xFFFFFFE0];
	[tilespmem:s1+$0xFFFFFFC0] =	vst v4  }
0x6e9: {  	v4 =	vld [tilespmem:s3+$0xFFFFFFF0]  }
0x6ea: {  	v7 =	vld [tilespmem:s3+$0xFFFFFF90]  }
0x6eb: {  	v6 =	vld.idx.msk [tilespmem:v6+s17+$0x0], $0xffff  }
0x6ec: {  	v8 =	vld.idx.msk [tilespmem:v5+s17+$0x0], $0xffff  }
0x6ed: {  	v5 =	vld.idx.msk [tilespmem:v3+s17+$0x0], $0xffff  }
.Ltmp34:
0x6ee: {  	v3 =	vld.idx.msk [tilespmem:v0+s17+$0x0], $0xffff;
	(pc) =	sbr.rel @p5 .LBB2_70-.Ltmp34, $4  }
0x6ef: {  	v0 =	vld.idx.msk [tilespmem:v1+s17+$0x0], $0xffff  }
0x6f0: {  	s1 =	sadd.s32 $0x80, s1;
	v1 =	vld.idx.msk [tilespmem:v2+s17+$0x0], $0xffff  }
0x6f1: {  	v2 =	vld.idx.msk [tilespmem:v4+s17+$0x0], $0xffff;
	[tilespmem:s1+$0x30] =	vst v6  }
0x6f2: {  	s3 =	sadd.s32 $0x80, s3;
	v4 =	vld.idx.msk [tilespmem:v7+s17+$0x0], $0xffff;
	[tilespmem:s1+$0xFFFFFFD0] =	vst v8  }
0x6f3: {  	[tilespmem:s1+$0xFFFFFFE0] =	vst v5  }
0x6f4: {  	[tilespmem:s1+$0xFFFFFFF0] =	vst v3  }
0x6f5: {  	[tilespmem:s1+$0x0] =	vst v0  }
0x6f6: {  	[tilespmem:s1+$0x10] =	vst v1  }
0x6f7: {  	[tilespmem:s1+$0x20] =	vst v2  }
0x6f8: {  	[tilespmem:s1+$0xFFFFFFC0] =	vst v4  }
0x6f9: {  	s0 =	sld [smem:$0x7F1];
	_ =	sdelay $0x2  }
0x6fa: {  	[hbm4b:s0+s19] =	stream.strided.scatter [tilespmem:s23], [sflag:$0x2], $0x1000, s20, s19, $0x38;
	[tilespmem:$0x1E700] =	vst v63  }
0x6fb: {  	_ =	swait.ge [sflag:s26], $0x1000  }
0x6fc: {  	[sflag:s26] =	ssyncset.done $0x0  }
0x6fd: {  	s3 =	simm.s32 $0x1B770;
	[sflag:s26] =	ssyncadd.s32 $0xFFFFF000  }
0x6fe: {  	v0 =	vld [tilespmem:s3+$0x0]  }
0x6ff: {  	v1 =	vld [tilespmem:s3+$0xFFFFFFA0]  }
0x700: {  	v2 =	vld [tilespmem:s3+$0xFFFFFFB0]  }
0x701: {  	v3 =	vld [tilespmem:s3+$0xFFFFFFC0]  }
0x702: {  	v4 =	vld [tilespmem:s3+$0xFFFFFFD0]  }
0x703: {  	v6 =	vld [tilespmem:s3+$0xFFFFFFE0]  }
0x704: {  	v7 =	vld [tilespmem:s3+$0xFFFFFFF0]  }
0x705: {  	v8 =	vld [tilespmem:s3+$0xFFFFFF90]  }
0x706: {  	v9 =	vld.idx.msk [tilespmem:v0+s17+$0x0], $0xffff  }
0x707: {  	v10 =	vld.idx.msk [tilespmem:v1+s17+$0x0], $0xffff  }
0x708: {  	v5 =	vld.idx.msk [tilespmem:v2+s17+$0x0], $0xffff  }
0x709: {  	v3 =	vld.idx.msk [tilespmem:v3+s17+$0x0], $0xffff  }
0x70a: {  	v0 =	vld.idx.msk [tilespmem:v4+s17+$0x0], $0xffff  }
0x70b: {  	s1 =	simm.s32 $0x1D740;
	v1 =	vld.idx.msk [tilespmem:v6+s17+$0x0], $0xffff  }
0x70c: {  	v2 =	vld.idx.msk [tilespmem:v7+s17+$0x0], $0xffff;
	[tilespmem:s1+$0x30] =	vst v9  }
0x70d: {  	s2 =	simm.s32 $0x0;
	s3 =	simm.s32 $0x1B7F0;
	v4 =	vld.idx.msk [tilespmem:v8+s17+$0x0], $0xffff;
	[tilespmem:s1+$0xFFFFFFD0] =	vst v10  }
.LBB2_72:
0x70e: {  	v6 =	vld [tilespmem:s3+$0x0];
	s2 =	sadd.s32 $0x80, s2;
	[tilespmem:s1+$0xFFFFFFE0] =	vst v5  }
0x70f: {  	v5 =	vld [tilespmem:s3+$0xFFFFFFA0];
	p5 =	slt.u32 s2, $0xF80;
	[tilespmem:s1+$0xFFFFFFF0] =	vst v3  }
0x710: {  	v3 =	vld [tilespmem:s3+$0xFFFFFFB0];
	[tilespmem:s1+$0x0] =	vst v0  }
0x711: {  	v0 =	vld [tilespmem:s3+$0xFFFFFFC0];
	[tilespmem:s1+$0x10] =	vst v1  }
0x712: {  	v1 =	vld [tilespmem:s3+$0xFFFFFFD0];
	[tilespmem:s1+$0x20] =	vst v2  }
0x713: {  	v2 =	vld [tilespmem:s3+$0xFFFFFFE0];
	[tilespmem:s1+$0xFFFFFFC0] =	vst v4  }
0x714: {  	v4 =	vld [tilespmem:s3+$0xFFFFFFF0]  }
0x715: {  	v7 =	vld [tilespmem:s3+$0xFFFFFF90]  }
0x716: {  	v6 =	vld.idx.msk [tilespmem:v6+s17+$0x0], $0xffff  }
0x717: {  	v8 =	vld.idx.msk [tilespmem:v5+s17+$0x0], $0xffff  }
0x718: {  	v5 =	vld.idx.msk [tilespmem:v3+s17+$0x0], $0xffff  }
.Ltmp35:
0x719: {  	v3 =	vld.idx.msk [tilespmem:v0+s17+$0x0], $0xffff;
	(pc) =	sbr.rel @p5 .LBB2_72-.Ltmp35, $4  }
0x71a: {  	v0 =	vld.idx.msk [tilespmem:v1+s17+$0x0], $0xffff  }
0x71b: {  	s1 =	sadd.s32 $0x80, s1;
	v1 =	vld.idx.msk [tilespmem:v2+s17+$0x0], $0xffff  }
0x71c: {  	v2 =	vld.idx.msk [tilespmem:v4+s17+$0x0], $0xffff;
	[tilespmem:s1+$0x30] =	vst v6  }
0x71d: {  	s3 =	sadd.s32 $0x80, s3;
	v4 =	vld.idx.msk [tilespmem:v7+s17+$0x0], $0xffff;
	[tilespmem:s1+$0xFFFFFFD0] =	vst v8  }
0x71e: {  	[tilespmem:s1+$0xFFFFFFE0] =	vst v5  }
0x71f: {  	[tilespmem:s1+$0xFFFFFFF0] =	vst v3  }
0x720: {  	[tilespmem:s1+$0x0] =	vst v0  }
0x721: {  	[tilespmem:s1+$0x10] =	vst v1  }
0x722: {  	[tilespmem:s1+$0x20] =	vst v2  }
0x723: {  	[tilespmem:s1+$0xFFFFFFC0] =	vst v4  }
0x724: {  	s0 =	sld [smem:$0x7F2];
	_ =	sdelay $0x2  }
0x725: {  	[hbm4b:s0+s19] =	stream.strided.scatter [tilespmem:s24], [sflag:$0x3], $0x1000, s20, s19, $0x38;
	[tilespmem:$0x1E700] =	vst v63  }
0x726: {  	s3 =	simm.s32 @!p1 $0x18700;
	s2 =	rddreg [dreg:$0x17]  }
0x727: {  	[tilespmem:s17], [sflag:$0x1] =	stream.strided.gather [hbm4b:s2+s19], $0x18700, s20, s19, $0x38;
	[tilespmem:$0x1E700] =	vst v63  }
0x728: {  	s1 =	simm.s32 @!p1 $0x80;
	s0 =	rddreg [dreg:$0xb];
	s2 =	simm.s32 @!p1 $0x400  }
0x729: {  	[tilespmem:s3], [sflag:$0x4] =	stream.strided.gather @!p1 [hbm4b:s0+s1], $0x4000, s2, s1, $0x38;
	[tilespmem:$0x1E700] =	vst v63  }
0x72a: {  	s1 =	simm.s32 @!p1 $0x4  }
0x72b: {  	_ =	swait.ge @!p1 [sflag:s1], $0x4000  }
0x72c: {  	[sflag:s1] =	ssyncset.done @!p1 $0x0  }
0x72d: {  	[sflag:s1] =	ssyncadd.s32 @!p1 $0xFFFFC000  }
0x72e: {  	_ =	swait.ge [sflag:s22], $0x18700  }
0x72f: {  	[sflag:s22] =	ssyncset.done $0x0  }
0x730: {  	[sflag:s22] =	ssyncadd.s32 $0xFFFE7900  }
0x731: {  	_ =	swait.ge [sflag:s25], $0x1000  }
0x732: {  	[sflag:s25] =	ssyncset.done $0x0  }
0x733: {  	s3 =	simm.s32 $0x18740;
	[sflag:s25] =	ssyncadd.s32 $0xFFFFF000  }
0x734: {  	v0 =	vld [tilespmem:s3+$0x30]  }
0x735: {  	v1 =	vld [tilespmem:s3+$0xFFFFFFD0]  }
0x736: {  	v2 =	vld [tilespmem:s3+$0xFFFFFFE0]  }
0x737: {  	v3 =	vld [tilespmem:s3+$0xFFFFFFF0]  }
0x738: {  	v4 =	vld [tilespmem:s3+$0x0]  }
0x739: {  	v6 =	vld [tilespmem:s3+$0x10]  }
0x73a: {  	v7 =	vld [tilespmem:s3+$0x20]  }
0x73b: {  	v8 =	vld [tilespmem:s3+$0xFFFFFFC0]  }
0x73c: {  	v9 =	vld.idx.msk [tilespmem:v0+s17+$0x0], $0xffff  }
0x73d: {  	v10 =	vld.idx.msk [tilespmem:v1+s17+$0x0], $0xffff  }
0x73e: {  	v5 =	vld.idx.msk [tilespmem:v2+s17+$0x0], $0xffff  }
0x73f: {  	v3 =	vld.idx.msk [tilespmem:v3+s17+$0x0], $0xffff  }
0x740: {  	v0 =	vld.idx.msk [tilespmem:v4+s17+$0x0], $0xffff  }
0x741: {  	s1 =	simm.s32 $0x1C740;
	v1 =	vld.idx.msk [tilespmem:v6+s17+$0x0], $0xffff  }
0x742: {  	v2 =	vld.idx.msk [tilespmem:v7+s17+$0x0], $0xffff;
	[tilespmem:s1+$0x30] =	vst v9  }
0x743: {  	s2 =	simm.s32 $0x0;
	s3 =	simm.s32 $0x187C0;
	v4 =	vld.idx.msk [tilespmem:v8+s17+$0x0], $0xffff;
	[tilespmem:s1+$0xFFFFFFD0] =	vst v10  }
.LBB2_74:
0x744: {  	v6 =	vld [tilespmem:s3+$0x30];
	s2 =	sadd.s32 $0x80, s2;
	[tilespmem:s1+$0xFFFFFFE0] =	vst v5  }
0x745: {  	v5 =	vld [tilespmem:s3+$0xFFFFFFD0];
	p5 =	slt.u32 s2, $0xF80;
	[tilespmem:s1+$0xFFFFFFF0] =	vst v3  }
0x746: {  	v3 =	vld [tilespmem:s3+$0xFFFFFFE0];
	[tilespmem:s1+$0x0] =	vst v0  }
0x747: {  	v0 =	vld [tilespmem:s3+$0xFFFFFFF0];
	[tilespmem:s1+$0x10] =	vst v1  }
0x748: {  	v1 =	vld [tilespmem:s3+$0x0];
	[tilespmem:s1+$0x20] =	vst v2  }
0x749: {  	v2 =	vld [tilespmem:s3+$0x10];
	[tilespmem:s1+$0xFFFFFFC0] =	vst v4  }
0x74a: {  	v4 =	vld [tilespmem:s3+$0x20]  }
0x74b: {  	v7 =	vld [tilespmem:s3+$0xFFFFFFC0]  }
0x74c: {  	v6 =	vld.idx.msk [tilespmem:v6+s17+$0x0], $0xffff  }
0x74d: {  	v8 =	vld.idx.msk [tilespmem:v5+s17+$0x0], $0xffff  }
0x74e: {  	v5 =	vld.idx.msk [tilespmem:v3+s17+$0x0], $0xffff  }
.Ltmp36:
0x74f: {  	v3 =	vld.idx.msk [tilespmem:v0+s17+$0x0], $0xffff;
	(pc) =	sbr.rel @p5 .LBB2_74-.Ltmp36, $4  }
0x750: {  	v0 =	vld.idx.msk [tilespmem:v1+s17+$0x0], $0xffff  }
0x751: {  	s1 =	sadd.s32 $0x80, s1;
	v1 =	vld.idx.msk [tilespmem:v2+s17+$0x0], $0xffff  }
0x752: {  	v2 =	vld.idx.msk [tilespmem:v4+s17+$0x0], $0xffff;
	[tilespmem:s1+$0x30] =	vst v6  }
0x753: {  	s3 =	sadd.s32 $0x80, s3;
	v4 =	vld.idx.msk [tilespmem:v7+s17+$0x0], $0xffff;
	[tilespmem:s1+$0xFFFFFFD0] =	vst v8  }
0x754: {  	[tilespmem:s1+$0xFFFFFFE0] =	vst v5  }
0x755: {  	[tilespmem:s1+$0xFFFFFFF0] =	vst v3  }
0x756: {  	[tilespmem:s1+$0x0] =	vst v0  }
0x757: {  	[tilespmem:s1+$0x10] =	vst v1  }
0x758: {  	[tilespmem:s1+$0x20] =	vst v2  }
0x759: {  	[tilespmem:s1+$0xFFFFFFC0] =	vst v4  }
0x75a: {  	s0 =	sld [smem:$0x7F3];
	_ =	sdelay $0x2  }
0x75b: {  	[hbm4b:s0+s19] =	stream.strided.scatter [tilespmem:s23], [sflag:$0x2], $0x1000, s20, s19, $0x38;
	[tilespmem:$0x1E700] =	vst v63  }
0x75c: {  	_ =	swait.ge [sflag:s26], $0x1000  }
0x75d: {  	[sflag:s26] =	ssyncset.done $0x0  }
0x75e: {  	s3 =	simm.s32 $0x19770;
	[sflag:s26] =	ssyncadd.s32 $0xFFFFF000  }
0x75f: {  	v0 =	vld [tilespmem:s3+$0x0]  }
0x760: {  	v1 =	vld [tilespmem:s3+$0xFFFFFFA0]  }
0x761: {  	v2 =	vld [tilespmem:s3+$0xFFFFFFB0]  }
0x762: {  	v3 =	vld [tilespmem:s3+$0xFFFFFFC0]  }
0x763: {  	v4 =	vld [tilespmem:s3+$0xFFFFFFD0]  }
0x764: {  	v6 =	vld [tilespmem:s3+$0xFFFFFFE0]  }
0x765: {  	v7 =	vld [tilespmem:s3+$0xFFFFFFF0]  }
0x766: {  	v8 =	vld [tilespmem:s3+$0xFFFFFF90]  }
0x767: {  	v9 =	vld.idx.msk [tilespmem:v0+s17+$0x0], $0xffff  }
0x768: {  	v10 =	vld.idx.msk [tilespmem:v1+s17+$0x0], $0xffff  }
0x769: {  	v5 =	vld.idx.msk [tilespmem:v2+s17+$0x0], $0xffff  }
0x76a: {  	v3 =	vld.idx.msk [tilespmem:v3+s17+$0x0], $0xffff  }
0x76b: {  	v0 =	vld.idx.msk [tilespmem:v4+s17+$0x0], $0xffff  }
0x76c: {  	s1 =	simm.s32 $0x1D740;
	v1 =	vld.idx.msk [tilespmem:v6+s17+$0x0], $0xffff  }
0x76d: {  	v2 =	vld.idx.msk [tilespmem:v7+s17+$0x0], $0xffff;
	[tilespmem:s1+$0x30] =	vst v9  }
0x76e: {  	s2 =	simm.s32 $0x0;
	s3 =	simm.s32 $0x197F0;
	v4 =	vld.idx.msk [tilespmem:v8+s17+$0x0], $0xffff;
	[tilespmem:s1+$0xFFFFFFD0] =	vst v10  }
.LBB2_76:
0x76f: {  	v6 =	vld [tilespmem:s3+$0x0];
	s2 =	sadd.s32 $0x80, s2;
	[tilespmem:s1+$0xFFFFFFE0] =	vst v5  }
0x770: {  	v5 =	vld [tilespmem:s3+$0xFFFFFFA0];
	p5 =	slt.u32 s2, $0xF80;
	[tilespmem:s1+$0xFFFFFFF0] =	vst v3  }
0x771: {  	v3 =	vld [tilespmem:s3+$0xFFFFFFB0];
	[tilespmem:s1+$0x0] =	vst v0  }
0x772: {  	v0 =	vld [tilespmem:s3+$0xFFFFFFC0];
	[tilespmem:s1+$0x10] =	vst v1  }
0x773: {  	v1 =	vld [tilespmem:s3+$0xFFFFFFD0];
	[tilespmem:s1+$0x20] =	vst v2  }
0x774: {  	v2 =	vld [tilespmem:s3+$0xFFFFFFE0];
	[tilespmem:s1+$0xFFFFFFC0] =	vst v4  }
0x775: {  	v4 =	vld [tilespmem:s3+$0xFFFFFFF0]  }
0x776: {  	v7 =	vld [tilespmem:s3+$0xFFFFFF90]  }
0x777: {  	v6 =	vld.idx.msk [tilespmem:v6+s17+$0x0], $0xffff  }
0x778: {  	v8 =	vld.idx.msk [tilespmem:v5+s17+$0x0], $0xffff  }
0x779: {  	v5 =	vld.idx.msk [tilespmem:v3+s17+$0x0], $0xffff  }
.Ltmp37:
0x77a: {  	v3 =	vld.idx.msk [tilespmem:v0+s17+$0x0], $0xffff;
	(pc) =	sbr.rel @p5 .LBB2_76-.Ltmp37, $4  }
0x77b: {  	v0 =	vld.idx.msk [tilespmem:v1+s17+$0x0], $0xffff  }
0x77c: {  	s1 =	sadd.s32 $0x80, s1;
	v1 =	vld.idx.msk [tilespmem:v2+s17+$0x0], $0xffff  }
0x77d: {  	v2 =	vld.idx.msk [tilespmem:v4+s17+$0x0], $0xffff;
	[tilespmem:s1+$0x30] =	vst v6  }
0x77e: {  	s3 =	sadd.s32 $0x80, s3;
	v4 =	vld.idx.msk [tilespmem:v7+s17+$0x0], $0xffff;
	[tilespmem:s1+$0xFFFFFFD0] =	vst v8  }
0x77f: {  	[tilespmem:s1+$0xFFFFFFE0] =	vst v5  }
0x780: {  	[tilespmem:s1+$0xFFFFFFF0] =	vst v3  }
0x781: {  	[tilespmem:s1+$0x0] =	vst v0  }
0x782: {  	[tilespmem:s1+$0x10] =	vst v1  }
0x783: {  	[tilespmem:s1+$0x20] =	vst v2  }
0x784: {  	[tilespmem:s1+$0xFFFFFFC0] =	vst v4  }
0x785: {  	s0 =	sld [smem:$0x7F4];
	_ =	sdelay $0x2  }
0x786: {  	[hbm4b:s0+s19] =	stream.strided.scatter [tilespmem:s24], [sflag:$0x3], $0x1000, s20, s19, $0x38;
	[tilespmem:$0x1E700] =	vst v63  }
0x787: {  	_ =	swait.ge [sflag:s25], $0x1000  }
0x788: {  	[sflag:s25] =	ssyncset.done $0x0  }
0x789: {  	s3 =	simm.s32 $0x1A770;
	[sflag:s25] =	ssyncadd.s32 $0xFFFFF000  }
0x78a: {  	v0 =	vld [tilespmem:s3+$0x0]  }
0x78b: {  	v1 =	vld [tilespmem:s3+$0xFFFFFFA0]  }
0x78c: {  	v2 =	vld [tilespmem:s3+$0xFFFFFFB0]  }
0x78d: {  	v3 =	vld [tilespmem:s3+$0xFFFFFFC0]  }
0x78e: {  	v4 =	vld [tilespmem:s3+$0xFFFFFFD0]  }
0x78f: {  	v6 =	vld [tilespmem:s3+$0xFFFFFFE0]  }
0x790: {  	v7 =	vld [tilespmem:s3+$0xFFFFFFF0]  }
0x791: {  	v8 =	vld [tilespmem:s3+$0xFFFFFF90]  }
0x792: {  	v9 =	vld.idx.msk [tilespmem:v0+s17+$0x0], $0xffff  }
0x793: {  	v10 =	vld.idx.msk [tilespmem:v1+s17+$0x0], $0xffff  }
0x794: {  	v5 =	vld.idx.msk [tilespmem:v2+s17+$0x0], $0xffff  }
0x795: {  	v3 =	vld.idx.msk [tilespmem:v3+s17+$0x0], $0xffff  }
0x796: {  	v0 =	vld.idx.msk [tilespmem:v4+s17+$0x0], $0xffff  }
0x797: {  	s1 =	simm.s32 $0x1C740;
	v1 =	vld.idx.msk [tilespmem:v6+s17+$0x0], $0xffff  }
0x798: {  	v2 =	vld.idx.msk [tilespmem:v7+s17+$0x0], $0xffff;
	[tilespmem:s1+$0x30] =	vst v9  }
0x799: {  	s2 =	simm.s32 $0x0;
	s3 =	simm.s32 $0x1A7F0;
	v4 =	vld.idx.msk [tilespmem:v8+s17+$0x0], $0xffff;
	[tilespmem:s1+$0xFFFFFFD0] =	vst v10  }
.LBB2_78:
0x79a: {  	v6 =	vld [tilespmem:s3+$0x0];
	s2 =	sadd.s32 $0x80, s2;
	[tilespmem:s1+$0xFFFFFFE0] =	vst v5  }
0x79b: {  	v5 =	vld [tilespmem:s3+$0xFFFFFFA0];
	p5 =	slt.u32 s2, $0xF80;
	[tilespmem:s1+$0xFFFFFFF0] =	vst v3  }
0x79c: {  	v3 =	vld [tilespmem:s3+$0xFFFFFFB0];
	[tilespmem:s1+$0x0] =	vst v0  }
0x79d: {  	v0 =	vld [tilespmem:s3+$0xFFFFFFC0];
	[tilespmem:s1+$0x10] =	vst v1  }
0x79e: {  	v1 =	vld [tilespmem:s3+$0xFFFFFFD0];
	[tilespmem:s1+$0x20] =	vst v2  }
0x79f: {  	v2 =	vld [tilespmem:s3+$0xFFFFFFE0];
	[tilespmem:s1+$0xFFFFFFC0] =	vst v4  }
0x7a0: {  	v4 =	vld [tilespmem:s3+$0xFFFFFFF0]  }
0x7a1: {  	v7 =	vld [tilespmem:s3+$0xFFFFFF90]  }
0x7a2: {  	v6 =	vld.idx.msk [tilespmem:v6+s17+$0x0], $0xffff  }
0x7a3: {  	v8 =	vld.idx.msk [tilespmem:v5+s17+$0x0], $0xffff  }
0x7a4: {  	v5 =	vld.idx.msk [tilespmem:v3+s17+$0x0], $0xffff  }
.Ltmp38:
0x7a5: {  	v3 =	vld.idx.msk [tilespmem:v0+s17+$0x0], $0xffff;
	(pc) =	sbr.rel @p5 .LBB2_78-.Ltmp38, $4  }
0x7a6: {  	v0 =	vld.idx.msk [tilespmem:v1+s17+$0x0], $0xffff  }
0x7a7: {  	s1 =	sadd.s32 $0x80, s1;
	v1 =	vld.idx.msk [tilespmem:v2+s17+$0x0], $0xffff  }
0x7a8: {  	v2 =	vld.idx.msk [tilespmem:v4+s17+$0x0], $0xffff;
	[tilespmem:s1+$0x30] =	vst v6  }
0x7a9: {  	s3 =	sadd.s32 $0x80, s3;
	v4 =	vld.idx.msk [tilespmem:v7+s17+$0x0], $0xffff;
	[tilespmem:s1+$0xFFFFFFD0] =	vst v8  }
0x7aa: {  	[tilespmem:s1+$0xFFFFFFE0] =	vst v5  }
0x7ab: {  	[tilespmem:s1+$0xFFFFFFF0] =	vst v3  }
0x7ac: {  	[tilespmem:s1+$0x0] =	vst v0  }
0x7ad: {  	[tilespmem:s1+$0x10] =	vst v1  }
0x7ae: {  	[tilespmem:s1+$0x20] =	vst v2  }
0x7af: {  	[tilespmem:s1+$0xFFFFFFC0] =	vst v4  }
0x7b0: {  	[hbm4b:s30+s19] =	stream.strided.scatter [tilespmem:s23], [sflag:$0x2], $0x1000, s20, s19, $0x38;
	[tilespmem:$0x1E700] =	vst v63  }
0x7b1: {  	_ =	swait.ge [sflag:s26], $0x1000  }
0x7b2: {  	[sflag:s26] =	ssyncset.done $0x0  }
0x7b3: {  	s3 =	simm.s32 $0x1B770;
	[sflag:s26] =	ssyncadd.s32 $0xFFFFF000  }
0x7b4: {  	v0 =	vld [tilespmem:s3+$0x0]  }
0x7b5: {  	v1 =	vld [tilespmem:s3+$0xFFFFFFA0]  }
0x7b6: {  	v2 =	vld [tilespmem:s3+$0xFFFFFFB0]  }
0x7b7: {  	v3 =	vld [tilespmem:s3+$0xFFFFFFC0]  }
0x7b8: {  	v4 =	vld [tilespmem:s3+$0xFFFFFFD0]  }
0x7b9: {  	v6 =	vld [tilespmem:s3+$0xFFFFFFE0]  }
0x7ba: {  	v7 =	vld [tilespmem:s3+$0xFFFFFFF0]  }
0x7bb: {  	v8 =	vld [tilespmem:s3+$0xFFFFFF90]  }
0x7bc: {  	v9 =	vld.idx.msk [tilespmem:v0+s17+$0x0], $0xffff  }
0x7bd: {  	v10 =	vld.idx.msk [tilespmem:v1+s17+$0x0], $0xffff  }
0x7be: {  	v5 =	vld.idx.msk [tilespmem:v2+s17+$0x0], $0xffff  }
0x7bf: {  	v3 =	vld.idx.msk [tilespmem:v3+s17+$0x0], $0xffff  }
0x7c0: {  	v0 =	vld.idx.msk [tilespmem:v4+s17+$0x0], $0xffff  }
0x7c1: {  	s1 =	simm.s32 $0x1D740;
	v1 =	vld.idx.msk [tilespmem:v6+s17+$0x0], $0xffff  }
0x7c2: {  	v2 =	vld.idx.msk [tilespmem:v7+s17+$0x0], $0xffff;
	[tilespmem:s1+$0x30] =	vst v9  }
0x7c3: {  	s2 =	simm.s32 $0x0;
	s3 =	simm.s32 $0x1B7F0;
	v4 =	vld.idx.msk [tilespmem:v8+s17+$0x0], $0xffff;
	[tilespmem:s1+$0xFFFFFFD0] =	vst v10  }
.LBB2_80:
0x7c4: {  	v6 =	vld [tilespmem:s3+$0x0];
	s2 =	sadd.s32 $0x80, s2;
	[tilespmem:s1+$0xFFFFFFE0] =	vst v5  }
0x7c5: {  	v5 =	vld [tilespmem:s3+$0xFFFFFFA0];
	p5 =	slt.u32 s2, $0xF80;
	[tilespmem:s1+$0xFFFFFFF0] =	vst v3  }
0x7c6: {  	v3 =	vld [tilespmem:s3+$0xFFFFFFB0];
	[tilespmem:s1+$0x0] =	vst v0  }
0x7c7: {  	v0 =	vld [tilespmem:s3+$0xFFFFFFC0];
	[tilespmem:s1+$0x10] =	vst v1  }
0x7c8: {  	v1 =	vld [tilespmem:s3+$0xFFFFFFD0];
	[tilespmem:s1+$0x20] =	vst v2  }
0x7c9: {  	v2 =	vld [tilespmem:s3+$0xFFFFFFE0];
	[tilespmem:s1+$0xFFFFFFC0] =	vst v4  }
0x7ca: {  	v4 =	vld [tilespmem:s3+$0xFFFFFFF0]  }
0x7cb: {  	v7 =	vld [tilespmem:s3+$0xFFFFFF90]  }
0x7cc: {  	v6 =	vld.idx.msk [tilespmem:v6+s17+$0x0], $0xffff  }
0x7cd: {  	v8 =	vld.idx.msk [tilespmem:v5+s17+$0x0], $0xffff  }
0x7ce: {  	v5 =	vld.idx.msk [tilespmem:v3+s17+$0x0], $0xffff  }
.Ltmp39:
0x7cf: {  	v3 =	vld.idx.msk [tilespmem:v0+s17+$0x0], $0xffff;
	(pc) =	sbr.rel @p5 .LBB2_80-.Ltmp39, $4  }
0x7d0: {  	v0 =	vld.idx.msk [tilespmem:v1+s17+$0x0], $0xffff  }
0x7d1: {  	s1 =	sadd.s32 $0x80, s1;
	v1 =	vld.idx.msk [tilespmem:v2+s17+$0x0], $0xffff  }
0x7d2: {  	v2 =	vld.idx.msk [tilespmem:v4+s17+$0x0], $0xffff;
	[tilespmem:s1+$0x30] =	vst v6  }
0x7d3: {  	s3 =	sadd.s32 $0x80, s3;
	v4 =	vld.idx.msk [tilespmem:v7+s17+$0x0], $0xffff;
	[tilespmem:s1+$0xFFFFFFD0] =	vst v8  }
0x7d4: {  	[tilespmem:s1+$0xFFFFFFE0] =	vst v5  }
0x7d5: {  	[tilespmem:s1+$0xFFFFFFF0] =	vst v3  }
0x7d6: {  	[tilespmem:s1+$0x0] =	vst v0  }
0x7d7: {  	[tilespmem:s1+$0x10] =	vst v1  }
0x7d8: {  	[tilespmem:s1+$0x20] =	vst v2  }
0x7d9: {  	[tilespmem:s1+$0xFFFFFFC0] =	vst v4  }
0x7da: {  	[hbm4b:s4+s19] =	stream.strided.scatter [tilespmem:s24], [sflag:$0x3], $0x1000, s20, s19, $0x38;
	[tilespmem:$0x1E700] =	vst v63  }
0x7db: {  	s2 =	simm.s32 @!p2 $0x400;
	s0 =	rddreg [dreg:$0x18]  }
0x7dc: {  	[tilespmem:s17], [sflag:$0x1] =	stream.strided.gather [hbm4b:s0+s19], $0x18700, s20, s19, $0x38;
	[tilespmem:$0x1E700] =	vst v63  }
0x7dd: {  	s3 =	simm.s32 @!p2 $0x18700;
	s1 =	simm.s32 @!p2 $0x80;
	s0 =	rddreg [dreg:$0xc]  }
0x7de: {  	[tilespmem:s3], [sflag:$0x4] =	stream.strided.gather @!p2 [hbm4b:s0+s1], $0x4000, s2, s1, $0x38;
	[tilespmem:$0x1E700] =	vst v63  }
0x7df: {  	s1 =	simm.s32 @!p2 $0x4  }
0x7e0: {  	_ =	swait.ge @!p2 [sflag:s1], $0x4000  }
0x7e1: {  	[sflag:s1] =	ssyncset.done @!p2 $0x0  }
0x7e2: {  	[sflag:s1] =	ssyncadd.s32 @!p2 $0xFFFFC000  }
0x7e3: {  	_ =	swait.ge [sflag:s22], $0x18700  }
0x7e4: {  	[sflag:s22] =	ssyncset.done $0x0  }
0x7e5: {  	[sflag:s22] =	ssyncadd.s32 $0xFFFE7900  }
0x7e6: {  	_ =	swait.ge [sflag:s25], $0x1000  }
0x7e7: {  	[sflag:s25] =	ssyncset.done $0x0  }
0x7e8: {  	s3 =	simm.s32 $0x18740;
	[sflag:s25] =	ssyncadd.s32 $0xFFFFF000  }
0x7e9: {  	v0 =	vld [tilespmem:s3+$0x30]  }
0x7ea: {  	v1 =	vld [tilespmem:s3+$0xFFFFFFD0]  }
0x7eb: {  	v2 =	vld [tilespmem:s3+$0xFFFFFFE0]  }
0x7ec: {  	v3 =	vld [tilespmem:s3+$0xFFFFFFF0]  }
0x7ed: {  	v4 =	vld [tilespmem:s3+$0x0]  }
0x7ee: {  	v6 =	vld [tilespmem:s3+$0x10]  }
0x7ef: {  	v7 =	vld [tilespmem:s3+$0x20]  }
0x7f0: {  	v8 =	vld [tilespmem:s3+$0xFFFFFFC0]  }
0x7f1: {  	v9 =	vld.idx.msk [tilespmem:v0+s17+$0x0], $0xffff  }
0x7f2: {  	v10 =	vld.idx.msk [tilespmem:v1+s17+$0x0], $0xffff  }
0x7f3: {  	v5 =	vld.idx.msk [tilespmem:v2+s17+$0x0], $0xffff  }
0x7f4: {  	v3 =	vld.idx.msk [tilespmem:v3+s17+$0x0], $0xffff  }
0x7f5: {  	v0 =	vld.idx.msk [tilespmem:v4+s17+$0x0], $0xffff  }
0x7f6: {  	s1 =	simm.s32 $0x1C740;
	v1 =	vld.idx.msk [tilespmem:v6+s17+$0x0], $0xffff  }
0x7f7: {  	v2 =	vld.idx.msk [tilespmem:v7+s17+$0x0], $0xffff;
	[tilespmem:s1+$0x30] =	vst v9  }
0x7f8: {  	s2 =	simm.s32 $0x0;
	s3 =	simm.s32 $0x187C0;
	v4 =	vld.idx.msk [tilespmem:v8+s17+$0x0], $0xffff;
	[tilespmem:s1+$0xFFFFFFD0] =	vst v10  }
.LBB2_82:
0x7f9: {  	v6 =	vld [tilespmem:s3+$0x30];
	s2 =	sadd.s32 $0x80, s2;
	[tilespmem:s1+$0xFFFFFFE0] =	vst v5  }
0x7fa: {  	v5 =	vld [tilespmem:s3+$0xFFFFFFD0];
	p5 =	slt.u32 s2, $0xF80;
	[tilespmem:s1+$0xFFFFFFF0] =	vst v3  }
0x7fb: {  	v3 =	vld [tilespmem:s3+$0xFFFFFFE0];
	[tilespmem:s1+$0x0] =	vst v0  }
0x7fc: {  	v0 =	vld [tilespmem:s3+$0xFFFFFFF0];
	[tilespmem:s1+$0x10] =	vst v1  }
0x7fd: {  	v1 =	vld [tilespmem:s3+$0x0];
	[tilespmem:s1+$0x20] =	vst v2  }
0x7fe: {  	v2 =	vld [tilespmem:s3+$0x10];
	[tilespmem:s1+$0xFFFFFFC0] =	vst v4  }
0x7ff: {  	v4 =	vld [tilespmem:s3+$0x20]  }
0x800: {  	v7 =	vld [tilespmem:s3+$0xFFFFFFC0]  }
0x801: {  	v6 =	vld.idx.msk [tilespmem:v6+s17+$0x0], $0xffff  }
0x802: {  	v8 =	vld.idx.msk [tilespmem:v5+s17+$0x0], $0xffff  }
0x803: {  	v5 =	vld.idx.msk [tilespmem:v3+s17+$0x0], $0xffff  }
.Ltmp40:
0x804: {  	v3 =	vld.idx.msk [tilespmem:v0+s17+$0x0], $0xffff;
	(pc) =	sbr.rel @p5 .LBB2_82-.Ltmp40, $4  }
0x805: {  	v0 =	vld.idx.msk [tilespmem:v1+s17+$0x0], $0xffff  }
0x806: {  	s1 =	sadd.s32 $0x80, s1;
	v1 =	vld.idx.msk [tilespmem:v2+s17+$0x0], $0xffff  }
0x807: {  	v2 =	vld.idx.msk [tilespmem:v4+s17+$0x0], $0xffff;
	[tilespmem:s1+$0x30] =	vst v6  }
0x808: {  	s3 =	sadd.s32 $0x80, s3;
	v4 =	vld.idx.msk [tilespmem:v7+s17+$0x0], $0xffff;
	[tilespmem:s1+$0xFFFFFFD0] =	vst v8  }
0x809: {  	[tilespmem:s1+$0xFFFFFFE0] =	vst v5  }
0x80a: {  	[tilespmem:s1+$0xFFFFFFF0] =	vst v3  }
0x80b: {  	[tilespmem:s1+$0x0] =	vst v0  }
0x80c: {  	[tilespmem:s1+$0x10] =	vst v1  }
0x80d: {  	[tilespmem:s1+$0x20] =	vst v2  }
0x80e: {  	[tilespmem:s1+$0xFFFFFFC0] =	vst v4  }
0x80f: {  	[hbm4b:s5+s19] =	stream.strided.scatter [tilespmem:s23], [sflag:$0x2], $0x1000, s20, s19, $0x38;
	[tilespmem:$0x1E700] =	vst v63  }
0x810: {  	_ =	swait.ge [sflag:s26], $0x1000  }
0x811: {  	[sflag:s26] =	ssyncset.done $0x0  }
0x812: {  	s3 =	simm.s32 $0x19770;
	[sflag:s26] =	ssyncadd.s32 $0xFFFFF000  }
0x813: {  	v0 =	vld [tilespmem:s3+$0x0]  }
0x814: {  	v1 =	vld [tilespmem:s3+$0xFFFFFFA0]  }
0x815: {  	v2 =	vld [tilespmem:s3+$0xFFFFFFB0]  }
0x816: {  	v3 =	vld [tilespmem:s3+$0xFFFFFFC0]  }
0x817: {  	v4 =	vld [tilespmem:s3+$0xFFFFFFD0]  }
0x818: {  	v6 =	vld [tilespmem:s3+$0xFFFFFFE0]  }
0x819: {  	v7 =	vld [tilespmem:s3+$0xFFFFFFF0]  }
0x81a: {  	v8 =	vld [tilespmem:s3+$0xFFFFFF90]  }
0x81b: {  	v9 =	vld.idx.msk [tilespmem:v0+s17+$0x0], $0xffff  }
0x81c: {  	v10 =	vld.idx.msk [tilespmem:v1+s17+$0x0], $0xffff  }
0x81d: {  	v5 =	vld.idx.msk [tilespmem:v2+s17+$0x0], $0xffff  }
0x81e: {  	v3 =	vld.idx.msk [tilespmem:v3+s17+$0x0], $0xffff  }
0x81f: {  	v0 =	vld.idx.msk [tilespmem:v4+s17+$0x0], $0xffff  }
0x820: {  	s1 =	simm.s32 $0x1D740;
	v1 =	vld.idx.msk [tilespmem:v6+s17+$0x0], $0xffff  }
0x821: {  	v2 =	vld.idx.msk [tilespmem:v7+s17+$0x0], $0xffff;
	[tilespmem:s1+$0x30] =	vst v9  }
0x822: {  	s2 =	simm.s32 $0x0;
	s3 =	simm.s32 $0x197F0;
	v4 =	vld.idx.msk [tilespmem:v8+s17+$0x0], $0xffff;
	[tilespmem:s1+$0xFFFFFFD0] =	vst v10  }
.LBB2_84:
0x823: {  	v6 =	vld [tilespmem:s3+$0x0];
	s2 =	sadd.s32 $0x80, s2;
	[tilespmem:s1+$0xFFFFFFE0] =	vst v5  }
0x824: {  	v5 =	vld [tilespmem:s3+$0xFFFFFFA0];
	p5 =	slt.u32 s2, $0xF80;
	[tilespmem:s1+$0xFFFFFFF0] =	vst v3  }
0x825: {  	v3 =	vld [tilespmem:s3+$0xFFFFFFB0];
	[tilespmem:s1+$0x0] =	vst v0  }
0x826: {  	v0 =	vld [tilespmem:s3+$0xFFFFFFC0];
	[tilespmem:s1+$0x10] =	vst v1  }
0x827: {  	v1 =	vld [tilespmem:s3+$0xFFFFFFD0];
	[tilespmem:s1+$0x20] =	vst v2  }
0x828: {  	v2 =	vld [tilespmem:s3+$0xFFFFFFE0];
	[tilespmem:s1+$0xFFFFFFC0] =	vst v4  }
0x829: {  	v4 =	vld [tilespmem:s3+$0xFFFFFFF0]  }
0x82a: {  	v7 =	vld [tilespmem:s3+$0xFFFFFF90]  }
0x82b: {  	v6 =	vld.idx.msk [tilespmem:v6+s17+$0x0], $0xffff  }
0x82c: {  	v8 =	vld.idx.msk [tilespmem:v5+s17+$0x0], $0xffff  }
0x82d: {  	v5 =	vld.idx.msk [tilespmem:v3+s17+$0x0], $0xffff  }
.Ltmp41:
0x82e: {  	v3 =	vld.idx.msk [tilespmem:v0+s17+$0x0], $0xffff;
	(pc) =	sbr.rel @p5 .LBB2_84-.Ltmp41, $4  }
0x82f: {  	v0 =	vld.idx.msk [tilespmem:v1+s17+$0x0], $0xffff  }
0x830: {  	s1 =	sadd.s32 $0x80, s1;
	v1 =	vld.idx.msk [tilespmem:v2+s17+$0x0], $0xffff  }
0x831: {  	v2 =	vld.idx.msk [tilespmem:v4+s17+$0x0], $0xffff;
	[tilespmem:s1+$0x30] =	vst v6  }
0x832: {  	s3 =	sadd.s32 $0x80, s3;
	v4 =	vld.idx.msk [tilespmem:v7+s17+$0x0], $0xffff;
	[tilespmem:s1+$0xFFFFFFD0] =	vst v8  }
0x833: {  	[tilespmem:s1+$0xFFFFFFE0] =	vst v5  }
0x834: {  	[tilespmem:s1+$0xFFFFFFF0] =	vst v3  }
0x835: {  	[tilespmem:s1+$0x0] =	vst v0  }
0x836: {  	[tilespmem:s1+$0x10] =	vst v1  }
0x837: {  	[tilespmem:s1+$0x20] =	vst v2  }
0x838: {  	[tilespmem:s1+$0xFFFFFFC0] =	vst v4  }
0x839: {  	[hbm4b:s6+s19] =	stream.strided.scatter [tilespmem:s24], [sflag:$0x3], $0x1000, s20, s19, $0x38;
	[tilespmem:$0x1E700] =	vst v63  }
0x83a: {  	_ =	swait.ge [sflag:s25], $0x1000  }
0x83b: {  	[sflag:s25] =	ssyncset.done $0x0  }
0x83c: {  	s3 =	simm.s32 $0x1A770;
	[sflag:s25] =	ssyncadd.s32 $0xFFFFF000  }
0x83d: {  	v0 =	vld [tilespmem:s3+$0x0]  }
0x83e: {  	v1 =	vld [tilespmem:s3+$0xFFFFFFA0]  }
0x83f: {  	v2 =	vld [tilespmem:s3+$0xFFFFFFB0]  }
0x840: {  	v3 =	vld [tilespmem:s3+$0xFFFFFFC0]  }
0x841: {  	v4 =	vld [tilespmem:s3+$0xFFFFFFD0]  }
0x842: {  	v6 =	vld [tilespmem:s3+$0xFFFFFFE0]  }
0x843: {  	v7 =	vld [tilespmem:s3+$0xFFFFFFF0]  }
0x844: {  	v8 =	vld [tilespmem:s3+$0xFFFFFF90]  }
0x845: {  	v9 =	vld.idx.msk [tilespmem:v0+s17+$0x0], $0xffff  }
0x846: {  	v10 =	vld.idx.msk [tilespmem:v1+s17+$0x0], $0xffff  }
0x847: {  	v5 =	vld.idx.msk [tilespmem:v2+s17+$0x0], $0xffff  }
0x848: {  	v3 =	vld.idx.msk [tilespmem:v3+s17+$0x0], $0xffff  }
0x849: {  	v0 =	vld.idx.msk [tilespmem:v4+s17+$0x0], $0xffff  }
0x84a: {  	s1 =	simm.s32 $0x1C740;
	v1 =	vld.idx.msk [tilespmem:v6+s17+$0x0], $0xffff  }
0x84b: {  	v2 =	vld.idx.msk [tilespmem:v7+s17+$0x0], $0xffff;
	[tilespmem:s1+$0x30] =	vst v9  }
0x84c: {  	s2 =	simm.s32 $0x0;
	s3 =	simm.s32 $0x1A7F0;
	v4 =	vld.idx.msk [tilespmem:v8+s17+$0x0], $0xffff;
	[tilespmem:s1+$0xFFFFFFD0] =	vst v10  }
.LBB2_86:
0x84d: {  	v6 =	vld [tilespmem:s3+$0x0];
	s2 =	sadd.s32 $0x80, s2;
	[tilespmem:s1+$0xFFFFFFE0] =	vst v5  }
0x84e: {  	v5 =	vld [tilespmem:s3+$0xFFFFFFA0];
	p5 =	slt.u32 s2, $0xF80;
	[tilespmem:s1+$0xFFFFFFF0] =	vst v3  }
0x84f: {  	v3 =	vld [tilespmem:s3+$0xFFFFFFB0];
	[tilespmem:s1+$0x0] =	vst v0  }
0x850: {  	v0 =	vld [tilespmem:s3+$0xFFFFFFC0];
	[tilespmem:s1+$0x10] =	vst v1  }
0x851: {  	v1 =	vld [tilespmem:s3+$0xFFFFFFD0];
	[tilespmem:s1+$0x20] =	vst v2  }
0x852: {  	v2 =	vld [tilespmem:s3+$0xFFFFFFE0];
	[tilespmem:s1+$0xFFFFFFC0] =	vst v4  }
0x853: {  	v4 =	vld [tilespmem:s3+$0xFFFFFFF0]  }
0x854: {  	v7 =	vld [tilespmem:s3+$0xFFFFFF90]  }
0x855: {  	v6 =	vld.idx.msk [tilespmem:v6+s17+$0x0], $0xffff  }
0x856: {  	v8 =	vld.idx.msk [tilespmem:v5+s17+$0x0], $0xffff  }
0x857: {  	v5 =	vld.idx.msk [tilespmem:v3+s17+$0x0], $0xffff  }
.Ltmp42:
0x858: {  	v3 =	vld.idx.msk [tilespmem:v0+s17+$0x0], $0xffff;
	(pc) =	sbr.rel @p5 .LBB2_86-.Ltmp42, $4  }
0x859: {  	v0 =	vld.idx.msk [tilespmem:v1+s17+$0x0], $0xffff  }
0x85a: {  	s1 =	sadd.s32 $0x80, s1;
	v1 =	vld.idx.msk [tilespmem:v2+s17+$0x0], $0xffff  }
0x85b: {  	v2 =	vld.idx.msk [tilespmem:v4+s17+$0x0], $0xffff;
	[tilespmem:s1+$0x30] =	vst v6  }
0x85c: {  	s3 =	sadd.s32 $0x80, s3;
	v4 =	vld.idx.msk [tilespmem:v7+s17+$0x0], $0xffff;
	[tilespmem:s1+$0xFFFFFFD0] =	vst v8  }
0x85d: {  	[tilespmem:s1+$0xFFFFFFE0] =	vst v5  }
0x85e: {  	[tilespmem:s1+$0xFFFFFFF0] =	vst v3  }
0x85f: {  	[tilespmem:s1+$0x0] =	vst v0  }
0x860: {  	[tilespmem:s1+$0x10] =	vst v1  }
0x861: {  	[tilespmem:s1+$0x20] =	vst v2  }
0x862: {  	[tilespmem:s1+$0xFFFFFFC0] =	vst v4  }
0x863: {  	[hbm4b:s7+s19] =	stream.strided.scatter [tilespmem:s23], [sflag:$0x2], $0x1000, s20, s19, $0x38;
	[tilespmem:$0x1E700] =	vst v63  }
0x864: {  	_ =	swait.ge [sflag:s26], $0x1000  }
0x865: {  	[sflag:s26] =	ssyncset.done $0x0  }
0x866: {  	s3 =	simm.s32 $0x1B770;
	[sflag:s26] =	ssyncadd.s32 $0xFFFFF000  }
0x867: {  	v0 =	vld [tilespmem:s3+$0x0]  }
0x868: {  	v1 =	vld [tilespmem:s3+$0xFFFFFFA0]  }
0x869: {  	v2 =	vld [tilespmem:s3+$0xFFFFFFB0]  }
0x86a: {  	v3 =	vld [tilespmem:s3+$0xFFFFFFC0]  }
0x86b: {  	v4 =	vld [tilespmem:s3+$0xFFFFFFD0]  }
0x86c: {  	v6 =	vld [tilespmem:s3+$0xFFFFFFE0]  }
0x86d: {  	v7 =	vld [tilespmem:s3+$0xFFFFFFF0]  }
0x86e: {  	v8 =	vld [tilespmem:s3+$0xFFFFFF90]  }
0x86f: {  	v9 =	vld.idx.msk [tilespmem:v0+s17+$0x0], $0xffff  }
0x870: {  	v10 =	vld.idx.msk [tilespmem:v1+s17+$0x0], $0xffff  }
0x871: {  	v5 =	vld.idx.msk [tilespmem:v2+s17+$0x0], $0xffff  }
0x872: {  	v3 =	vld.idx.msk [tilespmem:v3+s17+$0x0], $0xffff  }
0x873: {  	v0 =	vld.idx.msk [tilespmem:v4+s17+$0x0], $0xffff  }
0x874: {  	s1 =	simm.s32 $0x1D740;
	v1 =	vld.idx.msk [tilespmem:v6+s17+$0x0], $0xffff  }
0x875: {  	v2 =	vld.idx.msk [tilespmem:v7+s17+$0x0], $0xffff;
	[tilespmem:s1+$0x30] =	vst v9  }
0x876: {  	s2 =	simm.s32 $0x0;
	s3 =	simm.s32 $0x1B7F0;
	v4 =	vld.idx.msk [tilespmem:v8+s17+$0x0], $0xffff;
	[tilespmem:s1+$0xFFFFFFD0] =	vst v10  }
.LBB2_88:
0x877: {  	v6 =	vld [tilespmem:s3+$0x0];
	s2 =	sadd.s32 $0x80, s2;
	[tilespmem:s1+$0xFFFFFFE0] =	vst v5  }
0x878: {  	v5 =	vld [tilespmem:s3+$0xFFFFFFA0];
	p5 =	slt.u32 s2, $0xF80;
	[tilespmem:s1+$0xFFFFFFF0] =	vst v3  }
0x879: {  	v3 =	vld [tilespmem:s3+$0xFFFFFFB0];
	[tilespmem:s1+$0x0] =	vst v0  }
0x87a: {  	v0 =	vld [tilespmem:s3+$0xFFFFFFC0];
	[tilespmem:s1+$0x10] =	vst v1  }
0x87b: {  	v1 =	vld [tilespmem:s3+$0xFFFFFFD0];
	[tilespmem:s1+$0x20] =	vst v2  }
0x87c: {  	v2 =	vld [tilespmem:s3+$0xFFFFFFE0];
	[tilespmem:s1+$0xFFFFFFC0] =	vst v4  }
0x87d: {  	v4 =	vld [tilespmem:s3+$0xFFFFFFF0]  }
0x87e: {  	v7 =	vld [tilespmem:s3+$0xFFFFFF90]  }
0x87f: {  	v6 =	vld.idx.msk [tilespmem:v6+s17+$0x0], $0xffff  }
0x880: {  	v8 =	vld.idx.msk [tilespmem:v5+s17+$0x0], $0xffff  }
0x881: {  	v5 =	vld.idx.msk [tilespmem:v3+s17+$0x0], $0xffff  }
.Ltmp43:
0x882: {  	v3 =	vld.idx.msk [tilespmem:v0+s17+$0x0], $0xffff;
	(pc) =	sbr.rel @p5 .LBB2_88-.Ltmp43, $4  }
0x883: {  	v0 =	vld.idx.msk [tilespmem:v1+s17+$0x0], $0xffff  }
0x884: {  	s1 =	sadd.s32 $0x80, s1;
	v1 =	vld.idx.msk [tilespmem:v2+s17+$0x0], $0xffff  }
0x885: {  	v2 =	vld.idx.msk [tilespmem:v4+s17+$0x0], $0xffff;
	[tilespmem:s1+$0x30] =	vst v6  }
0x886: {  	s3 =	sadd.s32 $0x80, s3;
	v4 =	vld.idx.msk [tilespmem:v7+s17+$0x0], $0xffff;
	[tilespmem:s1+$0xFFFFFFD0] =	vst v8  }
0x887: {  	[tilespmem:s1+$0xFFFFFFE0] =	vst v5  }
0x888: {  	[tilespmem:s1+$0xFFFFFFF0] =	vst v3  }
0x889: {  	[tilespmem:s1+$0x0] =	vst v0  }
0x88a: {  	[tilespmem:s1+$0x10] =	vst v1  }
0x88b: {  	[tilespmem:s1+$0x20] =	vst v2  }
0x88c: {  	[tilespmem:s1+$0xFFFFFFC0] =	vst v4  }
0x88d: {  	[hbm4b:s8+s19] =	stream.strided.scatter [tilespmem:s24], [sflag:$0x3], $0x1000, s20, s19, $0x38;
	[tilespmem:$0x1E700] =	vst v63  }
0x88e: {  	s2 =	simm.s32 @!p3 $0x400;
	s0 =	rddreg [dreg:$0x19]  }
0x88f: {  	[tilespmem:s17], [sflag:$0x1] =	stream.strided.gather [hbm4b:s0+s19], $0x18700, s20, s19, $0x38;
	[tilespmem:$0x1E700] =	vst v63  }
0x890: {  	s3 =	simm.s32 @!p3 $0x18700;
	s1 =	simm.s32 @!p3 $0x80;
	s0 =	rddreg [dreg:$0xd]  }
0x891: {  	[tilespmem:s3], [sflag:$0x4] =	stream.strided.gather @!p3 [hbm4b:s0+s1], $0x4000, s2, s1, $0x38;
	[tilespmem:$0x1E700] =	vst v63  }
0x892: {  	s1 =	simm.s32 @!p3 $0x4  }
0x893: {  	_ =	swait.ge @!p3 [sflag:s1], $0x4000  }
0x894: {  	[sflag:s1] =	ssyncset.done @!p3 $0x0  }
0x895: {  	[sflag:s1] =	ssyncadd.s32 @!p3 $0xFFFFC000  }
0x896: {  	_ =	swait.ge [sflag:s22], $0x18700  }
0x897: {  	[sflag:s22] =	ssyncset.done $0x0  }
0x898: {  	[sflag:s22] =	ssyncadd.s32 $0xFFFE7900  }
0x899: {  	_ =	swait.ge [sflag:s25], $0x1000  }
0x89a: {  	[sflag:s25] =	ssyncset.done $0x0  }
0x89b: {  	s3 =	simm.s32 $0x18740;
	[sflag:s25] =	ssyncadd.s32 $0xFFFFF000  }
0x89c: {  	v0 =	vld [tilespmem:s3+$0x30]  }
0x89d: {  	v1 =	vld [tilespmem:s3+$0xFFFFFFD0]  }
0x89e: {  	v2 =	vld [tilespmem:s3+$0xFFFFFFE0]  }
0x89f: {  	v3 =	vld [tilespmem:s3+$0xFFFFFFF0]  }
0x8a0: {  	v4 =	vld [tilespmem:s3+$0x0]  }
0x8a1: {  	v6 =	vld [tilespmem:s3+$0x10]  }
0x8a2: {  	v7 =	vld [tilespmem:s3+$0x20]  }
0x8a3: {  	v8 =	vld [tilespmem:s3+$0xFFFFFFC0]  }
0x8a4: {  	v9 =	vld.idx.msk [tilespmem:v0+s17+$0x0], $0xffff  }
0x8a5: {  	v10 =	vld.idx.msk [tilespmem:v1+s17+$0x0], $0xffff  }
0x8a6: {  	v5 =	vld.idx.msk [tilespmem:v2+s17+$0x0], $0xffff  }
0x8a7: {  	v3 =	vld.idx.msk [tilespmem:v3+s17+$0x0], $0xffff  }
0x8a8: {  	v0 =	vld.idx.msk [tilespmem:v4+s17+$0x0], $0xffff  }
0x8a9: {  	s1 =	simm.s32 $0x1C740;
	v1 =	vld.idx.msk [tilespmem:v6+s17+$0x0], $0xffff  }
0x8aa: {  	v2 =	vld.idx.msk [tilespmem:v7+s17+$0x0], $0xffff;
	[tilespmem:s1+$0x30] =	vst v9  }
0x8ab: {  	s2 =	simm.s32 $0x0;
	s3 =	simm.s32 $0x187C0;
	v4 =	vld.idx.msk [tilespmem:v8+s17+$0x0], $0xffff;
	[tilespmem:s1+$0xFFFFFFD0] =	vst v10  }
.LBB2_90:
0x8ac: {  	v6 =	vld [tilespmem:s3+$0x30];
	s2 =	sadd.s32 $0x80, s2;
	[tilespmem:s1+$0xFFFFFFE0] =	vst v5  }
0x8ad: {  	v5 =	vld [tilespmem:s3+$0xFFFFFFD0];
	p5 =	slt.u32 s2, $0xF80;
	[tilespmem:s1+$0xFFFFFFF0] =	vst v3  }
0x8ae: {  	v3 =	vld [tilespmem:s3+$0xFFFFFFE0];
	[tilespmem:s1+$0x0] =	vst v0  }
0x8af: {  	v0 =	vld [tilespmem:s3+$0xFFFFFFF0];
	[tilespmem:s1+$0x10] =	vst v1  }
0x8b0: {  	v1 =	vld [tilespmem:s3+$0x0];
	[tilespmem:s1+$0x20] =	vst v2  }
0x8b1: {  	v2 =	vld [tilespmem:s3+$0x10];
	[tilespmem:s1+$0xFFFFFFC0] =	vst v4  }
0x8b2: {  	v4 =	vld [tilespmem:s3+$0x20]  }
0x8b3: {  	v7 =	vld [tilespmem:s3+$0xFFFFFFC0]  }
0x8b4: {  	v6 =	vld.idx.msk [tilespmem:v6+s17+$0x0], $0xffff  }
0x8b5: {  	v8 =	vld.idx.msk [tilespmem:v5+s17+$0x0], $0xffff  }
0x8b6: {  	v5 =	vld.idx.msk [tilespmem:v3+s17+$0x0], $0xffff  }
.Ltmp44:
0x8b7: {  	v3 =	vld.idx.msk [tilespmem:v0+s17+$0x0], $0xffff;
	(pc) =	sbr.rel @p5 .LBB2_90-.Ltmp44, $4  }
0x8b8: {  	v0 =	vld.idx.msk [tilespmem:v1+s17+$0x0], $0xffff  }
0x8b9: {  	s1 =	sadd.s32 $0x80, s1;
	v1 =	vld.idx.msk [tilespmem:v2+s17+$0x0], $0xffff  }
0x8ba: {  	v2 =	vld.idx.msk [tilespmem:v4+s17+$0x0], $0xffff;
	[tilespmem:s1+$0x30] =	vst v6  }
0x8bb: {  	s3 =	sadd.s32 $0x80, s3;
	v4 =	vld.idx.msk [tilespmem:v7+s17+$0x0], $0xffff;
	[tilespmem:s1+$0xFFFFFFD0] =	vst v8  }
0x8bc: {  	[tilespmem:s1+$0xFFFFFFE0] =	vst v5  }
0x8bd: {  	[tilespmem:s1+$0xFFFFFFF0] =	vst v3  }
0x8be: {  	[tilespmem:s1+$0x0] =	vst v0  }
0x8bf: {  	[tilespmem:s1+$0x10] =	vst v1  }
0x8c0: {  	[tilespmem:s1+$0x20] =	vst v2  }
0x8c1: {  	[tilespmem:s1+$0xFFFFFFC0] =	vst v4  }
0x8c2: {  	[hbm4b:s9+s19] =	stream.strided.scatter [tilespmem:s23], [sflag:$0x2], $0x1000, s20, s19, $0x38;
	[tilespmem:$0x1E700] =	vst v63  }
0x8c3: {  	_ =	swait.ge [sflag:s26], $0x1000  }
0x8c4: {  	[sflag:s26] =	ssyncset.done $0x0  }
0x8c5: {  	s3 =	simm.s32 $0x19770;
	[sflag:s26] =	ssyncadd.s32 $0xFFFFF000  }
0x8c6: {  	v0 =	vld [tilespmem:s3+$0x0]  }
0x8c7: {  	v1 =	vld [tilespmem:s3+$0xFFFFFFA0]  }
0x8c8: {  	v2 =	vld [tilespmem:s3+$0xFFFFFFB0]  }
0x8c9: {  	v3 =	vld [tilespmem:s3+$0xFFFFFFC0]  }
0x8ca: {  	v4 =	vld [tilespmem:s3+$0xFFFFFFD0]  }
0x8cb: {  	v6 =	vld [tilespmem:s3+$0xFFFFFFE0]  }
0x8cc: {  	v7 =	vld [tilespmem:s3+$0xFFFFFFF0]  }
0x8cd: {  	v8 =	vld [tilespmem:s3+$0xFFFFFF90]  }
0x8ce: {  	v9 =	vld.idx.msk [tilespmem:v0+s17+$0x0], $0xffff  }
0x8cf: {  	v10 =	vld.idx.msk [tilespmem:v1+s17+$0x0], $0xffff  }
0x8d0: {  	v5 =	vld.idx.msk [tilespmem:v2+s17+$0x0], $0xffff  }
0x8d1: {  	v3 =	vld.idx.msk [tilespmem:v3+s17+$0x0], $0xffff  }
0x8d2: {  	v0 =	vld.idx.msk [tilespmem:v4+s17+$0x0], $0xffff  }
0x8d3: {  	s1 =	simm.s32 $0x1D740;
	v1 =	vld.idx.msk [tilespmem:v6+s17+$0x0], $0xffff  }
0x8d4: {  	v2 =	vld.idx.msk [tilespmem:v7+s17+$0x0], $0xffff;
	[tilespmem:s1+$0x30] =	vst v9  }
0x8d5: {  	s2 =	simm.s32 $0x0;
	s3 =	simm.s32 $0x197F0;
	v4 =	vld.idx.msk [tilespmem:v8+s17+$0x0], $0xffff;
	[tilespmem:s1+$0xFFFFFFD0] =	vst v10  }
.LBB2_92:
0x8d6: {  	v6 =	vld [tilespmem:s3+$0x0];
	s2 =	sadd.s32 $0x80, s2;
	[tilespmem:s1+$0xFFFFFFE0] =	vst v5  }
0x8d7: {  	v5 =	vld [tilespmem:s3+$0xFFFFFFA0];
	p5 =	slt.u32 s2, $0xF80;
	[tilespmem:s1+$0xFFFFFFF0] =	vst v3  }
0x8d8: {  	v3 =	vld [tilespmem:s3+$0xFFFFFFB0];
	[tilespmem:s1+$0x0] =	vst v0  }
0x8d9: {  	v0 =	vld [tilespmem:s3+$0xFFFFFFC0];
	[tilespmem:s1+$0x10] =	vst v1  }
0x8da: {  	v1 =	vld [tilespmem:s3+$0xFFFFFFD0];
	[tilespmem:s1+$0x20] =	vst v2  }
0x8db: {  	v2 =	vld [tilespmem:s3+$0xFFFFFFE0];
	[tilespmem:s1+$0xFFFFFFC0] =	vst v4  }
0x8dc: {  	v4 =	vld [tilespmem:s3+$0xFFFFFFF0]  }
0x8dd: {  	v7 =	vld [tilespmem:s3+$0xFFFFFF90]  }
0x8de: {  	v6 =	vld.idx.msk [tilespmem:v6+s17+$0x0], $0xffff  }
0x8df: {  	v8 =	vld.idx.msk [tilespmem:v5+s17+$0x0], $0xffff  }
0x8e0: {  	v5 =	vld.idx.msk [tilespmem:v3+s17+$0x0], $0xffff  }
.Ltmp45:
0x8e1: {  	v3 =	vld.idx.msk [tilespmem:v0+s17+$0x0], $0xffff;
	(pc) =	sbr.rel @p5 .LBB2_92-.Ltmp45, $4  }
0x8e2: {  	v0 =	vld.idx.msk [tilespmem:v1+s17+$0x0], $0xffff  }
0x8e3: {  	s1 =	sadd.s32 $0x80, s1;
	v1 =	vld.idx.msk [tilespmem:v2+s17+$0x0], $0xffff  }
0x8e4: {  	v2 =	vld.idx.msk [tilespmem:v4+s17+$0x0], $0xffff;
	[tilespmem:s1+$0x30] =	vst v6  }
0x8e5: {  	s3 =	sadd.s32 $0x80, s3;
	v4 =	vld.idx.msk [tilespmem:v7+s17+$0x0], $0xffff;
	[tilespmem:s1+$0xFFFFFFD0] =	vst v8  }
0x8e6: {  	[tilespmem:s1+$0xFFFFFFE0] =	vst v5  }
0x8e7: {  	[tilespmem:s1+$0xFFFFFFF0] =	vst v3  }
0x8e8: {  	[tilespmem:s1+$0x0] =	vst v0  }
0x8e9: {  	[tilespmem:s1+$0x10] =	vst v1  }
0x8ea: {  	[tilespmem:s1+$0x20] =	vst v2  }
0x8eb: {  	[tilespmem:s1+$0xFFFFFFC0] =	vst v4  }
0x8ec: {  	[hbm4b:s10+s19] =	stream.strided.scatter [tilespmem:s24], [sflag:$0x3], $0x1000, s20, s19, $0x38;
	[tilespmem:$0x1E700] =	vst v63  }
0x8ed: {  	_ =	swait.ge [sflag:s25], $0x1000  }
0x8ee: {  	[sflag:s25] =	ssyncset.done $0x0  }
0x8ef: {  	s3 =	simm.s32 $0x1A770;
	[sflag:s25] =	ssyncadd.s32 $0xFFFFF000  }
0x8f0: {  	v0 =	vld [tilespmem:s3+$0x0]  }
0x8f1: {  	v1 =	vld [tilespmem:s3+$0xFFFFFFA0]  }
0x8f2: {  	v2 =	vld [tilespmem:s3+$0xFFFFFFB0]  }
0x8f3: {  	v3 =	vld [tilespmem:s3+$0xFFFFFFC0]  }
0x8f4: {  	v4 =	vld [tilespmem:s3+$0xFFFFFFD0]  }
0x8f5: {  	v6 =	vld [tilespmem:s3+$0xFFFFFFE0]  }
0x8f6: {  	v7 =	vld [tilespmem:s3+$0xFFFFFFF0]  }
0x8f7: {  	v8 =	vld [tilespmem:s3+$0xFFFFFF90]  }
0x8f8: {  	v9 =	vld.idx.msk [tilespmem:v0+s17+$0x0], $0xffff  }
0x8f9: {  	v10 =	vld.idx.msk [tilespmem:v1+s17+$0x0], $0xffff  }
0x8fa: {  	v5 =	vld.idx.msk [tilespmem:v2+s17+$0x0], $0xffff  }
0x8fb: {  	v3 =	vld.idx.msk [tilespmem:v3+s17+$0x0], $0xffff  }
0x8fc: {  	v0 =	vld.idx.msk [tilespmem:v4+s17+$0x0], $0xffff  }
0x8fd: {  	s1 =	simm.s32 $0x1C740;
	v1 =	vld.idx.msk [tilespmem:v6+s17+$0x0], $0xffff  }
0x8fe: {  	v2 =	vld.idx.msk [tilespmem:v7+s17+$0x0], $0xffff;
	[tilespmem:s1+$0x30] =	vst v9  }
0x8ff: {  	s2 =	simm.s32 $0x0;
	s3 =	simm.s32 $0x1A7F0;
	v4 =	vld.idx.msk [tilespmem:v8+s17+$0x0], $0xffff;
	[tilespmem:s1+$0xFFFFFFD0] =	vst v10  }
.LBB2_94:
0x900: {  	v6 =	vld [tilespmem:s3+$0x0];
	s2 =	sadd.s32 $0x80, s2;
	[tilespmem:s1+$0xFFFFFFE0] =	vst v5  }
0x901: {  	v5 =	vld [tilespmem:s3+$0xFFFFFFA0];
	p5 =	slt.u32 s2, $0xF80;
	[tilespmem:s1+$0xFFFFFFF0] =	vst v3  }
0x902: {  	v3 =	vld [tilespmem:s3+$0xFFFFFFB0];
	[tilespmem:s1+$0x0] =	vst v0  }
0x903: {  	v0 =	vld [tilespmem:s3+$0xFFFFFFC0];
	[tilespmem:s1+$0x10] =	vst v1  }
0x904: {  	v1 =	vld [tilespmem:s3+$0xFFFFFFD0];
	[tilespmem:s1+$0x20] =	vst v2  }
0x905: {  	v2 =	vld [tilespmem:s3+$0xFFFFFFE0];
	[tilespmem:s1+$0xFFFFFFC0] =	vst v4  }
0x906: {  	v4 =	vld [tilespmem:s3+$0xFFFFFFF0]  }
0x907: {  	v7 =	vld [tilespmem:s3+$0xFFFFFF90]  }
0x908: {  	v6 =	vld.idx.msk [tilespmem:v6+s17+$0x0], $0xffff  }
0x909: {  	v8 =	vld.idx.msk [tilespmem:v5+s17+$0x0], $0xffff  }
0x90a: {  	v5 =	vld.idx.msk [tilespmem:v3+s17+$0x0], $0xffff  }
.Ltmp46:
0x90b: {  	v3 =	vld.idx.msk [tilespmem:v0+s17+$0x0], $0xffff;
	(pc) =	sbr.rel @p5 .LBB2_94-.Ltmp46, $4  }
0x90c: {  	v0 =	vld.idx.msk [tilespmem:v1+s17+$0x0], $0xffff  }
0x90d: {  	s1 =	sadd.s32 $0x80, s1;
	v1 =	vld.idx.msk [tilespmem:v2+s17+$0x0], $0xffff  }
0x90e: {  	v2 =	vld.idx.msk [tilespmem:v4+s17+$0x0], $0xffff;
	[tilespmem:s1+$0x30] =	vst v6  }
0x90f: {  	s3 =	sadd.s32 $0x80, s3;
	v4 =	vld.idx.msk [tilespmem:v7+s17+$0x0], $0xffff;
	[tilespmem:s1+$0xFFFFFFD0] =	vst v8  }
0x910: {  	[tilespmem:s1+$0xFFFFFFE0] =	vst v5  }
0x911: {  	[tilespmem:s1+$0xFFFFFFF0] =	vst v3  }
0x912: {  	[tilespmem:s1+$0x0] =	vst v0  }
0x913: {  	[tilespmem:s1+$0x10] =	vst v1  }
0x914: {  	[tilespmem:s1+$0x20] =	vst v2  }
0x915: {  	[tilespmem:s1+$0xFFFFFFC0] =	vst v4  }
0x916: {  	[hbm4b:s11+s19] =	stream.strided.scatter [tilespmem:s23], [sflag:$0x2], $0x1000, s20, s19, $0x38;
	[tilespmem:$0x1E700] =	vst v63  }
0x917: {  	_ =	swait.ge [sflag:s26], $0x1000  }
0x918: {  	[sflag:s26] =	ssyncset.done $0x0  }
0x919: {  	s3 =	simm.s32 $0x1B770;
	[sflag:s26] =	ssyncadd.s32 $0xFFFFF000  }
0x91a: {  	v0 =	vld [tilespmem:s3+$0x0]  }
0x91b: {  	v1 =	vld [tilespmem:s3+$0xFFFFFFA0]  }
0x91c: {  	v2 =	vld [tilespmem:s3+$0xFFFFFFB0]  }
0x91d: {  	v3 =	vld [tilespmem:s3+$0xFFFFFFC0]  }
0x91e: {  	v4 =	vld [tilespmem:s3+$0xFFFFFFD0]  }
0x91f: {  	v6 =	vld [tilespmem:s3+$0xFFFFFFE0]  }
0x920: {  	v7 =	vld [tilespmem:s3+$0xFFFFFFF0]  }
0x921: {  	v8 =	vld [tilespmem:s3+$0xFFFFFF90]  }
0x922: {  	v9 =	vld.idx.msk [tilespmem:v0+s17+$0x0], $0xffff  }
0x923: {  	v10 =	vld.idx.msk [tilespmem:v1+s17+$0x0], $0xffff  }
0x924: {  	v5 =	vld.idx.msk [tilespmem:v2+s17+$0x0], $0xffff  }
0x925: {  	v3 =	vld.idx.msk [tilespmem:v3+s17+$0x0], $0xffff  }
0x926: {  	v0 =	vld.idx.msk [tilespmem:v4+s17+$0x0], $0xffff  }
0x927: {  	s1 =	simm.s32 $0x1D740;
	v1 =	vld.idx.msk [tilespmem:v6+s17+$0x0], $0xffff  }
0x928: {  	v2 =	vld.idx.msk [tilespmem:v7+s17+$0x0], $0xffff;
	[tilespmem:s1+$0x30] =	vst v9  }
0x929: {  	s2 =	simm.s32 $0x0;
	s3 =	simm.s32 $0x1B7F0;
	v4 =	vld.idx.msk [tilespmem:v8+s17+$0x0], $0xffff;
	[tilespmem:s1+$0xFFFFFFD0] =	vst v10  }
.LBB2_96:
0x92a: {  	v6 =	vld [tilespmem:s3+$0x0];
	s2 =	sadd.s32 $0x80, s2;
	[tilespmem:s1+$0xFFFFFFE0] =	vst v5  }
0x92b: {  	v5 =	vld [tilespmem:s3+$0xFFFFFFA0];
	p5 =	slt.u32 s2, $0xF80;
	[tilespmem:s1+$0xFFFFFFF0] =	vst v3  }
0x92c: {  	v3 =	vld [tilespmem:s3+$0xFFFFFFB0];
	[tilespmem:s1+$0x0] =	vst v0  }
0x92d: {  	v0 =	vld [tilespmem:s3+$0xFFFFFFC0];
	[tilespmem:s1+$0x10] =	vst v1  }
0x92e: {  	v1 =	vld [tilespmem:s3+$0xFFFFFFD0];
	[tilespmem:s1+$0x20] =	vst v2  }
0x92f: {  	v2 =	vld [tilespmem:s3+$0xFFFFFFE0];
	[tilespmem:s1+$0xFFFFFFC0] =	vst v4  }
0x930: {  	v4 =	vld [tilespmem:s3+$0xFFFFFFF0]  }
0x931: {  	v7 =	vld [tilespmem:s3+$0xFFFFFF90]  }
0x932: {  	v6 =	vld.idx.msk [tilespmem:v6+s17+$0x0], $0xffff  }
0x933: {  	v8 =	vld.idx.msk [tilespmem:v5+s17+$0x0], $0xffff  }
0x934: {  	v5 =	vld.idx.msk [tilespmem:v3+s17+$0x0], $0xffff  }
.Ltmp47:
0x935: {  	v3 =	vld.idx.msk [tilespmem:v0+s17+$0x0], $0xffff;
	(pc) =	sbr.rel @p5 .LBB2_96-.Ltmp47, $4  }
0x936: {  	v0 =	vld.idx.msk [tilespmem:v1+s17+$0x0], $0xffff  }
0x937: {  	s1 =	sadd.s32 $0x80, s1;
	v1 =	vld.idx.msk [tilespmem:v2+s17+$0x0], $0xffff  }
0x938: {  	v2 =	vld.idx.msk [tilespmem:v4+s17+$0x0], $0xffff;
	[tilespmem:s1+$0x30] =	vst v6  }
0x939: {  	s3 =	sadd.s32 $0x80, s3;
	v4 =	vld.idx.msk [tilespmem:v7+s17+$0x0], $0xffff;
	[tilespmem:s1+$0xFFFFFFD0] =	vst v8  }
0x93a: {  	[tilespmem:s1+$0xFFFFFFE0] =	vst v5  }
0x93b: {  	[tilespmem:s1+$0xFFFFFFF0] =	vst v3  }
0x93c: {  	[tilespmem:s1+$0x0] =	vst v0  }
0x93d: {  	[tilespmem:s1+$0x10] =	vst v1  }
0x93e: {  	[tilespmem:s1+$0x20] =	vst v2  }
0x93f: {  	[tilespmem:s1+$0xFFFFFFC0] =	vst v4  }
0x940: {  	[hbm4b:s12+s19] =	stream.strided.scatter [tilespmem:s24], [sflag:$0x3], $0x1000, s20, s19, $0x38;
	[tilespmem:$0x1E700] =	vst v63  }
0x941: {  	s2 =	simm.s32 @!p4 $0x400;
	s0 =	rddreg [dreg:$0x1a]  }
0x942: {  	[tilespmem:s17], [sflag:$0x1] =	stream.strided.gather [hbm4b:s0+s19], $0x18700, s20, s19, $0x38;
	[tilespmem:$0x1E700] =	vst v63  }
0x943: {  	s3 =	simm.s32 @!p4 $0x18700;
	s1 =	simm.s32 @!p4 $0x80;
	s0 =	rddreg [dreg:$0x1b]  }
0x944: {  	[tilespmem:s3], [sflag:$0x4] =	stream.strided.gather @!p4 [hbm4b:s0+s1], $0x4000, s2, s1, $0x38;
	[tilespmem:$0x1E700] =	vst v63  }
0x945: {  	s1 =	simm.s32 @!p4 $0x4  }
0x946: {  	_ =	swait.ge @!p4 [sflag:s1], $0x4000  }
0x947: {  	[sflag:s1] =	ssyncset.done @!p4 $0x0  }
0x948: {  	[sflag:s1] =	ssyncadd.s32 @!p4 $0xFFFFC000  }
0x949: {  	_ =	swait.ge [sflag:s22], $0x18700  }
0x94a: {  	[sflag:s22] =	ssyncset.done $0x0  }
0x94b: {  	[sflag:s22] =	ssyncadd.s32 $0xFFFE7900  }
0x94c: {  	_ =	swait.ge [sflag:s25], $0x1000  }
0x94d: {  	[sflag:s25] =	ssyncset.done $0x0  }
0x94e: {  	s3 =	simm.s32 $0x18740;
	[sflag:s25] =	ssyncadd.s32 $0xFFFFF000  }
0x94f: {  	v0 =	vld [tilespmem:s3+$0x30]  }
0x950: {  	v1 =	vld [tilespmem:s3+$0xFFFFFFD0]  }
0x951: {  	v2 =	vld [tilespmem:s3+$0xFFFFFFE0]  }
0x952: {  	v3 =	vld [tilespmem:s3+$0xFFFFFFF0]  }
0x953: {  	v4 =	vld [tilespmem:s3+$0x0]  }
0x954: {  	v6 =	vld [tilespmem:s3+$0x10]  }
0x955: {  	v7 =	vld [tilespmem:s3+$0x20]  }
0x956: {  	v8 =	vld [tilespmem:s3+$0xFFFFFFC0]  }
0x957: {  	v9 =	vld.idx.msk [tilespmem:v0+s17+$0x0], $0xffff  }
0x958: {  	v10 =	vld.idx.msk [tilespmem:v1+s17+$0x0], $0xffff  }
0x959: {  	v5 =	vld.idx.msk [tilespmem:v2+s17+$0x0], $0xffff  }
0x95a: {  	v3 =	vld.idx.msk [tilespmem:v3+s17+$0x0], $0xffff  }
0x95b: {  	v0 =	vld.idx.msk [tilespmem:v4+s17+$0x0], $0xffff  }
0x95c: {  	s1 =	simm.s32 $0x1C740;
	v1 =	vld.idx.msk [tilespmem:v6+s17+$0x0], $0xffff  }
0x95d: {  	v2 =	vld.idx.msk [tilespmem:v7+s17+$0x0], $0xffff;
	[tilespmem:s1+$0x30] =	vst v9  }
0x95e: {  	s2 =	simm.s32 $0x0;
	s3 =	simm.s32 $0x187C0;
	v4 =	vld.idx.msk [tilespmem:v8+s17+$0x0], $0xffff;
	[tilespmem:s1+$0xFFFFFFD0] =	vst v10  }
.LBB2_98:
0x95f: {  	v6 =	vld [tilespmem:s3+$0x30];
	s2 =	sadd.s32 $0x80, s2;
	[tilespmem:s1+$0xFFFFFFE0] =	vst v5  }
0x960: {  	v5 =	vld [tilespmem:s3+$0xFFFFFFD0];
	p5 =	slt.u32 s2, $0xF80;
	[tilespmem:s1+$0xFFFFFFF0] =	vst v3  }
0x961: {  	v3 =	vld [tilespmem:s3+$0xFFFFFFE0];
	[tilespmem:s1+$0x0] =	vst v0  }
0x962: {  	v0 =	vld [tilespmem:s3+$0xFFFFFFF0];
	[tilespmem:s1+$0x10] =	vst v1  }
0x963: {  	v1 =	vld [tilespmem:s3+$0x0];
	[tilespmem:s1+$0x20] =	vst v2  }
0x964: {  	v2 =	vld [tilespmem:s3+$0x10];
	[tilespmem:s1+$0xFFFFFFC0] =	vst v4  }
0x965: {  	v4 =	vld [tilespmem:s3+$0x20]  }
0x966: {  	v7 =	vld [tilespmem:s3+$0xFFFFFFC0]  }
0x967: {  	v6 =	vld.idx.msk [tilespmem:v6+s17+$0x0], $0xffff  }
0x968: {  	v8 =	vld.idx.msk [tilespmem:v5+s17+$0x0], $0xffff  }
0x969: {  	v5 =	vld.idx.msk [tilespmem:v3+s17+$0x0], $0xffff  }
.Ltmp48:
0x96a: {  	v3 =	vld.idx.msk [tilespmem:v0+s17+$0x0], $0xffff;
	(pc) =	sbr.rel @p5 .LBB2_98-.Ltmp48, $4  }
0x96b: {  	v0 =	vld.idx.msk [tilespmem:v1+s17+$0x0], $0xffff  }
0x96c: {  	s1 =	sadd.s32 $0x80, s1;
	v1 =	vld.idx.msk [tilespmem:v2+s17+$0x0], $0xffff  }
0x96d: {  	v2 =	vld.idx.msk [tilespmem:v4+s17+$0x0], $0xffff;
	[tilespmem:s1+$0x30] =	vst v6  }
0x96e: {  	s3 =	sadd.s32 $0x80, s3;
	v4 =	vld.idx.msk [tilespmem:v7+s17+$0x0], $0xffff;
	[tilespmem:s1+$0xFFFFFFD0] =	vst v8  }
0x96f: {  	[tilespmem:s1+$0xFFFFFFE0] =	vst v5  }
0x970: {  	[tilespmem:s1+$0xFFFFFFF0] =	vst v3  }
0x971: {  	[tilespmem:s1+$0x0] =	vst v0  }
0x972: {  	[tilespmem:s1+$0x10] =	vst v1  }
0x973: {  	[tilespmem:s1+$0x20] =	vst v2  }
0x974: {  	[tilespmem:s1+$0xFFFFFFC0] =	vst v4  }
0x975: {  	[hbm4b:s13+s19] =	stream.strided.scatter [tilespmem:s23], [sflag:$0x2], $0x1000, s20, s19, $0x38;
	[tilespmem:$0x1E700] =	vst v63  }
0x976: {  	_ =	swait.ge [sflag:s26], $0x1000  }
0x977: {  	[sflag:s26] =	ssyncset.done $0x0  }
0x978: {  	s3 =	simm.s32 $0x19770;
	[sflag:s26] =	ssyncadd.s32 $0xFFFFF000  }
0x979: {  	v0 =	vld [tilespmem:s3+$0x0]  }
0x97a: {  	v1 =	vld [tilespmem:s3+$0xFFFFFFA0]  }
0x97b: {  	v2 =	vld [tilespmem:s3+$0xFFFFFFB0]  }
0x97c: {  	v3 =	vld [tilespmem:s3+$0xFFFFFFC0]  }
0x97d: {  	v4 =	vld [tilespmem:s3+$0xFFFFFFD0]  }
0x97e: {  	v6 =	vld [tilespmem:s3+$0xFFFFFFE0]  }
0x97f: {  	v7 =	vld [tilespmem:s3+$0xFFFFFFF0]  }
0x980: {  	v8 =	vld [tilespmem:s3+$0xFFFFFF90]  }
0x981: {  	v9 =	vld.idx.msk [tilespmem:v0+s17+$0x0], $0xffff  }
0x982: {  	v10 =	vld.idx.msk [tilespmem:v1+s17+$0x0], $0xffff  }
0x983: {  	v5 =	vld.idx.msk [tilespmem:v2+s17+$0x0], $0xffff  }
0x984: {  	v3 =	vld.idx.msk [tilespmem:v3+s17+$0x0], $0xffff  }
0x985: {  	v0 =	vld.idx.msk [tilespmem:v4+s17+$0x0], $0xffff  }
0x986: {  	s1 =	simm.s32 $0x1D740;
	v1 =	vld.idx.msk [tilespmem:v6+s17+$0x0], $0xffff  }
0x987: {  	v2 =	vld.idx.msk [tilespmem:v7+s17+$0x0], $0xffff;
	[tilespmem:s1+$0x30] =	vst v9  }
0x988: {  	s2 =	simm.s32 $0x0;
	s3 =	simm.s32 $0x197F0;
	v4 =	vld.idx.msk [tilespmem:v8+s17+$0x0], $0xffff;
	[tilespmem:s1+$0xFFFFFFD0] =	vst v10  }
.LBB2_100:
0x989: {  	v6 =	vld [tilespmem:s3+$0x0];
	s2 =	sadd.s32 $0x80, s2;
	[tilespmem:s1+$0xFFFFFFE0] =	vst v5  }
0x98a: {  	v5 =	vld [tilespmem:s3+$0xFFFFFFA0];
	p5 =	slt.u32 s2, $0xF80;
	[tilespmem:s1+$0xFFFFFFF0] =	vst v3  }
0x98b: {  	v3 =	vld [tilespmem:s3+$0xFFFFFFB0];
	[tilespmem:s1+$0x0] =	vst v0  }
0x98c: {  	v0 =	vld [tilespmem:s3+$0xFFFFFFC0];
	[tilespmem:s1+$0x10] =	vst v1  }
0x98d: {  	v1 =	vld [tilespmem:s3+$0xFFFFFFD0];
	[tilespmem:s1+$0x20] =	vst v2  }
0x98e: {  	v2 =	vld [tilespmem:s3+$0xFFFFFFE0];
	[tilespmem:s1+$0xFFFFFFC0] =	vst v4  }
0x98f: {  	v4 =	vld [tilespmem:s3+$0xFFFFFFF0]  }
0x990: {  	v7 =	vld [tilespmem:s3+$0xFFFFFF90]  }
0x991: {  	v6 =	vld.idx.msk [tilespmem:v6+s17+$0x0], $0xffff  }
0x992: {  	v8 =	vld.idx.msk [tilespmem:v5+s17+$0x0], $0xffff  }
0x993: {  	v5 =	vld.idx.msk [tilespmem:v3+s17+$0x0], $0xffff  }
.Ltmp49:
0x994: {  	v3 =	vld.idx.msk [tilespmem:v0+s17+$0x0], $0xffff;
	(pc) =	sbr.rel @p5 .LBB2_100-.Ltmp49, $4  }
0x995: {  	v0 =	vld.idx.msk [tilespmem:v1+s17+$0x0], $0xffff  }
0x996: {  	s1 =	sadd.s32 $0x80, s1;
	v1 =	vld.idx.msk [tilespmem:v2+s17+$0x0], $0xffff  }
0x997: {  	v2 =	vld.idx.msk [tilespmem:v4+s17+$0x0], $0xffff;
	[tilespmem:s1+$0x30] =	vst v6  }
0x998: {  	s3 =	sadd.s32 $0x80, s3;
	v4 =	vld.idx.msk [tilespmem:v7+s17+$0x0], $0xffff;
	[tilespmem:s1+$0xFFFFFFD0] =	vst v8  }
0x999: {  	[tilespmem:s1+$0xFFFFFFE0] =	vst v5  }
0x99a: {  	[tilespmem:s1+$0xFFFFFFF0] =	vst v3  }
0x99b: {  	[tilespmem:s1+$0x0] =	vst v0  }
0x99c: {  	[tilespmem:s1+$0x10] =	vst v1  }
0x99d: {  	[tilespmem:s1+$0x20] =	vst v2  }
0x99e: {  	[tilespmem:s1+$0xFFFFFFC0] =	vst v4  }
0x99f: {  	[hbm4b:s14+s19] =	stream.strided.scatter [tilespmem:s24], [sflag:$0x3], $0x1000, s20, s19, $0x38;
	[tilespmem:$0x1E700] =	vst v63  }
0x9a0: {  	_ =	swait.ge [sflag:s25], $0x1000  }
0x9a1: {  	[sflag:s25] =	ssyncset.done $0x0  }
0x9a2: {  	s3 =	simm.s32 $0x1A770;
	[sflag:s25] =	ssyncadd.s32 $0xFFFFF000  }
0x9a3: {  	v0 =	vld [tilespmem:s3+$0x0]  }
0x9a4: {  	v1 =	vld [tilespmem:s3+$0xFFFFFFA0]  }
0x9a5: {  	v2 =	vld [tilespmem:s3+$0xFFFFFFB0]  }
0x9a6: {  	v3 =	vld [tilespmem:s3+$0xFFFFFFC0]  }
0x9a7: {  	v4 =	vld [tilespmem:s3+$0xFFFFFFD0]  }
0x9a8: {  	v6 =	vld [tilespmem:s3+$0xFFFFFFE0]  }
0x9a9: {  	v7 =	vld [tilespmem:s3+$0xFFFFFFF0]  }
0x9aa: {  	v8 =	vld [tilespmem:s3+$0xFFFFFF90]  }
0x9ab: {  	v9 =	vld.idx.msk [tilespmem:v0+s17+$0x0], $0xffff  }
0x9ac: {  	v10 =	vld.idx.msk [tilespmem:v1+s17+$0x0], $0xffff  }
0x9ad: {  	v5 =	vld.idx.msk [tilespmem:v2+s17+$0x0], $0xffff  }
0x9ae: {  	v3 =	vld.idx.msk [tilespmem:v3+s17+$0x0], $0xffff  }
0x9af: {  	v0 =	vld.idx.msk [tilespmem:v4+s17+$0x0], $0xffff  }
0x9b0: {  	s1 =	simm.s32 $0x1C740;
	v1 =	vld.idx.msk [tilespmem:v6+s17+$0x0], $0xffff  }
0x9b1: {  	v2 =	vld.idx.msk [tilespmem:v7+s17+$0x0], $0xffff;
	[tilespmem:s1+$0x30] =	vst v9  }
0x9b2: {  	s2 =	simm.s32 $0x0;
	s3 =	simm.s32 $0x1A7F0;
	v4 =	vld.idx.msk [tilespmem:v8+s17+$0x0], $0xffff;
	[tilespmem:s1+$0xFFFFFFD0] =	vst v10  }
.LBB2_102:
0x9b3: {  	v6 =	vld [tilespmem:s3+$0x0];
	s2 =	sadd.s32 $0x80, s2;
	[tilespmem:s1+$0xFFFFFFE0] =	vst v5  }
0x9b4: {  	v5 =	vld [tilespmem:s3+$0xFFFFFFA0];
	p5 =	slt.u32 s2, $0xF80;
	[tilespmem:s1+$0xFFFFFFF0] =	vst v3  }
0x9b5: {  	v3 =	vld [tilespmem:s3+$0xFFFFFFB0];
	[tilespmem:s1+$0x0] =	vst v0  }
0x9b6: {  	v0 =	vld [tilespmem:s3+$0xFFFFFFC0];
	[tilespmem:s1+$0x10] =	vst v1  }
0x9b7: {  	v1 =	vld [tilespmem:s3+$0xFFFFFFD0];
	[tilespmem:s1+$0x20] =	vst v2  }
0x9b8: {  	v2 =	vld [tilespmem:s3+$0xFFFFFFE0];
	[tilespmem:s1+$0xFFFFFFC0] =	vst v4  }
0x9b9: {  	v4 =	vld [tilespmem:s3+$0xFFFFFFF0]  }
0x9ba: {  	v7 =	vld [tilespmem:s3+$0xFFFFFF90]  }
0x9bb: {  	v6 =	vld.idx.msk [tilespmem:v6+s17+$0x0], $0xffff  }
0x9bc: {  	v8 =	vld.idx.msk [tilespmem:v5+s17+$0x0], $0xffff  }
0x9bd: {  	v5 =	vld.idx.msk [tilespmem:v3+s17+$0x0], $0xffff  }
.Ltmp50:
0x9be: {  	v3 =	vld.idx.msk [tilespmem:v0+s17+$0x0], $0xffff;
	(pc) =	sbr.rel @p5 .LBB2_102-.Ltmp50, $4  }
0x9bf: {  	v0 =	vld.idx.msk [tilespmem:v1+s17+$0x0], $0xffff  }
0x9c0: {  	s1 =	sadd.s32 $0x80, s1;
	v1 =	vld.idx.msk [tilespmem:v2+s17+$0x0], $0xffff  }
0x9c1: {  	v2 =	vld.idx.msk [tilespmem:v4+s17+$0x0], $0xffff;
	[tilespmem:s1+$0x30] =	vst v6  }
0x9c2: {  	s3 =	sadd.s32 $0x80, s3;
	v4 =	vld.idx.msk [tilespmem:v7+s17+$0x0], $0xffff;
	[tilespmem:s1+$0xFFFFFFD0] =	vst v8  }
0x9c3: {  	[tilespmem:s1+$0xFFFFFFE0] =	vst v5  }
0x9c4: {  	[tilespmem:s1+$0xFFFFFFF0] =	vst v3  }
0x9c5: {  	[tilespmem:s1+$0x0] =	vst v0  }
0x9c6: {  	[tilespmem:s1+$0x10] =	vst v1  }
0x9c7: {  	[tilespmem:s1+$0x20] =	vst v2  }
0x9c8: {  	[tilespmem:s1+$0xFFFFFFC0] =	vst v4  }
0x9c9: {  	[hbm4b:s15+s19] =	stream.strided.scatter [tilespmem:s23], [sflag:$0x2], $0x1000, s20, s19, $0x38;
	[tilespmem:$0x1E700] =	vst v63  }
0x9ca: {  	_ =	swait.ge [sflag:s26], $0x1000  }
0x9cb: {  	[sflag:s26] =	ssyncset.done $0x0  }
0x9cc: {  	s3 =	simm.s32 $0x1B770;
	[sflag:s26] =	ssyncadd.s32 $0xFFFFF000  }
0x9cd: {  	v0 =	vld [tilespmem:s3+$0x0]  }
0x9ce: {  	v1 =	vld [tilespmem:s3+$0xFFFFFFA0]  }
0x9cf: {  	v2 =	vld [tilespmem:s3+$0xFFFFFFB0]  }
0x9d0: {  	v3 =	vld [tilespmem:s3+$0xFFFFFFC0]  }
0x9d1: {  	v4 =	vld [tilespmem:s3+$0xFFFFFFD0]  }
0x9d2: {  	v6 =	vld [tilespmem:s3+$0xFFFFFFE0]  }
0x9d3: {  	v7 =	vld [tilespmem:s3+$0xFFFFFFF0]  }
0x9d4: {  	v8 =	vld [tilespmem:s3+$0xFFFFFF90]  }
0x9d5: {  	v9 =	vld.idx.msk [tilespmem:v0+s17+$0x0], $0xffff  }
0x9d6: {  	v10 =	vld.idx.msk [tilespmem:v1+s17+$0x0], $0xffff  }
0x9d7: {  	v5 =	vld.idx.msk [tilespmem:v2+s17+$0x0], $0xffff  }
0x9d8: {  	v3 =	vld.idx.msk [tilespmem:v3+s17+$0x0], $0xffff  }
0x9d9: {  	v0 =	vld.idx.msk [tilespmem:v4+s17+$0x0], $0xffff  }
0x9da: {  	s1 =	simm.s32 $0x1D740;
	v1 =	vld.idx.msk [tilespmem:v6+s17+$0x0], $0xffff  }
0x9db: {  	v2 =	vld.idx.msk [tilespmem:v7+s17+$0x0], $0xffff;
	[tilespmem:s1+$0x30] =	vst v9  }
0x9dc: {  	s2 =	simm.s32 $0x0;
	s3 =	simm.s32 $0x1B7F0;
	v4 =	vld.idx.msk [tilespmem:v8+s17+$0x0], $0xffff;
	[tilespmem:s1+$0xFFFFFFD0] =	vst v10  }
.LBB2_104:
0x9dd: {  	v6 =	vld [tilespmem:s3+$0x0];
	s2 =	sadd.s32 $0x80, s2;
	[tilespmem:s1+$0xFFFFFFE0] =	vst v5  }
0x9de: {  	v5 =	vld [tilespmem:s3+$0xFFFFFFA0];
	p5 =	slt.u32 s2, $0xF80;
	[tilespmem:s1+$0xFFFFFFF0] =	vst v3  }
0x9df: {  	v3 =	vld [tilespmem:s3+$0xFFFFFFB0];
	[tilespmem:s1+$0x0] =	vst v0  }
0x9e0: {  	v0 =	vld [tilespmem:s3+$0xFFFFFFC0];
	[tilespmem:s1+$0x10] =	vst v1  }
0x9e1: {  	v1 =	vld [tilespmem:s3+$0xFFFFFFD0];
	[tilespmem:s1+$0x20] =	vst v2  }
0x9e2: {  	v2 =	vld [tilespmem:s3+$0xFFFFFFE0];
	[tilespmem:s1+$0xFFFFFFC0] =	vst v4  }
0x9e3: {  	v4 =	vld [tilespmem:s3+$0xFFFFFFF0]  }
0x9e4: {  	v7 =	vld [tilespmem:s3+$0xFFFFFF90]  }
0x9e5: {  	v6 =	vld.idx.msk [tilespmem:v6+s17+$0x0], $0xffff  }
0x9e6: {  	v8 =	vld.idx.msk [tilespmem:v5+s17+$0x0], $0xffff  }
0x9e7: {  	v5 =	vld.idx.msk [tilespmem:v3+s17+$0x0], $0xffff  }
.Ltmp51:
0x9e8: {  	v3 =	vld.idx.msk [tilespmem:v0+s17+$0x0], $0xffff;
	(pc) =	sbr.rel @p5 .LBB2_104-.Ltmp51, $4  }
0x9e9: {  	v0 =	vld.idx.msk [tilespmem:v1+s17+$0x0], $0xffff  }
0x9ea: {  	s1 =	sadd.s32 $0x80, s1;
	v1 =	vld.idx.msk [tilespmem:v2+s17+$0x0], $0xffff  }
0x9eb: {  	v2 =	vld.idx.msk [tilespmem:v4+s17+$0x0], $0xffff;
	[tilespmem:s1+$0x30] =	vst v6  }
0x9ec: {  	s3 =	sadd.s32 $0x80, s3;
	v4 =	vld.idx.msk [tilespmem:v7+s17+$0x0], $0xffff;
	[tilespmem:s1+$0xFFFFFFD0] =	vst v8  }
0x9ed: {  	[tilespmem:s1+$0xFFFFFFE0] =	vst v5  }
0x9ee: {  	[tilespmem:s1+$0xFFFFFFF0] =	vst v3  }
0x9ef: {  	[tilespmem:s1+$0x0] =	vst v0  }
0x9f0: {  	[tilespmem:s1+$0x10] =	vst v1  }
0x9f1: {  	[tilespmem:s1+$0x20] =	vst v2  }
0x9f2: {  	s28 =	sadd.s32 $0x1, s28;
	[tilespmem:s1+$0xFFFFFFC0] =	vst v4  }
0x9f3: {  	[hbm4b:s16+s19] =	stream.strided.scatter [tilespmem:s24], [sflag:$0x3], $0x1000, s20, s19, $0x38;
	[tilespmem:$0x1E700] =	vst v63  }
0x9f4: {  	p5 =	sne.s32 s28, s18;
	_ =	swait.ge [sflag:s25], $0x1000  }
.Ltmp52:
0x9f5: {  	[sflag:s25] =	ssyncset.done $0x0;
	(pc) =	sbr.rel @p5 .LBB2_1-.Ltmp52, $4  }
0x9f6: {  	[sflag:s25] =	ssyncadd.s32 $0xFFFFF000  }
0x9f7: {  	_ =	swait.ge [sflag:s26], $0x1000  }
0x9f8: {  	[sflag:s26] =	ssyncset.done $0x0  }
0x9f9: {  	[sflag:s26] =	ssyncadd.s32 $0xFFFFF000  }
0x9fa: {  	_ =	sfence.sel $0x180000  }
0x9fb: {  	[bflag:$0x0] =	sbarrier.arrive $0xFFFF  }
0x9fc: {  	_ =	strace $0x90000047  }
0x9fd: {  	s0 =	stileid.u32;
	[bflag:$0x2] =	sbarrier.arrive $0xFFFF  }
0x9fe: {  	p0 =	sne.s32 s0, $0x0;
	s0 =	rddreg [dreg:$0x3]  }
0x9ff: {  	s0 =	sadd.s32 @!p0 $0x100000, s0  }
0xa00: {  	[sflag:s0] =	ssyncadd.tile.s32 @!p0 $0x1;
	_ =	shalt  }
.Lfunc_end2:
_tile_overlayer_lowered:
.L_overlay_start_2:
0xa01: {  	(tag) =	ssettag $0x2  }
0xa02: {  	s0 =	rddreg [dreg:$0x0];
	s2 =	stileid.u32  }
0xa03: {  	s1 =	rddreg [dreg:$0x1];
	p0 =	sne.s32 s2, $0x0  }
0xa04: {  	s3 =	rddreg [dreg:$0x2];
	[bflag:$0x3] =	sbarrier.arrive $0xFFFF;
	s2 =	simm.s32 @!p0 $0x1C04  }
0xa05: {  	[timem:s3], [sflag:s2] =	dma.local @!p0 [hbm:s0], s1  }
0xa06: {  	s0 =	simm.s32 @!p0 $0x4  }
0xa07: {  	_ =	swait.ge @!p0 [sflag:s0], s1  }
0xa08: {  	s1 =	ssub.s32 @!p0 $0x0, s1;
	[sflag:s0] =	ssyncset.done @!p0 $0x0  }
0xa09: {  	[sflag:s0] =	ssyncadd.s32 @!p0 s1  }
0xa0a: {  	[bflag:$0x3] =	sbarrier.arrive $0xFFFF  }
0xa0b: {  	_ =	shalt  }

</sc_bundles>
